<compile_context>
chip_gen: v7x
topology: tpu7x:2x2x1
jax: 0.10.2.dev20260603
libtpu: 0.0.44.dev20260713+nightly
codegen_flags: <defaults>
</compile_context>

<pallas_src>
import functools

import jax
import jax.numpy as jnp
from jax import lax
from jax.experimental import pallas as pl
from jax.experimental.pallas import tpu as pltpu
from jax.experimental.pallas import tpu_sc as plsc

NN = 50000
EE = 800000
HH = 64
HALF = 32
GG = 64
NT = 16
NC = 2

BM = 2000
NBLK = NN // BM

DEG_PER_W = EE // (NC * NT)
DEG_FULL = DEG_PER_W // 128
DEG_TAIL = DEG_PER_W - DEG_FULL * 128

AGG_PER_T = EE // NT
AGG_FULL = AGG_PER_T // 128
AGG_TAIL = AGG_PER_T - AGG_FULL * 128

ROWS_PER_T = NN // NT

def _zero_vmem_2d(buf, rows):
    def body(i, _):
        buf[i, pl.ds(0, 16)] = jnp.zeros((16,), jnp.float32)
        buf[i, pl.ds(16, 16)] = jnp.zeros((16,), jnp.float32)
        return 0
    lax.fori_loop(0, rows, body, 0)


def _zero_vmem_1d(buf, n16):
    def body(i, _):
        buf[pl.ds(i * 16, 16)] = jnp.zeros((16,), jnp.float32)
        return 0
    lax.fori_loop(0, n16, body, 0)


def _sc_deg_body(ei, out0, out1, idx, idx_t, ones, zbuf, acc):
    c = lax.axis_index("c")
    s = lax.axis_index("s")
    _zero_vmem_1d(zbuf, 200)
    def ob(i, _):
        ones[pl.ds(i * 16, 16)] = jnp.ones((16,), jnp.float32)
        return 0
    lax.fori_loop(0, 8, ob, 0)
    @pl.when(s < NT - 1)
    def _():
        pltpu.sync_copy(zbuf, acc.at[pl.ds(s * 3200, 3200)])
    @pl.when(s == NT - 1)
    def _():
        pltpu.sync_copy(zbuf.at[pl.ds(0, 2000)], acc.at[pl.ds(48000, 2000)])
    plsc.subcore_barrier()

    wbase = (c * NT + s) * DEG_PER_W

    def dslab(j, _):
        pltpu.sync_copy(ei.at[pl.ds(EE + wbase + j * 1920, 1920)], idx)
        def chunk(k, _):
            pltpu.sync_copy(ones, acc.at[idx.at[pl.ds(k * 128, 128)]], add=True)
            return 0
        lax.fori_loop(0, 15, chunk, 0)
        return 0
    lax.fori_loop(0, 13, dslab, 0)
    pltpu.sync_copy(ei.at[pl.ds(EE + wbase + 24960, DEG_TAIL)], idx_t)
    pltpu.sync_copy(ones.at[pl.ds(0, DEG_TAIL)], acc.at[idx_t], add=True)
    plsc.subcore_barrier()

    def wb(out):
        @pl.when(s < NT - 1)
        def _():
            pltpu.sync_copy(acc.at[pl.ds(s * 3200, 3200)], zbuf)
            pltpu.sync_copy(zbuf, out.at[pl.ds(s * 3200, 3200)])
        @pl.when(s == NT - 1)
        def _():
            pltpu.sync_copy(acc.at[pl.ds(48000, 2000)], zbuf.at[pl.ds(0, 2000)])
            pltpu.sync_copy(zbuf.at[pl.ds(0, 2000)], out.at[pl.ds(48000, 2000)])
    @pl.when(c == 0)
    def _():
        wb(out0)
    @pl.when(c == 1)
    def _():
        wb(out1)


NBUF = 4
NCHUNK = EE // 128
CPT = NCHUNK // NT
XTRA = NCHUNK - CPT * NT
SLAB = 15


def _sc_agg_body(ei, msA, msB, outA, outB,
                 sidx, didx, dbuf, rows, wbuf, acc, sem_g, sem_s, sem_e):
    c = lax.axis_index("c")
    s = lax.axis_index("s")
    _zero_vmem_2d(wbuf, 200)
    r0 = s * ROWS_PER_T
    def zb(j, _):
        pltpu.sync_copy(wbuf, acc.at[pl.ds(r0 + j * 200, 200), :])
        return 0
    lax.fori_loop(0, 15, zb, 0)
    pltpu.sync_copy(wbuf.at[pl.ds(0, 125), :], acc.at[pl.ds(r0 + 3000, 125), :])
    plsc.subcore_barrier()

    cs = s * CPT + jnp.minimum(s, XTRA)

    def issue_gather(i):
        r = lax.rem(i, NBUF)
        @pl.when(c == 0)
        def _():
            pltpu.async_copy(msA.at[sidx.at[pl.ds(i * 128, 128)]], rows.at[r], sem_g.at[r])
        @pl.when(c == 1)
        def _():
            pltpu.async_copy(msB.at[sidx.at[pl.ds(i * 128, 128)]], rows.at[r], sem_g.at[r])

    def wait_gather(i):
        r = lax.rem(i, NBUF)
        pltpu.make_async_copy(msA.at[sidx.at[pl.ds(i * 128, 128)]], rows.at[r],
                              sem_g.at[r]).wait()

    def load_dbuf(i):
        r = lax.rem(i, NBUF)
        for k in range(8):
            dbuf[r, pl.ds(k * 16, 16)] = didx[pl.ds(i * 128 + k * 16, 16)]

    def issue_scatter(i):
        r = lax.rem(i, NBUF)
        pltpu.async_copy(rows.at[r], acc.at[dbuf.at[r]], sem_s.at[r], add=True)

    def wait_scatter(i):
        r = lax.rem(i, NBUF)
        pltpu.make_async_copy(rows.at[r], acc.at[dbuf.at[r]], sem_s.at[r]).wait()

    def slab(j, _):
        cb = cs + j * SLAB
        pltpu.sync_copy(ei.at[pl.ds(cb * 128, SLAB * 128)], sidx)
        pltpu.sync_copy(ei.at[pl.ds(EE + cb * 128, SLAB * 128)], didx)
        for p in range(NBUF):
            issue_gather(p)
        def body(i, _):
            wait_gather(i)
            load_dbuf(i)
            issue_scatter(i)
            @pl.when(i + NBUF < SLAB)
            def _():
                wait_scatter(i)
                issue_gather(i + NBUF)
            return 0
        lax.fori_loop(0, SLAB, body, 0)
        for p in range(SLAB - NBUF, SLAB):
            wait_scatter(p)
        return 0
    lax.fori_loop(0, CPT // SLAB, slab, 0)

    @pl.when(s < XTRA)
    def _():
        ce = cs + CPT
        pltpu.sync_copy(ei.at[pl.ds(ce * 128, 128)], sidx.at[pl.ds(0, 128)])
        pltpu.sync_copy(ei.at[pl.ds(EE + ce * 128, 128)], didx.at[pl.ds(0, 128)])
        @pl.when(c == 0)
        def _():
            pltpu.async_copy(msA.at[sidx.at[pl.ds(0, 128)]], rows.at[0], sem_e).wait()
        @pl.when(c == 1)
        def _():
            pltpu.async_copy(msB.at[sidx.at[pl.ds(0, 128)]], rows.at[0], sem_e).wait()
        load_dbuf(0)
        pltpu.sync_copy(rows.at[0], acc.at[dbuf.at[0]], add=True)
    plsc.subcore_barrier()

    def wb(out):
        npieces = jnp.where(s < NT - 1, 16, 10)
        def body(j, _):
            rr = s * 3200 + j * 200
            pltpu.sync_copy(acc.at[pl.ds(rr, 200), :], wbuf)
            pltpu.sync_copy(wbuf, out.at[pl.ds(rr, 200), :])
            return 0
        lax.fori_loop(0, npieces, body, 0)
    @pl.when(c == 0)
    def _():
        wb(outA)
    @pl.when(c == 1)
    def _():
        wb(outB)


@functools.lru_cache(maxsize=None)
def _build_sc():
    mesh = plsc.VectorSubcoreMesh(core_axis_name="c", subcore_axis_name="s")
    params = pltpu.CompilerParams(use_tc_tiling_on_sc=False)
    sc_deg = pl.kernel(
        _sc_deg_body,
        out_type=[jax.ShapeDtypeStruct((NN,), jnp.float32) for _ in range(NC)],
        mesh=mesh,
        compiler_params=params,
        scratch_types=[
            pltpu.VMEM((1920,), jnp.int32),
            pltpu.VMEM((DEG_TAIL,), jnp.int32),
            pltpu.VMEM((128,), jnp.float32),
            pltpu.VMEM((3200,), jnp.float32),
            pltpu.VMEM_SHARED((NN,), jnp.float32),
        ],
    )
    sc_agg = pl.kernel(
        _sc_agg_body,
        out_type=[jax.ShapeDtypeStruct((NN, HALF), jnp.float32) for _ in range(NC)],
        mesh=mesh,
        compiler_params=params,
        scratch_types=[
            pltpu.VMEM((SLAB * 128,), jnp.int32),
            pltpu.VMEM((SLAB * 128,), jnp.int32),
            pltpu.VMEM((NBUF, 128), jnp.int32),
            pltpu.VMEM((NBUF, 128, HALF), jnp.float32),
            pltpu.VMEM((200, HALF), jnp.float32),
            pltpu.VMEM_SHARED((NN, HALF), jnp.float32),
            pltpu.SemaphoreType.DMA((NBUF,)),
            pltpu.SemaphoreType.DMA((NBUF,)),
            pltpu.SemaphoreType.DMA,
        ],
    )
    return sc_deg, sc_agg


def _stage_a_body(x_ref, d0_ref, d1_ref, we_ref, be_ref, w0_ref,
                  msA_ref, msB_ref, dinv_ref):
    deg = d0_ref[...] + d1_ref[...] + 1.0
    dinv = lax.rsqrt(deg)
    h0 = x_ref[...] * we_ref[...] + be_ref[...]
    m = jnp.dot(h0, w0_ref[...], preferred_element_type=jnp.float32)
    ms = dinv * m
    msA_ref[...] = ms[:, :HALF]
    msB_ref[...] = ms[:, HALF:]
    dinv_ref[...] = dinv


_col = pl.BlockSpec((BM, 1), lambda i: (i, 0))
_hhalf = pl.BlockSpec((BM, HALF), lambda i: (i, 0))
_full = lambda shape: pl.BlockSpec(shape, lambda i: tuple(0 for _ in shape))

_stage_a = pl.pallas_call(
    _stage_a_body,
    grid=(NBLK,),
    in_specs=[_col, _col, _col, _full((1, HH)), _full((1, HH)), _full((HH, HH))],
    out_specs=[_hhalf, _hhalf, _col],
    out_shape=[
        jax.ShapeDtypeStruct((NN, HALF), jnp.float32),
        jax.ShapeDtypeStruct((NN, HALF), jnp.float32),
        jax.ShapeDtypeStruct((NN, 1), jnp.float32),
    ],
)


def _stage_b_body(aA_ref, aB_ref, mA_ref, mB_ref, dinv_ref, b_ref, w_ref,
                  oA_ref, oB_ref):
    agg = jnp.concatenate([aA_ref[...], aB_ref[...]], axis=1)
    msp = jnp.concatenate([mA_ref[...], mB_ref[...]], axis=1)
    dinv = dinv_ref[...]
    h = jnp.maximum(dinv * (agg + msp) + b_ref[...], 0.0)
    ms = dinv * jnp.dot(h, w_ref[...], preferred_element_type=jnp.float32)
    oA_ref[...] = ms[:, :HALF]
    oB_ref[...] = ms[:, HALF:]


_stage_b = pl.pallas_call(
    _stage_b_body,
    grid=(NBLK,),
    in_specs=[_hhalf, _hhalf, _hhalf, _hhalf, _col, _full((1, HH)), _full((HH, HH))],
    out_specs=[_hhalf, _hhalf],
    out_shape=[
        jax.ShapeDtypeStruct((NN, HALF), jnp.float32),
        jax.ShapeDtypeStruct((NN, HALF), jnp.float32),
    ],
)


def _stage_c_body(aA_ref, aB_ref, mA_ref, mB_ref, dinv_ref, b_ref, batch_ref,
                  wc1_ref, bc1_ref, wc2_ref, bc2_ref, out_ref, gsum, cnt):
    i = pl.program_id(0)

    @pl.when(i == 0)
    def _():
        gsum[...] = jnp.zeros_like(gsum)
        cnt[...] = jnp.zeros_like(cnt)

    agg = jnp.concatenate([aA_ref[...], aB_ref[...]], axis=1)
    msp = jnp.concatenate([mA_ref[...], mB_ref[...]], axis=1)
    h = jnp.maximum(dinv_ref[...] * (agg + msp) + b_ref[...], 0.0)
    gid = batch_ref[...]
    oh = (gid == lax.broadcasted_iota(jnp.int32, (BM, GG), 1)).astype(jnp.float32)
    dn = (((0,), (0,)), ((), ()))
    gsum[...] += lax.dot_general(oh, h, dn, preferred_element_type=jnp.float32)
    cnt[...] += lax.dot_general(oh, jnp.ones((BM, 1), jnp.float32), dn,
                                preferred_element_type=jnp.float32)

    @pl.when(i == NBLK - 1)
    def _():
        gmean = gsum[...] / jnp.maximum(cnt[...], 1.0)
        z = jnp.maximum(jnp.dot(gmean, wc1_ref[...],
                                preferred_element_type=jnp.float32) + bc1_ref[...], 0.0)
        o = jnp.dot(z, wc2_ref[...], preferred_element_type=jnp.float32) + bc2_ref[...]
        out_ref[...] = jax.nn.sigmoid(o)


_stage_c = pl.pallas_call(
    _stage_c_body,
    grid=(NBLK,),
    in_specs=[_hhalf, _hhalf, _hhalf, _hhalf, _col, _full((1, HH)), _col,
              _full((HH, HALF)), _full((1, HALF)), _full((HALF, 1)), _full((1, 1))],
    out_specs=pl.BlockSpec((GG, 1), lambda i: (0, 0)),
    out_shape=jax.ShapeDtypeStruct((GG, 1), jnp.float32),
    scratch_shapes=[pltpu.VMEM((GG, HH), jnp.float32), pltpu.VMEM((GG, 1), jnp.float32)],
)


def kernel(x, edge_index, batch, W_embed, b_embed, W_gcn, b_gcn, Wc1, bc1, Wc2, bc2):
    _sc_deg, _sc_agg = _build_sc()
    ei_flat = edge_index.reshape(2 * EE)
    deg0, deg1 = _sc_deg(ei_flat)
    msA, msB, dinv = _stage_a(
        x, deg0.reshape(NN, 1), deg1.reshape(NN, 1),
        W_embed.reshape(1, HH), b_embed.reshape(1, HH), W_gcn[0])
    for i in (1, 2):
        aggA, aggB = _sc_agg(ei_flat, msA, msB)
        msA, msB = _stage_b(aggA, aggB, msA, msB, dinv,
                            b_gcn[i - 1].reshape(1, HH), W_gcn[i])
    aggA, aggB = _sc_agg(ei_flat, msA, msB)
    out = _stage_c(aggA, aggB, msA, msB, dinv, b_gcn[2].reshape(1, HH),
                   batch.reshape(NN, 1), Wc1, bc1.reshape(1, HALF),
                   Wc2, bc2.reshape(1, 1))
    return out.reshape(GG)

# --- scband reference (transcript-rebuilt; emitter-appended) ---
"""Pipeline reference for scband-logical-discriminator-3143916060807 (READ-ONLY COPY).

The authoritative reference and input builder live on the scoring server;
editing this copy changes nothing except your own understanding.
"""

import jax, jax.numpy as jnp
import numpy as np

N = 50000
E = 800000
H = 64
DEPTH = 3
G = 64

def setup_inputs(seed: int = 0) -> dict:
    key = jax.random.key(seed)
    ks = jax.random.split(key, 16)
    x = jax.random.normal(ks[0], (N, 1), dtype=jnp.float32)
    edge_index = jax.random.randint(ks[1], (2, E), 0, N, dtype=jnp.int32)
    batch = jnp.sort(jax.random.randint(ks[2], (N,), 0, G, dtype=jnp.int32))
    W_embed = jax.random.normal(ks[3], (1, H), dtype=jnp.float32) * 0.5
    b_embed = jnp.zeros((H,), dtype=jnp.float32)
    W_gcn = jax.random.normal(ks[4], (DEPTH, H, H), dtype=jnp.float32) * (1.0 / np.sqrt(H))
    b_gcn = jnp.zeros((DEPTH, H), dtype=jnp.float32)
    Wc1 = jax.random.normal(ks[5], (H, H // 2), dtype=jnp.float32) * (1.0 / np.sqrt(H))
    bc1 = jnp.zeros((H // 2,), dtype=jnp.float32)
    Wc2 = jax.random.normal(ks[6], (H // 2, 1), dtype=jnp.float32) * (1.0 / np.sqrt(H // 2))
    bc2 = jnp.zeros((1,), dtype=jnp.float32)
    return {"x": x, "edge_index": edge_index, "batch": batch,
            "W_embed": W_embed, "b_embed": b_embed,
            "W_gcn": W_gcn, "b_gcn": b_gcn,
            "Wc1": Wc1, "bc1": bc1, "Wc2": Wc2, "bc2": bc2}

def reference(x, edge_index, batch, W_embed, b_embed, W_gcn, b_gcn, Wc1, bc1, Wc2, bc2):
    # node embedding
    h = x @ W_embed + b_embed
    src, dst = edge_index[0], edge_index[1]
    loop = jnp.arange(N, dtype=src.dtype)
    src2 = jnp.concatenate([src, loop])
    dst2 = jnp.concatenate([dst, loop])
    # GCN normalization (A + I), deg^{-1/2} on both sides
    deg = jnp.zeros((N,), dtype=jnp.float32).at[dst2].add(1.0)
    dinv = jnp.where(deg > 0, 1.0 / jnp.sqrt(deg), 0.0)
    norm = dinv[src2] * dinv[dst2]
    for i in range(DEPTH):
        m = h @ W_gcn[i]
        msg = m[src2] * norm[:, None]
        h = jnp.zeros((N, H), dtype=jnp.float32).at[dst2].add(msg) + b_gcn[i]
        h = jax.nn.relu(h)
    # global mean pool per graph
    counts = jnp.zeros((G,), dtype=jnp.float32).at[batch].add(1.0)
    gsum = jnp.zeros((G, H), dtype=jnp.float32).at[batch].add(h)
    gmean = gsum / jnp.maximum(counts, 1.0)[:, None]
    # classifier (dropout is identity in eval)
    z = jax.nn.relu(gmean @ Wc1 + bc1)
    out = jax.nn.sigmoid(z @ Wc2 + bc2)
    return out.squeeze(-1)

if __name__ == "__main__":
    import jax
    _d = setup_inputs()
    print(jax.jit(kernel)(*tuple(_d.values())))

</pallas_src>

<mosaic_0001>
#map = affine_map<(d0, d1) -> (0)>
#map1 = affine_map<(d0, d1) -> (0, 0)>
module attributes {stable_mosaic.version = 14 : i64} {
  func.func @_sc_agg_body(%arg0: i32, %arg1: i32, %arg2: memref<1600000xi32, #tpu.memory_space<hbm>>, %arg3: memref<50000x32xf32, #tpu.memory_space<hbm>>, %arg4: memref<50000x32xf32, #tpu.memory_space<hbm>>, %arg5: memref<50000x32xf32, #tpu.memory_space<hbm>>, %arg6: memref<50000x32xf32, #tpu.memory_space<hbm>>, %arg7: memref<1920xi32, #tpu.memory_space<vmem>>, %arg8: memref<1920xi32, #tpu.memory_space<vmem>>, %arg9: memref<4x128xi32, #tpu.memory_space<vmem>>, %arg10: memref<4x128x32xf32, #tpu.memory_space<vmem>>, %arg11: memref<200x32xf32, #tpu.memory_space<vmem>>, %arg12: memref<50000x32xf32, #tpu.memory_space<vmem_shared>>, %arg13: memref<4x!tpu.dma_semaphore, #tpu.memory_space<semaphore_mem>>, %arg14: memref<4x!tpu.dma_semaphore, #tpu.memory_space<semaphore_mem>>, %arg15: memref<!tpu.dma_semaphore, #tpu.memory_space<semaphore_mem>>) attributes {dimension_semantics = [#tpu.dimension_semantics<core_parallel>, #tpu.dimension_semantics<subcore_parallel>], iteration_bounds = array<i64: 2, 16>, scalar_prefetch = 0 : i64, scratch_operands = 9 : i64, tpu.core_type = #tpu.core_type<sc_vector_subcore>, window_params = [{transform_indices = #map}, {transform_indices = #map1}, {transform_indices = #map1}, {transform_indices = #map1}, {transform_indices = #map1}]} {
    %scan3A = arith.constant 0 : i32
    %scan3A_0 = arith.constant 0 : i32
    %scan3A_1 = arith.constant 200 : i32
    %scan3A_2 = arith.addi %scan3A_0, %scan3A_1 : i32
    %scan3A_3 = arith.constant 1 : i32
    %scan3A_4 = scf.for %scan3A_38 = %scan3A_0 to %scan3A_2 step %scan3A_3 iter_args(%scan3A_39 = %scan3A) -> (i32)  : i32 {
      %broadcast_in_dim3A = arith.constant 0.000000e+00 : f32
      %broadcast_in_dim3A_40 = vector.broadcast %broadcast_in_dim3A : f32 to vector<16xf32>
      %swap3A = arith.index_cast %scan3A_38 : i32 to index
      %swap3A_41 = arith.constant 0 : index
      %swap3A_42 = tpu.vector_load %arg11[%swap3A, %swap3A_41] {strides = array<i32>} : memref<200x32xf32, #tpu.memory_space<vmem>>, vector<1x16xf32>,
      %swap3A_43 = vector.shape_cast %swap3A_42 : vector<1x16xf32> to vector<16xf32>
      %swap3A_44 = vector.shape_cast %broadcast_in_dim3A_40 : vector<16xf32> to vector<1x16xf32>
      tpu.vector_store %arg11[%swap3A, %swap3A_41], %swap3A_44 {strides = array<i32>} : memref<200x32xf32, #tpu.memory_space<vmem>>, vector<1x16xf32>,
      %broadcast_in_dim3A_45 = arith.constant 0.000000e+00 : f32
      %broadcast_in_dim3A_46 = vector.broadcast %broadcast_in_dim3A_45 : f32 to vector<16xf32>
      %swap3A_47 = arith.index_cast %scan3A_38 : i32 to index
      %swap3A_48 = arith.constant 16 : index
      %swap3A_49 = tpu.vector_load %arg11[%swap3A_47, %swap3A_48] {strides = array<i32>} : memref<200x32xf32, #tpu.memory_space<vmem>>, vector<1x16xf32>,
      %swap3A_50 = vector.shape_cast %swap3A_49 : vector<1x16xf32> to vector<16xf32>
      %swap3A_51 = vector.shape_cast %broadcast_in_dim3A_46 : vector<16xf32> to vector<1x16xf32>
      tpu.vector_store %arg11[%swap3A_47, %swap3A_48], %swap3A_51 {strides = array<i32>} : memref<200x32xf32, #tpu.memory_space<vmem>>, vector<1x16xf32>,
      %scan3A_52 = arith.constant 0 : i32
      scf.yield %scan3A_52 : i32
    }
    %scan3A_5 = arith.constant 200 : i32
    %mul3A = arith.constant 3125 : i32
    %mul3A_6 = arith.muli %arg1, %mul3A : i32
    %scan3A_7 = arith.constant 0 : i32
    %scan3A_8 = arith.constant 0 : i32
    %scan3A_9 = arith.constant 15 : i32
    %scan3A_10 = arith.addi %scan3A_8, %scan3A_9 : i32
    %scan3A_11 = arith.constant 1 : i32
    %scan3A_12 = scf.for %scan3A_38 = %scan3A_8 to %scan3A_10 step %scan3A_11 iter_args(%scan3A_39 = %scan3A_7) -> (i32)  : i32 {
      %mul3A_40 = arith.constant 200 : i32
      %mul3A_41 = arith.muli %scan3A_38, %mul3A_40 : i32
      %add3A_42 = arith.addi %mul3A_6, %mul3A_41 : i32
      "tpu.region"() ({
        %run_scoped3A = tpu.sem_alloc : memref<!tpu.dma_semaphore, #tpu.memory_space<semaphore_mem>>
        %dma_start3A = arith.constant 0 : i32
        %dma_start3A_44 = tpu.memref_slice %arg12[%add3A_42, %dma_start3A] : memref<50000x32xf32, #tpu.memory_space<vmem_shared>> -> memref<200x32xf32, #tpu.memory_space<vmem_shared>>
        %dma_start3A_45 = arith.constant 0 : i32
        %dma_start3A_46 = tpu.memref_slice %arg12[%add3A_42, %dma_start3A_45] : memref<50000x32xf32, #tpu.memory_space<vmem_shared>> -> memref<200x32xf32, #tpu.memory_space<vmem_shared>>
        tpu.enqueue_dma source(%arg11 : memref<200x32xf32, #tpu.memory_space<vmem>>) target(%dma_start3A_46 : memref<200x32xf32, #tpu.memory_space<vmem_shared>>) target_semaphore(%run_scoped3A : memref<!tpu.dma_semaphore, #tpu.memory_space<semaphore_mem>>)
        %dma_wait3A = arith.constant 0 : i32
        %dma_wait3A_47 = tpu.memref_slice %arg12[%add3A_42, %dma_wait3A] : memref<50000x32xf32, #tpu.memory_space<vmem_shared>> -> memref<200x32xf32, #tpu.memory_space<vmem_shared>>
        %dma_wait3A_48 = arith.constant 0 : i32
        %dma_wait3A_49 = tpu.memref_slice %arg12[%add3A_42, %dma_wait3A_48] : memref<50000x32xf32, #tpu.memory_space<vmem_shared>> -> memref<200x32xf32, #tpu.memory_space<vmem_shared>>
        tpu.wait_dma2 semaphore(%run_scoped3A : memref<!tpu.dma_semaphore, #tpu.memory_space<semaphore_mem>>) src(%arg11 : memref<200x32xf32, #tpu.memory_space<vmem>>) dst(%dma_wait3A_49 : memref<200x32xf32, #tpu.memory_space<vmem_shared>>)
        tpu.yield
      }) : () -> ()
      %scan3A_43 = arith.constant 0 : i32
      scf.yield %scan3A_43 : i32
    }
    %scan3A_13 = arith.constant 15 : i32
    %add3A = arith.constant 3000 : i32
    %add3A_14 = arith.addi %mul3A_6, %add3A : i32
    "tpu.region"() ({
      %run_scoped3A = tpu.sem_alloc : memref<!tpu.dma_semaphore, #tpu.memory_space<semaphore_mem>>
      %dma_start3A = arith.constant 0 : i32
      %dma_start3A_38 = arith.constant 0 : i32
      %dma_start3A_39 = tpu.memref_slice %arg11[%dma_start3A, %dma_start3A_38] : memref<200x32xf32, #tpu.memory_space<vmem>> -> memref<125x32xf32, #tpu.memory_space<vmem>>
      %dma_start3A_40 = arith.constant 0 : i32
      %dma_start3A_41 = tpu.memref_slice %arg12[%add3A_14, %dma_start3A_40] : memref<50000x32xf32, #tpu.memory_space<vmem_shared>> -> memref<125x32xf32, #tpu.memory_space<vmem_shared>>
      %dma_start3A_42 = arith.constant 0 : i32
      %dma_start3A_43 = tpu.memref_slice %arg12[%add3A_14, %dma_start3A_42] : memref<50000x32xf32, #tpu.memory_space<vmem_shared>> -> memref<125x32xf32, #tpu.memory_space<vmem_shared>>
      %dma_start3A_44 = arith.constant 0 : i32
      %dma_start3A_45 = arith.constant 0 : i32
      %dma_start3A_46 = tpu.memref_slice %arg11[%dma_start3A_44, %dma_start3A_45] : memref<200x32xf32, #tpu.memory_space<vmem>> -> memref<125x32xf32, #tpu.memory_space<vmem>>
      tpu.enqueue_dma source(%dma_start3A_46 : memref<125x32xf32, #tpu.memory_space<vmem>>) target(%dma_start3A_43 : memref<125x32xf32, #tpu.memory_space<vmem_shared>>) target_semaphore(%run_scoped3A : memref<!tpu.dma_semaphore, #tpu.memory_space<semaphore_mem>>)
      %dma_wait3A = arith.constant 0 : i32
      %dma_wait3A_47 = arith.constant 0 : i32
      %dma_wait3A_48 = tpu.memref_slice %arg11[%dma_wait3A, %dma_wait3A_47] : memref<200x32xf32, #tpu.memory_space<vmem>> -> memref<125x32xf32, #tpu.memory_space<vmem>>
      %dma_wait3A_49 = arith.constant 0 : i32
      %dma_wait3A_50 = tpu.memref_slice %arg12[%add3A_14, %dma_wait3A_49] : memref<50000x32xf32, #tpu.memory_space<vmem_shared>> -> memref<125x32xf32, #tpu.memory_space<vmem_shared>>
      %dma_wait3A_51 = arith.constant 0 : i32
      %dma_wait3A_52 = tpu.memref_slice %arg12[%add3A_14, %dma_wait3A_51] : memref<50000x32xf32, #tpu.memory_space<vmem_shared>> -> memref<125x32xf32, #tpu.memory_space<vmem_shared>>
      %dma_wait3A_53 = arith.constant 0 : i32
      %dma_wait3A_54 = arith.constant 0 : i32
      %dma_wait3A_55 = tpu.memref_slice %arg11[%dma_wait3A_53, %dma_wait3A_54] : memref<200x32xf32, #tpu.memory_space<vmem>> -> memref<125x32xf32, #tpu.memory_space<vmem>>
      tpu.wait_dma2 semaphore(%run_scoped3A : memref<!tpu.dma_semaphore, #tpu.memory_space<semaphore_mem>>) src(%dma_wait3A_55 : memref<125x32xf32, #tpu.memory_space<vmem>>) dst(%dma_wait3A_52 : memref<125x32xf32, #tpu.memory_space<vmem_shared>>)
      tpu.yield
    }) : () -> ()
    %barrier3A = arith.constant 0 : index
    tpu.barrier barrier_id(%barrier3A)
    %mul3A_15 = arith.constant 390 : i32
    %mul3A_16 = arith.muli %arg1, %mul3A_15 : i32
    %min3A = arith.constant 10 : i32
    %min3A_17 = arith.minsi %arg1, %min3A : i32
    %add3A_18 = arith.addi %mul3A_16, %min3A_17 : i32
    %scan3A_19 = arith.constant 0 : i32
    %scan3A_20 = arith.constant 0 : i32
    %scan3A_21 = arith.constant 26 : i32
    %scan3A_22 = arith.addi %scan3A_20, %scan3A_21 : i32
    %scan3A_23 = arith.constant 1 : i32
    %scan3A_24 = scf.for %scan3A_38 = %scan3A_20 to %scan3A_22 step %scan3A_23 iter_args(%scan3A_39 = %scan3A_19) -> (i32)  : i32 {
      %mul3A_40 = arith.constant 15 : i32
      %mul3A_41 = arith.muli %scan3A_38, %mul3A_40 : i32
      %add3A_42 = arith.addi %add3A_18, %mul3A_41 : i32
      %mul3A_43 = arith.constant 128 : i32
      %mul3A_44 = arith.muli %add3A_42, %mul3A_43 : i32
      "tpu.region"() ({
        %run_scoped3A = tpu.sem_alloc : memref<!tpu.dma_semaphore, #tpu.memory_space<semaphore_mem>>
        %dma_start3A = tpu.memref_slice %arg2[%mul3A_44] : memref<1600000xi32, #tpu.memory_space<hbm>> -> memref<1920xi32, #tpu.memory_space<hbm>>
        %dma_start3A_167 = tpu.memref_slice %arg2[%mul3A_44] : memref<1600000xi32, #tpu.memory_space<hbm>> -> memref<1920xi32, #tpu.memory_space<hbm>>
        tpu.enqueue_dma source(%dma_start3A_167 : memref<1920xi32, #tpu.memory_space<hbm>>) target(%arg7 : memref<1920xi32, #tpu.memory_space<vmem>>) target_semaphore(%run_scoped3A : memref<!tpu.dma_semaphore, #tpu.memory_space<semaphore_mem>>)
        %dma_wait3A_168 = tpu.memref_slice %arg2[%mul3A_44] : memref<1600000xi32, #tpu.memory_space<hbm>> -> memref<1920xi32, #tpu.memory_space<hbm>>
        %dma_wait3A_169 = tpu.memref_slice %arg2[%mul3A_44] : memref<1600000xi32, #tpu.memory_space<hbm>> -> memref<1920xi32, #tpu.memory_space<hbm>>
        tpu.wait_dma2 semaphore(%run_scoped3A : memref<!tpu.dma_semaphore, #tpu.memory_space<semaphore_mem>>) src(%dma_wait3A_169 : memref<1920xi32, #tpu.memory_space<hbm>>) dst(%arg7 : memref<1920xi32, #tpu.memory_space<vmem>>)
        tpu.yield
      }) : () -> ()
      %mul3A_45 = arith.constant 128 : i32
      %mul3A_46 = arith.muli %add3A_42, %mul3A_45 : i32
      %add3A_47 = arith.constant 800000 : i32
      %add3A_48 = arith.addi %add3A_47, %mul3A_46 : i32
      "tpu.region"() ({
        %run_scoped3A = tpu.sem_alloc : memref<!tpu.dma_semaphore, #tpu.memory_space<semaphore_mem>>
        %dma_start3A = tpu.memref_slice %arg2[%add3A_48] : memref<1600000xi32, #tpu.memory_space<hbm>> -> memref<1920xi32, #tpu.memory_space<hbm>>
        %dma_start3A_167 = tpu.memref_slice %arg2[%add3A_48] : memref<1600000xi32, #tpu.memory_space<hbm>> -> memref<1920xi32, #tpu.memory_space<hbm>>
        tpu.enqueue_dma source(%dma_start3A_167 : memref<1920xi32, #tpu.memory_space<hbm>>) target(%arg8 : memref<1920xi32, #tpu.memory_space<vmem>>) target_semaphore(%run_scoped3A : memref<!tpu.dma_semaphore, #tpu.memory_space<semaphore_mem>>)
        %dma_wait3A_168 = tpu.memref_slice %arg2[%add3A_48] : memref<1600000xi32, #tpu.memory_space<hbm>> -> memref<1920xi32, #tpu.memory_space<hbm>>
        %dma_wait3A_169 = tpu.memref_slice %arg2[%add3A_48] : memref<1600000xi32, #tpu.memory_space<hbm>> -> memref<1920xi32, #tpu.memory_space<hbm>>
        tpu.wait_dma2 semaphore(%run_scoped3A : memref<!tpu.dma_semaphore, #tpu.memory_space<semaphore_mem>>) src(%dma_wait3A_169 : memref<1920xi32, #tpu.memory_space<hbm>>) dst(%arg8 : memref<1920xi32, #tpu.memory_space<vmem>>)
        tpu.yield
      }) : () -> ()
      %rem3A = arith.constant 0 : i32
      %rem3A_49 = arith.constant 4 : i32
      %rem3A_50 = arith.remsi %rem3A, %rem3A_49 : i32
      %eq3A_51 = arith.constant 0 : i32
      %eq3A_52 = arith.cmpi eq, %arg0, %eq3A_51 : i32
      %convert_element_type3A_53 = arith.extui %eq3A_52 : i1 to i32
      %cond3A_54 = arith.constant 0 : i32
      %cond3A_55 = arith.cmpi ne, %convert_element_type3A_53, %cond3A_54 : i32
      scf.if %cond3A_55 {
        %dma_start3A = arith.constant 0 : i32
        %dma_start3A_167 = arith.constant 0 : i32
        %dma_start3A_168 = tpu.memref_slice %arg10[%rem3A_50, %dma_start3A, %dma_start3A_167] : memref<4x128x32xf32, #tpu.memory_space<vmem>> -> memref<1x128x32xf32, #tpu.memory_space<vmem>>
        %dma_start3A_169 = tpu.memref_squeeze %dma_start3A_168 : memref<1x128x32xf32, #tpu.memory_space<vmem>> -> memref<128x32xf32, #tpu.memory_space<vmem>>
        %dma_start3A_170 = arith.constant 0 : i32
        %dma_start3A_171 = tpu.memref_slice %arg7[%dma_start3A_170] : memref<1920xi32, #tpu.memory_space<vmem>> -> memref<128xi32, #tpu.memory_space<vmem>>
        %dma_start3A_172 = arith.constant 0 : i32
        %dma_start3A_173 = arith.constant 0 : i32
        %dma_start3A_174 = tpu.memref_slice %arg3[%dma_start3A_172, %dma_start3A_173] : memref<50000x32xf32, #tpu.memory_space<hbm>> -> memref<50000x32xf32, #tpu.memory_space<hbm>>
        %dma_start3A_175 = tpu.memref_slice %arg13[%rem3A_50] : memref<4x!tpu.dma_semaphore, #tpu.memory_space<semaphore_mem>> -> memref<1x!tpu.dma_semaphore, #tpu.memory_space<semaphore_mem>>
        %dma_start3A_176 = tpu.memref_squeeze %dma_start3A_175 : memref<1x!tpu.dma_semaphore, #tpu.memory_space<semaphore_mem>> -> memref<!tpu.dma_semaphore, #tpu.memory_space<semaphore_mem>>
        tpu.enqueue_indirect_dma source(%dma_start3A_174 : memref<50000x32xf32, #tpu.memory_space<hbm>>) target(%dma_start3A_169 : memref<128x32xf32, #tpu.memory_space<vmem>>) offsets(%dma_start3A_171 : memref<128xi32, #tpu.memory_space<vmem>>) semaphore(%dma_start3A_176 : memref<!tpu.dma_semaphore, #tpu.memory_space<semaphore_mem>>)
      } else {
      }
      %eq3A_56 = arith.constant 1 : i32
      %eq3A_57 = arith.cmpi eq, %arg0, %eq3A_56 : i32
      %convert_element_type3A_58 = arith.extui %eq3A_57 : i1 to i32
      %cond3A_59 = arith.constant 0 : i32
      %cond3A_60 = arith.cmpi ne, %convert_element_type3A_58, %cond3A_59 : i32
      scf.if %cond3A_60 {
        %dma_start3A = arith.constant 0 : i32
        %dma_start3A_167 = arith.constant 0 : i32
        %dma_start3A_168 = tpu.memref_slice %arg10[%rem3A_50, %dma_start3A, %dma_start3A_167] : memref<4x128x32xf32, #tpu.memory_space<vmem>> -> memref<1x128x32xf32, #tpu.memory_space<vmem>>
        %dma_start3A_169 = tpu.memref_squeeze %dma_start3A_168 : memref<1x128x32xf32, #tpu.memory_space<vmem>> -> memref<128x32xf32, #tpu.memory_space<vmem>>
        %dma_start3A_170 = arith.constant 0 : i32
        %dma_start3A_171 = tpu.memref_slice %arg7[%dma_start3A_170] : memref<1920xi32, #tpu.memory_space<vmem>> -> memref<128xi32, #tpu.memory_space<vmem>>
        %dma_start3A_172 = arith.constant 0 : i32
        %dma_start3A_173 = arith.constant 0 : i32
        %dma_start3A_174 = tpu.memref_slice %arg4[%dma_start3A_172, %dma_start3A_173] : memref<50000x32xf32, #tpu.memory_space<hbm>> -> memref<50000x32xf32, #tpu.memory_space<hbm>>
        %dma_start3A_175 = tpu.memref_slice %arg13[%rem3A_50] : memref<4x!tpu.dma_semaphore, #tpu.memory_space<semaphore_mem>> -> memref<1x!tpu.dma_semaphore, #tpu.memory_space<semaphore_mem>>
        %dma_start3A_176 = tpu.memref_squeeze %dma_start3A_175 : memref<1x!tpu.dma_semaphore, #tpu.memory_space<semaphore_mem>> -> memref<!tpu.dma_semaphore, #tpu.memory_space<semaphore_mem>>
        tpu.enqueue_indirect_dma source(%dma_start3A_174 : memref<50000x32xf32, #tpu.memory_space<hbm>>) target(%dma_start3A_169 : memref<128x32xf32, #tpu.memory_space<vmem>>) offsets(%dma_start3A_171 : memref<128xi32, #tpu.memory_space<vmem>>) semaphore(%dma_start3A_176 : memref<!tpu.dma_semaphore, #tpu.memory_space<semaphore_mem>>)
      } else {
      }
      %rem3A_61 = arith.constant 1 : i32
      %rem3A_62 = arith.constant 4 : i32
      %rem3A_63 = arith.remsi %rem3A_61, %rem3A_62 : i32
      %eq3A_64 = arith.constant 0 : i32
      %eq3A_65 = arith.cmpi eq, %arg0, %eq3A_64 : i32
      %convert_element_type3A_66 = arith.extui %eq3A_65 : i1 to i32
      %cond3A_67 = arith.constant 0 : i32
      %cond3A_68 = arith.cmpi ne, %convert_element_type3A_66, %cond3A_67 : i32
      scf.if %cond3A_68 {
        %dma_start3A = arith.constant 0 : i32
        %dma_start3A_167 = arith.constant 0 : i32
        %dma_start3A_168 = tpu.memref_slice %arg10[%rem3A_63, %dma_start3A, %dma_start3A_167] : memref<4x128x32xf32, #tpu.memory_space<vmem>> -> memref<1x128x32xf32, #tpu.memory_space<vmem>>
        %dma_start3A_169 = tpu.memref_squeeze %dma_start3A_168 : memref<1x128x32xf32, #tpu.memory_space<vmem>> -> memref<128x32xf32, #tpu.memory_space<vmem>>
        %dma_start3A_170 = arith.constant 128 : i32
        %dma_start3A_171 = tpu.memref_slice %arg7[%dma_start3A_170] : memref<1920xi32, #tpu.memory_space<vmem>> -> memref<128xi32, #tpu.memory_space<vmem>>
        %dma_start3A_172 = arith.constant 0 : i32
        %dma_start3A_173 = arith.constant 0 : i32
        %dma_start3A_174 = tpu.memref_slice %arg3[%dma_start3A_172, %dma_start3A_173] : memref<50000x32xf32, #tpu.memory_space<hbm>> -> memref<50000x32xf32, #tpu.memory_space<hbm>>
        %dma_start3A_175 = tpu.memref_slice %arg13[%rem3A_63] : memref<4x!tpu.dma_semaphore, #tpu.memory_space<semaphore_mem>> -> memref<1x!tpu.dma_semaphore, #tpu.memory_space<semaphore_mem>>
        %dma_start3A_176 = tpu.memref_squeeze %dma_start3A_175 : memref<1x!tpu.dma_semaphore, #tpu.memory_space<semaphore_mem>> -> memref<!tpu.dma_semaphore, #tpu.memory_space<semaphore_mem>>
        tpu.enqueue_indirect_dma source(%dma_start3A_174 : memref<50000x32xf32, #tpu.memory_space<hbm>>) target(%dma_start3A_169 : memref<128x32xf32, #tpu.memory_space<vmem>>) offsets(%dma_start3A_171 : memref<128xi32, #tpu.memory_space<vmem>>) semaphore(%dma_start3A_176 : memref<!tpu.dma_semaphore, #tpu.memory_space<semaphore_mem>>)
      } else {
      }
      %eq3A_69 = arith.constant 1 : i32
      %eq3A_70 = arith.cmpi eq, %arg0, %eq3A_69 : i32
      %convert_element_type3A_71 = arith.extui %eq3A_70 : i1 to i32
      %cond3A_72 = arith.constant 0 : i32
      %cond3A_73 = arith.cmpi ne, %convert_element_type3A_71, %cond3A_72 : i32
      scf.if %cond3A_73 {
        %dma_start3A = arith.constant 0 : i32
        %dma_start3A_167 = arith.constant 0 : i32
        %dma_start3A_168 = tpu.memref_slice %arg10[%rem3A_63, %dma_start3A, %dma_start3A_167] : memref<4x128x32xf32, #tpu.memory_space<vmem>> -> memref<1x128x32xf32, #tpu.memory_space<vmem>>
        %dma_start3A_169 = tpu.memref_squeeze %dma_start3A_168 : memref<1x128x32xf32, #tpu.memory_space<vmem>> -> memref<128x32xf32, #tpu.memory_space<vmem>>
        %dma_start3A_170 = arith.constant 128 : i32
        %dma_start3A_171 = tpu.memref_slice %arg7[%dma_start3A_170] : memref<1920xi32, #tpu.memory_space<vmem>> -> memref<128xi32, #tpu.memory_space<vmem>>
        %dma_start3A_172 = arith.constant 0 : i32
        %dma_start3A_173 = arith.constant 0 : i32
        %dma_start3A_174 = tpu.memref_slice %arg4[%dma_start3A_172, %dma_start3A_173] : memref<50000x32xf32, #tpu.memory_space<hbm>> -> memref<50000x32xf32, #tpu.memory_space<hbm>>
        %dma_start3A_175 = tpu.memref_slice %arg13[%rem3A_63] : memref<4x!tpu.dma_semaphore, #tpu.memory_space<semaphore_mem>> -> memref<1x!tpu.dma_semaphore, #tpu.memory_space<semaphore_mem>>
        %dma_start3A_176 = tpu.memref_squeeze %dma_start3A_175 : memref<1x!tpu.dma_semaphore, #tpu.memory_space<semaphore_mem>> -> memref<!tpu.dma_semaphore, #tpu.memory_space<semaphore_mem>>
        tpu.enqueue_indirect_dma source(%dma_start3A_174 : memref<50000x32xf32, #tpu.memory_space<hbm>>) target(%dma_start3A_169 : memref<128x32xf32, #tpu.memory_space<vmem>>) offsets(%dma_start3A_171 : memref<128xi32, #tpu.memory_space<vmem>>) semaphore(%dma_start3A_176 : memref<!tpu.dma_semaphore, #tpu.memory_space<semaphore_mem>>)
      } else {
      }
      %rem3A_74 = arith.constant 2 : i32
      %rem3A_75 = arith.constant 4 : i32
      %rem3A_76 = arith.remsi %rem3A_74, %rem3A_75 : i32
      %eq3A_77 = arith.constant 0 : i32
      %eq3A_78 = arith.cmpi eq, %arg0, %eq3A_77 : i32
      %convert_element_type3A_79 = arith.extui %eq3A_78 : i1 to i32
      %cond3A_80 = arith.constant 0 : i32
      %cond3A_81 = arith.cmpi ne, %convert_element_type3A_79, %cond3A_80 : i32
      scf.if %cond3A_81 {
        %dma_start3A = arith.constant 0 : i32
        %dma_start3A_167 = arith.constant 0 : i32
        %dma_start3A_168 = tpu.memref_slice %arg10[%rem3A_76, %dma_start3A, %dma_start3A_167] : memref<4x128x32xf32, #tpu.memory_space<vmem>> -> memref<1x128x32xf32, #tpu.memory_space<vmem>>
        %dma_start3A_169 = tpu.memref_squeeze %dma_start3A_168 : memref<1x128x32xf32, #tpu.memory_space<vmem>> -> memref<128x32xf32, #tpu.memory_space<vmem>>
        %dma_start3A_170 = arith.constant 256 : i32
        %dma_start3A_171 = tpu.memref_slice %arg7[%dma_start3A_170] : memref<1920xi32, #tpu.memory_space<vmem>> -> memref<128xi32, #tpu.memory_space<vmem>>
        %dma_start3A_172 = arith.constant 0 : i32
        %dma_start3A_173 = arith.constant 0 : i32
        %dma_start3A_174 = tpu.memref_slice %arg3[%dma_start3A_172, %dma_start3A_173] : memref<50000x32xf32, #tpu.memory_space<hbm>> -> memref<50000x32xf32, #tpu.memory_space<hbm>>
        %dma_start3A_175 = tpu.memref_slice %arg13[%rem3A_76] : memref<4x!tpu.dma_semaphore, #tpu.memory_space<semaphore_mem>> -> memref<1x!tpu.dma_semaphore, #tpu.memory_space<semaphore_mem>>
        %dma_start3A_176 = tpu.memref_squeeze %dma_start3A_175 : memref<1x!tpu.dma_semaphore, #tpu.memory_space<semaphore_mem>> -> memref<!tpu.dma_semaphore, #tpu.memory_space<semaphore_mem>>
        tpu.enqueue_indirect_dma source(%dma_start3A_174 : memref<50000x32xf32, #tpu.memory_space<hbm>>) target(%dma_start3A_169 : memref<128x32xf32, #tpu.memory_space<vmem>>) offsets(%dma_start3A_171 : memref<128xi32, #tpu.memory_space<vmem>>) semaphore(%dma_start3A_176 : memref<!tpu.dma_semaphore, #tpu.memory_space<semaphore_mem>>)
      } else {
      }
      %eq3A_82 = arith.constant 1 : i32
      %eq3A_83 = arith.cmpi eq, %arg0, %eq3A_82 : i32
      %convert_element_type3A_84 = arith.extui %eq3A_83 : i1 to i32
      %cond3A_85 = arith.constant 0 : i32
      %cond3A_86 = arith.cmpi ne, %convert_element_type3A_84, %cond3A_85 : i32
      scf.if %cond3A_86 {
        %dma_start3A = arith.constant 0 : i32
        %dma_start3A_167 = arith.constant 0 : i32
        %dma_start3A_168 = tpu.memref_slice %arg10[%rem3A_76, %dma_start3A, %dma_start3A_167] : memref<4x128x32xf32, #tpu.memory_space<vmem>> -> memref<1x128x32xf32, #tpu.memory_space<vmem>>
        %dma_start3A_169 = tpu.memref_squeeze %dma_start3A_168 : memref<1x128x32xf32, #tpu.memory_space<vmem>> -> memref<128x32xf32, #tpu.memory_space<vmem>>
        %dma_start3A_170 = arith.constant 256 : i32
        %dma_start3A_171 = tpu.memref_slice %arg7[%dma_start3A_170] : memref<1920xi32, #tpu.memory_space<vmem>> -> memref<128xi32, #tpu.memory_space<vmem>>
        %dma_start3A_172 = arith.constant 0 : i32
        %dma_start3A_173 = arith.constant 0 : i32
        %dma_start3A_174 = tpu.memref_slice %arg4[%dma_start3A_172, %dma_start3A_173] : memref<50000x32xf32, #tpu.memory_space<hbm>> -> memref<50000x32xf32, #tpu.memory_space<hbm>>
        %dma_start3A_175 = tpu.memref_slice %arg13[%rem3A_76] : memref<4x!tpu.dma_semaphore, #tpu.memory_space<semaphore_mem>> -> memref<1x!tpu.dma_semaphore, #tpu.memory_space<semaphore_mem>>
        %dma_start3A_176 = tpu.memref_squeeze %dma_start3A_175 : memref<1x!tpu.dma_semaphore, #tpu.memory_space<semaphore_mem>> -> memref<!tpu.dma_semaphore, #tpu.memory_space<semaphore_mem>>
        tpu.enqueue_indirect_dma source(%dma_start3A_174 : memref<50000x32xf32, #tpu.memory_space<hbm>>) target(%dma_start3A_169 : memref<128x32xf32, #tpu.memory_space<vmem>>) offsets(%dma_start3A_171 : memref<128xi32, #tpu.memory_space<vmem>>) semaphore(%dma_start3A_176 : memref<!tpu.dma_semaphore, #tpu.memory_space<semaphore_mem>>)
      } else {
      }
      %rem3A_87 = arith.constant 3 : i32
      %rem3A_88 = arith.constant 4 : i32
      %rem3A_89 = arith.remsi %rem3A_87, %rem3A_88 : i32
      %eq3A_90 = arith.constant 0 : i32
      %eq3A_91 = arith.cmpi eq, %arg0, %eq3A_90 : i32
      %convert_element_type3A_92 = arith.extui %eq3A_91 : i1 to i32
      %cond3A_93 = arith.constant 0 : i32
      %cond3A_94 = arith.cmpi ne, %convert_element_type3A_92, %cond3A_93 : i32
      scf.if %cond3A_94 {
        %dma_start3A = arith.constant 0 : i32
        %dma_start3A_167 = arith.constant 0 : i32
        %dma_start3A_168 = tpu.memref_slice %arg10[%rem3A_89, %dma_start3A, %dma_start3A_167] : memref<4x128x32xf32, #tpu.memory_space<vmem>> -> memref<1x128x32xf32, #tpu.memory_space<vmem>>
        %dma_start3A_169 = tpu.memref_squeeze %dma_start3A_168 : memref<1x128x32xf32, #tpu.memory_space<vmem>> -> memref<128x32xf32, #tpu.memory_space<vmem>>
        %dma_start3A_170 = arith.constant 384 : i32
        %dma_start3A_171 = tpu.memref_slice %arg7[%dma_start3A_170] : memref<1920xi32, #tpu.memory_space<vmem>> -> memref<128xi32, #tpu.memory_space<vmem>>
        %dma_start3A_172 = arith.constant 0 : i32
        %dma_start3A_173 = arith.constant 0 : i32
        %dma_start3A_174 = tpu.memref_slice %arg3[%dma_start3A_172, %dma_start3A_173] : memref<50000x32xf32, #tpu.memory_space<hbm>> -> memref<50000x32xf32, #tpu.memory_space<hbm>>
        %dma_start3A_175 = tpu.memref_slice %arg13[%rem3A_89] : memref<4x!tpu.dma_semaphore, #tpu.memory_space<semaphore_mem>> -> memref<1x!tpu.dma_semaphore, #tpu.memory_space<semaphore_mem>>
        %dma_start3A_176 = tpu.memref_squeeze %dma_start3A_175 : memref<1x!tpu.dma_semaphore, #tpu.memory_space<semaphore_mem>> -> memref<!tpu.dma_semaphore, #tpu.memory_space<semaphore_mem>>
        tpu.enqueue_indirect_dma source(%dma_start3A_174 : memref<50000x32xf32, #tpu.memory_space<hbm>>) target(%dma_start3A_169 : memref<128x32xf32, #tpu.memory_space<vmem>>) offsets(%dma_start3A_171 : memref<128xi32, #tpu.memory_space<vmem>>) semaphore(%dma_start3A_176 : memref<!tpu.dma_semaphore, #tpu.memory_space<semaphore_mem>>)
      } else {
      }
      %eq3A_95 = arith.constant 1 : i32
      %eq3A_96 = arith.cmpi eq, %arg0, %eq3A_95 : i32
      %convert_element_type3A_97 = arith.extui %eq3A_96 : i1 to i32
      %cond3A_98 = arith.constant 0 : i32
      %cond3A_99 = arith.cmpi ne, %convert_element_type3A_97, %cond3A_98 : i32
      scf.if %cond3A_99 {
        %dma_start3A = arith.constant 0 : i32
        %dma_start3A_167 = arith.constant 0 : i32
        %dma_start3A_168 = tpu.memref_slice %arg10[%rem3A_89, %dma_start3A, %dma_start3A_167] : memref<4x128x32xf32, #tpu.memory_space<vmem>> -> memref<1x128x32xf32, #tpu.memory_space<vmem>>
        %dma_start3A_169 = tpu.memref_squeeze %dma_start3A_168 : memref<1x128x32xf32, #tpu.memory_space<vmem>> -> memref<128x32xf32, #tpu.memory_space<vmem>>
        %dma_start3A_170 = arith.constant 384 : i32
        %dma_start3A_171 = tpu.memref_slice %arg7[%dma_start3A_170] : memref<1920xi32, #tpu.memory_space<vmem>> -> memref<128xi32, #tpu.memory_space<vmem>>
        %dma_start3A_172 = arith.constant 0 : i32
        %dma_start3A_173 = arith.constant 0 : i32
        %dma_start3A_174 = tpu.memref_slice %arg4[%dma_start3A_172, %dma_start3A_173] : memref<50000x32xf32, #tpu.memory_space<hbm>> -> memref<50000x32xf32, #tpu.memory_space<hbm>>
        %dma_start3A_175 = tpu.memref_slice %arg13[%rem3A_89] : memref<4x!tpu.dma_semaphore, #tpu.memory_space<semaphore_mem>> -> memref<1x!tpu.dma_semaphore, #tpu.memory_space<semaphore_mem>>
        %dma_start3A_176 = tpu.memref_squeeze %dma_start3A_175 : memref<1x!tpu.dma_semaphore, #tpu.memory_space<semaphore_mem>> -> memref<!tpu.dma_semaphore, #tpu.memory_space<semaphore_mem>>
        tpu.enqueue_indirect_dma source(%dma_start3A_174 : memref<50000x32xf32, #tpu.memory_space<hbm>>) target(%dma_start3A_169 : memref<128x32xf32, #tpu.memory_space<vmem>>) offsets(%dma_start3A_171 : memref<128xi32, #tpu.memory_space<vmem>>) semaphore(%dma_start3A_176 : memref<!tpu.dma_semaphore, #tpu.memory_space<semaphore_mem>>)
      } else {
      }
      %scan3A_100 = arith.constant 0 : i32
      %scan3A_101 = arith.constant 0 : i32
      %scan3A_102 = arith.constant 15 : i32
      %scan3A_103 = arith.addi %scan3A_101, %scan3A_102 : i32
      %scan3A_104 = arith.constant 1 : i32
      %scan3A_105 = scf.for %scan3A_167 = %scan3A_101 to %scan3A_103 step %scan3A_104 iter_args(%scan3A_168 = %scan3A_100) -> (i32)  : i32 {
        %rem3A_169 = arith.constant 4 : i32
        %rem3A_170 = arith.remsi %scan3A_167, %rem3A_169 : i32
        %mul3A_171 = arith.constant 128 : i32
        %mul3A_172 = arith.muli %scan3A_167, %mul3A_171 : i32
        %dma_wait3A_173 = arith.constant 0 : i32
        %dma_wait3A_174 = arith.constant 0 : i32
        %dma_wait3A_175 = tpu.memref_slice %arg10[%rem3A_170, %dma_wait3A_173, %dma_wait3A_174] : memref<4x128x32xf32, #tpu.memory_space<vmem>> -> memref<1x128x32xf32, #tpu.memory_space<vmem>>
        %dma_wait3A_176 = tpu.memref_squeeze %dma_wait3A_175 : memref<1x128x32xf32, #tpu.memory_space<vmem>> -> memref<128x32xf32, #tpu.memory_space<vmem>>
        %dma_wait3A_177 = tpu.memref_slice %arg7[%mul3A_172] : memref<1920xi32, #tpu.memory_space<vmem>> -> memref<128xi32, #tpu.memory_space<vmem>>
        %dma_wait3A_178 = arith.constant 0 : i32
        %dma_wait3A_179 = arith.constant 0 : i32
        %dma_wait3A_180 = tpu.memref_slice %arg3[%dma_wait3A_178, %dma_wait3A_179] : memref<50000x32xf32, #tpu.memory_space<hbm>> -> memref<50000x32xf32, #tpu.memory_space<hbm>>
        %dma_wait3A_181 = tpu.memref_slice %arg13[%rem3A_170] : memref<4x!tpu.dma_semaphore, #tpu.memory_space<semaphore_mem>> -> memref<1x!tpu.dma_semaphore, #tpu.memory_space<semaphore_mem>>
        %dma_wait3A_182 = tpu.memref_squeeze %dma_wait3A_181 : memref<1x!tpu.dma_semaphore, #tpu.memory_space<semaphore_mem>> -> memref<!tpu.dma_semaphore, #tpu.memory_space<semaphore_mem>>
        tpu.wait_indirect_dma semaphore(%dma_wait3A_182 : memref<!tpu.dma_semaphore, #tpu.memory_space<semaphore_mem>>) src(%dma_wait3A_180 : memref<50000x32xf32, #tpu.memory_space<hbm>>) dst(%dma_wait3A_176 : memref<128x32xf32, #tpu.memory_space<vmem>>)
        %rem3A_183 = arith.constant 4 : i32
        %rem3A_184 = arith.remsi %scan3A_167, %rem3A_183 : i32
        %mul3A_185 = arith.constant 128 : i32
        %mul3A_186 = arith.muli %scan3A_167, %mul3A_185 : i32
        %add3A_187 = arith.constant 0 : i32
        %add3A_188 = arith.addi %mul3A_186, %add3A_187 : i32
        %get3A = arith.index_cast %add3A_188 : i32 to index
        %get3A_189 = tpu.vector_load %arg8[%get3A] {strides = array<i32>} : memref<1920xi32, #tpu.memory_space<vmem>>, vector<16xi32>,
        %get3A_190 = vector.shape_cast %get3A_189 : vector<16xi32> to vector<16xi32>
        %swap3A = arith.index_cast %rem3A_184 : i32 to index
        %swap3A_191 = arith.constant 0 : index
        %swap3A_192 = tpu.vector_load %arg9[%swap3A, %swap3A_191] {strides = array<i32>} : memref<4x128xi32, #tpu.memory_space<vmem>>, vector<1x16xi32>,
        %swap3A_193 = vector.shape_cast %swap3A_192 : vector<1x16xi32> to vector<16xi32>
        %swap3A_194 = vector.shape_cast %get3A_190 : vector<16xi32> to vector<1x16xi32>
        tpu.vector_store %arg9[%swap3A, %swap3A_191], %swap3A_194 {strides = array<i32>} : memref<4x128xi32, #tpu.memory_space<vmem>>, vector<1x16xi32>,
        %mul3A_195 = arith.constant 128 : i32
        %mul3A_196 = arith.muli %scan3A_167, %mul3A_195 : i32
        %add3A_197 = arith.constant 16 : i32
        %add3A_198 = arith.addi %mul3A_196, %add3A_197 : i32
        %get3A_199 = arith.index_cast %add3A_198 : i32 to index
        %get3A_200 = tpu.vector_load %arg8[%get3A_199] {strides = array<i32>} : memref<1920xi32, #tpu.memory_space<vmem>>, vector<16xi32>,
        %get3A_201 = vector.shape_cast %get3A_200 : vector<16xi32> to vector<16xi32>
        %swap3A_202 = arith.index_cast %rem3A_184 : i32 to index
        %swap3A_203 = arith.constant 16 : index
        %swap3A_204 = tpu.vector_load %arg9[%swap3A_202, %swap3A_203] {strides = array<i32>} : memref<4x128xi32, #tpu.memory_space<vmem>>, vector<1x16xi32>,
        %swap3A_205 = vector.shape_cast %swap3A_204 : vector<1x16xi32> to vector<16xi32>
        %swap3A_206 = vector.shape_cast %get3A_201 : vector<16xi32> to vector<1x16xi32>
        tpu.vector_store %arg9[%swap3A_202, %swap3A_203], %swap3A_206 {strides = array<i32>} : memref<4x128xi32, #tpu.memory_space<vmem>>, vector<1x16xi32>,
        %mul3A_207 = arith.constant 128 : i32
        %mul3A_208 = arith.muli %scan3A_167, %mul3A_207 : i32
        %add3A_209 = arith.constant 32 : i32
        %add3A_210 = arith.addi %mul3A_208, %add3A_209 : i32
        %get3A_211 = arith.index_cast %add3A_210 : i32 to index
        %get3A_212 = tpu.vector_load %arg8[%get3A_211] {strides = array<i32>} : memref<1920xi32, #tpu.memory_space<vmem>>, vector<16xi32>,
        %get3A_213 = vector.shape_cast %get3A_212 : vector<16xi32> to vector<16xi32>
        %swap3A_214 = arith.index_cast %rem3A_184 : i32 to index
        %swap3A_215 = arith.constant 32 : index
        %swap3A_216 = tpu.vector_load %arg9[%swap3A_214, %swap3A_215] {strides = array<i32>} : memref<4x128xi32, #tpu.memory_space<vmem>>, vector<1x16xi32>,
        %swap3A_217 = vector.shape_cast %swap3A_216 : vector<1x16xi32> to vector<16xi32>
        %swap3A_218 = vector.shape_cast %get3A_213 : vector<16xi32> to vector<1x16xi32>
        tpu.vector_store %arg9[%swap3A_214, %swap3A_215], %swap3A_218 {strides = array<i32>} : memref<4x128xi32, #tpu.memory_space<vmem>>, vector<1x16xi32>,
        %mul3A_219 = arith.constant 128 : i32
        %mul3A_220 = arith.muli %scan3A_167, %mul3A_219 : i32
        %add3A_221 = arith.constant 48 : i32
        %add3A_222 = arith.addi %mul3A_220, %add3A_221 : i32
        %get3A_223 = arith.index_cast %add3A_222 : i32 to index
        %get3A_224 = tpu.vector_load %arg8[%get3A_223] {strides = array<i32>} : memref<1920xi32, #tpu.memory_space<vmem>>, vector<16xi32>,
        %get3A_225 = vector.shape_cast %get3A_224 : vector<16xi32> to vector<16xi32>
        %swap3A_226 = arith.index_cast %rem3A_184 : i32 to index
        %swap3A_227 = arith.constant 48 : index
        %swap3A_228 = tpu.vector_load %arg9[%swap3A_226, %swap3A_227] {strides = array<i32>} : memref<4x128xi32, #tpu.memory_space<vmem>>, vector<1x16xi32>,
        %swap3A_229 = vector.shape_cast %swap3A_228 : vector<1x16xi32> to vector<16xi32>
        %swap3A_230 = vector.shape_cast %get3A_225 : vector<16xi32> to vector<1x16xi32>
        tpu.vector_store %arg9[%swap3A_226, %swap3A_227], %swap3A_230 {strides = array<i32>} : memref<4x128xi32, #tpu.memory_space<vmem>>, vector<1x16xi32>,
        %mul3A_231 = arith.constant 128 : i32
        %mul3A_232 = arith.muli %scan3A_167, %mul3A_231 : i32
        %add3A_233 = arith.constant 64 : i32
        %add3A_234 = arith.addi %mul3A_232, %add3A_233 : i32
        %get3A_235 = arith.index_cast %add3A_234 : i32 to index
        %get3A_236 = tpu.vector_load %arg8[%get3A_235] {strides = array<i32>} : memref<1920xi32, #tpu.memory_space<vmem>>, vector<16xi32>,
        %get3A_237 = vector.shape_cast %get3A_236 : vector<16xi32> to vector<16xi32>
        %swap3A_238 = arith.index_cast %rem3A_184 : i32 to index
        %swap3A_239 = arith.constant 64 : index
        %swap3A_240 = tpu.vector_load %arg9[%swap3A_238, %swap3A_239] {strides = array<i32>} : memref<4x128xi32, #tpu.memory_space<vmem>>, vector<1x16xi32>,
        %swap3A_241 = vector.shape_cast %swap3A_240 : vector<1x16xi32> to vector<16xi32>
        %swap3A_242 = vector.shape_cast %get3A_237 : vector<16xi32> to vector<1x16xi32>
        tpu.vector_store %arg9[%swap3A_238, %swap3A_239], %swap3A_242 {strides = array<i32>} : memref<4x128xi32, #tpu.memory_space<vmem>>, vector<1x16xi32>,
        %mul3A_243 = arith.constant 128 : i32
        %mul3A_244 = arith.muli %scan3A_167, %mul3A_243 : i32
        %add3A_245 = arith.constant 80 : i32
        %add3A_246 = arith.addi %mul3A_244, %add3A_245 : i32
        %get3A_247 = arith.index_cast %add3A_246 : i32 to index
        %get3A_248 = tpu.vector_load %arg8[%get3A_247] {strides = array<i32>} : memref<1920xi32, #tpu.memory_space<vmem>>, vector<16xi32>,
        %get3A_249 = vector.shape_cast %get3A_248 : vector<16xi32> to vector<16xi32>
        %swap3A_250 = arith.index_cast %rem3A_184 : i32 to index
        %swap3A_251 = arith.constant 80 : index
        %swap3A_252 = tpu.vector_load %arg9[%swap3A_250, %swap3A_251] {strides = array<i32>} : memref<4x128xi32, #tpu.memory_space<vmem>>, vector<1x16xi32>,
        %swap3A_253 = vector.shape_cast %swap3A_252 : vector<1x16xi32> to vector<16xi32>
        %swap3A_254 = vector.shape_cast %get3A_249 : vector<16xi32> to vector<1x16xi32>
        tpu.vector_store %arg9[%swap3A_250, %swap3A_251], %swap3A_254 {strides = array<i32>} : memref<4x128xi32, #tpu.memory_space<vmem>>, vector<1x16xi32>,
        %mul3A_255 = arith.constant 128 : i32
        %mul3A_256 = arith.muli %scan3A_167, %mul3A_255 : i32
        %add3A_257 = arith.constant 96 : i32
        %add3A_258 = arith.addi %mul3A_256, %add3A_257 : i32
        %get3A_259 = arith.index_cast %add3A_258 : i32 to index
        %get3A_260 = tpu.vector_load %arg8[%get3A_259] {strides = array<i32>} : memref<1920xi32, #tpu.memory_space<vmem>>, vector<16xi32>,
        %get3A_261 = vector.shape_cast %get3A_260 : vector<16xi32> to vector<16xi32>
        %swap3A_262 = arith.index_cast %rem3A_184 : i32 to index
        %swap3A_263 = arith.constant 96 : index
        %swap3A_264 = tpu.vector_load %arg9[%swap3A_262, %swap3A_263] {strides = array<i32>} : memref<4x128xi32, #tpu.memory_space<vmem>>, vector<1x16xi32>,
        %swap3A_265 = vector.shape_cast %swap3A_264 : vector<1x16xi32> to vector<16xi32>
        %swap3A_266 = vector.shape_cast %get3A_261 : vector<16xi32> to vector<1x16xi32>
        tpu.vector_store %arg9[%swap3A_262, %swap3A_263], %swap3A_266 {strides = array<i32>} : memref<4x128xi32, #tpu.memory_space<vmem>>, vector<1x16xi32>,
        %mul3A_267 = arith.constant 128 : i32
        %mul3A_268 = arith.muli %scan3A_167, %mul3A_267 : i32
        %add3A_269 = arith.constant 112 : i32
        %add3A_270 = arith.addi %mul3A_268, %add3A_269 : i32
        %get3A_271 = arith.index_cast %add3A_270 : i32 to index
        %get3A_272 = tpu.vector_load %arg8[%get3A_271] {strides = array<i32>} : memref<1920xi32, #tpu.memory_space<vmem>>, vector<16xi32>,
        %get3A_273 = vector.shape_cast %get3A_272 : vector<16xi32> to vector<16xi32>
        %swap3A_274 = arith.index_cast %rem3A_184 : i32 to index
        %swap3A_275 = arith.constant 112 : index
        %swap3A_276 = tpu.vector_load %arg9[%swap3A_274, %swap3A_275] {strides = array<i32>} : memref<4x128xi32, #tpu.memory_space<vmem>>, vector<1x16xi32>,
        %swap3A_277 = vector.shape_cast %swap3A_276 : vector<1x16xi32> to vector<16xi32>
        %swap3A_278 = vector.shape_cast %get3A_273 : vector<16xi32> to vector<1x16xi32>
        tpu.vector_store %arg9[%swap3A_274, %swap3A_275], %swap3A_278 {strides = array<i32>} : memref<4x128xi32, #tpu.memory_space<vmem>>, vector<1x16xi32>,
        %rem3A_279 = arith.constant 4 : i32
        %rem3A_280 = arith.remsi %scan3A_167, %rem3A_279 : i32
        %dma_start3A = arith.constant 0 : i32
        %dma_start3A_281 = arith.constant 0 : i32
        %dma_start3A_282 = tpu.memref_slice %arg10[%rem3A_280, %dma_start3A, %dma_start3A_281] : memref<4x128x32xf32, #tpu.memory_space<vmem>> -> memref<1x128x32xf32, #tpu.memory_space<vmem>>
        %dma_start3A_283 = tpu.memref_squeeze %dma_start3A_282 : memref<1x128x32xf32, #tpu.memory_space<vmem>> -> memref<128x32xf32, #tpu.memory_space<vmem>>
        %dma_start3A_284 = arith.constant 0 : i32
        %dma_start3A_285 = tpu.memref_slice %arg9[%rem3A_280, %dma_start3A_284] : memref<4x128xi32, #tpu.memory_space<vmem>> -> memref<1x128xi32, #tpu.memory_space<vmem>>
        %dma_start3A_286 = tpu.memref_squeeze %dma_start3A_285 : memref<1x128xi32, #tpu.memory_space<vmem>> -> memref<128xi32, #tpu.memory_space<vmem>>
        %dma_start3A_287 = arith.constant 0 : i32
        %dma_start3A_288 = arith.constant 0 : i32
        %dma_start3A_289 = tpu.memref_slice %arg12[%dma_start3A_287, %dma_start3A_288] : memref<50000x32xf32, #tpu.memory_space<vmem_shared>> -> memref<50000x32xf32, #tpu.memory_space<vmem_shared>>
        %dma_start3A_290 = tpu.memref_slice %arg14[%rem3A_280] : memref<4x!tpu.dma_semaphore, #tpu.memory_space<semaphore_mem>> -> memref<1x!tpu.dma_semaphore, #tpu.memory_space<semaphore_mem>>
        %dma_start3A_291 = tpu.memref_squeeze %dma_start3A_290 : memref<1x!tpu.dma_semaphore, #tpu.memory_space<semaphore_mem>> -> memref<!tpu.dma_semaphore, #tpu.memory_space<semaphore_mem>>
        tpu.enqueue_indirect_dma source(%dma_start3A_283 : memref<128x32xf32, #tpu.memory_space<vmem>>) target(%dma_start3A_289 : memref<50000x32xf32, #tpu.memory_space<vmem_shared>>) offsets(%dma_start3A_286 : memref<128xi32, #tpu.memory_space<vmem>>) semaphore(%dma_start3A_291 : memref<!tpu.dma_semaphore, #tpu.memory_space<semaphore_mem>>) {add = true}
        %add3A_292 = arith.constant 4 : i32
        %add3A_293 = arith.addi %scan3A_167, %add3A_292 : i32
        %lt3A_294 = arith.constant 15 : i32
        %lt3A_295 = arith.cmpi slt, %add3A_293, %lt3A_294 : i32
        %convert_element_type3A_296 = arith.extui %lt3A_295 : i1 to i32
        %cond3A_297 = arith.constant 0 : i32
        %cond3A_298 = arith.cmpi ne, %convert_element_type3A_296, %cond3A_297 : i32
        scf.if %cond3A_298 {
          %rem3A_300 = arith.constant 4 : i32
          %rem3A_301 = arith.remsi %scan3A_167, %rem3A_300 : i32
          %dma_wait3A_302 = arith.constant 0 : i32
          %dma_wait3A_303 = arith.constant 0 : i32
          %dma_wait3A_304 = tpu.memref_slice %arg10[%rem3A_301, %dma_wait3A_302, %dma_wait3A_303] : memref<4x128x32xf32, #tpu.memory_space<vmem>> -> memref<1x128x32xf32, #tpu.memory_space<vmem>>
          %dma_wait3A_305 = tpu.memref_squeeze %dma_wait3A_304 : memref<1x128x32xf32, #tpu.memory_space<vmem>> -> memref<128x32xf32, #tpu.memory_space<vmem>>
          %dma_wait3A_306 = arith.constant 0 : i32
          %dma_wait3A_307 = tpu.memref_slice %arg9[%rem3A_301, %dma_wait3A_306] : memref<4x128xi32, #tpu.memory_space<vmem>> -> memref<1x128xi32, #tpu.memory_space<vmem>>
          %dma_wait3A_308 = tpu.memref_squeeze %dma_wait3A_307 : memref<1x128xi32, #tpu.memory_space<vmem>> -> memref<128xi32, #tpu.memory_space<vmem>>
          %dma_wait3A_309 = arith.constant 0 : i32
          %dma_wait3A_310 = arith.constant 0 : i32
          %dma_wait3A_311 = tpu.memref_slice %arg12[%dma_wait3A_309, %dma_wait3A_310] : memref<50000x32xf32, #tpu.memory_space<vmem_shared>> -> memref<50000x32xf32, #tpu.memory_space<vmem_shared>>
          %dma_wait3A_312 = tpu.memref_slice %arg14[%rem3A_301] : memref<4x!tpu.dma_semaphore, #tpu.memory_space<semaphore_mem>> -> memref<1x!tpu.dma_semaphore, #tpu.memory_space<semaphore_mem>>
          %dma_wait3A_313 = tpu.memref_squeeze %dma_wait3A_312 : memref<1x!tpu.dma_semaphore, #tpu.memory_space<semaphore_mem>> -> memref<!tpu.dma_semaphore, #tpu.memory_space<semaphore_mem>>
          tpu.wait_indirect_dma semaphore(%dma_wait3A_313 : memref<!tpu.dma_semaphore, #tpu.memory_space<semaphore_mem>>) src(%dma_wait3A_305 : memref<128x32xf32, #tpu.memory_space<vmem>>) dst(%dma_wait3A_311 : memref<50000x32xf32, #tpu.memory_space<vmem_shared>>)
          %add3A_314 = arith.constant 4 : i32
          %add3A_315 = arith.addi %scan3A_167, %add3A_314 : i32
          %rem3A_316 = arith.constant 4 : i32
          %rem3A_317 = arith.remsi %add3A_315, %rem3A_316 : i32
          %eq3A_318 = arith.constant 0 : i32
          %eq3A_319 = arith.cmpi eq, %arg0, %eq3A_318 : i32
          %convert_element_type3A_320 = arith.extui %eq3A_319 : i1 to i32
          %cond3A_321 = arith.constant 0 : i32
          %cond3A_322 = arith.cmpi ne, %convert_element_type3A_320, %cond3A_321 : i32
          scf.if %cond3A_322 {
            %mul3A_328 = arith.constant 128 : i32
            %mul3A_329 = arith.muli %add3A_315, %mul3A_328 : i32
            %dma_start3A_330 = arith.constant 0 : i32
            %dma_start3A_331 = arith.constant 0 : i32
            %dma_start3A_332 = tpu.memref_slice %arg10[%rem3A_317, %dma_start3A_330, %dma_start3A_331] : memref<4x128x32xf32, #tpu.memory_space<vmem>> -> memref<1x128x32xf32, #tpu.memory_space<vmem>>
            %dma_start3A_333 = tpu.memref_squeeze %dma_start3A_332 : memref<1x128x32xf32, #tpu.memory_space<vmem>> -> memref<128x32xf32, #tpu.memory_space<vmem>>
            %dma_start3A_334 = tpu.memref_slice %arg7[%mul3A_329] : memref<1920xi32, #tpu.memory_space<vmem>> -> memref<128xi32, #tpu.memory_space<vmem>>
            %dma_start3A_335 = arith.constant 0 : i32
            %dma_start3A_336 = arith.constant 0 : i32
            %dma_start3A_337 = tpu.memref_slice %arg3[%dma_start3A_335, %dma_start3A_336] : memref<50000x32xf32, #tpu.memory_space<hbm>> -> memref<50000x32xf32, #tpu.memory_space<hbm>>
            %dma_start3A_338 = tpu.memref_slice %arg13[%rem3A_317] : memref<4x!tpu.dma_semaphore, #tpu.memory_space<semaphore_mem>> -> memref<1x!tpu.dma_semaphore, #tpu.memory_space<semaphore_mem>>
            %dma_start3A_339 = tpu.memref_squeeze %dma_start3A_338 : memref<1x!tpu.dma_semaphore, #tpu.memory_space<semaphore_mem>> -> memref<!tpu.dma_semaphore, #tpu.memory_space<semaphore_mem>>
            tpu.enqueue_indirect_dma source(%dma_start3A_337 : memref<50000x32xf32, #tpu.memory_space<hbm>>) target(%dma_start3A_333 : memref<128x32xf32, #tpu.memory_space<vmem>>) offsets(%dma_start3A_334 : memref<128xi32, #tpu.memory_space<vmem>>) semaphore(%dma_start3A_339 : memref<!tpu.dma_semaphore, #tpu.memory_space<semaphore_mem>>)
          } else {
          }
          %eq3A_323 = arith.constant 1 : i32
          %eq3A_324 = arith.cmpi eq, %arg0, %eq3A_323 : i32
          %convert_element_type3A_325 = arith.extui %eq3A_324 : i1 to i32
          %cond3A_326 = arith.constant 0 : i32
          %cond3A_327 = arith.cmpi ne, %convert_element_type3A_325, %cond3A_326 : i32
          scf.if %cond3A_327 {
            %mul3A_328 = arith.constant 128 : i32
            %mul3A_329 = arith.muli %add3A_315, %mul3A_328 : i32
            %dma_start3A_330 = arith.constant 0 : i32
            %dma_start3A_331 = arith.constant 0 : i32
            %dma_start3A_332 = tpu.memref_slice %arg10[%rem3A_317, %dma_start3A_330, %dma_start3A_331] : memref<4x128x32xf32, #tpu.memory_space<vmem>> -> memref<1x128x32xf32, #tpu.memory_space<vmem>>
            %dma_start3A_333 = tpu.memref_squeeze %dma_start3A_332 : memref<1x128x32xf32, #tpu.memory_space<vmem>> -> memref<128x32xf32, #tpu.memory_space<vmem>>
            %dma_start3A_334 = tpu.memref_slice %arg7[%mul3A_329] : memref<1920xi32, #tpu.memory_space<vmem>> -> memref<128xi32, #tpu.memory_space<vmem>>
            %dma_start3A_335 = arith.constant 0 : i32
            %dma_start3A_336 = arith.constant 0 : i32
            %dma_start3A_337 = tpu.memref_slice %arg4[%dma_start3A_335, %dma_start3A_336] : memref<50000x32xf32, #tpu.memory_space<hbm>> -> memref<50000x32xf32, #tpu.memory_space<hbm>>
            %dma_start3A_338 = tpu.memref_slice %arg13[%rem3A_317] : memref<4x!tpu.dma_semaphore, #tpu.memory_space<semaphore_mem>> -> memref<1x!tpu.dma_semaphore, #tpu.memory_space<semaphore_mem>>
            %dma_start3A_339 = tpu.memref_squeeze %dma_start3A_338 : memref<1x!tpu.dma_semaphore, #tpu.memory_space<semaphore_mem>> -> memref<!tpu.dma_semaphore, #tpu.memory_space<semaphore_mem>>
            tpu.enqueue_indirect_dma source(%dma_start3A_337 : memref<50000x32xf32, #tpu.memory_space<hbm>>) target(%dma_start3A_333 : memref<128x32xf32, #tpu.memory_space<vmem>>) offsets(%dma_start3A_334 : memref<128xi32, #tpu.memory_space<vmem>>) semaphore(%dma_start3A_339 : memref<!tpu.dma_semaphore, #tpu.memory_space<semaphore_mem>>)
          } else {
          }
        } else {
        }
        %scan3A_299 = arith.constant 0 : i32
        scf.yield %scan3A_299 : i32
      }
      %scan3A_106 = arith.constant 15 : i32
      %rem3A_107 = arith.constant 11 : i32
      %rem3A_108 = arith.constant 4 : i32
      %rem3A_109 = arith.remsi %rem3A_107, %rem3A_108 : i32
      %dma_wait3A = arith.constant 0 : i32
      %dma_wait3A_110 = arith.constant 0 : i32
      %dma_wait3A_111 = tpu.memref_slice %arg10[%rem3A_109, %dma_wait3A, %dma_wait3A_110] : memref<4x128x32xf32, #tpu.memory_space<vmem>> -> memref<1x128x32xf32, #tpu.memory_space<vmem>>
      %dma_wait3A_112 = tpu.memref_squeeze %dma_wait3A_111 : memref<1x128x32xf32, #tpu.memory_space<vmem>> -> memref<128x32xf32, #tpu.memory_space<vmem>>
      %dma_wait3A_113 = arith.constant 0 : i32
      %dma_wait3A_114 = tpu.memref_slice %arg9[%rem3A_109, %dma_wait3A_113] : memref<4x128xi32, #tpu.memory_space<vmem>> -> memref<1x128xi32, #tpu.memory_space<vmem>>
      %dma_wait3A_115 = tpu.memref_squeeze %dma_wait3A_114 : memref<1x128xi32, #tpu.memory_space<vmem>> -> memref<128xi32, #tpu.memory_space<vmem>>
      %dma_wait3A_116 = arith.constant 0 : i32
      %dma_wait3A_117 = arith.constant 0 : i32
      %dma_wait3A_118 = tpu.memref_slice %arg12[%dma_wait3A_116, %dma_wait3A_117] : memref<50000x32xf32, #tpu.memory_space<vmem_shared>> -> memref<50000x32xf32, #tpu.memory_space<vmem_shared>>
      %dma_wait3A_119 = tpu.memref_slice %arg14[%rem3A_109] : memref<4x!tpu.dma_semaphore, #tpu.memory_space<semaphore_mem>> -> memref<1x!tpu.dma_semaphore, #tpu.memory_space<semaphore_mem>>
      %dma_wait3A_120 = tpu.memref_squeeze %dma_wait3A_119 : memref<1x!tpu.dma_semaphore, #tpu.memory_space<semaphore_mem>> -> memref<!tpu.dma_semaphore, #tpu.memory_space<semaphore_mem>>
      tpu.wait_indirect_dma semaphore(%dma_wait3A_120 : memref<!tpu.dma_semaphore, #tpu.memory_space<semaphore_mem>>) src(%dma_wait3A_112 : memref<128x32xf32, #tpu.memory_space<vmem>>) dst(%dma_wait3A_118 : memref<50000x32xf32, #tpu.memory_space<vmem_shared>>)
      %rem3A_121 = arith.constant 12 : i32
      %rem3A_122 = arith.constant 4 : i32
      %rem3A_123 = arith.remsi %rem3A_121, %rem3A_122 : i32
      %dma_wait3A_124 = arith.constant 0 : i32
      %dma_wait3A_125 = arith.constant 0 : i32
      %dma_wait3A_126 = tpu.memref_slice %arg10[%rem3A_123, %dma_wait3A_124, %dma_wait3A_125] : memref<4x128x32xf32, #tpu.memory_space<vmem>> -> memref<1x128x32xf32, #tpu.memory_space<vmem>>
      %dma_wait3A_127 = tpu.memref_squeeze %dma_wait3A_126 : memref<1x128x32xf32, #tpu.memory_space<vmem>> -> memref<128x32xf32, #tpu.memory_space<vmem>>
      %dma_wait3A_128 = arith.constant 0 : i32
      %dma_wait3A_129 = tpu.memref_slice %arg9[%rem3A_123, %dma_wait3A_128] : memref<4x128xi32, #tpu.memory_space<vmem>> -> memref<1x128xi32, #tpu.memory_space<vmem>>
      %dma_wait3A_130 = tpu.memref_squeeze %dma_wait3A_129 : memref<1x128xi32, #tpu.memory_space<vmem>> -> memref<128xi32, #tpu.memory_space<vmem>>
      %dma_wait3A_131 = arith.constant 0 : i32
      %dma_wait3A_132 = arith.constant 0 : i32
      %dma_wait3A_133 = tpu.memref_slice %arg12[%dma_wait3A_131, %dma_wait3A_132] : memref<50000x32xf32, #tpu.memory_space<vmem_shared>> -> memref<50000x32xf32, #tpu.memory_space<vmem_shared>>
      %dma_wait3A_134 = tpu.memref_slice %arg14[%rem3A_123] : memref<4x!tpu.dma_semaphore, #tpu.memory_space<semaphore_mem>> -> memref<1x!tpu.dma_semaphore, #tpu.memory_space<semaphore_mem>>
      %dma_wait3A_135 = tpu.memref_squeeze %dma_wait3A_134 : memref<1x!tpu.dma_semaphore, #tpu.memory_space<semaphore_mem>> -> memref<!tpu.dma_semaphore, #tpu.memory_space<semaphore_mem>>
      tpu.wait_indirect_dma semaphore(%dma_wait3A_135 : memref<!tpu.dma_semaphore, #tpu.memory_space<semaphore_mem>>) src(%dma_wait3A_127 : memref<128x32xf32, #tpu.memory_space<vmem>>) dst(%dma_wait3A_133 : memref<50000x32xf32, #tpu.memory_space<vmem_shared>>)
      %rem3A_136 = arith.constant 13 : i32
      %rem3A_137 = arith.constant 4 : i32
      %rem3A_138 = arith.remsi %rem3A_136, %rem3A_137 : i32
      %dma_wait3A_139 = arith.constant 0 : i32
      %dma_wait3A_140 = arith.constant 0 : i32
      %dma_wait3A_141 = tpu.memref_slice %arg10[%rem3A_138, %dma_wait3A_139, %dma_wait3A_140] : memref<4x128x32xf32, #tpu.memory_space<vmem>> -> memref<1x128x32xf32, #tpu.memory_space<vmem>>
      %dma_wait3A_142 = tpu.memref_squeeze %dma_wait3A_141 : memref<1x128x32xf32, #tpu.memory_space<vmem>> -> memref<128x32xf32, #tpu.memory_space<vmem>>
      %dma_wait3A_143 = arith.constant 0 : i32
      %dma_wait3A_144 = tpu.memref_slice %arg9[%rem3A_138, %dma_wait3A_143] : memref<4x128xi32, #tpu.memory_space<vmem>> -> memref<1x128xi32, #tpu.memory_space<vmem>>
      %dma_wait3A_145 = tpu.memref_squeeze %dma_wait3A_144 : memref<1x128xi32, #tpu.memory_space<vmem>> -> memref<128xi32, #tpu.memory_space<vmem>>
      %dma_wait3A_146 = arith.constant 0 : i32
      %dma_wait3A_147 = arith.constant 0 : i32
      %dma_wait3A_148 = tpu.memref_slice %arg12[%dma_wait3A_146, %dma_wait3A_147] : memref<50000x32xf32, #tpu.memory_space<vmem_shared>> -> memref<50000x32xf32, #tpu.memory_space<vmem_shared>>
      %dma_wait3A_149 = tpu.memref_slice %arg14[%rem3A_138] : memref<4x!tpu.dma_semaphore, #tpu.memory_space<semaphore_mem>> -> memref<1x!tpu.dma_semaphore, #tpu.memory_space<semaphore_mem>>
      %dma_wait3A_150 = tpu.memref_squeeze %dma_wait3A_149 : memref<1x!tpu.dma_semaphore, #tpu.memory_space<semaphore_mem>> -> memref<!tpu.dma_semaphore, #tpu.memory_space<semaphore_mem>>
      tpu.wait_indirect_dma semaphore(%dma_wait3A_150 : memref<!tpu.dma_semaphore, #tpu.memory_space<semaphore_mem>>) src(%dma_wait3A_142 : memref<128x32xf32, #tpu.memory_space<vmem>>) dst(%dma_wait3A_148 : memref<50000x32xf32, #tpu.memory_space<vmem_shared>>)
      %rem3A_151 = arith.constant 14 : i32
      %rem3A_152 = arith.constant 4 : i32
      %rem3A_153 = arith.remsi %rem3A_151, %rem3A_152 : i32
      %dma_wait3A_154 = arith.constant 0 : i32
      %dma_wait3A_155 = arith.constant 0 : i32
      %dma_wait3A_156 = tpu.memref_slice %arg10[%rem3A_153, %dma_wait3A_154, %dma_wait3A_155] : memref<4x128x32xf32, #tpu.memory_space<vmem>> -> memref<1x128x32xf32, #tpu.memory_space<vmem>>
      %dma_wait3A_157 = tpu.memref_squeeze %dma_wait3A_156 : memref<1x128x32xf32, #tpu.memory_space<vmem>> -> memref<128x32xf32, #tpu.memory_space<vmem>>
      %dma_wait3A_158 = arith.constant 0 : i32
      %dma_wait3A_159 = tpu.memref_slice %arg9[%rem3A_153, %dma_wait3A_158] : memref<4x128xi32, #tpu.memory_space<vmem>> -> memref<1x128xi32, #tpu.memory_space<vmem>>
      %dma_wait3A_160 = tpu.memref_squeeze %dma_wait3A_159 : memref<1x128xi32, #tpu.memory_space<vmem>> -> memref<128xi32, #tpu.memory_space<vmem>>
      %dma_wait3A_161 = arith.constant 0 : i32
      %dma_wait3A_162 = arith.constant 0 : i32
      %dma_wait3A_163 = tpu.memref_slice %arg12[%dma_wait3A_161, %dma_wait3A_162] : memref<50000x32xf32, #tpu.memory_space<vmem_shared>> -> memref<50000x32xf32, #tpu.memory_space<vmem_shared>>
      %dma_wait3A_164 = tpu.memref_slice %arg14[%rem3A_153] : memref<4x!tpu.dma_semaphore, #tpu.memory_space<semaphore_mem>> -> memref<1x!tpu.dma_semaphore, #tpu.memory_space<semaphore_mem>>
      %dma_wait3A_165 = tpu.memref_squeeze %dma_wait3A_164 : memref<1x!tpu.dma_semaphore, #tpu.memory_space<semaphore_mem>> -> memref<!tpu.dma_semaphore, #tpu.memory_space<semaphore_mem>>
      tpu.wait_indirect_dma semaphore(%dma_wait3A_165 : memref<!tpu.dma_semaphore, #tpu.memory_space<semaphore_mem>>) src(%dma_wait3A_157 : memref<128x32xf32, #tpu.memory_space<vmem>>) dst(%dma_wait3A_163 : memref<50000x32xf32, #tpu.memory_space<vmem_shared>>)
      %scan3A_166 = arith.constant 0 : i32
      scf.yield %scan3A_166 : i32
    }
    %scan3A_25 = arith.constant 26 : i32
    %lt3A = arith.constant 10 : i32
    %lt3A_26 = arith.cmpi slt, %arg1, %lt3A : i32
    %convert_element_type3A = arith.extui %lt3A_26 : i1 to i32
    %cond3A = arith.constant 0 : i32
    %cond3A_27 = arith.cmpi ne, %convert_element_type3A, %cond3A : i32
    scf.if %cond3A_27 {
      %add3A_38 = arith.constant 390 : i32
      %add3A_39 = arith.addi %add3A_18, %add3A_38 : i32
      %mul3A_40 = arith.constant 128 : i32
      %mul3A_41 = arith.muli %add3A_39, %mul3A_40 : i32
      "tpu.region"() ({
        %run_scoped3A_121 = tpu.sem_alloc : memref<!tpu.dma_semaphore, #tpu.memory_space<semaphore_mem>>
        %dma_start3A = arith.constant 0 : i32
        %dma_start3A_122 = tpu.memref_slice %arg7[%dma_start3A] : memref<1920xi32, #tpu.memory_space<vmem>> -> memref<128xi32, #tpu.memory_space<vmem>>
        %dma_start3A_123 = tpu.memref_slice %arg2[%mul3A_41] : memref<1600000xi32, #tpu.memory_space<hbm>> -> memref<128xi32, #tpu.memory_space<hbm>>
        %dma_start3A_124 = arith.constant 0 : i32
        %dma_start3A_125 = tpu.memref_slice %arg7[%dma_start3A_124] : memref<1920xi32, #tpu.memory_space<vmem>> -> memref<128xi32, #tpu.memory_space<vmem>>
        %dma_start3A_126 = tpu.memref_slice %arg2[%mul3A_41] : memref<1600000xi32, #tpu.memory_space<hbm>> -> memref<128xi32, #tpu.memory_space<hbm>>
        tpu.enqueue_dma source(%dma_start3A_126 : memref<128xi32, #tpu.memory_space<hbm>>) target(%dma_start3A_125 : memref<128xi32, #tpu.memory_space<vmem>>) target_semaphore(%run_scoped3A_121 : memref<!tpu.dma_semaphore, #tpu.memory_space<semaphore_mem>>)
        %dma_wait3A = arith.constant 0 : i32
        %dma_wait3A_127 = tpu.memref_slice %arg7[%dma_wait3A] : memref<1920xi32, #tpu.memory_space<vmem>> -> memref<128xi32, #tpu.memory_space<vmem>>
        %dma_wait3A_128 = tpu.memref_slice %arg2[%mul3A_41] : memref<1600000xi32, #tpu.memory_space<hbm>> -> memref<128xi32, #tpu.memory_space<hbm>>
        %dma_wait3A_129 = arith.constant 0 : i32
        %dma_wait3A_130 = tpu.memref_slice %arg7[%dma_wait3A_129] : memref<1920xi32, #tpu.memory_space<vmem>> -> memref<128xi32, #tpu.memory_space<vmem>>
        %dma_wait3A_131 = tpu.memref_slice %arg2[%mul3A_41] : memref<1600000xi32, #tpu.memory_space<hbm>> -> memref<128xi32, #tpu.memory_space<hbm>>
        tpu.wait_dma2 semaphore(%run_scoped3A_121 : memref<!tpu.dma_semaphore, #tpu.memory_space<semaphore_mem>>) src(%dma_wait3A_131 : memref<128xi32, #tpu.memory_space<hbm>>) dst(%dma_wait3A_130 : memref<128xi32, #tpu.memory_space<vmem>>)
        tpu.yield
      }) : () -> ()
      %mul3A_42 = arith.constant 128 : i32
      %mul3A_43 = arith.muli %add3A_39, %mul3A_42 : i32
      %add3A_44 = arith.constant 800000 : i32
      %add3A_45 = arith.addi %add3A_44, %mul3A_43 : i32
      "tpu.region"() ({
        %run_scoped3A_121 = tpu.sem_alloc : memref<!tpu.dma_semaphore, #tpu.memory_space<semaphore_mem>>
        %dma_start3A = arith.constant 0 : i32
        %dma_start3A_122 = tpu.memref_slice %arg8[%dma_start3A] : memref<1920xi32, #tpu.memory_space<vmem>> -> memref<128xi32, #tpu.memory_space<vmem>>
        %dma_start3A_123 = tpu.memref_slice %arg2[%add3A_45] : memref<1600000xi32, #tpu.memory_space<hbm>> -> memref<128xi32, #tpu.memory_space<hbm>>
        %dma_start3A_124 = arith.constant 0 : i32
        %dma_start3A_125 = tpu.memref_slice %arg8[%dma_start3A_124] : memref<1920xi32, #tpu.memory_space<vmem>> -> memref<128xi32, #tpu.memory_space<vmem>>
        %dma_start3A_126 = tpu.memref_slice %arg2[%add3A_45] : memref<1600000xi32, #tpu.memory_space<hbm>> -> memref<128xi32, #tpu.memory_space<hbm>>
        tpu.enqueue_dma source(%dma_start3A_126 : memref<128xi32, #tpu.memory_space<hbm>>) target(%dma_start3A_125 : memref<128xi32, #tpu.memory_space<vmem>>) target_semaphore(%run_scoped3A_121 : memref<!tpu.dma_semaphore, #tpu.memory_space<semaphore_mem>>)
        %dma_wait3A = arith.constant 0 : i32
        %dma_wait3A_127 = tpu.memref_slice %arg8[%dma_wait3A] : memref<1920xi32, #tpu.memory_space<vmem>> -> memref<128xi32, #tpu.memory_space<vmem>>
        %dma_wait3A_128 = tpu.memref_slice %arg2[%add3A_45] : memref<1600000xi32, #tpu.memory_space<hbm>> -> memref<128xi32, #tpu.memory_space<hbm>>
        %dma_wait3A_129 = arith.constant 0 : i32
        %dma_wait3A_130 = tpu.memref_slice %arg8[%dma_wait3A_129] : memref<1920xi32, #tpu.memory_space<vmem>> -> memref<128xi32, #tpu.memory_space<vmem>>
        %dma_wait3A_131 = tpu.memref_slice %arg2[%add3A_45] : memref<1600000xi32, #tpu.memory_space<hbm>> -> memref<128xi32, #tpu.memory_space<hbm>>
        tpu.wait_dma2 semaphore(%run_scoped3A_121 : memref<!tpu.dma_semaphore, #tpu.memory_space<semaphore_mem>>) src(%dma_wait3A_131 : memref<128xi32, #tpu.memory_space<hbm>>) dst(%dma_wait3A_130 : memref<128xi32, #tpu.memory_space<vmem>>)
        tpu.yield
      }) : () -> ()
      %eq3A_46 = arith.constant 0 : i32
      %eq3A_47 = arith.cmpi eq, %arg0, %eq3A_46 : i32
      %convert_element_type3A_48 = arith.extui %eq3A_47 : i1 to i32
      %cond3A_49 = arith.constant 0 : i32
      %cond3A_50 = arith.cmpi ne, %convert_element_type3A_48, %cond3A_49 : i32
      scf.if %cond3A_50 {
        %dma_start3A = arith.constant 0 : i32
        %dma_start3A_121 = arith.constant 0 : i32
        %dma_start3A_122 = arith.constant 0 : i32
        %dma_start3A_123 = tpu.memref_slice %arg10[%dma_start3A, %dma_start3A_121, %dma_start3A_122] : memref<4x128x32xf32, #tpu.memory_space<vmem>> -> memref<1x128x32xf32, #tpu.memory_space<vmem>>
        %dma_start3A_124 = tpu.memref_squeeze %dma_start3A_123 : memref<1x128x32xf32, #tpu.memory_space<vmem>> -> memref<128x32xf32, #tpu.memory_space<vmem>>
        %dma_start3A_125 = arith.constant 0 : i32
        %dma_start3A_126 = tpu.memref_slice %arg7[%dma_start3A_125] : memref<1920xi32, #tpu.memory_space<vmem>> -> memref<128xi32, #tpu.memory_space<vmem>>
        %dma_start3A_127 = arith.constant 0 : i32
        %dma_start3A_128 = arith.constant 0 : i32
        %dma_start3A_129 = tpu.memref_slice %arg3[%dma_start3A_127, %dma_start3A_128] : memref<50000x32xf32, #tpu.memory_space<hbm>> -> memref<50000x32xf32, #tpu.memory_space<hbm>>
        tpu.enqueue_indirect_dma source(%dma_start3A_129 : memref<50000x32xf32, #tpu.memory_space<hbm>>) target(%dma_start3A_124 : memref<128x32xf32, #tpu.memory_space<vmem>>) offsets(%dma_start3A_126 : memref<128xi32, #tpu.memory_space<vmem>>) semaphore(%arg15 : memref<!tpu.dma_semaphore, #tpu.memory_space<semaphore_mem>>)
        %dma_wait3A = arith.constant 0 : i32
        %dma_wait3A_130 = arith.constant 0 : i32
        %dma_wait3A_131 = arith.constant 0 : i32
        %dma_wait3A_132 = tpu.memref_slice %arg10[%dma_wait3A, %dma_wait3A_130, %dma_wait3A_131] : memref<4x128x32xf32, #tpu.memory_space<vmem>> -> memref<1x128x32xf32, #tpu.memory_space<vmem>>
        %dma_wait3A_133 = tpu.memref_squeeze %dma_wait3A_132 : memref<1x128x32xf32, #tpu.memory_space<vmem>> -> memref<128x32xf32, #tpu.memory_space<vmem>>
        %dma_wait3A_134 = arith.constant 0 : i32
        %dma_wait3A_135 = tpu.memref_slice %arg7[%dma_wait3A_134] : memref<1920xi32, #tpu.memory_space<vmem>> -> memref<128xi32, #tpu.memory_space<vmem>>
        %dma_wait3A_136 = arith.constant 0 : i32
        %dma_wait3A_137 = arith.constant 0 : i32
        %dma_wait3A_138 = tpu.memref_slice %arg3[%dma_wait3A_136, %dma_wait3A_137] : memref<50000x32xf32, #tpu.memory_space<hbm>> -> memref<50000x32xf32, #tpu.memory_space<hbm>>
        tpu.wait_indirect_dma semaphore(%arg15 : memref<!tpu.dma_semaphore, #tpu.memory_space<semaphore_mem>>) src(%dma_wait3A_138 : memref<50000x32xf32, #tpu.memory_space<hbm>>) dst(%dma_wait3A_133 : memref<128x32xf32, #tpu.memory_space<vmem>>)
      } else {
      }
      %eq3A_51 = arith.constant 1 : i32
      %eq3A_52 = arith.cmpi eq, %arg0, %eq3A_51 : i32
      %convert_element_type3A_53 = arith.extui %eq3A_52 : i1 to i32
      %cond3A_54 = arith.constant 0 : i32
      %cond3A_55 = arith.cmpi ne, %convert_element_type3A_53, %cond3A_54 : i32
      scf.if %cond3A_55 {
        %dma_start3A = arith.constant 0 : i32
        %dma_start3A_121 = arith.constant 0 : i32
        %dma_start3A_122 = arith.constant 0 : i32
        %dma_start3A_123 = tpu.memref_slice %arg10[%dma_start3A, %dma_start3A_121, %dma_start3A_122] : memref<4x128x32xf32, #tpu.memory_space<vmem>> -> memref<1x128x32xf32, #tpu.memory_space<vmem>>
        %dma_start3A_124 = tpu.memref_squeeze %dma_start3A_123 : memref<1x128x32xf32, #tpu.memory_space<vmem>> -> memref<128x32xf32, #tpu.memory_space<vmem>>
        %dma_start3A_125 = arith.constant 0 : i32
        %dma_start3A_126 = tpu.memref_slice %arg7[%dma_start3A_125] : memref<1920xi32, #tpu.memory_space<vmem>> -> memref<128xi32, #tpu.memory_space<vmem>>
        %dma_start3A_127 = arith.constant 0 : i32
        %dma_start3A_128 = arith.constant 0 : i32
        %dma_start3A_129 = tpu.memref_slice %arg4[%dma_start3A_127, %dma_start3A_128] : memref<50000x32xf32, #tpu.memory_space<hbm>> -> memref<50000x32xf32, #tpu.memory_space<hbm>>
        tpu.enqueue_indirect_dma source(%dma_start3A_129 : memref<50000x32xf32, #tpu.memory_space<hbm>>) target(%dma_start3A_124 : memref<128x32xf32, #tpu.memory_space<vmem>>) offsets(%dma_start3A_126 : memref<128xi32, #tpu.memory_space<vmem>>) semaphore(%arg15 : memref<!tpu.dma_semaphore, #tpu.memory_space<semaphore_mem>>)
        %dma_wait3A = arith.constant 0 : i32
        %dma_wait3A_130 = arith.constant 0 : i32
        %dma_wait3A_131 = arith.constant 0 : i32
        %dma_wait3A_132 = tpu.memref_slice %arg10[%dma_wait3A, %dma_wait3A_130, %dma_wait3A_131] : memref<4x128x32xf32, #tpu.memory_space<vmem>> -> memref<1x128x32xf32, #tpu.memory_space<vmem>>
        %dma_wait3A_133 = tpu.memref_squeeze %dma_wait3A_132 : memref<1x128x32xf32, #tpu.memory_space<vmem>> -> memref<128x32xf32, #tpu.memory_space<vmem>>
        %dma_wait3A_134 = arith.constant 0 : i32
        %dma_wait3A_135 = tpu.memref_slice %arg7[%dma_wait3A_134] : memref<1920xi32, #tpu.memory_space<vmem>> -> memref<128xi32, #tpu.memory_space<vmem>>
        %dma_wait3A_136 = arith.constant 0 : i32
        %dma_wait3A_137 = arith.constant 0 : i32
        %dma_wait3A_138 = tpu.memref_slice %arg4[%dma_wait3A_136, %dma_wait3A_137] : memref<50000x32xf32, #tpu.memory_space<hbm>> -> memref<50000x32xf32, #tpu.memory_space<hbm>>
        tpu.wait_indirect_dma semaphore(%arg15 : memref<!tpu.dma_semaphore, #tpu.memory_space<semaphore_mem>>) src(%dma_wait3A_138 : memref<50000x32xf32, #tpu.memory_space<hbm>>) dst(%dma_wait3A_133 : memref<128x32xf32, #tpu.memory_space<vmem>>)
      } else {
      }
      %rem3A = arith.constant 0 : i32
      %rem3A_56 = arith.constant 4 : i32
      %rem3A_57 = arith.remsi %rem3A, %rem3A_56 : i32
      %get3A = arith.constant 0 : index
      %get3A_58 = tpu.vector_load %arg8[%get3A] {strides = array<i32>} : memref<1920xi32, #tpu.memory_space<vmem>>, vector<16xi32>,
      %get3A_59 = vector.shape_cast %get3A_58 : vector<16xi32> to vector<16xi32>
      %swap3A = arith.index_cast %rem3A_57 : i32 to index
      %swap3A_60 = arith.constant 0 : index
      %swap3A_61 = tpu.vector_load %arg9[%swap3A, %swap3A_60] {strides = array<i32>} : memref<4x128xi32, #tpu.memory_space<vmem>>, vector<1x16xi32>,
      %swap3A_62 = vector.shape_cast %swap3A_61 : vector<1x16xi32> to vector<16xi32>
      %swap3A_63 = vector.shape_cast %get3A_59 : vector<16xi32> to vector<1x16xi32>
      tpu.vector_store %arg9[%swap3A, %swap3A_60], %swap3A_63 {strides = array<i32>} : memref<4x128xi32, #tpu.memory_space<vmem>>, vector<1x16xi32>,
      %get3A_64 = arith.constant 16 : index
      %get3A_65 = tpu.vector_load %arg8[%get3A_64] {strides = array<i32>} : memref<1920xi32, #tpu.memory_space<vmem>>, vector<16xi32>,
      %get3A_66 = vector.shape_cast %get3A_65 : vector<16xi32> to vector<16xi32>
      %swap3A_67 = arith.index_cast %rem3A_57 : i32 to index
      %swap3A_68 = arith.constant 16 : index
      %swap3A_69 = tpu.vector_load %arg9[%swap3A_67, %swap3A_68] {strides = array<i32>} : memref<4x128xi32, #tpu.memory_space<vmem>>, vector<1x16xi32>,
      %swap3A_70 = vector.shape_cast %swap3A_69 : vector<1x16xi32> to vector<16xi32>
      %swap3A_71 = vector.shape_cast %get3A_66 : vector<16xi32> to vector<1x16xi32>
      tpu.vector_store %arg9[%swap3A_67, %swap3A_68], %swap3A_71 {strides = array<i32>} : memref<4x128xi32, #tpu.memory_space<vmem>>, vector<1x16xi32>,
      %get3A_72 = arith.constant 32 : index
      %get3A_73 = tpu.vector_load %arg8[%get3A_72] {strides = array<i32>} : memref<1920xi32, #tpu.memory_space<vmem>>, vector<16xi32>,
      %get3A_74 = vector.shape_cast %get3A_73 : vector<16xi32> to vector<16xi32>
      %swap3A_75 = arith.index_cast %rem3A_57 : i32 to index
      %swap3A_76 = arith.constant 32 : index
      %swap3A_77 = tpu.vector_load %arg9[%swap3A_75, %swap3A_76] {strides = array<i32>} : memref<4x128xi32, #tpu.memory_space<vmem>>, vector<1x16xi32>,
      %swap3A_78 = vector.shape_cast %swap3A_77 : vector<1x16xi32> to vector<16xi32>
      %swap3A_79 = vector.shape_cast %get3A_74 : vector<16xi32> to vector<1x16xi32>
      tpu.vector_store %arg9[%swap3A_75, %swap3A_76], %swap3A_79 {strides = array<i32>} : memref<4x128xi32, #tpu.memory_space<vmem>>, vector<1x16xi32>,
      %get3A_80 = arith.constant 48 : index
      %get3A_81 = tpu.vector_load %arg8[%get3A_80] {strides = array<i32>} : memref<1920xi32, #tpu.memory_space<vmem>>, vector<16xi32>,
      %get3A_82 = vector.shape_cast %get3A_81 : vector<16xi32> to vector<16xi32>
      %swap3A_83 = arith.index_cast %rem3A_57 : i32 to index
      %swap3A_84 = arith.constant 48 : index
      %swap3A_85 = tpu.vector_load %arg9[%swap3A_83, %swap3A_84] {strides = array<i32>} : memref<4x128xi32, #tpu.memory_space<vmem>>, vector<1x16xi32>,
      %swap3A_86 = vector.shape_cast %swap3A_85 : vector<1x16xi32> to vector<16xi32>
      %swap3A_87 = vector.shape_cast %get3A_82 : vector<16xi32> to vector<1x16xi32>
      tpu.vector_store %arg9[%swap3A_83, %swap3A_84], %swap3A_87 {strides = array<i32>} : memref<4x128xi32, #tpu.memory_space<vmem>>, vector<1x16xi32>,
      %get3A_88 = arith.constant 64 : index
      %get3A_89 = tpu.vector_load %arg8[%get3A_88] {strides = array<i32>} : memref<1920xi32, #tpu.memory_space<vmem>>, vector<16xi32>,
      %get3A_90 = vector.shape_cast %get3A_89 : vector<16xi32> to vector<16xi32>
      %swap3A_91 = arith.index_cast %rem3A_57 : i32 to index
      %swap3A_92 = arith.constant 64 : index
      %swap3A_93 = tpu.vector_load %arg9[%swap3A_91, %swap3A_92] {strides = array<i32>} : memref<4x128xi32, #tpu.memory_space<vmem>>, vector<1x16xi32>,
      %swap3A_94 = vector.shape_cast %swap3A_93 : vector<1x16xi32> to vector<16xi32>
      %swap3A_95 = vector.shape_cast %get3A_90 : vector<16xi32> to vector<1x16xi32>
      tpu.vector_store %arg9[%swap3A_91, %swap3A_92], %swap3A_95 {strides = array<i32>} : memref<4x128xi32, #tpu.memory_space<vmem>>, vector<1x16xi32>,
      %get3A_96 = arith.constant 80 : index
      %get3A_97 = tpu.vector_load %arg8[%get3A_96] {strides = array<i32>} : memref<1920xi32, #tpu.memory_space<vmem>>, vector<16xi32>,
      %get3A_98 = vector.shape_cast %get3A_97 : vector<16xi32> to vector<16xi32>
      %swap3A_99 = arith.index_cast %rem3A_57 : i32 to index
      %swap3A_100 = arith.constant 80 : index
      %swap3A_101 = tpu.vector_load %arg9[%swap3A_99, %swap3A_100] {strides = array<i32>} : memref<4x128xi32, #tpu.memory_space<vmem>>, vector<1x16xi32>,
      %swap3A_102 = vector.shape_cast %swap3A_101 : vector<1x16xi32> to vector<16xi32>
      %swap3A_103 = vector.shape_cast %get3A_98 : vector<16xi32> to vector<1x16xi32>
      tpu.vector_store %arg9[%swap3A_99, %swap3A_100], %swap3A_103 {strides = array<i32>} : memref<4x128xi32, #tpu.memory_space<vmem>>, vector<1x16xi32>,
      %get3A_104 = arith.constant 96 : index
      %get3A_105 = tpu.vector_load %arg8[%get3A_104] {strides = array<i32>} : memref<1920xi32, #tpu.memory_space<vmem>>, vector<16xi32>,
      %get3A_106 = vector.shape_cast %get3A_105 : vector<16xi32> to vector<16xi32>
      %swap3A_107 = arith.index_cast %rem3A_57 : i32 to index
      %swap3A_108 = arith.constant 96 : index
      %swap3A_109 = tpu.vector_load %arg9[%swap3A_107, %swap3A_108] {strides = array<i32>} : memref<4x128xi32, #tpu.memory_space<vmem>>, vector<1x16xi32>,
      %swap3A_110 = vector.shape_cast %swap3A_109 : vector<1x16xi32> to vector<16xi32>
      %swap3A_111 = vector.shape_cast %get3A_106 : vector<16xi32> to vector<1x16xi32>
      tpu.vector_store %arg9[%swap3A_107, %swap3A_108], %swap3A_111 {strides = array<i32>} : memref<4x128xi32, #tpu.memory_space<vmem>>, vector<1x16xi32>,
      %get3A_112 = arith.constant 112 : index
      %get3A_113 = tpu.vector_load %arg8[%get3A_112] {strides = array<i32>} : memref<1920xi32, #tpu.memory_space<vmem>>, vector<16xi32>,
      %get3A_114 = vector.shape_cast %get3A_113 : vector<16xi32> to vector<16xi32>
      %swap3A_115 = arith.index_cast %rem3A_57 : i32 to index
      %swap3A_116 = arith.constant 112 : index
      %swap3A_117 = tpu.vector_load %arg9[%swap3A_115, %swap3A_116] {strides = array<i32>} : memref<4x128xi32, #tpu.memory_space<vmem>>, vector<1x16xi32>,
      %swap3A_118 = vector.shape_cast %swap3A_117 : vector<1x16xi32> to vector<16xi32>
      %swap3A_119 = vector.shape_cast %get3A_114 : vector<16xi32> to vector<1x16xi32>
      tpu.vector_store %arg9[%swap3A_115, %swap3A_116], %swap3A_119 {strides = array<i32>} : memref<4x128xi32, #tpu.memory_space<vmem>>, vector<1x16xi32>,
      %run_scoped3A = arith.constant 0 : i32
      %run_scoped3A_120 = arith.constant 0 : i32
      "tpu.region"() ({
        %run_scoped3A_121 = tpu.sem_alloc : memref<!tpu.dma_semaphore, #tpu.memory_space<semaphore_mem>>
        %dma_start3A = arith.constant 0 : i32
        %dma_start3A_122 = arith.constant 0 : i32
        %dma_start3A_123 = tpu.memref_slice %arg10[%run_scoped3A, %dma_start3A, %dma_start3A_122] : memref<4x128x32xf32, #tpu.memory_space<vmem>> -> memref<1x128x32xf32, #tpu.memory_space<vmem>>
        %dma_start3A_124 = tpu.memref_squeeze %dma_start3A_123 : memref<1x128x32xf32, #tpu.memory_space<vmem>> -> memref<128x32xf32, #tpu.memory_space<vmem>>
        %dma_start3A_125 = arith.constant 0 : i32
        %dma_start3A_126 = tpu.memref_slice %arg9[%run_scoped3A_120, %dma_start3A_125] : memref<4x128xi32, #tpu.memory_space<vmem>> -> memref<1x128xi32, #tpu.memory_space<vmem>>
        %dma_start3A_127 = tpu.memref_squeeze %dma_start3A_126 : memref<1x128xi32, #tpu.memory_space<vmem>> -> memref<128xi32, #tpu.memory_space<vmem>>
        %dma_start3A_128 = arith.constant 0 : i32
        %dma_start3A_129 = arith.constant 0 : i32
        %dma_start3A_130 = tpu.memref_slice %arg12[%dma_start3A_128, %dma_start3A_129] : memref<50000x32xf32, #tpu.memory_space<vmem_shared>> -> memref<50000x32xf32, #tpu.memory_space<vmem_shared>>
        tpu.enqueue_indirect_dma source(%dma_start3A_124 : memref<128x32xf32, #tpu.memory_space<vmem>>) target(%dma_start3A_130 : memref<50000x32xf32, #tpu.memory_space<vmem_shared>>) offsets(%dma_start3A_127 : memref<128xi32, #tpu.memory_space<vmem>>) semaphore(%run_scoped3A_121 : memref<!tpu.dma_semaphore, #tpu.memory_space<semaphore_mem>>) {add = true}
        %dma_wait3A = arith.constant 0 : i32
        %dma_wait3A_131 = arith.constant 0 : i32
        %dma_wait3A_132 = tpu.memref_slice %arg10[%run_scoped3A, %dma_wait3A, %dma_wait3A_131] : memref<4x128x32xf32, #tpu.memory_space<vmem>> -> memref<1x128x32xf32, #tpu.memory_space<vmem>>
        %dma_wait3A_133 = tpu.memref_squeeze %dma_wait3A_132 : memref<1x128x32xf32, #tpu.memory_space<vmem>> -> memref<128x32xf32, #tpu.memory_space<vmem>>
        %dma_wait3A_134 = arith.constant 0 : i32
        %dma_wait3A_135 = tpu.memref_slice %arg9[%run_scoped3A_120, %dma_wait3A_134] : memref<4x128xi32, #tpu.memory_space<vmem>> -> memref<1x128xi32, #tpu.memory_space<vmem>>
        %dma_wait3A_136 = tpu.memref_squeeze %dma_wait3A_135 : memref<1x128xi32, #tpu.memory_space<vmem>> -> memref<128xi32, #tpu.memory_space<vmem>>
        %dma_wait3A_137 = arith.constant 0 : i32
        %dma_wait3A_138 = arith.constant 0 : i32
        %dma_wait3A_139 = tpu.memref_slice %arg12[%dma_wait3A_137, %dma_wait3A_138] : memref<50000x32xf32, #tpu.memory_space<vmem_shared>> -> memref<50000x32xf32, #tpu.memory_space<vmem_shared>>
        tpu.wait_indirect_dma semaphore(%run_scoped3A_121 : memref<!tpu.dma_semaphore, #tpu.memory_space<semaphore_mem>>) src(%dma_wait3A_133 : memref<128x32xf32, #tpu.memory_space<vmem>>) dst(%dma_wait3A_139 : memref<50000x32xf32, #tpu.memory_space<vmem_shared>>)
        tpu.yield
      }) : () -> ()
    } else {
    }
    %barrier3A_28 = arith.constant 0 : index
    tpu.barrier barrier_id(%barrier3A_28)
    %eq3A = arith.constant 0 : i32
    %eq3A_29 = arith.cmpi eq, %arg0, %eq3A : i32
    %convert_element_type3A_30 = arith.extui %eq3A_29 : i1 to i32
    %cond3A_31 = arith.constant 0 : i32
    %cond3A_32 = arith.cmpi ne, %convert_element_type3A_30, %cond3A_31 : i32
    scf.if %cond3A_32 {
      %lt3A_38 = arith.constant 15 : i32
      %lt3A_39 = arith.cmpi slt, %arg1, %lt3A_38 : i32
      %jit3A = arith.constant 16 : i32
      %jit3A_40 = arith.constant 10 : i32
      %select_n3A = arith.select %lt3A_39, %jit3A, %jit3A_40 : i32
      %while3A = arith.constant 0 : i32
      %while3A_41 = arith.constant 0 : i32
      %while3A_42 = arith.subi %select_n3A, %while3A : i32
      %while3A_43 = arith.addi %while3A, %while3A_42 : i32
      %while3A_44 = arith.constant 1 : i32
      %while3A_45 = arith.divsi %while3A_42, %while3A_44 : i32
      %while3A_46 = arith.muli %while3A_45, %while3A_44 : i32
      %while3A_47 = arith.addi %while3A, %while3A_46 : i32
      %while3A_48 = arith.constant 1 : i32
      %while3A_49 = scf.for %while3A_52 = %while3A to %while3A_47 step %while3A_48 iter_args(%while3A_53 = %while3A_41) -> (i32)  : i32 {
        %mul3A_54 = arith.constant 3200 : i32
        %mul3A_55 = arith.muli %arg1, %mul3A_54 : i32
        %mul3A_56 = arith.constant 200 : i32
        %mul3A_57 = arith.muli %while3A_52, %mul3A_56 : i32
        %add3A_58 = arith.addi %mul3A_55, %mul3A_57 : i32
        "tpu.region"() ({
          %run_scoped3A = tpu.sem_alloc : memref<!tpu.dma_semaphore, #tpu.memory_space<semaphore_mem>>
          %dma_start3A = arith.constant 0 : i32
          %dma_start3A_60 = tpu.memref_slice %arg12[%add3A_58, %dma_start3A] : memref<50000x32xf32, #tpu.memory_space<vmem_shared>> -> memref<200x32xf32, #tpu.memory_space<vmem_shared>>
          %dma_start3A_61 = arith.constant 0 : i32
          %dma_start3A_62 = tpu.memref_slice %arg12[%add3A_58, %dma_start3A_61] : memref<50000x32xf32, #tpu.memory_space<vmem_shared>> -> memref<200x32xf32, #tpu.memory_space<vmem_shared>>
          tpu.enqueue_dma source(%dma_start3A_62 : memref<200x32xf32, #tpu.memory_space<vmem_shared>>) target(%arg11 : memref<200x32xf32, #tpu.memory_space<vmem>>) target_semaphore(%run_scoped3A : memref<!tpu.dma_semaphore, #tpu.memory_space<semaphore_mem>>)
          %dma_wait3A = arith.constant 0 : i32
          %dma_wait3A_63 = tpu.memref_slice %arg12[%add3A_58, %dma_wait3A] : memref<50000x32xf32, #tpu.memory_space<vmem_shared>> -> memref<200x32xf32, #tpu.memory_space<vmem_shared>>
          %dma_wait3A_64 = arith.constant 0 : i32
          %dma_wait3A_65 = tpu.memref_slice %arg12[%add3A_58, %dma_wait3A_64] : memref<50000x32xf32, #tpu.memory_space<vmem_shared>> -> memref<200x32xf32, #tpu.memory_space<vmem_shared>>
          tpu.wait_dma2 semaphore(%run_scoped3A : memref<!tpu.dma_semaphore, #tpu.memory_space<semaphore_mem>>) src(%dma_wait3A_65 : memref<200x32xf32, #tpu.memory_space<vmem_shared>>) dst(%arg11 : memref<200x32xf32, #tpu.memory_space<vmem>>)
          tpu.yield
        }) : () -> ()
        "tpu.region"() ({
          %run_scoped3A = tpu.sem_alloc : memref<!tpu.dma_semaphore, #tpu.memory_space<semaphore_mem>>
          %dma_start3A = arith.constant 0 : i32
          %dma_start3A_60 = tpu.memref_slice %arg5[%add3A_58, %dma_start3A] : memref<50000x32xf32, #tpu.memory_space<hbm>> -> memref<200x32xf32, #tpu.memory_space<hbm>>
          %dma_start3A_61 = arith.constant 0 : i32
          %dma_start3A_62 = tpu.memref_slice %arg5[%add3A_58, %dma_start3A_61] : memref<50000x32xf32, #tpu.memory_space<hbm>> -> memref<200x32xf32, #tpu.memory_space<hbm>>
          tpu.enqueue_dma source(%arg11 : memref<200x32xf32, #tpu.memory_space<vmem>>) target(%dma_start3A_62 : memref<200x32xf32, #tpu.memory_space<hbm>>) target_semaphore(%run_scoped3A : memref<!tpu.dma_semaphore, #tpu.memory_space<semaphore_mem>>)
          %dma_wait3A = arith.constant 0 : i32
          %dma_wait3A_63 = tpu.memref_slice %arg5[%add3A_58, %dma_wait3A] : memref<50000x32xf32, #tpu.memory_space<hbm>> -> memref<200x32xf32, #tpu.memory_space<hbm>>
          %dma_wait3A_64 = arith.constant 0 : i32
          %dma_wait3A_65 = tpu.memref_slice %arg5[%add3A_58, %dma_wait3A_64] : memref<50000x32xf32, #tpu.memory_space<hbm>> -> memref<200x32xf32, #tpu.memory_space<hbm>>
          tpu.wait_dma2 semaphore(%run_scoped3A : memref<!tpu.dma_semaphore, #tpu.memory_space<semaphore_mem>>) src(%arg11 : memref<200x32xf32, #tpu.memory_space<vmem>>) dst(%dma_wait3A_65 : memref<200x32xf32, #tpu.memory_space<hbm>>)
          tpu.yield
        }) : () -> ()
        %while3A_59 = arith.constant 0 : i32
        scf.yield %while3A_59 : i32
      }
      %while3A_50 = arith.constant 1 : i32
      %while3A_51 = scf.for %while3A_52 = %while3A_47 to %while3A_43 step %while3A_50 iter_args(%while3A_53 = %while3A_49) -> (i32)  : i32 {
        %mul3A_54 = arith.constant 3200 : i32
        %mul3A_55 = arith.muli %arg1, %mul3A_54 : i32
        %mul3A_56 = arith.constant 200 : i32
        %mul3A_57 = arith.muli %while3A_52, %mul3A_56 : i32
        %add3A_58 = arith.addi %mul3A_55, %mul3A_57 : i32
        "tpu.region"() ({
          %run_scoped3A = tpu.sem_alloc : memref<!tpu.dma_semaphore, #tpu.memory_space<semaphore_mem>>
          %dma_start3A = arith.constant 0 : i32
          %dma_start3A_60 = tpu.memref_slice %arg12[%add3A_58, %dma_start3A] : memref<50000x32xf32, #tpu.memory_space<vmem_shared>> -> memref<200x32xf32, #tpu.memory_space<vmem_shared>>
          %dma_start3A_61 = arith.constant 0 : i32
          %dma_start3A_62 = tpu.memref_slice %arg12[%add3A_58, %dma_start3A_61] : memref<50000x32xf32, #tpu.memory_space<vmem_shared>> -> memref<200x32xf32, #tpu.memory_space<vmem_shared>>
          tpu.enqueue_dma source(%dma_start3A_62 : memref<200x32xf32, #tpu.memory_space<vmem_shared>>) target(%arg11 : memref<200x32xf32, #tpu.memory_space<vmem>>) target_semaphore(%run_scoped3A : memref<!tpu.dma_semaphore, #tpu.memory_space<semaphore_mem>>)
          %dma_wait3A = arith.constant 0 : i32
          %dma_wait3A_63 = tpu.memref_slice %arg12[%add3A_58, %dma_wait3A] : memref<50000x32xf32, #tpu.memory_space<vmem_shared>> -> memref<200x32xf32, #tpu.memory_space<vmem_shared>>
          %dma_wait3A_64 = arith.constant 0 : i32
          %dma_wait3A_65 = tpu.memref_slice %arg12[%add3A_58, %dma_wait3A_64] : memref<50000x32xf32, #tpu.memory_space<vmem_shared>> -> memref<200x32xf32, #tpu.memory_space<vmem_shared>>
          tpu.wait_dma2 semaphore(%run_scoped3A : memref<!tpu.dma_semaphore, #tpu.memory_space<semaphore_mem>>) src(%dma_wait3A_65 : memref<200x32xf32, #tpu.memory_space<vmem_shared>>) dst(%arg11 : memref<200x32xf32, #tpu.memory_space<vmem>>)
          tpu.yield
        }) : () -> ()
        "tpu.region"() ({
          %run_scoped3A = tpu.sem_alloc : memref<!tpu.dma_semaphore, #tpu.memory_space<semaphore_mem>>
          %dma_start3A = arith.constant 0 : i32
          %dma_start3A_60 = tpu.memref_slice %arg5[%add3A_58, %dma_start3A] : memref<50000x32xf32, #tpu.memory_space<hbm>> -> memref<200x32xf32, #tpu.memory_space<hbm>>
          %dma_start3A_61 = arith.constant 0 : i32
          %dma_start3A_62 = tpu.memref_slice %arg5[%add3A_58, %dma_start3A_61] : memref<50000x32xf32, #tpu.memory_space<hbm>> -> memref<200x32xf32, #tpu.memory_space<hbm>>
          tpu.enqueue_dma source(%arg11 : memref<200x32xf32, #tpu.memory_space<vmem>>) target(%dma_start3A_62 : memref<200x32xf32, #tpu.memory_space<hbm>>) target_semaphore(%run_scoped3A : memref<!tpu.dma_semaphore, #tpu.memory_space<semaphore_mem>>)
          %dma_wait3A = arith.constant 0 : i32
          %dma_wait3A_63 = tpu.memref_slice %arg5[%add3A_58, %dma_wait3A] : memref<50000x32xf32, #tpu.memory_space<hbm>> -> memref<200x32xf32, #tpu.memory_space<hbm>>
          %dma_wait3A_64 = arith.constant 0 : i32
          %dma_wait3A_65 = tpu.memref_slice %arg5[%add3A_58, %dma_wait3A_64] : memref<50000x32xf32, #tpu.memory_space<hbm>> -> memref<200x32xf32, #tpu.memory_space<hbm>>
          tpu.wait_dma2 semaphore(%run_scoped3A : memref<!tpu.dma_semaphore, #tpu.memory_space<semaphore_mem>>) src(%arg11 : memref<200x32xf32, #tpu.memory_space<vmem>>) dst(%dma_wait3A_65 : memref<200x32xf32, #tpu.memory_space<hbm>>)
          tpu.yield
        }) : () -> ()
        %while3A_59 = arith.constant 0 : i32
        scf.yield %while3A_59 : i32
      }
    } else {
    }
    %eq3A_33 = arith.constant 1 : i32
    %eq3A_34 = arith.cmpi eq, %arg0, %eq3A_33 : i32
    %convert_element_type3A_35 = arith.extui %eq3A_34 : i1 to i32
    %cond3A_36 = arith.constant 0 : i32
    %cond3A_37 = arith.cmpi ne, %convert_element_type3A_35, %cond3A_36 : i32
    scf.if %cond3A_37 {
      %lt3A_38 = arith.constant 15 : i32
      %lt3A_39 = arith.cmpi slt, %arg1, %lt3A_38 : i32
      %jit3A = arith.constant 16 : i32
      %jit3A_40 = arith.constant 10 : i32
      %select_n3A = arith.select %lt3A_39, %jit3A, %jit3A_40 : i32
      %while3A = arith.constant 0 : i32
      %while3A_41 = arith.constant 0 : i32
      %while3A_42 = arith.subi %select_n3A, %while3A : i32
      %while3A_43 = arith.addi %while3A, %while3A_42 : i32
      %while3A_44 = arith.constant 1 : i32
      %while3A_45 = arith.divsi %while3A_42, %while3A_44 : i32
      %while3A_46 = arith.muli %while3A_45, %while3A_44 : i32
      %while3A_47 = arith.addi %while3A, %while3A_46 : i32
      %while3A_48 = arith.constant 1 : i32
      %while3A_49 = scf.for %while3A_52 = %while3A to %while3A_47 step %while3A_48 iter_args(%while3A_53 = %while3A_41) -> (i32)  : i32 {
        %mul3A_54 = arith.constant 3200 : i32
        %mul3A_55 = arith.muli %arg1, %mul3A_54 : i32
        %mul3A_56 = arith.constant 200 : i32
        %mul3A_57 = arith.muli %while3A_52, %mul3A_56 : i32
        %add3A_58 = arith.addi %mul3A_55, %mul3A_57 : i32
        "tpu.region"() ({
          %run_scoped3A = tpu.sem_alloc : memref<!tpu.dma_semaphore, #tpu.memory_space<semaphore_mem>>
          %dma_start3A = arith.constant 0 : i32
          %dma_start3A_60 = tpu.memref_slice %arg12[%add3A_58, %dma_start3A] : memref<50000x32xf32, #tpu.memory_space<vmem_shared>> -> memref<200x32xf32, #tpu.memory_space<vmem_shared>>
          %dma_start3A_61 = arith.constant 0 : i32
          %dma_start3A_62 = tpu.memref_slice %arg12[%add3A_58, %dma_start3A_61] : memref<50000x32xf32, #tpu.memory_space<vmem_shared>> -> memref<200x32xf32, #tpu.memory_space<vmem_shared>>
          tpu.enqueue_dma source(%dma_start3A_62 : memref<200x32xf32, #tpu.memory_space<vmem_shared>>) target(%arg11 : memref<200x32xf32, #tpu.memory_space<vmem>>) target_semaphore(%run_scoped3A : memref<!tpu.dma_semaphore, #tpu.memory_space<semaphore_mem>>)
          %dma_wait3A = arith.constant 0 : i32
          %dma_wait3A_63 = tpu.memref_slice %arg12[%add3A_58, %dma_wait3A] : memref<50000x32xf32, #tpu.memory_space<vmem_shared>> -> memref<200x32xf32, #tpu.memory_space<vmem_shared>>
          %dma_wait3A_64 = arith.constant 0 : i32
          %dma_wait3A_65 = tpu.memref_slice %arg12[%add3A_58, %dma_wait3A_64] : memref<50000x32xf32, #tpu.memory_space<vmem_shared>> -> memref<200x32xf32, #tpu.memory_space<vmem_shared>>
          tpu.wait_dma2 semaphore(%run_scoped3A : memref<!tpu.dma_semaphore, #tpu.memory_space<semaphore_mem>>) src(%dma_wait3A_65 : memref<200x32xf32, #tpu.memory_space<vmem_shared>>) dst(%arg11 : memref<200x32xf32, #tpu.memory_space<vmem>>)
          tpu.yield
        }) : () -> ()
        "tpu.region"() ({
          %run_scoped3A = tpu.sem_alloc : memref<!tpu.dma_semaphore, #tpu.memory_space<semaphore_mem>>
          %dma_start3A = arith.constant 0 : i32
          %dma_start3A_60 = tpu.memref_slice %arg6[%add3A_58, %dma_start3A] : memref<50000x32xf32, #tpu.memory_space<hbm>> -> memref<200x32xf32, #tpu.memory_space<hbm>>
          %dma_start3A_61 = arith.constant 0 : i32
          %dma_start3A_62 = tpu.memref_slice %arg6[%add3A_58, %dma_start3A_61] : memref<50000x32xf32, #tpu.memory_space<hbm>> -> memref<200x32xf32, #tpu.memory_space<hbm>>
          tpu.enqueue_dma source(%arg11 : memref<200x32xf32, #tpu.memory_space<vmem>>) target(%dma_start3A_62 : memref<200x32xf32, #tpu.memory_space<hbm>>) target_semaphore(%run_scoped3A : memref<!tpu.dma_semaphore, #tpu.memory_space<semaphore_mem>>)
          %dma_wait3A = arith.constant 0 : i32
          %dma_wait3A_63 = tpu.memref_slice %arg6[%add3A_58, %dma_wait3A] : memref<50000x32xf32, #tpu.memory_space<hbm>> -> memref<200x32xf32, #tpu.memory_space<hbm>>
          %dma_wait3A_64 = arith.constant 0 : i32
          %dma_wait3A_65 = tpu.memref_slice %arg6[%add3A_58, %dma_wait3A_64] : memref<50000x32xf32, #tpu.memory_space<hbm>> -> memref<200x32xf32, #tpu.memory_space<hbm>>
          tpu.wait_dma2 semaphore(%run_scoped3A : memref<!tpu.dma_semaphore, #tpu.memory_space<semaphore_mem>>) src(%arg11 : memref<200x32xf32, #tpu.memory_space<vmem>>) dst(%dma_wait3A_65 : memref<200x32xf32, #tpu.memory_space<hbm>>)
          tpu.yield
        }) : () -> ()
        %while3A_59 = arith.constant 0 : i32
        scf.yield %while3A_59 : i32
      }
      %while3A_50 = arith.constant 1 : i32
      %while3A_51 = scf.for %while3A_52 = %while3A_47 to %while3A_43 step %while3A_50 iter_args(%while3A_53 = %while3A_49) -> (i32)  : i32 {
        %mul3A_54 = arith.constant 3200 : i32
        %mul3A_55 = arith.muli %arg1, %mul3A_54 : i32
        %mul3A_56 = arith.constant 200 : i32
        %mul3A_57 = arith.muli %while3A_52, %mul3A_56 : i32
        %add3A_58 = arith.addi %mul3A_55, %mul3A_57 : i32
        "tpu.region"() ({
          %run_scoped3A = tpu.sem_alloc : memref<!tpu.dma_semaphore, #tpu.memory_space<semaphore_mem>>
          %dma_start3A = arith.constant 0 : i32
          %dma_start3A_60 = tpu.memref_slice %arg12[%add3A_58, %dma_start3A] : memref<50000x32xf32, #tpu.memory_space<vmem_shared>> -> memref<200x32xf32, #tpu.memory_space<vmem_shared>>
          %dma_start3A_61 = arith.constant 0 : i32
          %dma_start3A_62 = tpu.memref_slice %arg12[%add3A_58, %dma_start3A_61] : memref<50000x32xf32, #tpu.memory_space<vmem_shared>> -> memref<200x32xf32, #tpu.memory_space<vmem_shared>>
          tpu.enqueue_dma source(%dma_start3A_62 : memref<200x32xf32, #tpu.memory_space<vmem_shared>>) target(%arg11 : memref<200x32xf32, #tpu.memory_space<vmem>>) target_semaphore(%run_scoped3A : memref<!tpu.dma_semaphore, #tpu.memory_space<semaphore_mem>>)
          %dma_wait3A = arith.constant 0 : i32
          %dma_wait3A_63 = tpu.memref_slice %arg12[%add3A_58, %dma_wait3A] : memref<50000x32xf32, #tpu.memory_space<vmem_shared>> -> memref<200x32xf32, #tpu.memory_space<vmem_shared>>
          %dma_wait3A_64 = arith.constant 0 : i32
          %dma_wait3A_65 = tpu.memref_slice %arg12[%add3A_58, %dma_wait3A_64] : memref<50000x32xf32, #tpu.memory_space<vmem_shared>> -> memref<200x32xf32, #tpu.memory_space<vmem_shared>>
          tpu.wait_dma2 semaphore(%run_scoped3A : memref<!tpu.dma_semaphore, #tpu.memory_space<semaphore_mem>>) src(%dma_wait3A_65 : memref<200x32xf32, #tpu.memory_space<vmem_shared>>) dst(%arg11 : memref<200x32xf32, #tpu.memory_space<vmem>>)
          tpu.yield
        }) : () -> ()
        "tpu.region"() ({
          %run_scoped3A = tpu.sem_alloc : memref<!tpu.dma_semaphore, #tpu.memory_space<semaphore_mem>>
          %dma_start3A = arith.constant 0 : i32
          %dma_start3A_60 = tpu.memref_slice %arg6[%add3A_58, %dma_start3A] : memref<50000x32xf32, #tpu.memory_space<hbm>> -> memref<200x32xf32, #tpu.memory_space<hbm>>
          %dma_start3A_61 = arith.constant 0 : i32
          %dma_start3A_62 = tpu.memref_slice %arg6[%add3A_58, %dma_start3A_61] : memref<50000x32xf32, #tpu.memory_space<hbm>> -> memref<200x32xf32, #tpu.memory_space<hbm>>
          tpu.enqueue_dma source(%arg11 : memref<200x32xf32, #tpu.memory_space<vmem>>) target(%dma_start3A_62 : memref<200x32xf32, #tpu.memory_space<hbm>>) target_semaphore(%run_scoped3A : memref<!tpu.dma_semaphore, #tpu.memory_space<semaphore_mem>>)
          %dma_wait3A = arith.constant 0 : i32
          %dma_wait3A_63 = tpu.memref_slice %arg6[%add3A_58, %dma_wait3A] : memref<50000x32xf32, #tpu.memory_space<hbm>> -> memref<200x32xf32, #tpu.memory_space<hbm>>
          %dma_wait3A_64 = arith.constant 0 : i32
          %dma_wait3A_65 = tpu.memref_slice %arg6[%add3A_58, %dma_wait3A_64] : memref<50000x32xf32, #tpu.memory_space<hbm>> -> memref<200x32xf32, #tpu.memory_space<hbm>>
          tpu.wait_dma2 semaphore(%run_scoped3A : memref<!tpu.dma_semaphore, #tpu.memory_space<semaphore_mem>>) src(%arg11 : memref<200x32xf32, #tpu.memory_space<vmem>>) dst(%dma_wait3A_65 : memref<200x32xf32, #tpu.memory_space<hbm>>)
          tpu.yield
        }) : () -> ()
        %while3A_59 = arith.constant 0 : i32
        scf.yield %while3A_59 : i32
      }
    } else {
    }
    return
  }
}

#map = affine_map<(d0, d1) -> (0)>
module attributes {stable_mosaic.version = 14 : i64} {
  func.func @_sc_deg_body(%arg0: i32, %arg1: i32, %arg2: memref<1600000xi32, #tpu.memory_space<hbm>>, %arg3: memref<50000xf32, #tpu.memory_space<hbm>>, %arg4: memref<50000xf32, #tpu.memory_space<hbm>>, %arg5: memref<1920xi32, #tpu.memory_space<vmem>>, %arg6: memref<40xi32, #tpu.memory_space<vmem>>, %arg7: memref<128xf32, #tpu.memory_space<vmem>>, %arg8: memref<3200xf32, #tpu.memory_space<vmem>>, %arg9: memref<50000xf32, #tpu.memory_space<vmem_shared>>) attributes {dimension_semantics = [#tpu.dimension_semantics<core_parallel>, #tpu.dimension_semantics<subcore_parallel>], iteration_bounds = array<i64: 2, 16>, scalar_prefetch = 0 : i64, scratch_operands = 5 : i64, tpu.core_type = #tpu.core_type<sc_vector_subcore>, window_params = [{transform_indices = #map}, {transform_indices = #map}, {transform_indices = #map}]} {
    %scan3A = arith.constant 0 : i32
    %scan3A_0 = arith.constant 0 : i32
    %scan3A_1 = arith.constant 200 : i32
    %scan3A_2 = arith.addi %scan3A_0, %scan3A_1 : i32
    %scan3A_3 = arith.constant 1 : i32
    %scan3A_4 = scf.for %scan3A_44 = %scan3A_0 to %scan3A_2 step %scan3A_3 iter_args(%scan3A_45 = %scan3A) -> (i32)  : i32 {
      %broadcast_in_dim3A = arith.constant 0.000000e+00 : f32
      %broadcast_in_dim3A_46 = vector.broadcast %broadcast_in_dim3A : f32 to vector<16xf32>
      %mul3A_47 = arith.constant 16 : i32
      %mul3A_48 = arith.muli %scan3A_44, %mul3A_47 : i32
      %swap3A = arith.index_cast %mul3A_48 : i32 to index
      %swap3A_49 = tpu.vector_load %arg8[%swap3A] {strides = array<i32>} : memref<3200xf32, #tpu.memory_space<vmem>>, vector<16xf32>,
      %swap3A_50 = vector.shape_cast %swap3A_49 : vector<16xf32> to vector<16xf32>
      %swap3A_51 = vector.shape_cast %broadcast_in_dim3A_46 : vector<16xf32> to vector<16xf32>
      tpu.vector_store %arg8[%swap3A], %swap3A_51 {strides = array<i32>} : memref<3200xf32, #tpu.memory_space<vmem>>, vector<16xf32>,
      %scan3A_52 = arith.constant 0 : i32
      scf.yield %scan3A_52 : i32
    }
    %scan3A_5 = arith.constant 200 : i32
    %scan3A_6 = arith.constant 0 : i32
    %scan3A_7 = arith.constant 0 : i32
    %scan3A_8 = arith.constant 8 : i32
    %scan3A_9 = arith.addi %scan3A_7, %scan3A_8 : i32
    %scan3A_10 = arith.constant 1 : i32
    %scan3A_11 = scf.for %scan3A_44 = %scan3A_7 to %scan3A_9 step %scan3A_10 iter_args(%scan3A_45 = %scan3A_6) -> (i32)  : i32 {
      %broadcast_in_dim3A = arith.constant 1.000000e+00 : f32
      %broadcast_in_dim3A_46 = vector.broadcast %broadcast_in_dim3A : f32 to vector<16xf32>
      %mul3A_47 = arith.constant 16 : i32
      %mul3A_48 = arith.muli %scan3A_44, %mul3A_47 : i32
      %swap3A = arith.index_cast %mul3A_48 : i32 to index
      %swap3A_49 = tpu.vector_load %arg7[%swap3A] {strides = array<i32>} : memref<128xf32, #tpu.memory_space<vmem>>, vector<16xf32>,
      %swap3A_50 = vector.shape_cast %swap3A_49 : vector<16xf32> to vector<16xf32>
      %swap3A_51 = vector.shape_cast %broadcast_in_dim3A_46 : vector<16xf32> to vector<16xf32>
      tpu.vector_store %arg7[%swap3A], %swap3A_51 {strides = array<i32>} : memref<128xf32, #tpu.memory_space<vmem>>, vector<16xf32>,
      %scan3A_52 = arith.constant 0 : i32
      scf.yield %scan3A_52 : i32
    }
    %scan3A_12 = arith.constant 8 : i32
    %lt3A = arith.constant 15 : i32
    %lt3A_13 = arith.cmpi slt, %arg1, %lt3A : i32
    %convert_element_type3A = arith.extui %lt3A_13 : i1 to i32
    %cond3A = arith.constant 0 : i32
    %cond3A_14 = arith.cmpi ne, %convert_element_type3A, %cond3A : i32
    scf.if %cond3A_14 {
      %mul3A_44 = arith.constant 3200 : i32
      %mul3A_45 = arith.muli %arg1, %mul3A_44 : i32
      "tpu.region"() ({
        %run_scoped3A = tpu.sem_alloc : memref<!tpu.dma_semaphore, #tpu.memory_space<semaphore_mem>>
        %dma_start3A = tpu.memref_slice %arg9[%mul3A_45] : memref<50000xf32, #tpu.memory_space<vmem_shared>> -> memref<3200xf32, #tpu.memory_space<vmem_shared>>
        %dma_start3A_46 = tpu.memref_slice %arg9[%mul3A_45] : memref<50000xf32, #tpu.memory_space<vmem_shared>> -> memref<3200xf32, #tpu.memory_space<vmem_shared>>
        tpu.enqueue_dma source(%arg8 : memref<3200xf32, #tpu.memory_space<vmem>>) target(%dma_start3A_46 : memref<3200xf32, #tpu.memory_space<vmem_shared>>) target_semaphore(%run_scoped3A : memref<!tpu.dma_semaphore, #tpu.memory_space<semaphore_mem>>)
        %dma_wait3A = tpu.memref_slice %arg9[%mul3A_45] : memref<50000xf32, #tpu.memory_space<vmem_shared>> -> memref<3200xf32, #tpu.memory_space<vmem_shared>>
        %dma_wait3A_47 = tpu.memref_slice %arg9[%mul3A_45] : memref<50000xf32, #tpu.memory_space<vmem_shared>> -> memref<3200xf32, #tpu.memory_space<vmem_shared>>
        tpu.wait_dma2 semaphore(%run_scoped3A : memref<!tpu.dma_semaphore, #tpu.memory_space<semaphore_mem>>) src(%arg8 : memref<3200xf32, #tpu.memory_space<vmem>>) dst(%dma_wait3A_47 : memref<3200xf32, #tpu.memory_space<vmem_shared>>)
        tpu.yield
      }) : () -> ()
    } else {
    }
    %eq3A = arith.constant 15 : i32
    %eq3A_15 = arith.cmpi eq, %arg1, %eq3A : i32
    %convert_element_type3A_16 = arith.extui %eq3A_15 : i1 to i32
    %cond3A_17 = arith.constant 0 : i32
    %cond3A_18 = arith.cmpi ne, %convert_element_type3A_16, %cond3A_17 : i32
    scf.if %cond3A_18 {
      "tpu.region"() ({
        %run_scoped3A = tpu.sem_alloc : memref<!tpu.dma_semaphore, #tpu.memory_space<semaphore_mem>>
        %dma_start3A = arith.constant 0 : i32
        %dma_start3A_44 = tpu.memref_slice %arg8[%dma_start3A] : memref<3200xf32, #tpu.memory_space<vmem>> -> memref<2000xf32, #tpu.memory_space<vmem>>
        %dma_start3A_45 = arith.constant 48000 : i32
        %dma_start3A_46 = tpu.memref_slice %arg9[%dma_start3A_45] : memref<50000xf32, #tpu.memory_space<vmem_shared>> -> memref<2000xf32, #tpu.memory_space<vmem_shared>>
        %dma_start3A_47 = arith.constant 48000 : i32
        %dma_start3A_48 = tpu.memref_slice %arg9[%dma_start3A_47] : memref<50000xf32, #tpu.memory_space<vmem_shared>> -> memref<2000xf32, #tpu.memory_space<vmem_shared>>
        %dma_start3A_49 = arith.constant 0 : i32
        %dma_start3A_50 = tpu.memref_slice %arg8[%dma_start3A_49] : memref<3200xf32, #tpu.memory_space<vmem>> -> memref<2000xf32, #tpu.memory_space<vmem>>
        tpu.enqueue_dma source(%dma_start3A_50 : memref<2000xf32, #tpu.memory_space<vmem>>) target(%dma_start3A_48 : memref<2000xf32, #tpu.memory_space<vmem_shared>>) target_semaphore(%run_scoped3A : memref<!tpu.dma_semaphore, #tpu.memory_space<semaphore_mem>>)
        %dma_wait3A = arith.constant 0 : i32
        %dma_wait3A_51 = tpu.memref_slice %arg8[%dma_wait3A] : memref<3200xf32, #tpu.memory_space<vmem>> -> memref<2000xf32, #tpu.memory_space<vmem>>
        %dma_wait3A_52 = arith.constant 48000 : i32
        %dma_wait3A_53 = tpu.memref_slice %arg9[%dma_wait3A_52] : memref<50000xf32, #tpu.memory_space<vmem_shared>> -> memref<2000xf32, #tpu.memory_space<vmem_shared>>
        %dma_wait3A_54 = arith.constant 48000 : i32
        %dma_wait3A_55 = tpu.memref_slice %arg9[%dma_wait3A_54] : memref<50000xf32, #tpu.memory_space<vmem_shared>> -> memref<2000xf32, #tpu.memory_space<vmem_shared>>
        %dma_wait3A_56 = arith.constant 0 : i32
        %dma_wait3A_57 = tpu.memref_slice %arg8[%dma_wait3A_56] : memref<3200xf32, #tpu.memory_space<vmem>> -> memref<2000xf32, #tpu.memory_space<vmem>>
        tpu.wait_dma2 semaphore(%run_scoped3A : memref<!tpu.dma_semaphore, #tpu.memory_space<semaphore_mem>>) src(%dma_wait3A_57 : memref<2000xf32, #tpu.memory_space<vmem>>) dst(%dma_wait3A_55 : memref<2000xf32, #tpu.memory_space<vmem_shared>>)
        tpu.yield
      }) : () -> ()
    } else {
    }
    %barrier3A = arith.constant 0 : index
    tpu.barrier barrier_id(%barrier3A)
    %mul3A = arith.constant 16 : i32
    %mul3A_19 = arith.muli %arg0, %mul3A : i32
    %add3A = arith.addi %mul3A_19, %arg1 : i32
    %mul3A_20 = arith.constant 25000 : i32
    %mul3A_21 = arith.muli %add3A, %mul3A_20 : i32
    %scan3A_22 = arith.constant 0 : i32
    %scan3A_23 = arith.constant 0 : i32
    %scan3A_24 = arith.constant 13 : i32
    %scan3A_25 = arith.addi %scan3A_23, %scan3A_24 : i32
    %scan3A_26 = arith.constant 1 : i32
    %scan3A_27 = scf.for %scan3A_44 = %scan3A_23 to %scan3A_25 step %scan3A_26 iter_args(%scan3A_45 = %scan3A_22) -> (i32)  : i32 {
      %add3A_46 = arith.constant 800000 : i32
      %add3A_47 = arith.addi %add3A_46, %mul3A_21 : i32
      %mul3A_48 = arith.constant 1920 : i32
      %mul3A_49 = arith.muli %scan3A_44, %mul3A_48 : i32
      %add3A_50 = arith.addi %add3A_47, %mul3A_49 : i32
      "tpu.region"() ({
        %run_scoped3A = tpu.sem_alloc : memref<!tpu.dma_semaphore, #tpu.memory_space<semaphore_mem>>
        %dma_start3A = tpu.memref_slice %arg2[%add3A_50] : memref<1600000xi32, #tpu.memory_space<hbm>> -> memref<1920xi32, #tpu.memory_space<hbm>>
        %dma_start3A_59 = tpu.memref_slice %arg2[%add3A_50] : memref<1600000xi32, #tpu.memory_space<hbm>> -> memref<1920xi32, #tpu.memory_space<hbm>>
        tpu.enqueue_dma source(%dma_start3A_59 : memref<1920xi32, #tpu.memory_space<hbm>>) target(%arg5 : memref<1920xi32, #tpu.memory_space<vmem>>) target_semaphore(%run_scoped3A : memref<!tpu.dma_semaphore, #tpu.memory_space<semaphore_mem>>)
        %dma_wait3A = tpu.memref_slice %arg2[%add3A_50] : memref<1600000xi32, #tpu.memory_space<hbm>> -> memref<1920xi32, #tpu.memory_space<hbm>>
        %dma_wait3A_60 = tpu.memref_slice %arg2[%add3A_50] : memref<1600000xi32, #tpu.memory_space<hbm>> -> memref<1920xi32, #tpu.memory_space<hbm>>
        tpu.wait_dma2 semaphore(%run_scoped3A : memref<!tpu.dma_semaphore, #tpu.memory_space<semaphore_mem>>) src(%dma_wait3A_60 : memref<1920xi32, #tpu.memory_space<hbm>>) dst(%arg5 : memref<1920xi32, #tpu.memory_space<vmem>>)
        tpu.yield
      }) : () -> ()
      %scan3A_51 = arith.constant 0 : i32
      %scan3A_52 = arith.constant 0 : i32
      %scan3A_53 = arith.constant 15 : i32
      %scan3A_54 = arith.addi %scan3A_52, %scan3A_53 : i32
      %scan3A_55 = arith.constant 1 : i32
      %scan3A_56 = scf.for %scan3A_59 = %scan3A_52 to %scan3A_54 step %scan3A_55 iter_args(%scan3A_60 = %scan3A_51) -> (i32)  : i32 {
        %mul3A_61 = arith.constant 128 : i32
        %mul3A_62 = arith.muli %scan3A_59, %mul3A_61 : i32
        "tpu.region"() ({
          %run_scoped3A = tpu.sem_alloc : memref<!tpu.dma_semaphore, #tpu.memory_space<semaphore_mem>>
          %dma_start3A = tpu.memref_slice %arg5[%mul3A_62] : memref<1920xi32, #tpu.memory_space<vmem>> -> memref<128xi32, #tpu.memory_space<vmem>>
          %dma_start3A_64 = arith.constant 0 : i32
          %dma_start3A_65 = tpu.memref_slice %arg9[%dma_start3A_64] : memref<50000xf32, #tpu.memory_space<vmem_shared>> -> memref<50000xf32, #tpu.memory_space<vmem_shared>>
          tpu.enqueue_indirect_dma source(%arg7 : memref<128xf32, #tpu.memory_space<vmem>>) target(%dma_start3A_65 : memref<50000xf32, #tpu.memory_space<vmem_shared>>) offsets(%dma_start3A : memref<128xi32, #tpu.memory_space<vmem>>) semaphore(%run_scoped3A : memref<!tpu.dma_semaphore, #tpu.memory_space<semaphore_mem>>) {add = true}
          %dma_wait3A = tpu.memref_slice %arg5[%mul3A_62] : memref<1920xi32, #tpu.memory_space<vmem>> -> memref<128xi32, #tpu.memory_space<vmem>>
          %dma_wait3A_66 = arith.constant 0 : i32
          %dma_wait3A_67 = tpu.memref_slice %arg9[%dma_wait3A_66] : memref<50000xf32, #tpu.memory_space<vmem_shared>> -> memref<50000xf32, #tpu.memory_space<vmem_shared>>
          tpu.wait_indirect_dma semaphore(%run_scoped3A : memref<!tpu.dma_semaphore, #tpu.memory_space<semaphore_mem>>) src(%arg7 : memref<128xf32, #tpu.memory_space<vmem>>) dst(%dma_wait3A_67 : memref<50000xf32, #tpu.memory_space<vmem_shared>>)
          tpu.yield
        }) : () -> ()
        %scan3A_63 = arith.constant 0 : i32
        scf.yield %scan3A_63 : i32
      }
      %scan3A_57 = arith.constant 15 : i32
      %scan3A_58 = arith.constant 0 : i32
      scf.yield %scan3A_58 : i32
    }
    %scan3A_28 = arith.constant 13 : i32
    %add3A_29 = arith.constant 800000 : i32
    %add3A_30 = arith.addi %add3A_29, %mul3A_21 : i32
    %add3A_31 = arith.constant 24960 : i32
    %add3A_32 = arith.addi %add3A_30, %add3A_31 : i32
    "tpu.region"() ({
      %run_scoped3A = tpu.sem_alloc : memref<!tpu.dma_semaphore, #tpu.memory_space<semaphore_mem>>
      %dma_start3A = tpu.memref_slice %arg2[%add3A_32] : memref<1600000xi32, #tpu.memory_space<hbm>> -> memref<40xi32, #tpu.memory_space<hbm>>
      %dma_start3A_44 = tpu.memref_slice %arg2[%add3A_32] : memref<1600000xi32, #tpu.memory_space<hbm>> -> memref<40xi32, #tpu.memory_space<hbm>>
      tpu.enqueue_dma source(%dma_start3A_44 : memref<40xi32, #tpu.memory_space<hbm>>) target(%arg6 : memref<40xi32, #tpu.memory_space<vmem>>) target_semaphore(%run_scoped3A : memref<!tpu.dma_semaphore, #tpu.memory_space<semaphore_mem>>)
      %dma_wait3A = tpu.memref_slice %arg2[%add3A_32] : memref<1600000xi32, #tpu.memory_space<hbm>> -> memref<40xi32, #tpu.memory_space<hbm>>
      %dma_wait3A_45 = tpu.memref_slice %arg2[%add3A_32] : memref<1600000xi32, #tpu.memory_space<hbm>> -> memref<40xi32, #tpu.memory_space<hbm>>
      tpu.wait_dma2 semaphore(%run_scoped3A : memref<!tpu.dma_semaphore, #tpu.memory_space<semaphore_mem>>) src(%dma_wait3A_45 : memref<40xi32, #tpu.memory_space<hbm>>) dst(%arg6 : memref<40xi32, #tpu.memory_space<vmem>>)
      tpu.yield
    }) : () -> ()
    "tpu.region"() ({
      %run_scoped3A = tpu.sem_alloc : memref<!tpu.dma_semaphore, #tpu.memory_space<semaphore_mem>>
      %dma_start3A = arith.constant 0 : i32
      %dma_start3A_44 = tpu.memref_slice %arg7[%dma_start3A] : memref<128xf32, #tpu.memory_space<vmem>> -> memref<40xf32, #tpu.memory_space<vmem>>
      %dma_start3A_45 = arith.constant 0 : i32
      %dma_start3A_46 = tpu.memref_slice %arg9[%dma_start3A_45] : memref<50000xf32, #tpu.memory_space<vmem_shared>> -> memref<50000xf32, #tpu.memory_space<vmem_shared>>
      tpu.enqueue_indirect_dma source(%dma_start3A_44 : memref<40xf32, #tpu.memory_space<vmem>>) target(%dma_start3A_46 : memref<50000xf32, #tpu.memory_space<vmem_shared>>) offsets(%arg6 : memref<40xi32, #tpu.memory_space<vmem>>) semaphore(%run_scoped3A : memref<!tpu.dma_semaphore, #tpu.memory_space<semaphore_mem>>) {add = true}
      %dma_wait3A = arith.constant 0 : i32
      %dma_wait3A_47 = tpu.memref_slice %arg7[%dma_wait3A] : memref<128xf32, #tpu.memory_space<vmem>> -> memref<40xf32, #tpu.memory_space<vmem>>
      %dma_wait3A_48 = arith.constant 0 : i32
      %dma_wait3A_49 = tpu.memref_slice %arg9[%dma_wait3A_48] : memref<50000xf32, #tpu.memory_space<vmem_shared>> -> memref<50000xf32, #tpu.memory_space<vmem_shared>>
      tpu.wait_indirect_dma semaphore(%run_scoped3A : memref<!tpu.dma_semaphore, #tpu.memory_space<semaphore_mem>>) src(%dma_wait3A_47 : memref<40xf32, #tpu.memory_space<vmem>>) dst(%dma_wait3A_49 : memref<50000xf32, #tpu.memory_space<vmem_shared>>)
      tpu.yield
    }) : () -> ()
    %barrier3A_33 = arith.constant 0 : index
    tpu.barrier barrier_id(%barrier3A_33)
    %eq3A_34 = arith.constant 0 : i32
    %eq3A_35 = arith.cmpi eq, %arg0, %eq3A_34 : i32
    %convert_element_type3A_36 = arith.extui %eq3A_35 : i1 to i32
    %cond3A_37 = arith.constant 0 : i32
    %cond3A_38 = arith.cmpi ne, %convert_element_type3A_36, %cond3A_37 : i32
    scf.if %cond3A_38 {
      %lt3A_44 = arith.constant 15 : i32
      %lt3A_45 = arith.cmpi slt, %arg1, %lt3A_44 : i32
      %convert_element_type3A_46 = arith.extui %lt3A_45 : i1 to i32
      %cond3A_47 = arith.constant 0 : i32
      %cond3A_48 = arith.cmpi ne, %convert_element_type3A_46, %cond3A_47 : i32
      scf.if %cond3A_48 {
        %mul3A_54 = arith.constant 3200 : i32
        %mul3A_55 = arith.muli %arg1, %mul3A_54 : i32
        "tpu.region"() ({
          %run_scoped3A = tpu.sem_alloc : memref<!tpu.dma_semaphore, #tpu.memory_space<semaphore_mem>>
          %dma_start3A = tpu.memref_slice %arg9[%mul3A_55] : memref<50000xf32, #tpu.memory_space<vmem_shared>> -> memref<3200xf32, #tpu.memory_space<vmem_shared>>
          %dma_start3A_58 = tpu.memref_slice %arg9[%mul3A_55] : memref<50000xf32, #tpu.memory_space<vmem_shared>> -> memref<3200xf32, #tpu.memory_space<vmem_shared>>
          tpu.enqueue_dma source(%dma_start3A_58 : memref<3200xf32, #tpu.memory_space<vmem_shared>>) target(%arg8 : memref<3200xf32, #tpu.memory_space<vmem>>) target_semaphore(%run_scoped3A : memref<!tpu.dma_semaphore, #tpu.memory_space<semaphore_mem>>)
          %dma_wait3A = tpu.memref_slice %arg9[%mul3A_55] : memref<50000xf32, #tpu.memory_space<vmem_shared>> -> memref<3200xf32, #tpu.memory_space<vmem_shared>>
          %dma_wait3A_59 = tpu.memref_slice %arg9[%mul3A_55] : memref<50000xf32, #tpu.memory_space<vmem_shared>> -> memref<3200xf32, #tpu.memory_space<vmem_shared>>
          tpu.wait_dma2 semaphore(%run_scoped3A : memref<!tpu.dma_semaphore, #tpu.memory_space<semaphore_mem>>) src(%dma_wait3A_59 : memref<3200xf32, #tpu.memory_space<vmem_shared>>) dst(%arg8 : memref<3200xf32, #tpu.memory_space<vmem>>)
          tpu.yield
        }) : () -> ()
        %mul3A_56 = arith.constant 3200 : i32
        %mul3A_57 = arith.muli %arg1, %mul3A_56 : i32
        "tpu.region"() ({
          %run_scoped3A = tpu.sem_alloc : memref<!tpu.dma_semaphore, #tpu.memory_space<semaphore_mem>>
          %dma_start3A = tpu.memref_slice %arg3[%mul3A_57] : memref<50000xf32, #tpu.memory_space<hbm>> -> memref<3200xf32, #tpu.memory_space<hbm>>
          %dma_start3A_58 = tpu.memref_slice %arg3[%mul3A_57] : memref<50000xf32, #tpu.memory_space<hbm>> -> memref<3200xf32, #tpu.memory_space<hbm>>
          tpu.enqueue_dma source(%arg8 : memref<3200xf32, #tpu.memory_space<vmem>>) target(%dma_start3A_58 : memref<3200xf32, #tpu.memory_space<hbm>>) target_semaphore(%run_scoped3A : memref<!tpu.dma_semaphore, #tpu.memory_space<semaphore_mem>>)
          %dma_wait3A = tpu.memref_slice %arg3[%mul3A_57] : memref<50000xf32, #tpu.memory_space<hbm>> -> memref<3200xf32, #tpu.memory_space<hbm>>
          %dma_wait3A_59 = tpu.memref_slice %arg3[%mul3A_57] : memref<50000xf32, #tpu.memory_space<hbm>> -> memref<3200xf32, #tpu.memory_space<hbm>>
          tpu.wait_dma2 semaphore(%run_scoped3A : memref<!tpu.dma_semaphore, #tpu.memory_space<semaphore_mem>>) src(%arg8 : memref<3200xf32, #tpu.memory_space<vmem>>) dst(%dma_wait3A_59 : memref<3200xf32, #tpu.memory_space<hbm>>)
          tpu.yield
        }) : () -> ()
      } else {
      }
      %eq3A_49 = arith.constant 15 : i32
      %eq3A_50 = arith.cmpi eq, %arg1, %eq3A_49 : i32
      %convert_element_type3A_51 = arith.extui %eq3A_50 : i1 to i32
      %cond3A_52 = arith.constant 0 : i32
      %cond3A_53 = arith.cmpi ne, %convert_element_type3A_51, %cond3A_52 : i32
      scf.if %cond3A_53 {
        "tpu.region"() ({
          %run_scoped3A = tpu.sem_alloc : memref<!tpu.dma_semaphore, #tpu.memory_space<semaphore_mem>>
          %dma_start3A = arith.constant 0 : i32
          %dma_start3A_54 = tpu.memref_slice %arg8[%dma_start3A] : memref<3200xf32, #tpu.memory_space<vmem>> -> memref<2000xf32, #tpu.memory_space<vmem>>
          %dma_start3A_55 = arith.constant 48000 : i32
          %dma_start3A_56 = tpu.memref_slice %arg9[%dma_start3A_55] : memref<50000xf32, #tpu.memory_space<vmem_shared>> -> memref<2000xf32, #tpu.memory_space<vmem_shared>>
          %dma_start3A_57 = arith.constant 0 : i32
          %dma_start3A_58 = tpu.memref_slice %arg8[%dma_start3A_57] : memref<3200xf32, #tpu.memory_space<vmem>> -> memref<2000xf32, #tpu.memory_space<vmem>>
          %dma_start3A_59 = arith.constant 48000 : i32
          %dma_start3A_60 = tpu.memref_slice %arg9[%dma_start3A_59] : memref<50000xf32, #tpu.memory_space<vmem_shared>> -> memref<2000xf32, #tpu.memory_space<vmem_shared>>
          tpu.enqueue_dma source(%dma_start3A_60 : memref<2000xf32, #tpu.memory_space<vmem_shared>>) target(%dma_start3A_58 : memref<2000xf32, #tpu.memory_space<vmem>>) target_semaphore(%run_scoped3A : memref<!tpu.dma_semaphore, #tpu.memory_space<semaphore_mem>>)
          %dma_wait3A = arith.constant 0 : i32
          %dma_wait3A_61 = tpu.memref_slice %arg8[%dma_wait3A] : memref<3200xf32, #tpu.memory_space<vmem>> -> memref<2000xf32, #tpu.memory_space<vmem>>
          %dma_wait3A_62 = arith.constant 48000 : i32
          %dma_wait3A_63 = tpu.memref_slice %arg9[%dma_wait3A_62] : memref<50000xf32, #tpu.memory_space<vmem_shared>> -> memref<2000xf32, #tpu.memory_space<vmem_shared>>
          %dma_wait3A_64 = arith.constant 0 : i32
          %dma_wait3A_65 = tpu.memref_slice %arg8[%dma_wait3A_64] : memref<3200xf32, #tpu.memory_space<vmem>> -> memref<2000xf32, #tpu.memory_space<vmem>>
          %dma_wait3A_66 = arith.constant 48000 : i32
          %dma_wait3A_67 = tpu.memref_slice %arg9[%dma_wait3A_66] : memref<50000xf32, #tpu.memory_space<vmem_shared>> -> memref<2000xf32, #tpu.memory_space<vmem_shared>>
          tpu.wait_dma2 semaphore(%run_scoped3A : memref<!tpu.dma_semaphore, #tpu.memory_space<semaphore_mem>>) src(%dma_wait3A_67 : memref<2000xf32, #tpu.memory_space<vmem_shared>>) dst(%dma_wait3A_65 : memref<2000xf32, #tpu.memory_space<vmem>>)
          tpu.yield
        }) : () -> ()
        "tpu.region"() ({
          %run_scoped3A = tpu.sem_alloc : memref<!tpu.dma_semaphore, #tpu.memory_space<semaphore_mem>>
          %dma_start3A = arith.constant 0 : i32
          %dma_start3A_54 = tpu.memref_slice %arg8[%dma_start3A] : memref<3200xf32, #tpu.memory_space<vmem>> -> memref<2000xf32, #tpu.memory_space<vmem>>
          %dma_start3A_55 = arith.constant 48000 : i32
          %dma_start3A_56 = tpu.memref_slice %arg3[%dma_start3A_55] : memref<50000xf32, #tpu.memory_space<hbm>> -> memref<2000xf32, #tpu.memory_space<hbm>>
          %dma_start3A_57 = arith.constant 48000 : i32
          %dma_start3A_58 = tpu.memref_slice %arg3[%dma_start3A_57] : memref<50000xf32, #tpu.memory_space<hbm>> -> memref<2000xf32, #tpu.memory_space<hbm>>
          %dma_start3A_59 = arith.constant 0 : i32
          %dma_start3A_60 = tpu.memref_slice %arg8[%dma_start3A_59] : memref<3200xf32, #tpu.memory_space<vmem>> -> memref<2000xf32, #tpu.memory_space<vmem>>
          tpu.enqueue_dma source(%dma_start3A_60 : memref<2000xf32, #tpu.memory_space<vmem>>) target(%dma_start3A_58 : memref<2000xf32, #tpu.memory_space<hbm>>) target_semaphore(%run_scoped3A : memref<!tpu.dma_semaphore, #tpu.memory_space<semaphore_mem>>)
          %dma_wait3A = arith.constant 0 : i32
          %dma_wait3A_61 = tpu.memref_slice %arg8[%dma_wait3A] : memref<3200xf32, #tpu.memory_space<vmem>> -> memref<2000xf32, #tpu.memory_space<vmem>>
          %dma_wait3A_62 = arith.constant 48000 : i32
          %dma_wait3A_63 = tpu.memref_slice %arg3[%dma_wait3A_62] : memref<50000xf32, #tpu.memory_space<hbm>> -> memref<2000xf32, #tpu.memory_space<hbm>>
          %dma_wait3A_64 = arith.constant 48000 : i32
          %dma_wait3A_65 = tpu.memref_slice %arg3[%dma_wait3A_64] : memref<50000xf32, #tpu.memory_space<hbm>> -> memref<2000xf32, #tpu.memory_space<hbm>>
          %dma_wait3A_66 = arith.constant 0 : i32
          %dma_wait3A_67 = tpu.memref_slice %arg8[%dma_wait3A_66] : memref<3200xf32, #tpu.memory_space<vmem>> -> memref<2000xf32, #tpu.memory_space<vmem>>
          tpu.wait_dma2 semaphore(%run_scoped3A : memref<!tpu.dma_semaphore, #tpu.memory_space<semaphore_mem>>) src(%dma_wait3A_67 : memref<2000xf32, #tpu.memory_space<vmem>>) dst(%dma_wait3A_65 : memref<2000xf32, #tpu.memory_space<hbm>>)
          tpu.yield
        }) : () -> ()
      } else {
      }
    } else {
    }
    %eq3A_39 = arith.constant 1 : i32
    %eq3A_40 = arith.cmpi eq, %arg0, %eq3A_39 : i32
    %convert_element_type3A_41 = arith.extui %eq3A_40 : i1 to i32
    %cond3A_42 = arith.constant 0 : i32
    %cond3A_43 = arith.cmpi ne, %convert_element_type3A_41, %cond3A_42 : i32
    scf.if %cond3A_43 {
      %lt3A_44 = arith.constant 15 : i32
      %lt3A_45 = arith.cmpi slt, %arg1, %lt3A_44 : i32
      %convert_element_type3A_46 = arith.extui %lt3A_45 : i1 to i32
      %cond3A_47 = arith.constant 0 : i32
      %cond3A_48 = arith.cmpi ne, %convert_element_type3A_46, %cond3A_47 : i32
      scf.if %cond3A_48 {
        %mul3A_54 = arith.constant 3200 : i32
        %mul3A_55 = arith.muli %arg1, %mul3A_54 : i32
        "tpu.region"() ({
          %run_scoped3A = tpu.sem_alloc : memref<!tpu.dma_semaphore, #tpu.memory_space<semaphore_mem>>
          %dma_start3A = tpu.memref_slice %arg9[%mul3A_55] : memref<50000xf32, #tpu.memory_space<vmem_shared>> -> memref<3200xf32, #tpu.memory_space<vmem_shared>>
          %dma_start3A_58 = tpu.memref_slice %arg9[%mul3A_55] : memref<50000xf32, #tpu.memory_space<vmem_shared>> -> memref<3200xf32, #tpu.memory_space<vmem_shared>>
          tpu.enqueue_dma source(%dma_start3A_58 : memref<3200xf32, #tpu.memory_space<vmem_shared>>) target(%arg8 : memref<3200xf32, #tpu.memory_space<vmem>>) target_semaphore(%run_scoped3A : memref<!tpu.dma_semaphore, #tpu.memory_space<semaphore_mem>>)
          %dma_wait3A = tpu.memref_slice %arg9[%mul3A_55] : memref<50000xf32, #tpu.memory_space<vmem_shared>> -> memref<3200xf32, #tpu.memory_space<vmem_shared>>
          %dma_wait3A_59 = tpu.memref_slice %arg9[%mul3A_55] : memref<50000xf32, #tpu.memory_space<vmem_shared>> -> memref<3200xf32, #tpu.memory_space<vmem_shared>>
          tpu.wait_dma2 semaphore(%run_scoped3A : memref<!tpu.dma_semaphore, #tpu.memory_space<semaphore_mem>>) src(%dma_wait3A_59 : memref<3200xf32, #tpu.memory_space<vmem_shared>>) dst(%arg8 : memref<3200xf32, #tpu.memory_space<vmem>>)
          tpu.yield
        }) : () -> ()
        %mul3A_56 = arith.constant 3200 : i32
        %mul3A_57 = arith.muli %arg1, %mul3A_56 : i32
        "tpu.region"() ({
          %run_scoped3A = tpu.sem_alloc : memref<!tpu.dma_semaphore, #tpu.memory_space<semaphore_mem>>
          %dma_start3A = tpu.memref_slice %arg4[%mul3A_57] : memref<50000xf32, #tpu.memory_space<hbm>> -> memref<3200xf32, #tpu.memory_space<hbm>>
          %dma_start3A_58 = tpu.memref_slice %arg4[%mul3A_57] : memref<50000xf32, #tpu.memory_space<hbm>> -> memref<3200xf32, #tpu.memory_space<hbm>>
          tpu.enqueue_dma source(%arg8 : memref<3200xf32, #tpu.memory_space<vmem>>) target(%dma_start3A_58 : memref<3200xf32, #tpu.memory_space<hbm>>) target_semaphore(%run_scoped3A : memref<!tpu.dma_semaphore, #tpu.memory_space<semaphore_mem>>)
          %dma_wait3A = tpu.memref_slice %arg4[%mul3A_57] : memref<50000xf32, #tpu.memory_space<hbm>> -> memref<3200xf32, #tpu.memory_space<hbm>>
          %dma_wait3A_59 = tpu.memref_slice %arg4[%mul3A_57] : memref<50000xf32, #tpu.memory_space<hbm>> -> memref<3200xf32, #tpu.memory_space<hbm>>
          tpu.wait_dma2 semaphore(%run_scoped3A : memref<!tpu.dma_semaphore, #tpu.memory_space<semaphore_mem>>) src(%arg8 : memref<3200xf32, #tpu.memory_space<vmem>>) dst(%dma_wait3A_59 : memref<3200xf32, #tpu.memory_space<hbm>>)
          tpu.yield
        }) : () -> ()
      } else {
      }
      %eq3A_49 = arith.constant 15 : i32
      %eq3A_50 = arith.cmpi eq, %arg1, %eq3A_49 : i32
      %convert_element_type3A_51 = arith.extui %eq3A_50 : i1 to i32
      %cond3A_52 = arith.constant 0 : i32
      %cond3A_53 = arith.cmpi ne, %convert_element_type3A_51, %cond3A_52 : i32
      scf.if %cond3A_53 {
        "tpu.region"() ({
          %run_scoped3A = tpu.sem_alloc : memref<!tpu.dma_semaphore, #tpu.memory_space<semaphore_mem>>
          %dma_start3A = arith.constant 0 : i32
          %dma_start3A_54 = tpu.memref_slice %arg8[%dma_start3A] : memref<3200xf32, #tpu.memory_space<vmem>> -> memref<2000xf32, #tpu.memory_space<vmem>>
          %dma_start3A_55 = arith.constant 48000 : i32
          %dma_start3A_56 = tpu.memref_slice %arg9[%dma_start3A_55] : memref<50000xf32, #tpu.memory_space<vmem_shared>> -> memref<2000xf32, #tpu.memory_space<vmem_shared>>
          %dma_start3A_57 = arith.constant 0 : i32
          %dma_start3A_58 = tpu.memref_slice %arg8[%dma_start3A_57] : memref<3200xf32, #tpu.memory_space<vmem>> -> memref<2000xf32, #tpu.memory_space<vmem>>
          %dma_start3A_59 = arith.constant 48000 : i32
          %dma_start3A_60 = tpu.memref_slice %arg9[%dma_start3A_59] : memref<50000xf32, #tpu.memory_space<vmem_shared>> -> memref<2000xf32, #tpu.memory_space<vmem_shared>>
          tpu.enqueue_dma source(%dma_start3A_60 : memref<2000xf32, #tpu.memory_space<vmem_shared>>) target(%dma_start3A_58 : memref<2000xf32, #tpu.memory_space<vmem>>) target_semaphore(%run_scoped3A : memref<!tpu.dma_semaphore, #tpu.memory_space<semaphore_mem>>)
          %dma_wait3A = arith.constant 0 : i32
          %dma_wait3A_61 = tpu.memref_slice %arg8[%dma_wait3A] : memref<3200xf32, #tpu.memory_space<vmem>> -> memref<2000xf32, #tpu.memory_space<vmem>>
          %dma_wait3A_62 = arith.constant 48000 : i32
          %dma_wait3A_63 = tpu.memref_slice %arg9[%dma_wait3A_62] : memref<50000xf32, #tpu.memory_space<vmem_shared>> -> memref<2000xf32, #tpu.memory_space<vmem_shared>>
          %dma_wait3A_64 = arith.constant 0 : i32
          %dma_wait3A_65 = tpu.memref_slice %arg8[%dma_wait3A_64] : memref<3200xf32, #tpu.memory_space<vmem>> -> memref<2000xf32, #tpu.memory_space<vmem>>
          %dma_wait3A_66 = arith.constant 48000 : i32
          %dma_wait3A_67 = tpu.memref_slice %arg9[%dma_wait3A_66] : memref<50000xf32, #tpu.memory_space<vmem_shared>> -> memref<2000xf32, #tpu.memory_space<vmem_shared>>
          tpu.wait_dma2 semaphore(%run_scoped3A : memref<!tpu.dma_semaphore, #tpu.memory_space<semaphore_mem>>) src(%dma_wait3A_67 : memref<2000xf32, #tpu.memory_space<vmem_shared>>) dst(%dma_wait3A_65 : memref<2000xf32, #tpu.memory_space<vmem>>)
          tpu.yield
        }) : () -> ()
        "tpu.region"() ({
          %run_scoped3A = tpu.sem_alloc : memref<!tpu.dma_semaphore, #tpu.memory_space<semaphore_mem>>
          %dma_start3A = arith.constant 0 : i32
          %dma_start3A_54 = tpu.memref_slice %arg8[%dma_start3A] : memref<3200xf32, #tpu.memory_space<vmem>> -> memref<2000xf32, #tpu.memory_space<vmem>>
          %dma_start3A_55 = arith.constant 48000 : i32
          %dma_start3A_56 = tpu.memref_slice %arg4[%dma_start3A_55] : memref<50000xf32, #tpu.memory_space<hbm>> -> memref<2000xf32, #tpu.memory_space<hbm>>
          %dma_start3A_57 = arith.constant 48000 : i32
          %dma_start3A_58 = tpu.memref_slice %arg4[%dma_start3A_57] : memref<50000xf32, #tpu.memory_space<hbm>> -> memref<2000xf32, #tpu.memory_space<hbm>>
          %dma_start3A_59 = arith.constant 0 : i32
          %dma_start3A_60 = tpu.memref_slice %arg8[%dma_start3A_59] : memref<3200xf32, #tpu.memory_space<vmem>> -> memref<2000xf32, #tpu.memory_space<vmem>>
          tpu.enqueue_dma source(%dma_start3A_60 : memref<2000xf32, #tpu.memory_space<vmem>>) target(%dma_start3A_58 : memref<2000xf32, #tpu.memory_space<hbm>>) target_semaphore(%run_scoped3A : memref<!tpu.dma_semaphore, #tpu.memory_space<semaphore_mem>>)
          %dma_wait3A = arith.constant 0 : i32
          %dma_wait3A_61 = tpu.memref_slice %arg8[%dma_wait3A] : memref<3200xf32, #tpu.memory_space<vmem>> -> memref<2000xf32, #tpu.memory_space<vmem>>
          %dma_wait3A_62 = arith.constant 48000 : i32
          %dma_wait3A_63 = tpu.memref_slice %arg4[%dma_wait3A_62] : memref<50000xf32, #tpu.memory_space<hbm>> -> memref<2000xf32, #tpu.memory_space<hbm>>
          %dma_wait3A_64 = arith.constant 48000 : i32
          %dma_wait3A_65 = tpu.memref_slice %arg4[%dma_wait3A_64] : memref<50000xf32, #tpu.memory_space<hbm>> -> memref<2000xf32, #tpu.memory_space<hbm>>
          %dma_wait3A_66 = arith.constant 0 : i32
          %dma_wait3A_67 = tpu.memref_slice %arg8[%dma_wait3A_66] : memref<3200xf32, #tpu.memory_space<vmem>> -> memref<2000xf32, #tpu.memory_space<vmem>>
          tpu.wait_dma2 semaphore(%run_scoped3A : memref<!tpu.dma_semaphore, #tpu.memory_space<semaphore_mem>>) src(%dma_wait3A_67 : memref<2000xf32, #tpu.memory_space<vmem>>) dst(%dma_wait3A_65 : memref<2000xf32, #tpu.memory_space<hbm>>)
          tpu.yield
        }) : () -> ()
      } else {
      }
    } else {
    }
    return
  }
}

#map = affine_map<(d0, d1) -> (0)>
#map1 = affine_map<(d0, d1) -> (0, 0)>
module attributes {stable_mosaic.version = 14 : i64} {
  func.func @_sc_agg_body(%arg0: i32, %arg1: i32, %arg2: memref<1600000xi32, #tpu.memory_space<hbm>>, %arg3: memref<50000x32xf32, #tpu.memory_space<hbm>>, %arg4: memref<50000x32xf32, #tpu.memory_space<hbm>>, %arg5: memref<50000x32xf32, #tpu.memory_space<hbm>>, %arg6: memref<50000x32xf32, #tpu.memory_space<hbm>>, %arg7: memref<1920xi32, #tpu.memory_space<vmem>>, %arg8: memref<1920xi32, #tpu.memory_space<vmem>>, %arg9: memref<4x128xi32, #tpu.memory_space<vmem>>, %arg10: memref<4x128x32xf32, #tpu.memory_space<vmem>>, %arg11: memref<200x32xf32, #tpu.memory_space<vmem>>, %arg12: memref<50000x32xf32, #tpu.memory_space<vmem_shared>>, %arg13: memref<4x!tpu.dma_semaphore, #tpu.memory_space<semaphore_mem>>, %arg14: memref<4x!tpu.dma_semaphore, #tpu.memory_space<semaphore_mem>>, %arg15: memref<!tpu.dma_semaphore, #tpu.memory_space<semaphore_mem>>) attributes {dimension_semantics = [#tpu.dimension_semantics<core_parallel>, #tpu.dimension_semantics<subcore_parallel>], iteration_bounds = array<i64: 2, 16>, scalar_prefetch = 0 : i64, scratch_operands = 9 : i64, tpu.core_type = #tpu.core_type<sc_vector_subcore>, window_params = [{transform_indices = #map}, {transform_indices = #map1}, {transform_indices = #map1}, {transform_indices = #map1}, {transform_indices = #map1}]} {
    %scan3A = arith.constant 0 : i32
    %scan3A_0 = arith.constant 0 : i32
    %scan3A_1 = arith.constant 200 : i32
    %scan3A_2 = arith.addi %scan3A_0, %scan3A_1 : i32
    %scan3A_3 = arith.constant 1 : i32
    %scan3A_4 = scf.for %scan3A_38 = %scan3A_0 to %scan3A_2 step %scan3A_3 iter_args(%scan3A_39 = %scan3A) -> (i32)  : i32 {
      %broadcast_in_dim3A = arith.constant 0.000000e+00 : f32
      %broadcast_in_dim3A_40 = vector.broadcast %broadcast_in_dim3A : f32 to vector<16xf32>
      %swap3A = arith.index_cast %scan3A_38 : i32 to index
      %swap3A_41 = arith.constant 0 : index
      %swap3A_42 = tpu.vector_load %arg11[%swap3A, %swap3A_41] {strides = array<i32>} : memref<200x32xf32, #tpu.memory_space<vmem>>, vector<1x16xf32>,
      %swap3A_43 = vector.shape_cast %swap3A_42 : vector<1x16xf32> to vector<16xf32>
      %swap3A_44 = vector.shape_cast %broadcast_in_dim3A_40 : vector<16xf32> to vector<1x16xf32>
      tpu.vector_store %arg11[%swap3A, %swap3A_41], %swap3A_44 {strides = array<i32>} : memref<200x32xf32, #tpu.memory_space<vmem>>, vector<1x16xf32>,
      %broadcast_in_dim3A_45 = arith.constant 0.000000e+00 : f32
      %broadcast_in_dim3A_46 = vector.broadcast %broadcast_in_dim3A_45 : f32 to vector<16xf32>
      %swap3A_47 = arith.index_cast %scan3A_38 : i32 to index
      %swap3A_48 = arith.constant 16 : index
      %swap3A_49 = tpu.vector_load %arg11[%swap3A_47, %swap3A_48] {strides = array<i32>} : memref<200x32xf32, #tpu.memory_space<vmem>>, vector<1x16xf32>,
      %swap3A_50 = vector.shape_cast %swap3A_49 : vector<1x16xf32> to vector<16xf32>
      %swap3A_51 = vector.shape_cast %broadcast_in_dim3A_46 : vector<16xf32> to vector<1x16xf32>
      tpu.vector_store %arg11[%swap3A_47, %swap3A_48], %swap3A_51 {strides = array<i32>} : memref<200x32xf32, #tpu.memory_space<vmem>>, vector<1x16xf32>,
      %scan3A_52 = arith.constant 0 : i32
      scf.yield %scan3A_52 : i32
    }
    %scan3A_5 = arith.constant 200 : i32
    %mul3A = arith.constant 3125 : i32
    %mul3A_6 = arith.muli %arg1, %mul3A : i32
    %scan3A_7 = arith.constant 0 : i32
    %scan3A_8 = arith.constant 0 : i32
    %scan3A_9 = arith.constant 15 : i32
    %scan3A_10 = arith.addi %scan3A_8, %scan3A_9 : i32
    %scan3A_11 = arith.constant 1 : i32
    %scan3A_12 = scf.for %scan3A_38 = %scan3A_8 to %scan3A_10 step %scan3A_11 iter_args(%scan3A_39 = %scan3A_7) -> (i32)  : i32 {
      %mul3A_40 = arith.constant 200 : i32
      %mul3A_41 = arith.muli %scan3A_38, %mul3A_40 : i32
      %add3A_42 = arith.addi %mul3A_6, %mul3A_41 : i32
      "tpu.region"() ({
        %run_scoped3A = tpu.sem_alloc : memref<!tpu.dma_semaphore, #tpu.memory_space<semaphore_mem>>
        %dma_start3A = arith.constant 0 : i32
        %dma_start3A_44 = tpu.memref_slice %arg12[%add3A_42, %dma_start3A] : memref<50000x32xf32, #tpu.memory_space<vmem_shared>> -> memref<200x32xf32, #tpu.memory_space<vmem_shared>>
        %dma_start3A_45 = arith.constant 0 : i32
        %dma_start3A_46 = tpu.memref_slice %arg12[%add3A_42, %dma_start3A_45] : memref<50000x32xf32, #tpu.memory_space<vmem_shared>> -> memref<200x32xf32, #tpu.memory_space<vmem_shared>>
        tpu.enqueue_dma source(%arg11 : memref<200x32xf32, #tpu.memory_space<vmem>>) target(%dma_start3A_46 : memref<200x32xf32, #tpu.memory_space<vmem_shared>>) target_semaphore(%run_scoped3A : memref<!tpu.dma_semaphore, #tpu.memory_space<semaphore_mem>>)
        %dma_wait3A = arith.constant 0 : i32
        %dma_wait3A_47 = tpu.memref_slice %arg12[%add3A_42, %dma_wait3A] : memref<50000x32xf32, #tpu.memory_space<vmem_shared>> -> memref<200x32xf32, #tpu.memory_space<vmem_shared>>
        %dma_wait3A_48 = arith.constant 0 : i32
        %dma_wait3A_49 = tpu.memref_slice %arg12[%add3A_42, %dma_wait3A_48] : memref<50000x32xf32, #tpu.memory_space<vmem_shared>> -> memref<200x32xf32, #tpu.memory_space<vmem_shared>>
        tpu.wait_dma2 semaphore(%run_scoped3A : memref<!tpu.dma_semaphore, #tpu.memory_space<semaphore_mem>>) src(%arg11 : memref<200x32xf32, #tpu.memory_space<vmem>>) dst(%dma_wait3A_49 : memref<200x32xf32, #tpu.memory_space<vmem_shared>>)
        tpu.yield
      }) : () -> ()
      %scan3A_43 = arith.constant 0 : i32
      scf.yield %scan3A_43 : i32
    }
    %scan3A_13 = arith.constant 15 : i32
    %add3A = arith.constant 3000 : i32
    %add3A_14 = arith.addi %mul3A_6, %add3A : i32
    "tpu.region"() ({
      %run_scoped3A = tpu.sem_alloc : memref<!tpu.dma_semaphore, #tpu.memory_space<semaphore_mem>>
      %dma_start3A = arith.constant 0 : i32
      %dma_start3A_38 = arith.constant 0 : i32
      %dma_start3A_39 = tpu.memref_slice %arg11[%dma_start3A, %dma_start3A_38] : memref<200x32xf32, #tpu.memory_space<vmem>> -> memref<125x32xf32, #tpu.memory_space<vmem>>
      %dma_start3A_40 = arith.constant 0 : i32
      %dma_start3A_41 = tpu.memref_slice %arg12[%add3A_14, %dma_start3A_40] : memref<50000x32xf32, #tpu.memory_space<vmem_shared>> -> memref<125x32xf32, #tpu.memory_space<vmem_shared>>
      %dma_start3A_42 = arith.constant 0 : i32
      %dma_start3A_43 = tpu.memref_slice %arg12[%add3A_14, %dma_start3A_42] : memref<50000x32xf32, #tpu.memory_space<vmem_shared>> -> memref<125x32xf32, #tpu.memory_space<vmem_shared>>
      %dma_start3A_44 = arith.constant 0 : i32
      %dma_start3A_45 = arith.constant 0 : i32
      %dma_start3A_46 = tpu.memref_slice %arg11[%dma_start3A_44, %dma_start3A_45] : memref<200x32xf32, #tpu.memory_space<vmem>> -> memref<125x32xf32, #tpu.memory_space<vmem>>
      tpu.enqueue_dma source(%dma_start3A_46 : memref<125x32xf32, #tpu.memory_space<vmem>>) target(%dma_start3A_43 : memref<125x32xf32, #tpu.memory_space<vmem_shared>>) target_semaphore(%run_scoped3A : memref<!tpu.dma_semaphore, #tpu.memory_space<semaphore_mem>>)
      %dma_wait3A = arith.constant 0 : i32
      %dma_wait3A_47 = arith.constant 0 : i32
      %dma_wait3A_48 = tpu.memref_slice %arg11[%dma_wait3A, %dma_wait3A_47] : memref<200x32xf32, #tpu.memory_space<vmem>> -> memref<125x32xf32, #tpu.memory_space<vmem>>
      %dma_wait3A_49 = arith.constant 0 : i32
      %dma_wait3A_50 = tpu.memref_slice %arg12[%add3A_14, %dma_wait3A_49] : memref<50000x32xf32, #tpu.memory_space<vmem_shared>> -> memref<125x32xf32, #tpu.memory_space<vmem_shared>>
      %dma_wait3A_51 = arith.constant 0 : i32
      %dma_wait3A_52 = tpu.memref_slice %arg12[%add3A_14, %dma_wait3A_51] : memref<50000x32xf32, #tpu.memory_space<vmem_shared>> -> memref<125x32xf32, #tpu.memory_space<vmem_shared>>
      %dma_wait3A_53 = arith.constant 0 : i32
      %dma_wait3A_54 = arith.constant 0 : i32
      %dma_wait3A_55 = tpu.memref_slice %arg11[%dma_wait3A_53, %dma_wait3A_54] : memref<200x32xf32, #tpu.memory_space<vmem>> -> memref<125x32xf32, #tpu.memory_space<vmem>>
      tpu.wait_dma2 semaphore(%run_scoped3A : memref<!tpu.dma_semaphore, #tpu.memory_space<semaphore_mem>>) src(%dma_wait3A_55 : memref<125x32xf32, #tpu.memory_space<vmem>>) dst(%dma_wait3A_52 : memref<125x32xf32, #tpu.memory_space<vmem_shared>>)
      tpu.yield
    }) : () -> ()
    %barrier3A = arith.constant 0 : index
    tpu.barrier barrier_id(%barrier3A)
    %mul3A_15 = arith.constant 390 : i32
    %mul3A_16 = arith.muli %arg1, %mul3A_15 : i32
    %min3A = arith.constant 10 : i32
    %min3A_17 = arith.minsi %arg1, %min3A : i32
    %add3A_18 = arith.addi %mul3A_16, %min3A_17 : i32
    %scan3A_19 = arith.constant 0 : i32
    %scan3A_20 = arith.constant 0 : i32
    %scan3A_21 = arith.constant 26 : i32
    %scan3A_22 = arith.addi %scan3A_20, %scan3A_21 : i32
    %scan3A_23 = arith.constant 1 : i32
    %scan3A_24 = scf.for %scan3A_38 = %scan3A_20 to %scan3A_22 step %scan3A_23 iter_args(%scan3A_39 = %scan3A_19) -> (i32)  : i32 {
      %mul3A_40 = arith.constant 15 : i32
      %mul3A_41 = arith.muli %scan3A_38, %mul3A_40 : i32
      %add3A_42 = arith.addi %add3A_18, %mul3A_41 : i32
      %mul3A_43 = arith.constant 128 : i32
      %mul3A_44 = arith.muli %add3A_42, %mul3A_43 : i32
      "tpu.region"() ({
        %run_scoped3A = tpu.sem_alloc : memref<!tpu.dma_semaphore, #tpu.memory_space<semaphore_mem>>
        %dma_start3A = tpu.memref_slice %arg2[%mul3A_44] : memref<1600000xi32, #tpu.memory_space<hbm>> -> memref<1920xi32, #tpu.memory_space<hbm>>
        %dma_start3A_167 = tpu.memref_slice %arg2[%mul3A_44] : memref<1600000xi32, #tpu.memory_space<hbm>> -> memref<1920xi32, #tpu.memory_space<hbm>>
        tpu.enqueue_dma source(%dma_start3A_167 : memref<1920xi32, #tpu.memory_space<hbm>>) target(%arg7 : memref<1920xi32, #tpu.memory_space<vmem>>) target_semaphore(%run_scoped3A : memref<!tpu.dma_semaphore, #tpu.memory_space<semaphore_mem>>)
        %dma_wait3A_168 = tpu.memref_slice %arg2[%mul3A_44] : memref<1600000xi32, #tpu.memory_space<hbm>> -> memref<1920xi32, #tpu.memory_space<hbm>>
        %dma_wait3A_169 = tpu.memref_slice %arg2[%mul3A_44] : memref<1600000xi32, #tpu.memory_space<hbm>> -> memref<1920xi32, #tpu.memory_space<hbm>>
        tpu.wait_dma2 semaphore(%run_scoped3A : memref<!tpu.dma_semaphore, #tpu.memory_space<semaphore_mem>>) src(%dma_wait3A_169 : memref<1920xi32, #tpu.memory_space<hbm>>) dst(%arg7 : memref<1920xi32, #tpu.memory_space<vmem>>)
        tpu.yield
      }) : () -> ()
      %mul3A_45 = arith.constant 128 : i32
      %mul3A_46 = arith.muli %add3A_42, %mul3A_45 : i32
      %add3A_47 = arith.constant 800000 : i32
      %add3A_48 = arith.addi %add3A_47, %mul3A_46 : i32
      "tpu.region"() ({
        %run_scoped3A = tpu.sem_alloc : memref<!tpu.dma_semaphore, #tpu.memory_space<semaphore_mem>>
        %dma_start3A = tpu.memref_slice %arg2[%add3A_48] : memref<1600000xi32, #tpu.memory_space<hbm>> -> memref<1920xi32, #tpu.memory_space<hbm>>
        %dma_start3A_167 = tpu.memref_slice %arg2[%add3A_48] : memref<1600000xi32, #tpu.memory_space<hbm>> -> memref<1920xi32, #tpu.memory_space<hbm>>
        tpu.enqueue_dma source(%dma_start3A_167 : memref<1920xi32, #tpu.memory_space<hbm>>) target(%arg8 : memref<1920xi32, #tpu.memory_space<vmem>>) target_semaphore(%run_scoped3A : memref<!tpu.dma_semaphore, #tpu.memory_space<semaphore_mem>>)
        %dma_wait3A_168 = tpu.memref_slice %arg2[%add3A_48] : memref<1600000xi32, #tpu.memory_space<hbm>> -> memref<1920xi32, #tpu.memory_space<hbm>>
        %dma_wait3A_169 = tpu.memref_slice %arg2[%add3A_48] : memref<1600000xi32, #tpu.memory_space<hbm>> -> memref<1920xi32, #tpu.memory_space<hbm>>
        tpu.wait_dma2 semaphore(%run_scoped3A : memref<!tpu.dma_semaphore, #tpu.memory_space<semaphore_mem>>) src(%dma_wait3A_169 : memref<1920xi32, #tpu.memory_space<hbm>>) dst(%arg8 : memref<1920xi32, #tpu.memory_space<vmem>>)
        tpu.yield
      }) : () -> ()
      %rem3A = arith.constant 0 : i32
      %rem3A_49 = arith.constant 4 : i32
      %rem3A_50 = arith.remsi %rem3A, %rem3A_49 : i32
      %eq3A_51 = arith.constant 0 : i32
      %eq3A_52 = arith.cmpi eq, %arg0, %eq3A_51 : i32
      %convert_element_type3A_53 = arith.extui %eq3A_52 : i1 to i32
      %cond3A_54 = arith.constant 0 : i32
      %cond3A_55 = arith.cmpi ne, %convert_element_type3A_53, %cond3A_54 : i32
      scf.if %cond3A_55 {
        %dma_start3A = arith.constant 0 : i32
        %dma_start3A_167 = arith.constant 0 : i32
        %dma_start3A_168 = tpu.memref_slice %arg10[%rem3A_50, %dma_start3A, %dma_start3A_167] : memref<4x128x32xf32, #tpu.memory_space<vmem>> -> memref<1x128x32xf32, #tpu.memory_space<vmem>>
        %dma_start3A_169 = tpu.memref_squeeze %dma_start3A_168 : memref<1x128x32xf32, #tpu.memory_space<vmem>> -> memref<128x32xf32, #tpu.memory_space<vmem>>
        %dma_start3A_170 = arith.constant 0 : i32
        %dma_start3A_171 = tpu.memref_slice %arg7[%dma_start3A_170] : memref<1920xi32, #tpu.memory_space<vmem>> -> memref<128xi32, #tpu.memory_space<vmem>>
        %dma_start3A_172 = arith.constant 0 : i32
        %dma_start3A_173 = arith.constant 0 : i32
        %dma_start3A_174 = tpu.memref_slice %arg3[%dma_start3A_172, %dma_start3A_173] : memref<50000x32xf32, #tpu.memory_space<hbm>> -> memref<50000x32xf32, #tpu.memory_space<hbm>>
        %dma_start3A_175 = tpu.memref_slice %arg13[%rem3A_50] : memref<4x!tpu.dma_semaphore, #tpu.memory_space<semaphore_mem>> -> memref<1x!tpu.dma_semaphore, #tpu.memory_space<semaphore_mem>>
        %dma_start3A_176 = tpu.memref_squeeze %dma_start3A_175 : memref<1x!tpu.dma_semaphore, #tpu.memory_space<semaphore_mem>> -> memref<!tpu.dma_semaphore, #tpu.memory_space<semaphore_mem>>
        tpu.enqueue_indirect_dma source(%dma_start3A_174 : memref<50000x32xf32, #tpu.memory_space<hbm>>) target(%dma_start3A_169 : memref<128x32xf32, #tpu.memory_space<vmem>>) offsets(%dma_start3A_171 : memref<128xi32, #tpu.memory_space<vmem>>) semaphore(%dma_start3A_176 : memref<!tpu.dma_semaphore, #tpu.memory_space<semaphore_mem>>)
      } else {
      }
      %eq3A_56 = arith.constant 1 : i32
      %eq3A_57 = arith.cmpi eq, %arg0, %eq3A_56 : i32
      %convert_element_type3A_58 = arith.extui %eq3A_57 : i1 to i32
      %cond3A_59 = arith.constant 0 : i32
      %cond3A_60 = arith.cmpi ne, %convert_element_type3A_58, %cond3A_59 : i32
      scf.if %cond3A_60 {
        %dma_start3A = arith.constant 0 : i32
        %dma_start3A_167 = arith.constant 0 : i32
        %dma_start3A_168 = tpu.memref_slice %arg10[%rem3A_50, %dma_start3A, %dma_start3A_167] : memref<4x128x32xf32, #tpu.memory_space<vmem>> -> memref<1x128x32xf32, #tpu.memory_space<vmem>>
        %dma_start3A_169 = tpu.memref_squeeze %dma_start3A_168 : memref<1x128x32xf32, #tpu.memory_space<vmem>> -> memref<128x32xf32, #tpu.memory_space<vmem>>
        %dma_start3A_170 = arith.constant 0 : i32
        %dma_start3A_171 = tpu.memref_slice %arg7[%dma_start3A_170] : memref<1920xi32, #tpu.memory_space<vmem>> -> memref<128xi32, #tpu.memory_space<vmem>>
        %dma_start3A_172 = arith.constant 0 : i32
        %dma_start3A_173 = arith.constant 0 : i32
        %dma_start3A_174 = tpu.memref_slice %arg4[%dma_start3A_172, %dma_start3A_173] : memref<50000x32xf32, #tpu.memory_space<hbm>> -> memref<50000x32xf32, #tpu.memory_space<hbm>>
        %dma_start3A_175 = tpu.memref_slice %arg13[%rem3A_50] : memref<4x!tpu.dma_semaphore, #tpu.memory_space<semaphore_mem>> -> memref<1x!tpu.dma_semaphore, #tpu.memory_space<semaphore_mem>>
        %dma_start3A_176 = tpu.memref_squeeze %dma_start3A_175 : memref<1x!tpu.dma_semaphore, #tpu.memory_space<semaphore_mem>> -> memref<!tpu.dma_semaphore, #tpu.memory_space<semaphore_mem>>
        tpu.enqueue_indirect_dma source(%dma_start3A_174 : memref<50000x32xf32, #tpu.memory_space<hbm>>) target(%dma_start3A_169 : memref<128x32xf32, #tpu.memory_space<vmem>>) offsets(%dma_start3A_171 : memref<128xi32, #tpu.memory_space<vmem>>) semaphore(%dma_start3A_176 : memref<!tpu.dma_semaphore, #tpu.memory_space<semaphore_mem>>)
      } else {
      }
      %rem3A_61 = arith.constant 1 : i32
      %rem3A_62 = arith.constant 4 : i32
      %rem3A_63 = arith.remsi %rem3A_61, %rem3A_62 : i32
      %eq3A_64 = arith.constant 0 : i32
      %eq3A_65 = arith.cmpi eq, %arg0, %eq3A_64 : i32
      %convert_element_type3A_66 = arith.extui %eq3A_65 : i1 to i32
      %cond3A_67 = arith.constant 0 : i32
      %cond3A_68 = arith.cmpi ne, %convert_element_type3A_66, %cond3A_67 : i32
      scf.if %cond3A_68 {
        %dma_start3A = arith.constant 0 : i32
        %dma_start3A_167 = arith.constant 0 : i32
        %dma_start3A_168 = tpu.memref_slice %arg10[%rem3A_63, %dma_start3A, %dma_start3A_167] : memref<4x128x32xf32, #tpu.memory_space<vmem>> -> memref<1x128x32xf32, #tpu.memory_space<vmem>>
        %dma_start3A_169 = tpu.memref_squeeze %dma_start3A_168 : memref<1x128x32xf32, #tpu.memory_space<vmem>> -> memref<128x32xf32, #tpu.memory_space<vmem>>
        %dma_start3A_170 = arith.constant 128 : i32
        %dma_start3A_171 = tpu.memref_slice %arg7[%dma_start3A_170] : memref<1920xi32, #tpu.memory_space<vmem>> -> memref<128xi32, #tpu.memory_space<vmem>>
        %dma_start3A_172 = arith.constant 0 : i32
        %dma_start3A_173 = arith.constant 0 : i32
        %dma_start3A_174 = tpu.memref_slice %arg3[%dma_start3A_172, %dma_start3A_173] : memref<50000x32xf32, #tpu.memory_space<hbm>> -> memref<50000x32xf32, #tpu.memory_space<hbm>>
        %dma_start3A_175 = tpu.memref_slice %arg13[%rem3A_63] : memref<4x!tpu.dma_semaphore, #tpu.memory_space<semaphore_mem>> -> memref<1x!tpu.dma_semaphore, #tpu.memory_space<semaphore_mem>>
        %dma_start3A_176 = tpu.memref_squeeze %dma_start3A_175 : memref<1x!tpu.dma_semaphore, #tpu.memory_space<semaphore_mem>> -> memref<!tpu.dma_semaphore, #tpu.memory_space<semaphore_mem>>
        tpu.enqueue_indirect_dma source(%dma_start3A_174 : memref<50000x32xf32, #tpu.memory_space<hbm>>) target(%dma_start3A_169 : memref<128x32xf32, #tpu.memory_space<vmem>>) offsets(%dma_start3A_171 : memref<128xi32, #tpu.memory_space<vmem>>) semaphore(%dma_start3A_176 : memref<!tpu.dma_semaphore, #tpu.memory_space<semaphore_mem>>)
      } else {
      }
      %eq3A_69 = arith.constant 1 : i32
      %eq3A_70 = arith.cmpi eq, %arg0, %eq3A_69 : i32
      %convert_element_type3A_71 = arith.extui %eq3A_70 : i1 to i32
      %cond3A_72 = arith.constant 0 : i32
      %cond3A_73 = arith.cmpi ne, %convert_element_type3A_71, %cond3A_72 : i32
      scf.if %cond3A_73 {
        %dma_start3A = arith.constant 0 : i32
        %dma_start3A_167 = arith.constant 0 : i32
        %dma_start3A_168 = tpu.memref_slice %arg10[%rem3A_63, %dma_start3A, %dma_start3A_167] : memref<4x128x32xf32, #tpu.memory_space<vmem>> -> memref<1x128x32xf32, #tpu.memory_space<vmem>>
        %dma_start3A_169 = tpu.memref_squeeze %dma_start3A_168 : memref<1x128x32xf32, #tpu.memory_space<vmem>> -> memref<128x32xf32, #tpu.memory_space<vmem>>
        %dma_start3A_170 = arith.constant 128 : i32
        %dma_start3A_171 = tpu.memref_slice %arg7[%dma_start3A_170] : memref<1920xi32, #tpu.memory_space<vmem>> -> memref<128xi32, #tpu.memory_space<vmem>>
        %dma_start3A_172 = arith.constant 0 : i32
        %dma_start3A_173 = arith.constant 0 : i32
        %dma_start3A_174 = tpu.memref_slice %arg4[%dma_start3A_172, %dma_start3A_173] : memref<50000x32xf32, #tpu.memory_space<hbm>> -> memref<50000x32xf32, #tpu.memory_space<hbm>>
        %dma_start3A_175 = tpu.memref_slice %arg13[%rem3A_63] : memref<4x!tpu.dma_semaphore, #tpu.memory_space<semaphore_mem>> -> memref<1x!tpu.dma_semaphore, #tpu.memory_space<semaphore_mem>>
        %dma_start3A_176 = tpu.memref_squeeze %dma_start3A_175 : memref<1x!tpu.dma_semaphore, #tpu.memory_space<semaphore_mem>> -> memref<!tpu.dma_semaphore, #tpu.memory_space<semaphore_mem>>
        tpu.enqueue_indirect_dma source(%dma_start3A_174 : memref<50000x32xf32, #tpu.memory_space<hbm>>) target(%dma_start3A_169 : memref<128x32xf32, #tpu.memory_space<vmem>>) offsets(%dma_start3A_171 : memref<128xi32, #tpu.memory_space<vmem>>) semaphore(%dma_start3A_176 : memref<!tpu.dma_semaphore, #tpu.memory_space<semaphore_mem>>)
      } else {
      }
      %rem3A_74 = arith.constant 2 : i32
      %rem3A_75 = arith.constant 4 : i32
      %rem3A_76 = arith.remsi %rem3A_74, %rem3A_75 : i32
      %eq3A_77 = arith.constant 0 : i32
      %eq3A_78 = arith.cmpi eq, %arg0, %eq3A_77 : i32
      %convert_element_type3A_79 = arith.extui %eq3A_78 : i1 to i32
      %cond3A_80 = arith.constant 0 : i32
      %cond3A_81 = arith.cmpi ne, %convert_element_type3A_79, %cond3A_80 : i32
      scf.if %cond3A_81 {
        %dma_start3A = arith.constant 0 : i32
        %dma_start3A_167 = arith.constant 0 : i32
        %dma_start3A_168 = tpu.memref_slice %arg10[%rem3A_76, %dma_start3A, %dma_start3A_167] : memref<4x128x32xf32, #tpu.memory_space<vmem>> -> memref<1x128x32xf32, #tpu.memory_space<vmem>>
        %dma_start3A_169 = tpu.memref_squeeze %dma_start3A_168 : memref<1x128x32xf32, #tpu.memory_space<vmem>> -> memref<128x32xf32, #tpu.memory_space<vmem>>
        %dma_start3A_170 = arith.constant 256 : i32
        %dma_start3A_171 = tpu.memref_slice %arg7[%dma_start3A_170] : memref<1920xi32, #tpu.memory_space<vmem>> -> memref<128xi32, #tpu.memory_space<vmem>>
        %dma_start3A_172 = arith.constant 0 : i32
        %dma_start3A_173 = arith.constant 0 : i32
        %dma_start3A_174 = tpu.memref_slice %arg3[%dma_start3A_172, %dma_start3A_173] : memref<50000x32xf32, #tpu.memory_space<hbm>> -> memref<50000x32xf32, #tpu.memory_space<hbm>>
        %dma_start3A_175 = tpu.memref_slice %arg13[%rem3A_76] : memref<4x!tpu.dma_semaphore, #tpu.memory_space<semaphore_mem>> -> memref<1x!tpu.dma_semaphore, #tpu.memory_space<semaphore_mem>>
        %dma_start3A_176 = tpu.memref_squeeze %dma_start3A_175 : memref<1x!tpu.dma_semaphore, #tpu.memory_space<semaphore_mem>> -> memref<!tpu.dma_semaphore, #tpu.memory_space<semaphore_mem>>
        tpu.enqueue_indirect_dma source(%dma_start3A_174 : memref<50000x32xf32, #tpu.memory_space<hbm>>) target(%dma_start3A_169 : memref<128x32xf32, #tpu.memory_space<vmem>>) offsets(%dma_start3A_171 : memref<128xi32, #tpu.memory_space<vmem>>) semaphore(%dma_start3A_176 : memref<!tpu.dma_semaphore, #tpu.memory_space<semaphore_mem>>)
      } else {
      }
      %eq3A_82 = arith.constant 1 : i32
      %eq3A_83 = arith.cmpi eq, %arg0, %eq3A_82 : i32
      %convert_element_type3A_84 = arith.extui %eq3A_83 : i1 to i32
      %cond3A_85 = arith.constant 0 : i32
      %cond3A_86 = arith.cmpi ne, %convert_element_type3A_84, %cond3A_85 : i32
      scf.if %cond3A_86 {
        %dma_start3A = arith.constant 0 : i32
        %dma_start3A_167 = arith.constant 0 : i32
        %dma_start3A_168 = tpu.memref_slice %arg10[%rem3A_76, %dma_start3A, %dma_start3A_167] : memref<4x128x32xf32, #tpu.memory_space<vmem>> -> memref<1x128x32xf32, #tpu.memory_space<vmem>>
        %dma_start3A_169 = tpu.memref_squeeze %dma_start3A_168 : memref<1x128x32xf32, #tpu.memory_space<vmem>> -> memref<128x32xf32, #tpu.memory_space<vmem>>
        %dma_start3A_170 = arith.constant 256 : i32
        %dma_start3A_171 = tpu.memref_slice %arg7[%dma_start3A_170] : memref<1920xi32, #tpu.memory_space<vmem>> -> memref<128xi32, #tpu.memory_space<vmem>>
        %dma_start3A_172 = arith.constant 0 : i32
        %dma_start3A_173 = arith.constant 0 : i32
        %dma_start3A_174 = tpu.memref_slice %arg4[%dma_start3A_172, %dma_start3A_173] : memref<50000x32xf32, #tpu.memory_space<hbm>> -> memref<50000x32xf32, #tpu.memory_space<hbm>>
        %dma_start3A_175 = tpu.memref_slice %arg13[%rem3A_76] : memref<4x!tpu.dma_semaphore, #tpu.memory_space<semaphore_mem>> -> memref<1x!tpu.dma_semaphore, #tpu.memory_space<semaphore_mem>>
        %dma_start3A_176 = tpu.memref_squeeze %dma_start3A_175 : memref<1x!tpu.dma_semaphore, #tpu.memory_space<semaphore_mem>> -> memref<!tpu.dma_semaphore, #tpu.memory_space<semaphore_mem>>
        tpu.enqueue_indirect_dma source(%dma_start3A_174 : memref<50000x32xf32, #tpu.memory_space<hbm>>) target(%dma_start3A_169 : memref<128x32xf32, #tpu.memory_space<vmem>>) offsets(%dma_start3A_171 : memref<128xi32, #tpu.memory_space<vmem>>) semaphore(%dma_start3A_176 : memref<!tpu.dma_semaphore, #tpu.memory_space<semaphore_mem>>)
      } else {
      }
      %rem3A_87 = arith.constant 3 : i32
      %rem3A_88 = arith.constant 4 : i32
      %rem3A_89 = arith.remsi %rem3A_87, %rem3A_88 : i32
      %eq3A_90 = arith.constant 0 : i32
      %eq3A_91 = arith.cmpi eq, %arg0, %eq3A_90 : i32
      %convert_element_type3A_92 = arith.extui %eq3A_91 : i1 to i32
      %cond3A_93 = arith.constant 0 : i32
      %cond3A_94 = arith.cmpi ne, %convert_element_type3A_92, %cond3A_93 : i32
      scf.if %cond3A_94 {
        %dma_start3A = arith.constant 0 : i32
        %dma_start3A_167 = arith.constant 0 : i32
        %dma_start3A_168 = tpu.memref_slice %arg10[%rem3A_89, %dma_start3A, %dma_start3A_167] : memref<4x128x32xf32, #tpu.memory_space<vmem>> -> memref<1x128x32xf32, #tpu.memory_space<vmem>>
        %dma_start3A_169 = tpu.memref_squeeze %dma_start3A_168 : memref<1x128x32xf32, #tpu.memory_space<vmem>> -> memref<128x32xf32, #tpu.memory_space<vmem>>
        %dma_start3A_170 = arith.constant 384 : i32
        %dma_start3A_171 = tpu.memref_slice %arg7[%dma_start3A_170] : memref<1920xi32, #tpu.memory_space<vmem>> -> memref<128xi32, #tpu.memory_space<vmem>>
        %dma_start3A_172 = arith.constant 0 : i32
        %dma_start3A_173 = arith.constant 0 : i32
        %dma_start3A_174 = tpu.memref_slice %arg3[%dma_start3A_172, %dma_start3A_173] : memref<50000x32xf32, #tpu.memory_space<hbm>> -> memref<50000x32xf32, #tpu.memory_space<hbm>>
        %dma_start3A_175 = tpu.memref_slice %arg13[%rem3A_89] : memref<4x!tpu.dma_semaphore, #tpu.memory_space<semaphore_mem>> -> memref<1x!tpu.dma_semaphore, #tpu.memory_space<semaphore_mem>>
        %dma_start3A_176 = tpu.memref_squeeze %dma_start3A_175 : memref<1x!tpu.dma_semaphore, #tpu.memory_space<semaphore_mem>> -> memref<!tpu.dma_semaphore, #tpu.memory_space<semaphore_mem>>
        tpu.enqueue_indirect_dma source(%dma_start3A_174 : memref<50000x32xf32, #tpu.memory_space<hbm>>) target(%dma_start3A_169 : memref<128x32xf32, #tpu.memory_space<vmem>>) offsets(%dma_start3A_171 : memref<128xi32, #tpu.memory_space<vmem>>) semaphore(%dma_start3A_176 : memref<!tpu.dma_semaphore, #tpu.memory_space<semaphore_mem>>)
      } else {
      }
      %eq3A_95 = arith.constant 1 : i32
      %eq3A_96 = arith.cmpi eq, %arg0, %eq3A_95 : i32
      %convert_element_type3A_97 = arith.extui %eq3A_96 : i1 to i32
      %cond3A_98 = arith.constant 0 : i32
      %cond3A_99 = arith.cmpi ne, %convert_element_type3A_97, %cond3A_98 : i32
      scf.if %cond3A_99 {
        %dma_start3A = arith.constant 0 : i32
        %dma_start3A_167 = arith.constant 0 : i32
        %dma_start3A_168 = tpu.memref_slice %arg10[%rem3A_89, %dma_start3A, %dma_start3A_167] : memref<4x128x32xf32, #tpu.memory_space<vmem>> -> memref<1x128x32xf32, #tpu.memory_space<vmem>>
        %dma_start3A_169 = tpu.memref_squeeze %dma_start3A_168 : memref<1x128x32xf32, #tpu.memory_space<vmem>> -> memref<128x32xf32, #tpu.memory_space<vmem>>
        %dma_start3A_170 = arith.constant 384 : i32
        %dma_start3A_171 = tpu.memref_slice %arg7[%dma_start3A_170] : memref<1920xi32, #tpu.memory_space<vmem>> -> memref<128xi32, #tpu.memory_space<vmem>>
        %dma_start3A_172 = arith.constant 0 : i32
        %dma_start3A_173 = arith.constant 0 : i32
        %dma_start3A_174 = tpu.memref_slice %arg4[%dma_start3A_172, %dma_start3A_173] : memref<50000x32xf32, #tpu.memory_space<hbm>> -> memref<50000x32xf32, #tpu.memory_space<hbm>>
        %dma_start3A_175 = tpu.memref_slice %arg13[%rem3A_89] : memref<4x!tpu.dma_semaphore, #tpu.memory_space<semaphore_mem>> -> memref<1x!tpu.dma_semaphore, #tpu.memory_space<semaphore_mem>>
        %dma_start3A_176 = tpu.memref_squeeze %dma_start3A_175 : memref<1x!tpu.dma_semaphore, #tpu.memory_space<semaphore_mem>> -> memref<!tpu.dma_semaphore, #tpu.memory_space<semaphore_mem>>
        tpu.enqueue_indirect_dma source(%dma_start3A_174 : memref<50000x32xf32, #tpu.memory_space<hbm>>) target(%dma_start3A_169 : memref<128x32xf32, #tpu.memory_space<vmem>>) offsets(%dma_start3A_171 : memref<128xi32, #tpu.memory_space<vmem>>) semaphore(%dma_start3A_176 : memref<!tpu.dma_semaphore, #tpu.memory_space<semaphore_mem>>)
      } else {
      }
      %scan3A_100 = arith.constant 0 : i32
      %scan3A_101 = arith.constant 0 : i32
      %scan3A_102 = arith.constant 15 : i32
      %scan3A_103 = arith.addi %scan3A_101, %scan3A_102 : i32
      %scan3A_104 = arith.constant 1 : i32
      %scan3A_105 = scf.for %scan3A_167 = %scan3A_101 to %scan3A_103 step %scan3A_104 iter_args(%scan3A_168 = %scan3A_100) -> (i32)  : i32 {
        %rem3A_169 = arith.constant 4 : i32
        %rem3A_170 = arith.remsi %scan3A_167, %rem3A_169 : i32
        %mul3A_171 = arith.constant 128 : i32
        %mul3A_172 = arith.muli %scan3A_167, %mul3A_171 : i32
        %dma_wait3A_173 = arith.constant 0 : i32
        %dma_wait3A_174 = arith.constant 0 : i32
        %dma_wait3A_175 = tpu.memref_slice %arg10[%rem3A_170, %dma_wait3A_173, %dma_wait3A_174] : memref<4x128x32xf32, #tpu.memory_space<vmem>> -> memref<1x128x32xf32, #tpu.memory_space<vmem>>
        %dma_wait3A_176 = tpu.memref_squeeze %dma_wait3A_175 : memref<1x128x32xf32, #tpu.memory_space<vmem>> -> memref<128x32xf32, #tpu.memory_space<vmem>>
        %dma_wait3A_177 = tpu.memref_slice %arg7[%mul3A_172] : memref<1920xi32, #tpu.memory_space<vmem>> -> memref<128xi32, #tpu.memory_space<vmem>>
        %dma_wait3A_178 = arith.constant 0 : i32
        %dma_wait3A_179 = arith.constant 0 : i32
        %dma_wait3A_180 = tpu.memref_slice %arg3[%dma_wait3A_178, %dma_wait3A_179] : memref<50000x32xf32, #tpu.memory_space<hbm>> -> memref<50000x32xf32, #tpu.memory_space<hbm>>
        %dma_wait3A_181 = tpu.memref_slice %arg13[%rem3A_170] : memref<4x!tpu.dma_semaphore, #tpu.memory_space<semaphore_mem>> -> memref<1x!tpu.dma_semaphore, #tpu.memory_space<semaphore_mem>>
        %dma_wait3A_182 = tpu.memref_squeeze %dma_wait3A_181 : memref<1x!tpu.dma_semaphore, #tpu.memory_space<semaphore_mem>> -> memref<!tpu.dma_semaphore, #tpu.memory_space<semaphore_mem>>
        tpu.wait_indirect_dma semaphore(%dma_wait3A_182 : memref<!tpu.dma_semaphore, #tpu.memory_space<semaphore_mem>>) src(%dma_wait3A_180 : memref<50000x32xf32, #tpu.memory_space<hbm>>) dst(%dma_wait3A_176 : memref<128x32xf32, #tpu.memory_space<vmem>>)
        %rem3A_183 = arith.constant 4 : i32
        %rem3A_184 = arith.remsi %scan3A_167, %rem3A_183 : i32
        %mul3A_185 = arith.constant 128 : i32
        %mul3A_186 = arith.muli %scan3A_167, %mul3A_185 : i32
        %add3A_187 = arith.constant 0 : i32
        %add3A_188 = arith.addi %mul3A_186, %add3A_187 : i32
        %get3A = arith.index_cast %add3A_188 : i32 to index
        %get3A_189 = tpu.vector_load %arg8[%get3A] {strides = array<i32>} : memref<1920xi32, #tpu.memory_space<vmem>>, vector<16xi32>,
        %get3A_190 = vector.shape_cast %get3A_189 : vector<16xi32> to vector<16xi32>
        %swap3A = arith.index_cast %rem3A_184 : i32 to index
        %swap3A_191 = arith.constant 0 : index
        %swap3A_192 = tpu.vector_load %arg9[%swap3A, %swap3A_191] {strides = array<i32>} : memref<4x128xi32, #tpu.memory_space<vmem>>, vector<1x16xi32>,
        %swap3A_193 = vector.shape_cast %swap3A_192 : vector<1x16xi32> to vector<16xi32>
        %swap3A_194 = vector.shape_cast %get3A_190 : vector<16xi32> to vector<1x16xi32>
        tpu.vector_store %arg9[%swap3A, %swap3A_191], %swap3A_194 {strides = array<i32>} : memref<4x128xi32, #tpu.memory_space<vmem>>, vector<1x16xi32>,
        %mul3A_195 = arith.constant 128 : i32
        %mul3A_196 = arith.muli %scan3A_167, %mul3A_195 : i32
        %add3A_197 = arith.constant 16 : i32
        %add3A_198 = arith.addi %mul3A_196, %add3A_197 : i32
        %get3A_199 = arith.index_cast %add3A_198 : i32 to index
        %get3A_200 = tpu.vector_load %arg8[%get3A_199] {strides = array<i32>} : memref<1920xi32, #tpu.memory_space<vmem>>, vector<16xi32>,
        %get3A_201 = vector.shape_cast %get3A_200 : vector<16xi32> to vector<16xi32>
        %swap3A_202 = arith.index_cast %rem3A_184 : i32 to index
        %swap3A_203 = arith.constant 16 : index
        %swap3A_204 = tpu.vector_load %arg9[%swap3A_202, %swap3A_203] {strides = array<i32>} : memref<4x128xi32, #tpu.memory_space<vmem>>, vector<1x16xi32>,
        %swap3A_205 = vector.shape_cast %swap3A_204 : vector<1x16xi32> to vector<16xi32>
        %swap3A_206 = vector.shape_cast %get3A_201 : vector<16xi32> to vector<1x16xi32>
        tpu.vector_store %arg9[%swap3A_202, %swap3A_203], %swap3A_206 {strides = array<i32>} : memref<4x128xi32, #tpu.memory_space<vmem>>, vector<1x16xi32>,
        %mul3A_207 = arith.constant 128 : i32
        %mul3A_208 = arith.muli %scan3A_167, %mul3A_207 : i32
        %add3A_209 = arith.constant 32 : i32
        %add3A_210 = arith.addi %mul3A_208, %add3A_209 : i32
        %get3A_211 = arith.index_cast %add3A_210 : i32 to index
        %get3A_212 = tpu.vector_load %arg8[%get3A_211] {strides = array<i32>} : memref<1920xi32, #tpu.memory_space<vmem>>, vector<16xi32>,
        %get3A_213 = vector.shape_cast %get3A_212 : vector<16xi32> to vector<16xi32>
        %swap3A_214 = arith.index_cast %rem3A_184 : i32 to index
        %swap3A_215 = arith.constant 32 : index
        %swap3A_216 = tpu.vector_load %arg9[%swap3A_214, %swap3A_215] {strides = array<i32>} : memref<4x128xi32, #tpu.memory_space<vmem>>, vector<1x16xi32>,
        %swap3A_217 = vector.shape_cast %swap3A_216 : vector<1x16xi32> to vector<16xi32>
        %swap3A_218 = vector.shape_cast %get3A_213 : vector<16xi32> to vector<1x16xi32>
        tpu.vector_store %arg9[%swap3A_214, %swap3A_215], %swap3A_218 {strides = array<i32>} : memref<4x128xi32, #tpu.memory_space<vmem>>, vector<1x16xi32>,
        %mul3A_219 = arith.constant 128 : i32
        %mul3A_220 = arith.muli %scan3A_167, %mul3A_219 : i32
        %add3A_221 = arith.constant 48 : i32
        %add3A_222 = arith.addi %mul3A_220, %add3A_221 : i32
        %get3A_223 = arith.index_cast %add3A_222 : i32 to index
        %get3A_224 = tpu.vector_load %arg8[%get3A_223] {strides = array<i32>} : memref<1920xi32, #tpu.memory_space<vmem>>, vector<16xi32>,
        %get3A_225 = vector.shape_cast %get3A_224 : vector<16xi32> to vector<16xi32>
        %swap3A_226 = arith.index_cast %rem3A_184 : i32 to index
        %swap3A_227 = arith.constant 48 : index
        %swap3A_228 = tpu.vector_load %arg9[%swap3A_226, %swap3A_227] {strides = array<i32>} : memref<4x128xi32, #tpu.memory_space<vmem>>, vector<1x16xi32>,
        %swap3A_229 = vector.shape_cast %swap3A_228 : vector<1x16xi32> to vector<16xi32>
        %swap3A_230 = vector.shape_cast %get3A_225 : vector<16xi32> to vector<1x16xi32>
        tpu.vector_store %arg9[%swap3A_226, %swap3A_227], %swap3A_230 {strides = array<i32>} : memref<4x128xi32, #tpu.memory_space<vmem>>, vector<1x16xi32>,
        %mul3A_231 = arith.constant 128 : i32
        %mul3A_232 = arith.muli %scan3A_167, %mul3A_231 : i32
        %add3A_233 = arith.constant 64 : i32
        %add3A_234 = arith.addi %mul3A_232, %add3A_233 : i32
        %get3A_235 = arith.index_cast %add3A_234 : i32 to index
        %get3A_236 = tpu.vector_load %arg8[%get3A_235] {strides = array<i32>} : memref<1920xi32, #tpu.memory_space<vmem>>, vector<16xi32>,
        %get3A_237 = vector.shape_cast %get3A_236 : vector<16xi32> to vector<16xi32>
        %swap3A_238 = arith.index_cast %rem3A_184 : i32 to index
        %swap3A_239 = arith.constant 64 : index
        %swap3A_240 = tpu.vector_load %arg9[%swap3A_238, %swap3A_239] {strides = array<i32>} : memref<4x128xi32, #tpu.memory_space<vmem>>, vector<1x16xi32>,
        %swap3A_241 = vector.shape_cast %swap3A_240 : vector<1x16xi32> to vector<16xi32>
        %swap3A_242 = vector.shape_cast %get3A_237 : vector<16xi32> to vector<1x16xi32>
        tpu.vector_store %arg9[%swap3A_238, %swap3A_239], %swap3A_242 {strides = array<i32>} : memref<4x128xi32, #tpu.memory_space<vmem>>, vector<1x16xi32>,
        %mul3A_243 = arith.constant 128 : i32
        %mul3A_244 = arith.muli %scan3A_167, %mul3A_243 : i32
        %add3A_245 = arith.constant 80 : i32
        %add3A_246 = arith.addi %mul3A_244, %add3A_245 : i32
        %get3A_247 = arith.index_cast %add3A_246 : i32 to index
        %get3A_248 = tpu.vector_load %arg8[%get3A_247] {strides = array<i32>} : memref<1920xi32, #tpu.memory_space<vmem>>, vector<16xi32>,
        %get3A_249 = vector.shape_cast %get3A_248 : vector<16xi32> to vector<16xi32>
        %swap3A_250 = arith.index_cast %rem3A_184 : i32 to index
        %swap3A_251 = arith.constant 80 : index
        %swap3A_252 = tpu.vector_load %arg9[%swap3A_250, %swap3A_251] {strides = array<i32>} : memref<4x128xi32, #tpu.memory_space<vmem>>, vector<1x16xi32>,
        %swap3A_253 = vector.shape_cast %swap3A_252 : vector<1x16xi32> to vector<16xi32>
        %swap3A_254 = vector.shape_cast %get3A_249 : vector<16xi32> to vector<1x16xi32>
        tpu.vector_store %arg9[%swap3A_250, %swap3A_251], %swap3A_254 {strides = array<i32>} : memref<4x128xi32, #tpu.memory_space<vmem>>, vector<1x16xi32>,
        %mul3A_255 = arith.constant 128 : i32
        %mul3A_256 = arith.muli %scan3A_167, %mul3A_255 : i32
        %add3A_257 = arith.constant 96 : i32
        %add3A_258 = arith.addi %mul3A_256, %add3A_257 : i32
        %get3A_259 = arith.index_cast %add3A_258 : i32 to index
        %get3A_260 = tpu.vector_load %arg8[%get3A_259] {strides = array<i32>} : memref<1920xi32, #tpu.memory_space<vmem>>, vector<16xi32>,
        %get3A_261 = vector.shape_cast %get3A_260 : vector<16xi32> to vector<16xi32>
        %swap3A_262 = arith.index_cast %rem3A_184 : i32 to index
        %swap3A_263 = arith.constant 96 : index
        %swap3A_264 = tpu.vector_load %arg9[%swap3A_262, %swap3A_263] {strides = array<i32>} : memref<4x128xi32, #tpu.memory_space<vmem>>, vector<1x16xi32>,
        %swap3A_265 = vector.shape_cast %swap3A_264 : vector<1x16xi32> to vector<16xi32>
        %swap3A_266 = vector.shape_cast %get3A_261 : vector<16xi32> to vector<1x16xi32>
        tpu.vector_store %arg9[%swap3A_262, %swap3A_263], %swap3A_266 {strides = array<i32>} : memref<4x128xi32, #tpu.memory_space<vmem>>, vector<1x16xi32>,
        %mul3A_267 = arith.constant 128 : i32
        %mul3A_268 = arith.muli %scan3A_167, %mul3A_267 : i32
        %add3A_269 = arith.constant 112 : i32
        %add3A_270 = arith.addi %mul3A_268, %add3A_269 : i32
        %get3A_271 = arith.index_cast %add3A_270 : i32 to index
        %get3A_272 = tpu.vector_load %arg8[%get3A_271] {strides = array<i32>} : memref<1920xi32, #tpu.memory_space<vmem>>, vector<16xi32>,
        %get3A_273 = vector.shape_cast %get3A_272 : vector<16xi32> to vector<16xi32>
        %swap3A_274 = arith.index_cast %rem3A_184 : i32 to index
        %swap3A_275 = arith.constant 112 : index
        %swap3A_276 = tpu.vector_load %arg9[%swap3A_274, %swap3A_275] {strides = array<i32>} : memref<4x128xi32, #tpu.memory_space<vmem>>, vector<1x16xi32>,
        %swap3A_277 = vector.shape_cast %swap3A_276 : vector<1x16xi32> to vector<16xi32>
        %swap3A_278 = vector.shape_cast %get3A_273 : vector<16xi32> to vector<1x16xi32>
        tpu.vector_store %arg9[%swap3A_274, %swap3A_275], %swap3A_278 {strides = array<i32>} : memref<4x128xi32, #tpu.memory_space<vmem>>, vector<1x16xi32>,
        %rem3A_279 = arith.constant 4 : i32
        %rem3A_280 = arith.remsi %scan3A_167, %rem3A_279 : i32
        %dma_start3A = arith.constant 0 : i32
        %dma_start3A_281 = arith.constant 0 : i32
        %dma_start3A_282 = tpu.memref_slice %arg10[%rem3A_280, %dma_start3A, %dma_start3A_281] : memref<4x128x32xf32, #tpu.memory_space<vmem>> -> memref<1x128x32xf32, #tpu.memory_space<vmem>>
        %dma_start3A_283 = tpu.memref_squeeze %dma_start3A_282 : memref<1x128x32xf32, #tpu.memory_space<vmem>> -> memref<128x32xf32, #tpu.memory_space<vmem>>
        %dma_start3A_284 = arith.constant 0 : i32
        %dma_start3A_285 = tpu.memref_slice %arg9[%rem3A_280, %dma_start3A_284] : memref<4x128xi32, #tpu.memory_space<vmem>> -> memref<1x128xi32, #tpu.memory_space<vmem>>
        %dma_start3A_286 = tpu.memref_squeeze %dma_start3A_285 : memref<1x128xi32, #tpu.memory_space<vmem>> -> memref<128xi32, #tpu.memory_space<vmem>>
        %dma_start3A_287 = arith.constant 0 : i32
        %dma_start3A_288 = arith.constant 0 : i32
        %dma_start3A_289 = tpu.memref_slice %arg12[%dma_start3A_287, %dma_start3A_288] : memref<50000x32xf32, #tpu.memory_space<vmem_shared>> -> memref<50000x32xf32, #tpu.memory_space<vmem_shared>>
        %dma_start3A_290 = tpu.memref_slice %arg14[%rem3A_280] : memref<4x!tpu.dma_semaphore, #tpu.memory_space<semaphore_mem>> -> memref<1x!tpu.dma_semaphore, #tpu.memory_space<semaphore_mem>>
        %dma_start3A_291 = tpu.memref_squeeze %dma_start3A_290 : memref<1x!tpu.dma_semaphore, #tpu.memory_space<semaphore_mem>> -> memref<!tpu.dma_semaphore, #tpu.memory_space<semaphore_mem>>
        tpu.enqueue_indirect_dma source(%dma_start3A_283 : memref<128x32xf32, #tpu.memory_space<vmem>>) target(%dma_start3A_289 : memref<50000x32xf32, #tpu.memory_space<vmem_shared>>) offsets(%dma_start3A_286 : memref<128xi32, #tpu.memory_space<vmem>>) semaphore(%dma_start3A_291 : memref<!tpu.dma_semaphore, #tpu.memory_space<semaphore_mem>>) {add = true}
        %add3A_292 = arith.constant 4 : i32
        %add3A_293 = arith.addi %scan3A_167, %add3A_292 : i32
        %lt3A_294 = arith.constant 15 : i32
        %lt3A_295 = arith.cmpi slt, %add3A_293, %lt3A_294 : i32
        %convert_element_type3A_296 = arith.extui %lt3A_295 : i1 to i32
        %cond3A_297 = arith.constant 0 : i32
        %cond3A_298 = arith.cmpi ne, %convert_element_type3A_296, %cond3A_297 : i32
        scf.if %cond3A_298 {
          %rem3A_300 = arith.constant 4 : i32
          %rem3A_301 = arith.remsi %scan3A_167, %rem3A_300 : i32
          %dma_wait3A_302 = arith.constant 0 : i32
          %dma_wait3A_303 = arith.constant 0 : i32
          %dma_wait3A_304 = tpu.memref_slice %arg10[%rem3A_301, %dma_wait3A_302, %dma_wait3A_303] : memref<4x128x32xf32, #tpu.memory_space<vmem>> -> memref<1x128x32xf32, #tpu.memory_space<vmem>>
          %dma_wait3A_305 = tpu.memref_squeeze %dma_wait3A_304 : memref<1x128x32xf32, #tpu.memory_space<vmem>> -> memref<128x32xf32, #tpu.memory_space<vmem>>
          %dma_wait3A_306 = arith.constant 0 : i32
          %dma_wait3A_307 = tpu.memref_slice %arg9[%rem3A_301, %dma_wait3A_306] : memref<4x128xi32, #tpu.memory_space<vmem>> -> memref<1x128xi32, #tpu.memory_space<vmem>>
          %dma_wait3A_308 = tpu.memref_squeeze %dma_wait3A_307 : memref<1x128xi32, #tpu.memory_space<vmem>> -> memref<128xi32, #tpu.memory_space<vmem>>
          %dma_wait3A_309 = arith.constant 0 : i32
          %dma_wait3A_310 = arith.constant 0 : i32
          %dma_wait3A_311 = tpu.memref_slice %arg12[%dma_wait3A_309, %dma_wait3A_310] : memref<50000x32xf32, #tpu.memory_space<vmem_shared>> -> memref<50000x32xf32, #tpu.memory_space<vmem_shared>>
          %dma_wait3A_312 = tpu.memref_slice %arg14[%rem3A_301] : memref<4x!tpu.dma_semaphore, #tpu.memory_space<semaphore_mem>> -> memref<1x!tpu.dma_semaphore, #tpu.memory_space<semaphore_mem>>
          %dma_wait3A_313 = tpu.memref_squeeze %dma_wait3A_312 : memref<1x!tpu.dma_semaphore, #tpu.memory_space<semaphore_mem>> -> memref<!tpu.dma_semaphore, #tpu.memory_space<semaphore_mem>>
          tpu.wait_indirect_dma semaphore(%dma_wait3A_313 : memref<!tpu.dma_semaphore, #tpu.memory_space<semaphore_mem>>) src(%dma_wait3A_305 : memref<128x32xf32, #tpu.memory_space<vmem>>) dst(%dma_wait3A_311 : memref<50000x32xf32, #tpu.memory_space<vmem_shared>>)
          %add3A_314 = arith.constant 4 : i32
          %add3A_315 = arith.addi %scan3A_167, %add3A_314 : i32
          %rem3A_316 = arith.constant 4 : i32
          %rem3A_317 = arith.remsi %add3A_315, %rem3A_316 : i32
          %eq3A_318 = arith.constant 0 : i32
          %eq3A_319 = arith.cmpi eq, %arg0, %eq3A_318 : i32
          %convert_element_type3A_320 = arith.extui %eq3A_319 : i1 to i32
          %cond3A_321 = arith.constant 0 : i32
          %cond3A_322 = arith.cmpi ne, %convert_element_type3A_320, %cond3A_321 : i32
          scf.if %cond3A_322 {
            %mul3A_328 = arith.constant 128 : i32
            %mul3A_329 = arith.muli %add3A_315, %mul3A_328 : i32
            %dma_start3A_330 = arith.constant 0 : i32
            %dma_start3A_331 = arith.constant 0 : i32
            %dma_start3A_332 = tpu.memref_slice %arg10[%rem3A_317, %dma_start3A_330, %dma_start3A_331] : memref<4x128x32xf32, #tpu.memory_space<vmem>> -> memref<1x128x32xf32, #tpu.memory_space<vmem>>
            %dma_start3A_333 = tpu.memref_squeeze %dma_start3A_332 : memref<1x128x32xf32, #tpu.memory_space<vmem>> -> memref<128x32xf32, #tpu.memory_space<vmem>>
            %dma_start3A_334 = tpu.memref_slice %arg7[%mul3A_329] : memref<1920xi32, #tpu.memory_space<vmem>> -> memref<128xi32, #tpu.memory_space<vmem>>
            %dma_start3A_335 = arith.constant 0 : i32
            %dma_start3A_336 = arith.constant 0 : i32
            %dma_start3A_337 = tpu.memref_slice %arg3[%dma_start3A_335, %dma_start3A_336] : memref<50000x32xf32, #tpu.memory_space<hbm>> -> memref<50000x32xf32, #tpu.memory_space<hbm>>
            %dma_start3A_338 = tpu.memref_slice %arg13[%rem3A_317] : memref<4x!tpu.dma_semaphore, #tpu.memory_space<semaphore_mem>> -> memref<1x!tpu.dma_semaphore, #tpu.memory_space<semaphore_mem>>
            %dma_start3A_339 = tpu.memref_squeeze %dma_start3A_338 : memref<1x!tpu.dma_semaphore, #tpu.memory_space<semaphore_mem>> -> memref<!tpu.dma_semaphore, #tpu.memory_space<semaphore_mem>>
            tpu.enqueue_indirect_dma source(%dma_start3A_337 : memref<50000x32xf32, #tpu.memory_space<hbm>>) target(%dma_start3A_333 : memref<128x32xf32, #tpu.memory_space<vmem>>) offsets(%dma_start3A_334 : memref<128xi32, #tpu.memory_space<vmem>>) semaphore(%dma_start3A_339 : memref<!tpu.dma_semaphore, #tpu.memory_space<semaphore_mem>>)
          } else {
          }
          %eq3A_323 = arith.constant 1 : i32
          %eq3A_324 = arith.cmpi eq, %arg0, %eq3A_323 : i32
          %convert_element_type3A_325 = arith.extui %eq3A_324 : i1 to i32
          %cond3A_326 = arith.constant 0 : i32
          %cond3A_327 = arith.cmpi ne, %convert_element_type3A_325, %cond3A_326 : i32
          scf.if %cond3A_327 {
            %mul3A_328 = arith.constant 128 : i32
            %mul3A_329 = arith.muli %add3A_315, %mul3A_328 : i32
            %dma_start3A_330 = arith.constant 0 : i32
            %dma_start3A_331 = arith.constant 0 : i32
            %dma_start3A_332 = tpu.memref_slice %arg10[%rem3A_317, %dma_start3A_330, %dma_start3A_331] : memref<4x128x32xf32, #tpu.memory_space<vmem>> -> memref<1x128x32xf32, #tpu.memory_space<vmem>>
            %dma_start3A_333 = tpu.memref_squeeze %dma_start3A_332 : memref<1x128x32xf32, #tpu.memory_space<vmem>> -> memref<128x32xf32, #tpu.memory_space<vmem>>
            %dma_start3A_334 = tpu.memref_slice %arg7[%mul3A_329] : memref<1920xi32, #tpu.memory_space<vmem>> -> memref<128xi32, #tpu.memory_space<vmem>>
            %dma_start3A_335 = arith.constant 0 : i32
            %dma_start3A_336 = arith.constant 0 : i32
            %dma_start3A_337 = tpu.memref_slice %arg4[%dma_start3A_335, %dma_start3A_336] : memref<50000x32xf32, #tpu.memory_space<hbm>> -> memref<50000x32xf32, #tpu.memory_space<hbm>>
            %dma_start3A_338 = tpu.memref_slice %arg13[%rem3A_317] : memref<4x!tpu.dma_semaphore, #tpu.memory_space<semaphore_mem>> -> memref<1x!tpu.dma_semaphore, #tpu.memory_space<semaphore_mem>>
            %dma_start3A_339 = tpu.memref_squeeze %dma_start3A_338 : memref<1x!tpu.dma_semaphore, #tpu.memory_space<semaphore_mem>> -> memref<!tpu.dma_semaphore, #tpu.memory_space<semaphore_mem>>
            tpu.enqueue_indirect_dma source(%dma_start3A_337 : memref<50000x32xf32, #tpu.memory_space<hbm>>) target(%dma_start3A_333 : memref<128x32xf32, #tpu.memory_space<vmem>>) offsets(%dma_start3A_334 : memref<128xi32, #tpu.memory_space<vmem>>) semaphore(%dma_start3A_339 : memref<!tpu.dma_semaphore, #tpu.memory_space<semaphore_mem>>)
          } else {
          }
        } else {
        }
        %scan3A_299 = arith.constant 0 : i32
        scf.yield %scan3A_299 : i32
      }
      %scan3A_106 = arith.constant 15 : i32
      %rem3A_107 = arith.constant 11 : i32
      %rem3A_108 = arith.constant 4 : i32
      %rem3A_109 = arith.remsi %rem3A_107, %rem3A_108 : i32
      %dma_wait3A = arith.constant 0 : i32
      %dma_wait3A_110 = arith.constant 0 : i32
      %dma_wait3A_111 = tpu.memref_slice %arg10[%rem3A_109, %dma_wait3A, %dma_wait3A_110] : memref<4x128x32xf32, #tpu.memory_space<vmem>> -> memref<1x128x32xf32, #tpu.memory_space<vmem>>
      %dma_wait3A_112 = tpu.memref_squeeze %dma_wait3A_111 : memref<1x128x32xf32, #tpu.memory_space<vmem>> -> memref<128x32xf32, #tpu.memory_space<vmem>>
      %dma_wait3A_113 = arith.constant 0 : i32
      %dma_wait3A_114 = tpu.memref_slice %arg9[%rem3A_109, %dma_wait3A_113] : memref<4x128xi32, #tpu.memory_space<vmem>> -> memref<1x128xi32, #tpu.memory_space<vmem>>
      %dma_wait3A_115 = tpu.memref_squeeze %dma_wait3A_114 : memref<1x128xi32, #tpu.memory_space<vmem>> -> memref<128xi32, #tpu.memory_space<vmem>>
      %dma_wait3A_116 = arith.constant 0 : i32
      %dma_wait3A_117 = arith.constant 0 : i32
      %dma_wait3A_118 = tpu.memref_slice %arg12[%dma_wait3A_116, %dma_wait3A_117] : memref<50000x32xf32, #tpu.memory_space<vmem_shared>> -> memref<50000x32xf32, #tpu.memory_space<vmem_shared>>
      %dma_wait3A_119 = tpu.memref_slice %arg14[%rem3A_109] : memref<4x!tpu.dma_semaphore, #tpu.memory_space<semaphore_mem>> -> memref<1x!tpu.dma_semaphore, #tpu.memory_space<semaphore_mem>>
      %dma_wait3A_120 = tpu.memref_squeeze %dma_wait3A_119 : memref<1x!tpu.dma_semaphore, #tpu.memory_space<semaphore_mem>> -> memref<!tpu.dma_semaphore, #tpu.memory_space<semaphore_mem>>
      tpu.wait_indirect_dma semaphore(%dma_wait3A_120 : memref<!tpu.dma_semaphore, #tpu.memory_space<semaphore_mem>>) src(%dma_wait3A_112 : memref<128x32xf32, #tpu.memory_space<vmem>>) dst(%dma_wait3A_118 : memref<50000x32xf32, #tpu.memory_space<vmem_shared>>)
      %rem3A_121 = arith.constant 12 : i32
      %rem3A_122 = arith.constant 4 : i32
      %rem3A_123 = arith.remsi %rem3A_121, %rem3A_122 : i32
      %dma_wait3A_124 = arith.constant 0 : i32
      %dma_wait3A_125 = arith.constant 0 : i32
      %dma_wait3A_126 = tpu.memref_slice %arg10[%rem3A_123, %dma_wait3A_124, %dma_wait3A_125] : memref<4x128x32xf32, #tpu.memory_space<vmem>> -> memref<1x128x32xf32, #tpu.memory_space<vmem>>
      %dma_wait3A_127 = tpu.memref_squeeze %dma_wait3A_126 : memref<1x128x32xf32, #tpu.memory_space<vmem>> -> memref<128x32xf32, #tpu.memory_space<vmem>>
      %dma_wait3A_128 = arith.constant 0 : i32
      %dma_wait3A_129 = tpu.memref_slice %arg9[%rem3A_123, %dma_wait3A_128] : memref<4x128xi32, #tpu.memory_space<vmem>> -> memref<1x128xi32, #tpu.memory_space<vmem>>
      %dma_wait3A_130 = tpu.memref_squeeze %dma_wait3A_129 : memref<1x128xi32, #tpu.memory_space<vmem>> -> memref<128xi32, #tpu.memory_space<vmem>>
      %dma_wait3A_131 = arith.constant 0 : i32
      %dma_wait3A_132 = arith.constant 0 : i32
      %dma_wait3A_133 = tpu.memref_slice %arg12[%dma_wait3A_131, %dma_wait3A_132] : memref<50000x32xf32, #tpu.memory_space<vmem_shared>> -> memref<50000x32xf32, #tpu.memory_space<vmem_shared>>
      %dma_wait3A_134 = tpu.memref_slice %arg14[%rem3A_123] : memref<4x!tpu.dma_semaphore, #tpu.memory_space<semaphore_mem>> -> memref<1x!tpu.dma_semaphore, #tpu.memory_space<semaphore_mem>>
      %dma_wait3A_135 = tpu.memref_squeeze %dma_wait3A_134 : memref<1x!tpu.dma_semaphore, #tpu.memory_space<semaphore_mem>> -> memref<!tpu.dma_semaphore, #tpu.memory_space<semaphore_mem>>
      tpu.wait_indirect_dma semaphore(%dma_wait3A_135 : memref<!tpu.dma_semaphore, #tpu.memory_space<semaphore_mem>>) src(%dma_wait3A_127 : memref<128x32xf32, #tpu.memory_space<vmem>>) dst(%dma_wait3A_133 : memref<50000x32xf32, #tpu.memory_space<vmem_shared>>)
      %rem3A_136 = arith.constant 13 : i32
      %rem3A_137 = arith.constant 4 : i32
      %rem3A_138 = arith.remsi %rem3A_136, %rem3A_137 : i32
      %dma_wait3A_139 = arith.constant 0 : i32
      %dma_wait3A_140 = arith.constant 0 : i32
      %dma_wait3A_141 = tpu.memref_slice %arg10[%rem3A_138, %dma_wait3A_139, %dma_wait3A_140] : memref<4x128x32xf32, #tpu.memory_space<vmem>> -> memref<1x128x32xf32, #tpu.memory_space<vmem>>
      %dma_wait3A_142 = tpu.memref_squeeze %dma_wait3A_141 : memref<1x128x32xf32, #tpu.memory_space<vmem>> -> memref<128x32xf32, #tpu.memory_space<vmem>>
      %dma_wait3A_143 = arith.constant 0 : i32
      %dma_wait3A_144 = tpu.memref_slice %arg9[%rem3A_138, %dma_wait3A_143] : memref<4x128xi32, #tpu.memory_space<vmem>> -> memref<1x128xi32, #tpu.memory_space<vmem>>
      %dma_wait3A_145 = tpu.memref_squeeze %dma_wait3A_144 : memref<1x128xi32, #tpu.memory_space<vmem>> -> memref<128xi32, #tpu.memory_space<vmem>>
      %dma_wait3A_146 = arith.constant 0 : i32
      %dma_wait3A_147 = arith.constant 0 : i32
      %dma_wait3A_148 = tpu.memref_slice %arg12[%dma_wait3A_146, %dma_wait3A_147] : memref<50000x32xf32, #tpu.memory_space<vmem_shared>> -> memref<50000x32xf32, #tpu.memory_space<vmem_shared>>
      %dma_wait3A_149 = tpu.memref_slice %arg14[%rem3A_138] : memref<4x!tpu.dma_semaphore, #tpu.memory_space<semaphore_mem>> -> memref<1x!tpu.dma_semaphore, #tpu.memory_space<semaphore_mem>>
      %dma_wait3A_150 = tpu.memref_squeeze %dma_wait3A_149 : memref<1x!tpu.dma_semaphore, #tpu.memory_space<semaphore_mem>> -> memref<!tpu.dma_semaphore, #tpu.memory_space<semaphore_mem>>
      tpu.wait_indirect_dma semaphore(%dma_wait3A_150 : memref<!tpu.dma_semaphore, #tpu.memory_space<semaphore_mem>>) src(%dma_wait3A_142 : memref<128x32xf32, #tpu.memory_space<vmem>>) dst(%dma_wait3A_148 : memref<50000x32xf32, #tpu.memory_space<vmem_shared>>)
      %rem3A_151 = arith.constant 14 : i32
      %rem3A_152 = arith.constant 4 : i32
      %rem3A_153 = arith.remsi %rem3A_151, %rem3A_152 : i32
      %dma_wait3A_154 = arith.constant 0 : i32
      %dma_wait3A_155 = arith.constant 0 : i32
      %dma_wait3A_156 = tpu.memref_slice %arg10[%rem3A_153, %dma_wait3A_154, %dma_wait3A_155] : memref<4x128x32xf32, #tpu.memory_space<vmem>> -> memref<1x128x32xf32, #tpu.memory_space<vmem>>
      %dma_wait3A_157 = tpu.memref_squeeze %dma_wait3A_156 : memref<1x128x32xf32, #tpu.memory_space<vmem>> -> memref<128x32xf32, #tpu.memory_space<vmem>>
      %dma_wait3A_158 = arith.constant 0 : i32
      %dma_wait3A_159 = tpu.memref_slice %arg9[%rem3A_153, %dma_wait3A_158] : memref<4x128xi32, #tpu.memory_space<vmem>> -> memref<1x128xi32, #tpu.memory_space<vmem>>
      %dma_wait3A_160 = tpu.memref_squeeze %dma_wait3A_159 : memref<1x128xi32, #tpu.memory_space<vmem>> -> memref<128xi32, #tpu.memory_space<vmem>>
      %dma_wait3A_161 = arith.constant 0 : i32
      %dma_wait3A_162 = arith.constant 0 : i32
      %dma_wait3A_163 = tpu.memref_slice %arg12[%dma_wait3A_161, %dma_wait3A_162] : memref<50000x32xf32, #tpu.memory_space<vmem_shared>> -> memref<50000x32xf32, #tpu.memory_space<vmem_shared>>
      %dma_wait3A_164 = tpu.memref_slice %arg14[%rem3A_153] : memref<4x!tpu.dma_semaphore, #tpu.memory_space<semaphore_mem>> -> memref<1x!tpu.dma_semaphore, #tpu.memory_space<semaphore_mem>>
      %dma_wait3A_165 = tpu.memref_squeeze %dma_wait3A_164 : memref<1x!tpu.dma_semaphore, #tpu.memory_space<semaphore_mem>> -> memref<!tpu.dma_semaphore, #tpu.memory_space<semaphore_mem>>
      tpu.wait_indirect_dma semaphore(%dma_wait3A_165 : memref<!tpu.dma_semaphore, #tpu.memory_space<semaphore_mem>>) src(%dma_wait3A_157 : memref<128x32xf32, #tpu.memory_space<vmem>>) dst(%dma_wait3A_163 : memref<50000x32xf32, #tpu.memory_space<vmem_shared>>)
      %scan3A_166 = arith.constant 0 : i32
      scf.yield %scan3A_166 : i32
    }
    %scan3A_25 = arith.constant 26 : i32
    %lt3A = arith.constant 10 : i32
    %lt3A_26 = arith.cmpi slt, %arg1, %lt3A : i32
    %convert_element_type3A = arith.extui %lt3A_26 : i1 to i32
    %cond3A = arith.constant 0 : i32
    %cond3A_27 = arith.cmpi ne, %convert_element_type3A, %cond3A : i32
    scf.if %cond3A_27 {
      %add3A_38 = arith.constant 390 : i32
      %add3A_39 = arith.addi %add3A_18, %add3A_38 : i32
      %mul3A_40 = arith.constant 128 : i32
      %mul3A_41 = arith.muli %add3A_39, %mul3A_40 : i32
      "tpu.region"() ({
        %run_scoped3A_121 = tpu.sem_alloc : memref<!tpu.dma_semaphore, #tpu.memory_space<semaphore_mem>>
        %dma_start3A = arith.constant 0 : i32
        %dma_start3A_122 = tpu.memref_slice %arg7[%dma_start3A] : memref<1920xi32, #tpu.memory_space<vmem>> -> memref<128xi32, #tpu.memory_space<vmem>>
        %dma_start3A_123 = tpu.memref_slice %arg2[%mul3A_41] : memref<1600000xi32, #tpu.memory_space<hbm>> -> memref<128xi32, #tpu.memory_space<hbm>>
        %dma_start3A_124 = arith.constant 0 : i32
        %dma_start3A_125 = tpu.memref_slice %arg7[%dma_start3A_124] : memref<1920xi32, #tpu.memory_space<vmem>> -> memref<128xi32, #tpu.memory_space<vmem>>
        %dma_start3A_126 = tpu.memref_slice %arg2[%mul3A_41] : memref<1600000xi32, #tpu.memory_space<hbm>> -> memref<128xi32, #tpu.memory_space<hbm>>
        tpu.enqueue_dma source(%dma_start3A_126 : memref<128xi32, #tpu.memory_space<hbm>>) target(%dma_start3A_125 : memref<128xi32, #tpu.memory_space<vmem>>) target_semaphore(%run_scoped3A_121 : memref<!tpu.dma_semaphore, #tpu.memory_space<semaphore_mem>>)
        %dma_wait3A = arith.constant 0 : i32
        %dma_wait3A_127 = tpu.memref_slice %arg7[%dma_wait3A] : memref<1920xi32, #tpu.memory_space<vmem>> -> memref<128xi32, #tpu.memory_space<vmem>>
        %dma_wait3A_128 = tpu.memref_slice %arg2[%mul3A_41] : memref<1600000xi32, #tpu.memory_space<hbm>> -> memref<128xi32, #tpu.memory_space<hbm>>
        %dma_wait3A_129 = arith.constant 0 : i32
        %dma_wait3A_130 = tpu.memref_slice %arg7[%dma_wait3A_129] : memref<1920xi32, #tpu.memory_space<vmem>> -> memref<128xi32, #tpu.memory_space<vmem>>
        %dma_wait3A_131 = tpu.memref_slice %arg2[%mul3A_41] : memref<1600000xi32, #tpu.memory_space<hbm>> -> memref<128xi32, #tpu.memory_space<hbm>>
        tpu.wait_dma2 semaphore(%run_scoped3A_121 : memref<!tpu.dma_semaphore, #tpu.memory_space<semaphore_mem>>) src(%dma_wait3A_131 : memref<128xi32, #tpu.memory_space<hbm>>) dst(%dma_wait3A_130 : memref<128xi32, #tpu.memory_space<vmem>>)
        tpu.yield
      }) : () -> ()
      %mul3A_42 = arith.constant 128 : i32
      %mul3A_43 = arith.muli %add3A_39, %mul3A_42 : i32
      %add3A_44 = arith.constant 800000 : i32
      %add3A_45 = arith.addi %add3A_44, %mul3A_43 : i32
      "tpu.region"() ({
        %run_scoped3A_121 = tpu.sem_alloc : memref<!tpu.dma_semaphore, #tpu.memory_space<semaphore_mem>>
        %dma_start3A = arith.constant 0 : i32
        %dma_start3A_122 = tpu.memref_slice %arg8[%dma_start3A] : memref<1920xi32, #tpu.memory_space<vmem>> -> memref<128xi32, #tpu.memory_space<vmem>>
        %dma_start3A_123 = tpu.memref_slice %arg2[%add3A_45] : memref<1600000xi32, #tpu.memory_space<hbm>> -> memref<128xi32, #tpu.memory_space<hbm>>
        %dma_start3A_124 = arith.constant 0 : i32
        %dma_start3A_125 = tpu.memref_slice %arg8[%dma_start3A_124] : memref<1920xi32, #tpu.memory_space<vmem>> -> memref<128xi32, #tpu.memory_space<vmem>>
        %dma_start3A_126 = tpu.memref_slice %arg2[%add3A_45] : memref<1600000xi32, #tpu.memory_space<hbm>> -> memref<128xi32, #tpu.memory_space<hbm>>
        tpu.enqueue_dma source(%dma_start3A_126 : memref<128xi32, #tpu.memory_space<hbm>>) target(%dma_start3A_125 : memref<128xi32, #tpu.memory_space<vmem>>) target_semaphore(%run_scoped3A_121 : memref<!tpu.dma_semaphore, #tpu.memory_space<semaphore_mem>>)
        %dma_wait3A = arith.constant 0 : i32
        %dma_wait3A_127 = tpu.memref_slice %arg8[%dma_wait3A] : memref<1920xi32, #tpu.memory_space<vmem>> -> memref<128xi32, #tpu.memory_space<vmem>>
        %dma_wait3A_128 = tpu.memref_slice %arg2[%add3A_45] : memref<1600000xi32, #tpu.memory_space<hbm>> -> memref<128xi32, #tpu.memory_space<hbm>>
        %dma_wait3A_129 = arith.constant 0 : i32
        %dma_wait3A_130 = tpu.memref_slice %arg8[%dma_wait3A_129] : memref<1920xi32, #tpu.memory_space<vmem>> -> memref<128xi32, #tpu.memory_space<vmem>>
        %dma_wait3A_131 = tpu.memref_slice %arg2[%add3A_45] : memref<1600000xi32, #tpu.memory_space<hbm>> -> memref<128xi32, #tpu.memory_space<hbm>>
        tpu.wait_dma2 semaphore(%run_scoped3A_121 : memref<!tpu.dma_semaphore, #tpu.memory_space<semaphore_mem>>) src(%dma_wait3A_131 : memref<128xi32, #tpu.memory_space<hbm>>) dst(%dma_wait3A_130 : memref<128xi32, #tpu.memory_space<vmem>>)
        tpu.yield
      }) : () -> ()
      %eq3A_46 = arith.constant 0 : i32
      %eq3A_47 = arith.cmpi eq, %arg0, %eq3A_46 : i32
      %convert_element_type3A_48 = arith.extui %eq3A_47 : i1 to i32
      %cond3A_49 = arith.constant 0 : i32
      %cond3A_50 = arith.cmpi ne, %convert_element_type3A_48, %cond3A_49 : i32
      scf.if %cond3A_50 {
        %dma_start3A = arith.constant 0 : i32
        %dma_start3A_121 = arith.constant 0 : i32
        %dma_start3A_122 = arith.constant 0 : i32
        %dma_start3A_123 = tpu.memref_slice %arg10[%dma_start3A, %dma_start3A_121, %dma_start3A_122] : memref<4x128x32xf32, #tpu.memory_space<vmem>> -> memref<1x128x32xf32, #tpu.memory_space<vmem>>
        %dma_start3A_124 = tpu.memref_squeeze %dma_start3A_123 : memref<1x128x32xf32, #tpu.memory_space<vmem>> -> memref<128x32xf32, #tpu.memory_space<vmem>>
        %dma_start3A_125 = arith.constant 0 : i32
        %dma_start3A_126 = tpu.memref_slice %arg7[%dma_start3A_125] : memref<1920xi32, #tpu.memory_space<vmem>> -> memref<128xi32, #tpu.memory_space<vmem>>
        %dma_start3A_127 = arith.constant 0 : i32
        %dma_start3A_128 = arith.constant 0 : i32
        %dma_start3A_129 = tpu.memref_slice %arg3[%dma_start3A_127, %dma_start3A_128] : memref<50000x32xf32, #tpu.memory_space<hbm>> -> memref<50000x32xf32, #tpu.memory_space<hbm>>
        tpu.enqueue_indirect_dma source(%dma_start3A_129 : memref<50000x32xf32, #tpu.memory_space<hbm>>) target(%dma_start3A_124 : memref<128x32xf32, #tpu.memory_space<vmem>>) offsets(%dma_start3A_126 : memref<128xi32, #tpu.memory_space<vmem>>) semaphore(%arg15 : memref<!tpu.dma_semaphore, #tpu.memory_space<semaphore_mem>>)
        %dma_wait3A = arith.constant 0 : i32
        %dma_wait3A_130 = arith.constant 0 : i32
        %dma_wait3A_131 = arith.constant 0 : i32
        %dma_wait3A_132 = tpu.memref_slice %arg10[%dma_wait3A, %dma_wait3A_130, %dma_wait3A_131] : memref<4x128x32xf32, #tpu.memory_space<vmem>> -> memref<1x128x32xf32, #tpu.memory_space<vmem>>
        %dma_wait3A_133 = tpu.memref_squeeze %dma_wait3A_132 : memref<1x128x32xf32, #tpu.memory_space<vmem>> -> memref<128x32xf32, #tpu.memory_space<vmem>>
        %dma_wait3A_134 = arith.constant 0 : i32
        %dma_wait3A_135 = tpu.memref_slice %arg7[%dma_wait3A_134] : memref<1920xi32, #tpu.memory_space<vmem>> -> memref<128xi32, #tpu.memory_space<vmem>>
        %dma_wait3A_136 = arith.constant 0 : i32
        %dma_wait3A_137 = arith.constant 0 : i32
        %dma_wait3A_138 = tpu.memref_slice %arg3[%dma_wait3A_136, %dma_wait3A_137] : memref<50000x32xf32, #tpu.memory_space<hbm>> -> memref<50000x32xf32, #tpu.memory_space<hbm>>
        tpu.wait_indirect_dma semaphore(%arg15 : memref<!tpu.dma_semaphore, #tpu.memory_space<semaphore_mem>>) src(%dma_wait3A_138 : memref<50000x32xf32, #tpu.memory_space<hbm>>) dst(%dma_wait3A_133 : memref<128x32xf32, #tpu.memory_space<vmem>>)
      } else {
      }
      %eq3A_51 = arith.constant 1 : i32
      %eq3A_52 = arith.cmpi eq, %arg0, %eq3A_51 : i32
      %convert_element_type3A_53 = arith.extui %eq3A_52 : i1 to i32
      %cond3A_54 = arith.constant 0 : i32
      %cond3A_55 = arith.cmpi ne, %convert_element_type3A_53, %cond3A_54 : i32
      scf.if %cond3A_55 {
        %dma_start3A = arith.constant 0 : i32
        %dma_start3A_121 = arith.constant 0 : i32
        %dma_start3A_122 = arith.constant 0 : i32
        %dma_start3A_123 = tpu.memref_slice %arg10[%dma_start3A, %dma_start3A_121, %dma_start3A_122] : memref<4x128x32xf32, #tpu.memory_space<vmem>> -> memref<1x128x32xf32, #tpu.memory_space<vmem>>
        %dma_start3A_124 = tpu.memref_squeeze %dma_start3A_123 : memref<1x128x32xf32, #tpu.memory_space<vmem>> -> memref<128x32xf32, #tpu.memory_space<vmem>>
        %dma_start3A_125 = arith.constant 0 : i32
        %dma_start3A_126 = tpu.memref_slice %arg7[%dma_start3A_125] : memref<1920xi32, #tpu.memory_space<vmem>> -> memref<128xi32, #tpu.memory_space<vmem>>
        %dma_start3A_127 = arith.constant 0 : i32
        %dma_start3A_128 = arith.constant 0 : i32
        %dma_start3A_129 = tpu.memref_slice %arg4[%dma_start3A_127, %dma_start3A_128] : memref<50000x32xf32, #tpu.memory_space<hbm>> -> memref<50000x32xf32, #tpu.memory_space<hbm>>
        tpu.enqueue_indirect_dma source(%dma_start3A_129 : memref<50000x32xf32, #tpu.memory_space<hbm>>) target(%dma_start3A_124 : memref<128x32xf32, #tpu.memory_space<vmem>>) offsets(%dma_start3A_126 : memref<128xi32, #tpu.memory_space<vmem>>) semaphore(%arg15 : memref<!tpu.dma_semaphore, #tpu.memory_space<semaphore_mem>>)
        %dma_wait3A = arith.constant 0 : i32
        %dma_wait3A_130 = arith.constant 0 : i32
        %dma_wait3A_131 = arith.constant 0 : i32
        %dma_wait3A_132 = tpu.memref_slice %arg10[%dma_wait3A, %dma_wait3A_130, %dma_wait3A_131] : memref<4x128x32xf32, #tpu.memory_space<vmem>> -> memref<1x128x32xf32, #tpu.memory_space<vmem>>
        %dma_wait3A_133 = tpu.memref_squeeze %dma_wait3A_132 : memref<1x128x32xf32, #tpu.memory_space<vmem>> -> memref<128x32xf32, #tpu.memory_space<vmem>>
        %dma_wait3A_134 = arith.constant 0 : i32
        %dma_wait3A_135 = tpu.memref_slice %arg7[%dma_wait3A_134] : memref<1920xi32, #tpu.memory_space<vmem>> -> memref<128xi32, #tpu.memory_space<vmem>>
        %dma_wait3A_136 = arith.constant 0 : i32
        %dma_wait3A_137 = arith.constant 0 : i32
        %dma_wait3A_138 = tpu.memref_slice %arg4[%dma_wait3A_136, %dma_wait3A_137] : memref<50000x32xf32, #tpu.memory_space<hbm>> -> memref<50000x32xf32, #tpu.memory_space<hbm>>
        tpu.wait_indirect_dma semaphore(%arg15 : memref<!tpu.dma_semaphore, #tpu.memory_space<semaphore_mem>>) src(%dma_wait3A_138 : memref<50000x32xf32, #tpu.memory_space<hbm>>) dst(%dma_wait3A_133 : memref<128x32xf32, #tpu.memory_space<vmem>>)
      } else {
      }
      %rem3A = arith.constant 0 : i32
      %rem3A_56 = arith.constant 4 : i32
      %rem3A_57 = arith.remsi %rem3A, %rem3A_56 : i32
      %get3A = arith.constant 0 : index
      %get3A_58 = tpu.vector_load %arg8[%get3A] {strides = array<i32>} : memref<1920xi32, #tpu.memory_space<vmem>>, vector<16xi32>,
      %get3A_59 = vector.shape_cast %get3A_58 : vector<16xi32> to vector<16xi32>
      %swap3A = arith.index_cast %rem3A_57 : i32 to index
      %swap3A_60 = arith.constant 0 : index
      %swap3A_61 = tpu.vector_load %arg9[%swap3A, %swap3A_60] {strides = array<i32>} : memref<4x128xi32, #tpu.memory_space<vmem>>, vector<1x16xi32>,
      %swap3A_62 = vector.shape_cast %swap3A_61 : vector<1x16xi32> to vector<16xi32>
      %swap3A_63 = vector.shape_cast %get3A_59 : vector<16xi32> to vector<1x16xi32>
      tpu.vector_store %arg9[%swap3A, %swap3A_60], %swap3A_63 {strides = array<i32>} : memref<4x128xi32, #tpu.memory_space<vmem>>, vector<1x16xi32>,
      %get3A_64 = arith.constant 16 : index
      %get3A_65 = tpu.vector_load %arg8[%get3A_64] {strides = array<i32>} : memref<1920xi32, #tpu.memory_space<vmem>>, vector<16xi32>,
      %get3A_66 = vector.shape_cast %get3A_65 : vector<16xi32> to vector<16xi32>
      %swap3A_67 = arith.index_cast %rem3A_57 : i32 to index
      %swap3A_68 = arith.constant 16 : index
      %swap3A_69 = tpu.vector_load %arg9[%swap3A_67, %swap3A_68] {strides = array<i32>} : memref<4x128xi32, #tpu.memory_space<vmem>>, vector<1x16xi32>,
      %swap3A_70 = vector.shape_cast %swap3A_69 : vector<1x16xi32> to vector<16xi32>
      %swap3A_71 = vector.shape_cast %get3A_66 : vector<16xi32> to vector<1x16xi32>
      tpu.vector_store %arg9[%swap3A_67, %swap3A_68], %swap3A_71 {strides = array<i32>} : memref<4x128xi32, #tpu.memory_space<vmem>>, vector<1x16xi32>,
      %get3A_72 = arith.constant 32 : index
      %get3A_73 = tpu.vector_load %arg8[%get3A_72] {strides = array<i32>} : memref<1920xi32, #tpu.memory_space<vmem>>, vector<16xi32>,
      %get3A_74 = vector.shape_cast %get3A_73 : vector<16xi32> to vector<16xi32>
      %swap3A_75 = arith.index_cast %rem3A_57 : i32 to index
      %swap3A_76 = arith.constant 32 : index
      %swap3A_77 = tpu.vector_load %arg9[%swap3A_75, %swap3A_76] {strides = array<i32>} : memref<4x128xi32, #tpu.memory_space<vmem>>, vector<1x16xi32>,
      %swap3A_78 = vector.shape_cast %swap3A_77 : vector<1x16xi32> to vector<16xi32>
      %swap3A_79 = vector.shape_cast %get3A_74 : vector<16xi32> to vector<1x16xi32>
      tpu.vector_store %arg9[%swap3A_75, %swap3A_76], %swap3A_79 {strides = array<i32>} : memref<4x128xi32, #tpu.memory_space<vmem>>, vector<1x16xi32>,
      %get3A_80 = arith.constant 48 : index
      %get3A_81 = tpu.vector_load %arg8[%get3A_80] {strides = array<i32>} : memref<1920xi32, #tpu.memory_space<vmem>>, vector<16xi32>,
      %get3A_82 = vector.shape_cast %get3A_81 : vector<16xi32> to vector<16xi32>
      %swap3A_83 = arith.index_cast %rem3A_57 : i32 to index
      %swap3A_84 = arith.constant 48 : index
      %swap3A_85 = tpu.vector_load %arg9[%swap3A_83, %swap3A_84] {strides = array<i32>} : memref<4x128xi32, #tpu.memory_space<vmem>>, vector<1x16xi32>,
      %swap3A_86 = vector.shape_cast %swap3A_85 : vector<1x16xi32> to vector<16xi32>
      %swap3A_87 = vector.shape_cast %get3A_82 : vector<16xi32> to vector<1x16xi32>
      tpu.vector_store %arg9[%swap3A_83, %swap3A_84], %swap3A_87 {strides = array<i32>} : memref<4x128xi32, #tpu.memory_space<vmem>>, vector<1x16xi32>,
      %get3A_88 = arith.constant 64 : index
      %get3A_89 = tpu.vector_load %arg8[%get3A_88] {strides = array<i32>} : memref<1920xi32, #tpu.memory_space<vmem>>, vector<16xi32>,
      %get3A_90 = vector.shape_cast %get3A_89 : vector<16xi32> to vector<16xi32>
      %swap3A_91 = arith.index_cast %rem3A_57 : i32 to index
      %swap3A_92 = arith.constant 64 : index
      %swap3A_93 = tpu.vector_load %arg9[%swap3A_91, %swap3A_92] {strides = array<i32>} : memref<4x128xi32, #tpu.memory_space<vmem>>, vector<1x16xi32>,
      %swap3A_94 = vector.shape_cast %swap3A_93 : vector<1x16xi32> to vector<16xi32>
      %swap3A_95 = vector.shape_cast %get3A_90 : vector<16xi32> to vector<1x16xi32>
      tpu.vector_store %arg9[%swap3A_91, %swap3A_92], %swap3A_95 {strides = array<i32>} : memref<4x128xi32, #tpu.memory_space<vmem>>, vector<1x16xi32>,
      %get3A_96 = arith.constant 80 : index
      %get3A_97 = tpu.vector_load %arg8[%get3A_96] {strides = array<i32>} : memref<1920xi32, #tpu.memory_space<vmem>>, vector<16xi32>,
      %get3A_98 = vector.shape_cast %get3A_97 : vector<16xi32> to vector<16xi32>
      %swap3A_99 = arith.index_cast %rem3A_57 : i32 to index
      %swap3A_100 = arith.constant 80 : index
      %swap3A_101 = tpu.vector_load %arg9[%swap3A_99, %swap3A_100] {strides = array<i32>} : memref<4x128xi32, #tpu.memory_space<vmem>>, vector<1x16xi32>,
      %swap3A_102 = vector.shape_cast %swap3A_101 : vector<1x16xi32> to vector<16xi32>
      %swap3A_103 = vector.shape_cast %get3A_98 : vector<16xi32> to vector<1x16xi32>
      tpu.vector_store %arg9[%swap3A_99, %swap3A_100], %swap3A_103 {strides = array<i32>} : memref<4x128xi32, #tpu.memory_space<vmem>>, vector<1x16xi32>,
      %get3A_104 = arith.constant 96 : index
      %get3A_105 = tpu.vector_load %arg8[%get3A_104] {strides = array<i32>} : memref<1920xi32, #tpu.memory_space<vmem>>, vector<16xi32>,
      %get3A_106 = vector.shape_cast %get3A_105 : vector<16xi32> to vector<16xi32>
      %swap3A_107 = arith.index_cast %rem3A_57 : i32 to index
      %swap3A_108 = arith.constant 96 : index
      %swap3A_109 = tpu.vector_load %arg9[%swap3A_107, %swap3A_108] {strides = array<i32>} : memref<4x128xi32, #tpu.memory_space<vmem>>, vector<1x16xi32>,
      %swap3A_110 = vector.shape_cast %swap3A_109 : vector<1x16xi32> to vector<16xi32>
      %swap3A_111 = vector.shape_cast %get3A_106 : vector<16xi32> to vector<1x16xi32>
      tpu.vector_store %arg9[%swap3A_107, %swap3A_108], %swap3A_111 {strides = array<i32>} : memref<4x128xi32, #tpu.memory_space<vmem>>, vector<1x16xi32>,
      %get3A_112 = arith.constant 112 : index
      %get3A_113 = tpu.vector_load %arg8[%get3A_112] {strides = array<i32>} : memref<1920xi32, #tpu.memory_space<vmem>>, vector<16xi32>,
      %get3A_114 = vector.shape_cast %get3A_113 : vector<16xi32> to vector<16xi32>
      %swap3A_115 = arith.index_cast %rem3A_57 : i32 to index
      %swap3A_116 = arith.constant 112 : index
      %swap3A_117 = tpu.vector_load %arg9[%swap3A_115, %swap3A_116] {strides = array<i32>} : memref<4x128xi32, #tpu.memory_space<vmem>>, vector<1x16xi32>,
      %swap3A_118 = vector.shape_cast %swap3A_117 : vector<1x16xi32> to vector<16xi32>
      %swap3A_119 = vector.shape_cast %get3A_114 : vector<16xi32> to vector<1x16xi32>
      tpu.vector_store %arg9[%swap3A_115, %swap3A_116], %swap3A_119 {strides = array<i32>} : memref<4x128xi32, #tpu.memory_space<vmem>>, vector<1x16xi32>,
      %run_scoped3A = arith.constant 0 : i32
      %run_scoped3A_120 = arith.constant 0 : i32
      "tpu.region"() ({
        %run_scoped3A_121 = tpu.sem_alloc : memref<!tpu.dma_semaphore, #tpu.memory_space<semaphore_mem>>
        %dma_start3A = arith.constant 0 : i32
        %dma_start3A_122 = arith.constant 0 : i32
        %dma_start3A_123 = tpu.memref_slice %arg10[%run_scoped3A, %dma_start3A, %dma_start3A_122] : memref<4x128x32xf32, #tpu.memory_space<vmem>> -> memref<1x128x32xf32, #tpu.memory_space<vmem>>
        %dma_start3A_124 = tpu.memref_squeeze %dma_start3A_123 : memref<1x128x32xf32, #tpu.memory_space<vmem>> -> memref<128x32xf32, #tpu.memory_space<vmem>>
        %dma_start3A_125 = arith.constant 0 : i32
        %dma_start3A_126 = tpu.memref_slice %arg9[%run_scoped3A_120, %dma_start3A_125] : memref<4x128xi32, #tpu.memory_space<vmem>> -> memref<1x128xi32, #tpu.memory_space<vmem>>
        %dma_start3A_127 = tpu.memref_squeeze %dma_start3A_126 : memref<1x128xi32, #tpu.memory_space<vmem>> -> memref<128xi32, #tpu.memory_space<vmem>>
        %dma_start3A_128 = arith.constant 0 : i32
        %dma_start3A_129 = arith.constant 0 : i32
        %dma_start3A_130 = tpu.memref_slice %arg12[%dma_start3A_128, %dma_start3A_129] : memref<50000x32xf32, #tpu.memory_space<vmem_shared>> -> memref<50000x32xf32, #tpu.memory_space<vmem_shared>>
        tpu.enqueue_indirect_dma source(%dma_start3A_124 : memref<128x32xf32, #tpu.memory_space<vmem>>) target(%dma_start3A_130 : memref<50000x32xf32, #tpu.memory_space<vmem_shared>>) offsets(%dma_start3A_127 : memref<128xi32, #tpu.memory_space<vmem>>) semaphore(%run_scoped3A_121 : memref<!tpu.dma_semaphore, #tpu.memory_space<semaphore_mem>>) {add = true}
        %dma_wait3A = arith.constant 0 : i32
        %dma_wait3A_131 = arith.constant 0 : i32
        %dma_wait3A_132 = tpu.memref_slice %arg10[%run_scoped3A, %dma_wait3A, %dma_wait3A_131] : memref<4x128x32xf32, #tpu.memory_space<vmem>> -> memref<1x128x32xf32, #tpu.memory_space<vmem>>
        %dma_wait3A_133 = tpu.memref_squeeze %dma_wait3A_132 : memref<1x128x32xf32, #tpu.memory_space<vmem>> -> memref<128x32xf32, #tpu.memory_space<vmem>>
        %dma_wait3A_134 = arith.constant 0 : i32
        %dma_wait3A_135 = tpu.memref_slice %arg9[%run_scoped3A_120, %dma_wait3A_134] : memref<4x128xi32, #tpu.memory_space<vmem>> -> memref<1x128xi32, #tpu.memory_space<vmem>>
        %dma_wait3A_136 = tpu.memref_squeeze %dma_wait3A_135 : memref<1x128xi32, #tpu.memory_space<vmem>> -> memref<128xi32, #tpu.memory_space<vmem>>
        %dma_wait3A_137 = arith.constant 0 : i32
        %dma_wait3A_138 = arith.constant 0 : i32
        %dma_wait3A_139 = tpu.memref_slice %arg12[%dma_wait3A_137, %dma_wait3A_138] : memref<50000x32xf32, #tpu.memory_space<vmem_shared>> -> memref<50000x32xf32, #tpu.memory_space<vmem_shared>>
        tpu.wait_indirect_dma semaphore(%run_scoped3A_121 : memref<!tpu.dma_semaphore, #tpu.memory_space<semaphore_mem>>) src(%dma_wait3A_133 : memref<128x32xf32, #tpu.memory_space<vmem>>) dst(%dma_wait3A_139 : memref<50000x32xf32, #tpu.memory_space<vmem_shared>>)
        tpu.yield
      }) : () -> ()
    } else {
    }
    %barrier3A_28 = arith.constant 0 : index
    tpu.barrier barrier_id(%barrier3A_28)
    %eq3A = arith.constant 0 : i32
    %eq3A_29 = arith.cmpi eq, %arg0, %eq3A : i32
    %convert_element_type3A_30 = arith.extui %eq3A_29 : i1 to i32
    %cond3A_31 = arith.constant 0 : i32
    %cond3A_32 = arith.cmpi ne, %convert_element_type3A_30, %cond3A_31 : i32
    scf.if %cond3A_32 {
      %lt3A_38 = arith.constant 15 : i32
      %lt3A_39 = arith.cmpi slt, %arg1, %lt3A_38 : i32
      %jit3A = arith.constant 16 : i32
      %jit3A_40 = arith.constant 10 : i32
      %select_n3A = arith.select %lt3A_39, %jit3A, %jit3A_40 : i32
      %while3A = arith.constant 0 : i32
      %while3A_41 = arith.constant 0 : i32
      %while3A_42 = arith.subi %select_n3A, %while3A : i32
      %while3A_43 = arith.addi %while3A, %while3A_42 : i32
      %while3A_44 = arith.constant 1 : i32
      %while3A_45 = arith.divsi %while3A_42, %while3A_44 : i32
      %while3A_46 = arith.muli %while3A_45, %while3A_44 : i32
      %while3A_47 = arith.addi %while3A, %while3A_46 : i32
      %while3A_48 = arith.constant 1 : i32
      %while3A_49 = scf.for %while3A_52 = %while3A to %while3A_47 step %while3A_48 iter_args(%while3A_53 = %while3A_41) -> (i32)  : i32 {
        %mul3A_54 = arith.constant 3200 : i32
        %mul3A_55 = arith.muli %arg1, %mul3A_54 : i32
        %mul3A_56 = arith.constant 200 : i32
        %mul3A_57 = arith.muli %while3A_52, %mul3A_56 : i32
        %add3A_58 = arith.addi %mul3A_55, %mul3A_57 : i32
        "tpu.region"() ({
          %run_scoped3A = tpu.sem_alloc : memref<!tpu.dma_semaphore, #tpu.memory_space<semaphore_mem>>
          %dma_start3A = arith.constant 0 : i32
          %dma_start3A_60 = tpu.memref_slice %arg12[%add3A_58, %dma_start3A] : memref<50000x32xf32, #tpu.memory_space<vmem_shared>> -> memref<200x32xf32, #tpu.memory_space<vmem_shared>>
          %dma_start3A_61 = arith.constant 0 : i32
          %dma_start3A_62 = tpu.memref_slice %arg12[%add3A_58, %dma_start3A_61] : memref<50000x32xf32, #tpu.memory_space<vmem_shared>> -> memref<200x32xf32, #tpu.memory_space<vmem_shared>>
          tpu.enqueue_dma source(%dma_start3A_62 : memref<200x32xf32, #tpu.memory_space<vmem_shared>>) target(%arg11 : memref<200x32xf32, #tpu.memory_space<vmem>>) target_semaphore(%run_scoped3A : memref<!tpu.dma_semaphore, #tpu.memory_space<semaphore_mem>>)
          %dma_wait3A = arith.constant 0 : i32
          %dma_wait3A_63 = tpu.memref_slice %arg12[%add3A_58, %dma_wait3A] : memref<50000x32xf32, #tpu.memory_space<vmem_shared>> -> memref<200x32xf32, #tpu.memory_space<vmem_shared>>
          %dma_wait3A_64 = arith.constant 0 : i32
          %dma_wait3A_65 = tpu.memref_slice %arg12[%add3A_58, %dma_wait3A_64] : memref<50000x32xf32, #tpu.memory_space<vmem_shared>> -> memref<200x32xf32, #tpu.memory_space<vmem_shared>>
          tpu.wait_dma2 semaphore(%run_scoped3A : memref<!tpu.dma_semaphore, #tpu.memory_space<semaphore_mem>>) src(%dma_wait3A_65 : memref<200x32xf32, #tpu.memory_space<vmem_shared>>) dst(%arg11 : memref<200x32xf32, #tpu.memory_space<vmem>>)
          tpu.yield
        }) : () -> ()
        "tpu.region"() ({
          %run_scoped3A = tpu.sem_alloc : memref<!tpu.dma_semaphore, #tpu.memory_space<semaphore_mem>>
          %dma_start3A = arith.constant 0 : i32
          %dma_start3A_60 = tpu.memref_slice %arg5[%add3A_58, %dma_start3A] : memref<50000x32xf32, #tpu.memory_space<hbm>> -> memref<200x32xf32, #tpu.memory_space<hbm>>
          %dma_start3A_61 = arith.constant 0 : i32
          %dma_start3A_62 = tpu.memref_slice %arg5[%add3A_58, %dma_start3A_61] : memref<50000x32xf32, #tpu.memory_space<hbm>> -> memref<200x32xf32, #tpu.memory_space<hbm>>
          tpu.enqueue_dma source(%arg11 : memref<200x32xf32, #tpu.memory_space<vmem>>) target(%dma_start3A_62 : memref<200x32xf32, #tpu.memory_space<hbm>>) target_semaphore(%run_scoped3A : memref<!tpu.dma_semaphore, #tpu.memory_space<semaphore_mem>>)
          %dma_wait3A = arith.constant 0 : i32
          %dma_wait3A_63 = tpu.memref_slice %arg5[%add3A_58, %dma_wait3A] : memref<50000x32xf32, #tpu.memory_space<hbm>> -> memref<200x32xf32, #tpu.memory_space<hbm>>
          %dma_wait3A_64 = arith.constant 0 : i32
          %dma_wait3A_65 = tpu.memref_slice %arg5[%add3A_58, %dma_wait3A_64] : memref<50000x32xf32, #tpu.memory_space<hbm>> -> memref<200x32xf32, #tpu.memory_space<hbm>>
          tpu.wait_dma2 semaphore(%run_scoped3A : memref<!tpu.dma_semaphore, #tpu.memory_space<semaphore_mem>>) src(%arg11 : memref<200x32xf32, #tpu.memory_space<vmem>>) dst(%dma_wait3A_65 : memref<200x32xf32, #tpu.memory_space<hbm>>)
          tpu.yield
        }) : () -> ()
        %while3A_59 = arith.constant 0 : i32
        scf.yield %while3A_59 : i32
      }
      %while3A_50 = arith.constant 1 : i32
      %while3A_51 = scf.for %while3A_52 = %while3A_47 to %while3A_43 step %while3A_50 iter_args(%while3A_53 = %while3A_49) -> (i32)  : i32 {
        %mul3A_54 = arith.constant 3200 : i32
        %mul3A_55 = arith.muli %arg1, %mul3A_54 : i32
        %mul3A_56 = arith.constant 200 : i32
        %mul3A_57 = arith.muli %while3A_52, %mul3A_56 : i32
        %add3A_58 = arith.addi %mul3A_55, %mul3A_57 : i32
        "tpu.region"() ({
          %run_scoped3A = tpu.sem_alloc : memref<!tpu.dma_semaphore, #tpu.memory_space<semaphore_mem>>
          %dma_start3A = arith.constant 0 : i32
          %dma_start3A_60 = tpu.memref_slice %arg12[%add3A_58, %dma_start3A] : memref<50000x32xf32, #tpu.memory_space<vmem_shared>> -> memref<200x32xf32, #tpu.memory_space<vmem_shared>>
          %dma_start3A_61 = arith.constant 0 : i32
          %dma_start3A_62 = tpu.memref_slice %arg12[%add3A_58, %dma_start3A_61] : memref<50000x32xf32, #tpu.memory_space<vmem_shared>> -> memref<200x32xf32, #tpu.memory_space<vmem_shared>>
          tpu.enqueue_dma source(%dma_start3A_62 : memref<200x32xf32, #tpu.memory_space<vmem_shared>>) target(%arg11 : memref<200x32xf32, #tpu.memory_space<vmem>>) target_semaphore(%run_scoped3A : memref<!tpu.dma_semaphore, #tpu.memory_space<semaphore_mem>>)
          %dma_wait3A = arith.constant 0 : i32
          %dma_wait3A_63 = tpu.memref_slice %arg12[%add3A_58, %dma_wait3A] : memref<50000x32xf32, #tpu.memory_space<vmem_shared>> -> memref<200x32xf32, #tpu.memory_space<vmem_shared>>
          %dma_wait3A_64 = arith.constant 0 : i32
          %dma_wait3A_65 = tpu.memref_slice %arg12[%add3A_58, %dma_wait3A_64] : memref<50000x32xf32, #tpu.memory_space<vmem_shared>> -> memref<200x32xf32, #tpu.memory_space<vmem_shared>>
          tpu.wait_dma2 semaphore(%run_scoped3A : memref<!tpu.dma_semaphore, #tpu.memory_space<semaphore_mem>>) src(%dma_wait3A_65 : memref<200x32xf32, #tpu.memory_space<vmem_shared>>) dst(%arg11 : memref<200x32xf32, #tpu.memory_space<vmem>>)
          tpu.yield
        }) : () -> ()
        "tpu.region"() ({
          %run_scoped3A = tpu.sem_alloc : memref<!tpu.dma_semaphore, #tpu.memory_space<semaphore_mem>>
          %dma_start3A = arith.constant 0 : i32
          %dma_start3A_60 = tpu.memref_slice %arg5[%add3A_58, %dma_start3A] : memref<50000x32xf32, #tpu.memory_space<hbm>> -> memref<200x32xf32, #tpu.memory_space<hbm>>
          %dma_start3A_61 = arith.constant 0 : i32
          %dma_start3A_62 = tpu.memref_slice %arg5[%add3A_58, %dma_start3A_61] : memref<50000x32xf32, #tpu.memory_space<hbm>> -> memref<200x32xf32, #tpu.memory_space<hbm>>
          tpu.enqueue_dma source(%arg11 : memref<200x32xf32, #tpu.memory_space<vmem>>) target(%dma_start3A_62 : memref<200x32xf32, #tpu.memory_space<hbm>>) target_semaphore(%run_scoped3A : memref<!tpu.dma_semaphore, #tpu.memory_space<semaphore_mem>>)
          %dma_wait3A = arith.constant 0 : i32
          %dma_wait3A_63 = tpu.memref_slice %arg5[%add3A_58, %dma_wait3A] : memref<50000x32xf32, #tpu.memory_space<hbm>> -> memref<200x32xf32, #tpu.memory_space<hbm>>
          %dma_wait3A_64 = arith.constant 0 : i32
          %dma_wait3A_65 = tpu.memref_slice %arg5[%add3A_58, %dma_wait3A_64] : memref<50000x32xf32, #tpu.memory_space<hbm>> -> memref<200x32xf32, #tpu.memory_space<hbm>>
          tpu.wait_dma2 semaphore(%run_scoped3A : memref<!tpu.dma_semaphore, #tpu.memory_space<semaphore_mem>>) src(%arg11 : memref<200x32xf32, #tpu.memory_space<vmem>>) dst(%dma_wait3A_65 : memref<200x32xf32, #tpu.memory_space<hbm>>)
          tpu.yield
        }) : () -> ()
        %while3A_59 = arith.constant 0 : i32
        scf.yield %while3A_59 : i32
      }
    } else {
    }
    %eq3A_33 = arith.constant 1 : i32
    %eq3A_34 = arith.cmpi eq, %arg0, %eq3A_33 : i32
    %convert_element_type3A_35 = arith.extui %eq3A_34 : i1 to i32
    %cond3A_36 = arith.constant 0 : i32
    %cond3A_37 = arith.cmpi ne, %convert_element_type3A_35, %cond3A_36 : i32
    scf.if %cond3A_37 {
      %lt3A_38 = arith.constant 15 : i32
      %lt3A_39 = arith.cmpi slt, %arg1, %lt3A_38 : i32
      %jit3A = arith.constant 16 : i32
      %jit3A_40 = arith.constant 10 : i32
      %select_n3A = arith.select %lt3A_39, %jit3A, %jit3A_40 : i32
      %while3A = arith.constant 0 : i32
      %while3A_41 = arith.constant 0 : i32
      %while3A_42 = arith.subi %select_n3A, %while3A : i32
      %while3A_43 = arith.addi %while3A, %while3A_42 : i32
      %while3A_44 = arith.constant 1 : i32
      %while3A_45 = arith.divsi %while3A_42, %while3A_44 : i32
      %while3A_46 = arith.muli %while3A_45, %while3A_44 : i32
      %while3A_47 = arith.addi %while3A, %while3A_46 : i32
      %while3A_48 = arith.constant 1 : i32
      %while3A_49 = scf.for %while3A_52 = %while3A to %while3A_47 step %while3A_48 iter_args(%while3A_53 = %while3A_41) -> (i32)  : i32 {
        %mul3A_54 = arith.constant 3200 : i32
        %mul3A_55 = arith.muli %arg1, %mul3A_54 : i32
        %mul3A_56 = arith.constant 200 : i32
        %mul3A_57 = arith.muli %while3A_52, %mul3A_56 : i32
        %add3A_58 = arith.addi %mul3A_55, %mul3A_57 : i32
        "tpu.region"() ({
          %run_scoped3A = tpu.sem_alloc : memref<!tpu.dma_semaphore, #tpu.memory_space<semaphore_mem>>
          %dma_start3A = arith.constant 0 : i32
          %dma_start3A_60 = tpu.memref_slice %arg12[%add3A_58, %dma_start3A] : memref<50000x32xf32, #tpu.memory_space<vmem_shared>> -> memref<200x32xf32, #tpu.memory_space<vmem_shared>>
          %dma_start3A_61 = arith.constant 0 : i32
          %dma_start3A_62 = tpu.memref_slice %arg12[%add3A_58, %dma_start3A_61] : memref<50000x32xf32, #tpu.memory_space<vmem_shared>> -> memref<200x32xf32, #tpu.memory_space<vmem_shared>>
          tpu.enqueue_dma source(%dma_start3A_62 : memref<200x32xf32, #tpu.memory_space<vmem_shared>>) target(%arg11 : memref<200x32xf32, #tpu.memory_space<vmem>>) target_semaphore(%run_scoped3A : memref<!tpu.dma_semaphore, #tpu.memory_space<semaphore_mem>>)
          %dma_wait3A = arith.constant 0 : i32
          %dma_wait3A_63 = tpu.memref_slice %arg12[%add3A_58, %dma_wait3A] : memref<50000x32xf32, #tpu.memory_space<vmem_shared>> -> memref<200x32xf32, #tpu.memory_space<vmem_shared>>
          %dma_wait3A_64 = arith.constant 0 : i32
          %dma_wait3A_65 = tpu.memref_slice %arg12[%add3A_58, %dma_wait3A_64] : memref<50000x32xf32, #tpu.memory_space<vmem_shared>> -> memref<200x32xf32, #tpu.memory_space<vmem_shared>>
          tpu.wait_dma2 semaphore(%run_scoped3A : memref<!tpu.dma_semaphore, #tpu.memory_space<semaphore_mem>>) src(%dma_wait3A_65 : memref<200x32xf32, #tpu.memory_space<vmem_shared>>) dst(%arg11 : memref<200x32xf32, #tpu.memory_space<vmem>>)
          tpu.yield
        }) : () -> ()
        "tpu.region"() ({
          %run_scoped3A = tpu.sem_alloc : memref<!tpu.dma_semaphore, #tpu.memory_space<semaphore_mem>>
          %dma_start3A = arith.constant 0 : i32
          %dma_start3A_60 = tpu.memref_slice %arg6[%add3A_58, %dma_start3A] : memref<50000x32xf32, #tpu.memory_space<hbm>> -> memref<200x32xf32, #tpu.memory_space<hbm>>
          %dma_start3A_61 = arith.constant 0 : i32
          %dma_start3A_62 = tpu.memref_slice %arg6[%add3A_58, %dma_start3A_61] : memref<50000x32xf32, #tpu.memory_space<hbm>> -> memref<200x32xf32, #tpu.memory_space<hbm>>
          tpu.enqueue_dma source(%arg11 : memref<200x32xf32, #tpu.memory_space<vmem>>) target(%dma_start3A_62 : memref<200x32xf32, #tpu.memory_space<hbm>>) target_semaphore(%run_scoped3A : memref<!tpu.dma_semaphore, #tpu.memory_space<semaphore_mem>>)
          %dma_wait3A = arith.constant 0 : i32
          %dma_wait3A_63 = tpu.memref_slice %arg6[%add3A_58, %dma_wait3A] : memref<50000x32xf32, #tpu.memory_space<hbm>> -> memref<200x32xf32, #tpu.memory_space<hbm>>
          %dma_wait3A_64 = arith.constant 0 : i32
          %dma_wait3A_65 = tpu.memref_slice %arg6[%add3A_58, %dma_wait3A_64] : memref<50000x32xf32, #tpu.memory_space<hbm>> -> memref<200x32xf32, #tpu.memory_space<hbm>>
          tpu.wait_dma2 semaphore(%run_scoped3A : memref<!tpu.dma_semaphore, #tpu.memory_space<semaphore_mem>>) src(%arg11 : memref<200x32xf32, #tpu.memory_space<vmem>>) dst(%dma_wait3A_65 : memref<200x32xf32, #tpu.memory_space<hbm>>)
          tpu.yield
        }) : () -> ()
        %while3A_59 = arith.constant 0 : i32
        scf.yield %while3A_59 : i32
      }
      %while3A_50 = arith.constant 1 : i32
      %while3A_51 = scf.for %while3A_52 = %while3A_47 to %while3A_43 step %while3A_50 iter_args(%while3A_53 = %while3A_49) -> (i32)  : i32 {
        %mul3A_54 = arith.constant 3200 : i32
        %mul3A_55 = arith.muli %arg1, %mul3A_54 : i32
        %mul3A_56 = arith.constant 200 : i32
        %mul3A_57 = arith.muli %while3A_52, %mul3A_56 : i32
        %add3A_58 = arith.addi %mul3A_55, %mul3A_57 : i32
        "tpu.region"() ({
          %run_scoped3A = tpu.sem_alloc : memref<!tpu.dma_semaphore, #tpu.memory_space<semaphore_mem>>
          %dma_start3A = arith.constant 0 : i32
          %dma_start3A_60 = tpu.memref_slice %arg12[%add3A_58, %dma_start3A] : memref<50000x32xf32, #tpu.memory_space<vmem_shared>> -> memref<200x32xf32, #tpu.memory_space<vmem_shared>>
          %dma_start3A_61 = arith.constant 0 : i32
          %dma_start3A_62 = tpu.memref_slice %arg12[%add3A_58, %dma_start3A_61] : memref<50000x32xf32, #tpu.memory_space<vmem_shared>> -> memref<200x32xf32, #tpu.memory_space<vmem_shared>>
          tpu.enqueue_dma source(%dma_start3A_62 : memref<200x32xf32, #tpu.memory_space<vmem_shared>>) target(%arg11 : memref<200x32xf32, #tpu.memory_space<vmem>>) target_semaphore(%run_scoped3A : memref<!tpu.dma_semaphore, #tpu.memory_space<semaphore_mem>>)
          %dma_wait3A = arith.constant 0 : i32
          %dma_wait3A_63 = tpu.memref_slice %arg12[%add3A_58, %dma_wait3A] : memref<50000x32xf32, #tpu.memory_space<vmem_shared>> -> memref<200x32xf32, #tpu.memory_space<vmem_shared>>
          %dma_wait3A_64 = arith.constant 0 : i32
          %dma_wait3A_65 = tpu.memref_slice %arg12[%add3A_58, %dma_wait3A_64] : memref<50000x32xf32, #tpu.memory_space<vmem_shared>> -> memref<200x32xf32, #tpu.memory_space<vmem_shared>>
          tpu.wait_dma2 semaphore(%run_scoped3A : memref<!tpu.dma_semaphore, #tpu.memory_space<semaphore_mem>>) src(%dma_wait3A_65 : memref<200x32xf32, #tpu.memory_space<vmem_shared>>) dst(%arg11 : memref<200x32xf32, #tpu.memory_space<vmem>>)
          tpu.yield
        }) : () -> ()
        "tpu.region"() ({
          %run_scoped3A = tpu.sem_alloc : memref<!tpu.dma_semaphore, #tpu.memory_space<semaphore_mem>>
          %dma_start3A = arith.constant 0 : i32
          %dma_start3A_60 = tpu.memref_slice %arg6[%add3A_58, %dma_start3A] : memref<50000x32xf32, #tpu.memory_space<hbm>> -> memref<200x32xf32, #tpu.memory_space<hbm>>
          %dma_start3A_61 = arith.constant 0 : i32
          %dma_start3A_62 = tpu.memref_slice %arg6[%add3A_58, %dma_start3A_61] : memref<50000x32xf32, #tpu.memory_space<hbm>> -> memref<200x32xf32, #tpu.memory_space<hbm>>
          tpu.enqueue_dma source(%arg11 : memref<200x32xf32, #tpu.memory_space<vmem>>) target(%dma_start3A_62 : memref<200x32xf32, #tpu.memory_space<hbm>>) target_semaphore(%run_scoped3A : memref<!tpu.dma_semaphore, #tpu.memory_space<semaphore_mem>>)
          %dma_wait3A = arith.constant 0 : i32
          %dma_wait3A_63 = tpu.memref_slice %arg6[%add3A_58, %dma_wait3A] : memref<50000x32xf32, #tpu.memory_space<hbm>> -> memref<200x32xf32, #tpu.memory_space<hbm>>
          %dma_wait3A_64 = arith.constant 0 : i32
          %dma_wait3A_65 = tpu.memref_slice %arg6[%add3A_58, %dma_wait3A_64] : memref<50000x32xf32, #tpu.memory_space<hbm>> -> memref<200x32xf32, #tpu.memory_space<hbm>>
          tpu.wait_dma2 semaphore(%run_scoped3A : memref<!tpu.dma_semaphore, #tpu.memory_space<semaphore_mem>>) src(%arg11 : memref<200x32xf32, #tpu.memory_space<vmem>>) dst(%dma_wait3A_65 : memref<200x32xf32, #tpu.memory_space<hbm>>)
          tpu.yield
        }) : () -> ()
        %while3A_59 = arith.constant 0 : i32
        scf.yield %while3A_59 : i32
      }
    } else {
    }
    return
  }
}

#map = affine_map<(d0, d1) -> (0)>
#map1 = affine_map<(d0, d1) -> (0, 0)>
module attributes {stable_mosaic.version = 14 : i64} {
  func.func @_sc_agg_body(%arg0: i32, %arg1: i32, %arg2: memref<1600000xi32, #tpu.memory_space<hbm>>, %arg3: memref<50000x32xf32, #tpu.memory_space<hbm>>, %arg4: memref<50000x32xf32, #tpu.memory_space<hbm>>, %arg5: memref<50000x32xf32, #tpu.memory_space<hbm>>, %arg6: memref<50000x32xf32, #tpu.memory_space<hbm>>, %arg7: memref<1920xi32, #tpu.memory_space<vmem>>, %arg8: memref<1920xi32, #tpu.memory_space<vmem>>, %arg9: memref<4x128xi32, #tpu.memory_space<vmem>>, %arg10: memref<4x128x32xf32, #tpu.memory_space<vmem>>, %arg11: memref<200x32xf32, #tpu.memory_space<vmem>>, %arg12: memref<50000x32xf32, #tpu.memory_space<vmem_shared>>, %arg13: memref<4x!tpu.dma_semaphore, #tpu.memory_space<semaphore_mem>>, %arg14: memref<4x!tpu.dma_semaphore, #tpu.memory_space<semaphore_mem>>, %arg15: memref<!tpu.dma_semaphore, #tpu.memory_space<semaphore_mem>>) attributes {dimension_semantics = [#tpu.dimension_semantics<core_parallel>, #tpu.dimension_semantics<subcore_parallel>], iteration_bounds = array<i64: 2, 16>, scalar_prefetch = 0 : i64, scratch_operands = 9 : i64, tpu.core_type = #tpu.core_type<sc_vector_subcore>, window_params = [{transform_indices = #map}, {transform_indices = #map1}, {transform_indices = #map1}, {transform_indices = #map1}, {transform_indices = #map1}]} {
    %scan3A = arith.constant 0 : i32
    %scan3A_0 = arith.constant 0 : i32
    %scan3A_1 = arith.constant 200 : i32
    %scan3A_2 = arith.addi %scan3A_0, %scan3A_1 : i32
    %scan3A_3 = arith.constant 1 : i32
    %scan3A_4 = scf.for %scan3A_38 = %scan3A_0 to %scan3A_2 step %scan3A_3 iter_args(%scan3A_39 = %scan3A) -> (i32)  : i32 {
      %broadcast_in_dim3A = arith.constant 0.000000e+00 : f32
      %broadcast_in_dim3A_40 = vector.broadcast %broadcast_in_dim3A : f32 to vector<16xf32>
      %swap3A = arith.index_cast %scan3A_38 : i32 to index
      %swap3A_41 = arith.constant 0 : index
      %swap3A_42 = tpu.vector_load %arg11[%swap3A, %swap3A_41] {strides = array<i32>} : memref<200x32xf32, #tpu.memory_space<vmem>>, vector<1x16xf32>,
      %swap3A_43 = vector.shape_cast %swap3A_42 : vector<1x16xf32> to vector<16xf32>
      %swap3A_44 = vector.shape_cast %broadcast_in_dim3A_40 : vector<16xf32> to vector<1x16xf32>
      tpu.vector_store %arg11[%swap3A, %swap3A_41], %swap3A_44 {strides = array<i32>} : memref<200x32xf32, #tpu.memory_space<vmem>>, vector<1x16xf32>,
      %broadcast_in_dim3A_45 = arith.constant 0.000000e+00 : f32
      %broadcast_in_dim3A_46 = vector.broadcast %broadcast_in_dim3A_45 : f32 to vector<16xf32>
      %swap3A_47 = arith.index_cast %scan3A_38 : i32 to index
      %swap3A_48 = arith.constant 16 : index
      %swap3A_49 = tpu.vector_load %arg11[%swap3A_47, %swap3A_48] {strides = array<i32>} : memref<200x32xf32, #tpu.memory_space<vmem>>, vector<1x16xf32>,
      %swap3A_50 = vector.shape_cast %swap3A_49 : vector<1x16xf32> to vector<16xf32>
      %swap3A_51 = vector.shape_cast %broadcast_in_dim3A_46 : vector<16xf32> to vector<1x16xf32>
      tpu.vector_store %arg11[%swap3A_47, %swap3A_48], %swap3A_51 {strides = array<i32>} : memref<200x32xf32, #tpu.memory_space<vmem>>, vector<1x16xf32>,
      %scan3A_52 = arith.constant 0 : i32
      scf.yield %scan3A_52 : i32
    }
    %scan3A_5 = arith.constant 200 : i32
    %mul3A = arith.constant 3125 : i32
    %mul3A_6 = arith.muli %arg1, %mul3A : i32
    %scan3A_7 = arith.constant 0 : i32
    %scan3A_8 = arith.constant 0 : i32
    %scan3A_9 = arith.constant 15 : i32
    %scan3A_10 = arith.addi %scan3A_8, %scan3A_9 : i32
    %scan3A_11 = arith.constant 1 : i32
    %scan3A_12 = scf.for %scan3A_38 = %scan3A_8 to %scan3A_10 step %scan3A_11 iter_args(%scan3A_39 = %scan3A_7) -> (i32)  : i32 {
      %mul3A_40 = arith.constant 200 : i32
      %mul3A_41 = arith.muli %scan3A_38, %mul3A_40 : i32
      %add3A_42 = arith.addi %mul3A_6, %mul3A_41 : i32
      "tpu.region"() ({
        %run_scoped3A = tpu.sem_alloc : memref<!tpu.dma_semaphore, #tpu.memory_space<semaphore_mem>>
        %dma_start3A = arith.constant 0 : i32
        %dma_start3A_44 = tpu.memref_slice %arg12[%add3A_42, %dma_start3A] : memref<50000x32xf32, #tpu.memory_space<vmem_shared>> -> memref<200x32xf32, #tpu.memory_space<vmem_shared>>
        %dma_start3A_45 = arith.constant 0 : i32
        %dma_start3A_46 = tpu.memref_slice %arg12[%add3A_42, %dma_start3A_45] : memref<50000x32xf32, #tpu.memory_space<vmem_shared>> -> memref<200x32xf32, #tpu.memory_space<vmem_shared>>
        tpu.enqueue_dma source(%arg11 : memref<200x32xf32, #tpu.memory_space<vmem>>) target(%dma_start3A_46 : memref<200x32xf32, #tpu.memory_space<vmem_shared>>) target_semaphore(%run_scoped3A : memref<!tpu.dma_semaphore, #tpu.memory_space<semaphore_mem>>)
        %dma_wait3A = arith.constant 0 : i32
        %dma_wait3A_47 = tpu.memref_slice %arg12[%add3A_42, %dma_wait3A] : memref<50000x32xf32, #tpu.memory_space<vmem_shared>> -> memref<200x32xf32, #tpu.memory_space<vmem_shared>>
        %dma_wait3A_48 = arith.constant 0 : i32
        %dma_wait3A_49 = tpu.memref_slice %arg12[%add3A_42, %dma_wait3A_48] : memref<50000x32xf32, #tpu.memory_space<vmem_shared>> -> memref<200x32xf32, #tpu.memory_space<vmem_shared>>
        tpu.wait_dma2 semaphore(%run_scoped3A : memref<!tpu.dma_semaphore, #tpu.memory_space<semaphore_mem>>) src(%arg11 : memref<200x32xf32, #tpu.memory_space<vmem>>) dst(%dma_wait3A_49 : memref<200x32xf32, #tpu.memory_space<vmem_shared>>)
        tpu.yield
      }) : () -> ()
      %scan3A_43 = arith.constant 0 : i32
      scf.yield %scan3A_43 : i32
    }
    %scan3A_13 = arith.constant 15 : i32
    %add3A = arith.constant 3000 : i32
    %add3A_14 = arith.addi %mul3A_6, %add3A : i32
    "tpu.region"() ({
      %run_scoped3A = tpu.sem_alloc : memref<!tpu.dma_semaphore, #tpu.memory_space<semaphore_mem>>
      %dma_start3A = arith.constant 0 : i32
      %dma_start3A_38 = arith.constant 0 : i32
      %dma_start3A_39 = tpu.memref_slice %arg11[%dma_start3A, %dma_start3A_38] : memref<200x32xf32, #tpu.memory_space<vmem>> -> memref<125x32xf32, #tpu.memory_space<vmem>>
      %dma_start3A_40 = arith.constant 0 : i32
      %dma_start3A_41 = tpu.memref_slice %arg12[%add3A_14, %dma_start3A_40] : memref<50000x32xf32, #tpu.memory_space<vmem_shared>> -> memref<125x32xf32, #tpu.memory_space<vmem_shared>>
      %dma_start3A_42 = arith.constant 0 : i32
      %dma_start3A_43 = tpu.memref_slice %arg12[%add3A_14, %dma_start3A_42] : memref<50000x32xf32, #tpu.memory_space<vmem_shared>> -> memref<125x32xf32, #tpu.memory_space<vmem_shared>>
      %dma_start3A_44 = arith.constant 0 : i32
      %dma_start3A_45 = arith.constant 0 : i32
      %dma_start3A_46 = tpu.memref_slice %arg11[%dma_start3A_44, %dma_start3A_45] : memref<200x32xf32, #tpu.memory_space<vmem>> -> memref<125x32xf32, #tpu.memory_space<vmem>>
      tpu.enqueue_dma source(%dma_start3A_46 : memref<125x32xf32, #tpu.memory_space<vmem>>) target(%dma_start3A_43 : memref<125x32xf32, #tpu.memory_space<vmem_shared>>) target_semaphore(%run_scoped3A : memref<!tpu.dma_semaphore, #tpu.memory_space<semaphore_mem>>)
      %dma_wait3A = arith.constant 0 : i32
      %dma_wait3A_47 = arith.constant 0 : i32
      %dma_wait3A_48 = tpu.memref_slice %arg11[%dma_wait3A, %dma_wait3A_47] : memref<200x32xf32, #tpu.memory_space<vmem>> -> memref<125x32xf32, #tpu.memory_space<vmem>>
      %dma_wait3A_49 = arith.constant 0 : i32
      %dma_wait3A_50 = tpu.memref_slice %arg12[%add3A_14, %dma_wait3A_49] : memref<50000x32xf32, #tpu.memory_space<vmem_shared>> -> memref<125x32xf32, #tpu.memory_space<vmem_shared>>
      %dma_wait3A_51 = arith.constant 0 : i32
      %dma_wait3A_52 = tpu.memref_slice %arg12[%add3A_14, %dma_wait3A_51] : memref<50000x32xf32, #tpu.memory_space<vmem_shared>> -> memref<125x32xf32, #tpu.memory_space<vmem_shared>>
      %dma_wait3A_53 = arith.constant 0 : i32
      %dma_wait3A_54 = arith.constant 0 : i32
      %dma_wait3A_55 = tpu.memref_slice %arg11[%dma_wait3A_53, %dma_wait3A_54] : memref<200x32xf32, #tpu.memory_space<vmem>> -> memref<125x32xf32, #tpu.memory_space<vmem>>
      tpu.wait_dma2 semaphore(%run_scoped3A : memref<!tpu.dma_semaphore, #tpu.memory_space<semaphore_mem>>) src(%dma_wait3A_55 : memref<125x32xf32, #tpu.memory_space<vmem>>) dst(%dma_wait3A_52 : memref<125x32xf32, #tpu.memory_space<vmem_shared>>)
      tpu.yield
    }) : () -> ()
    %barrier3A = arith.constant 0 : index
    tpu.barrier barrier_id(%barrier3A)
    %mul3A_15 = arith.constant 390 : i32
    %mul3A_16 = arith.muli %arg1, %mul3A_15 : i32
    %min3A = arith.constant 10 : i32
    %min3A_17 = arith.minsi %arg1, %min3A : i32
    %add3A_18 = arith.addi %mul3A_16, %min3A_17 : i32
    %scan3A_19 = arith.constant 0 : i32
    %scan3A_20 = arith.constant 0 : i32
    %scan3A_21 = arith.constant 26 : i32
    %scan3A_22 = arith.addi %scan3A_20, %scan3A_21 : i32
    %scan3A_23 = arith.constant 1 : i32
    %scan3A_24 = scf.for %scan3A_38 = %scan3A_20 to %scan3A_22 step %scan3A_23 iter_args(%scan3A_39 = %scan3A_19) -> (i32)  : i32 {
      %mul3A_40 = arith.constant 15 : i32
      %mul3A_41 = arith.muli %scan3A_38, %mul3A_40 : i32
      %add3A_42 = arith.addi %add3A_18, %mul3A_41 : i32
      %mul3A_43 = arith.constant 128 : i32
      %mul3A_44 = arith.muli %add3A_42, %mul3A_43 : i32
      "tpu.region"() ({
        %run_scoped3A = tpu.sem_alloc : memref<!tpu.dma_semaphore, #tpu.memory_space<semaphore_mem>>
        %dma_start3A = tpu.memref_slice %arg2[%mul3A_44] : memref<1600000xi32, #tpu.memory_space<hbm>> -> memref<1920xi32, #tpu.memory_space<hbm>>
        %dma_start3A_167 = tpu.memref_slice %arg2[%mul3A_44] : memref<1600000xi32, #tpu.memory_space<hbm>> -> memref<1920xi32, #tpu.memory_space<hbm>>
        tpu.enqueue_dma source(%dma_start3A_167 : memref<1920xi32, #tpu.memory_space<hbm>>) target(%arg7 : memref<1920xi32, #tpu.memory_space<vmem>>) target_semaphore(%run_scoped3A : memref<!tpu.dma_semaphore, #tpu.memory_space<semaphore_mem>>)
        %dma_wait3A_168 = tpu.memref_slice %arg2[%mul3A_44] : memref<1600000xi32, #tpu.memory_space<hbm>> -> memref<1920xi32, #tpu.memory_space<hbm>>
        %dma_wait3A_169 = tpu.memref_slice %arg2[%mul3A_44] : memref<1600000xi32, #tpu.memory_space<hbm>> -> memref<1920xi32, #tpu.memory_space<hbm>>
        tpu.wait_dma2 semaphore(%run_scoped3A : memref<!tpu.dma_semaphore, #tpu.memory_space<semaphore_mem>>) src(%dma_wait3A_169 : memref<1920xi32, #tpu.memory_space<hbm>>) dst(%arg7 : memref<1920xi32, #tpu.memory_space<vmem>>)
        tpu.yield
      }) : () -> ()
      %mul3A_45 = arith.constant 128 : i32
      %mul3A_46 = arith.muli %add3A_42, %mul3A_45 : i32
      %add3A_47 = arith.constant 800000 : i32
      %add3A_48 = arith.addi %add3A_47, %mul3A_46 : i32
      "tpu.region"() ({
        %run_scoped3A = tpu.sem_alloc : memref<!tpu.dma_semaphore, #tpu.memory_space<semaphore_mem>>
        %dma_start3A = tpu.memref_slice %arg2[%add3A_48] : memref<1600000xi32, #tpu.memory_space<hbm>> -> memref<1920xi32, #tpu.memory_space<hbm>>
        %dma_start3A_167 = tpu.memref_slice %arg2[%add3A_48] : memref<1600000xi32, #tpu.memory_space<hbm>> -> memref<1920xi32, #tpu.memory_space<hbm>>
        tpu.enqueue_dma source(%dma_start3A_167 : memref<1920xi32, #tpu.memory_space<hbm>>) target(%arg8 : memref<1920xi32, #tpu.memory_space<vmem>>) target_semaphore(%run_scoped3A : memref<!tpu.dma_semaphore, #tpu.memory_space<semaphore_mem>>)
        %dma_wait3A_168 = tpu.memref_slice %arg2[%add3A_48] : memref<1600000xi32, #tpu.memory_space<hbm>> -> memref<1920xi32, #tpu.memory_space<hbm>>
        %dma_wait3A_169 = tpu.memref_slice %arg2[%add3A_48] : memref<1600000xi32, #tpu.memory_space<hbm>> -> memref<1920xi32, #tpu.memory_space<hbm>>
        tpu.wait_dma2 semaphore(%run_scoped3A : memref<!tpu.dma_semaphore, #tpu.memory_space<semaphore_mem>>) src(%dma_wait3A_169 : memref<1920xi32, #tpu.memory_space<hbm>>) dst(%arg8 : memref<1920xi32, #tpu.memory_space<vmem>>)
        tpu.yield
      }) : () -> ()
      %rem3A = arith.constant 0 : i32
      %rem3A_49 = arith.constant 4 : i32
      %rem3A_50 = arith.remsi %rem3A, %rem3A_49 : i32
      %eq3A_51 = arith.constant 0 : i32
      %eq3A_52 = arith.cmpi eq, %arg0, %eq3A_51 : i32
      %convert_element_type3A_53 = arith.extui %eq3A_52 : i1 to i32
      %cond3A_54 = arith.constant 0 : i32
      %cond3A_55 = arith.cmpi ne, %convert_element_type3A_53, %cond3A_54 : i32
      scf.if %cond3A_55 {
        %dma_start3A = arith.constant 0 : i32
        %dma_start3A_167 = arith.constant 0 : i32
        %dma_start3A_168 = tpu.memref_slice %arg10[%rem3A_50, %dma_start3A, %dma_start3A_167] : memref<4x128x32xf32, #tpu.memory_space<vmem>> -> memref<1x128x32xf32, #tpu.memory_space<vmem>>
        %dma_start3A_169 = tpu.memref_squeeze %dma_start3A_168 : memref<1x128x32xf32, #tpu.memory_space<vmem>> -> memref<128x32xf32, #tpu.memory_space<vmem>>
        %dma_start3A_170 = arith.constant 0 : i32
        %dma_start3A_171 = tpu.memref_slice %arg7[%dma_start3A_170] : memref<1920xi32, #tpu.memory_space<vmem>> -> memref<128xi32, #tpu.memory_space<vmem>>
        %dma_start3A_172 = arith.constant 0 : i32
        %dma_start3A_173 = arith.constant 0 : i32
        %dma_start3A_174 = tpu.memref_slice %arg3[%dma_start3A_172, %dma_start3A_173] : memref<50000x32xf32, #tpu.memory_space<hbm>> -> memref<50000x32xf32, #tpu.memory_space<hbm>>
        %dma_start3A_175 = tpu.memref_slice %arg13[%rem3A_50] : memref<4x!tpu.dma_semaphore, #tpu.memory_space<semaphore_mem>> -> memref<1x!tpu.dma_semaphore, #tpu.memory_space<semaphore_mem>>
        %dma_start3A_176 = tpu.memref_squeeze %dma_start3A_175 : memref<1x!tpu.dma_semaphore, #tpu.memory_space<semaphore_mem>> -> memref<!tpu.dma_semaphore, #tpu.memory_space<semaphore_mem>>
        tpu.enqueue_indirect_dma source(%dma_start3A_174 : memref<50000x32xf32, #tpu.memory_space<hbm>>) target(%dma_start3A_169 : memref<128x32xf32, #tpu.memory_space<vmem>>) offsets(%dma_start3A_171 : memref<128xi32, #tpu.memory_space<vmem>>) semaphore(%dma_start3A_176 : memref<!tpu.dma_semaphore, #tpu.memory_space<semaphore_mem>>)
      } else {
      }
      %eq3A_56 = arith.constant 1 : i32
      %eq3A_57 = arith.cmpi eq, %arg0, %eq3A_56 : i32
      %convert_element_type3A_58 = arith.extui %eq3A_57 : i1 to i32
      %cond3A_59 = arith.constant 0 : i32
      %cond3A_60 = arith.cmpi ne, %convert_element_type3A_58, %cond3A_59 : i32
      scf.if %cond3A_60 {
        %dma_start3A = arith.constant 0 : i32
        %dma_start3A_167 = arith.constant 0 : i32
        %dma_start3A_168 = tpu.memref_slice %arg10[%rem3A_50, %dma_start3A, %dma_start3A_167] : memref<4x128x32xf32, #tpu.memory_space<vmem>> -> memref<1x128x32xf32, #tpu.memory_space<vmem>>
        %dma_start3A_169 = tpu.memref_squeeze %dma_start3A_168 : memref<1x128x32xf32, #tpu.memory_space<vmem>> -> memref<128x32xf32, #tpu.memory_space<vmem>>
        %dma_start3A_170 = arith.constant 0 : i32
        %dma_start3A_171 = tpu.memref_slice %arg7[%dma_start3A_170] : memref<1920xi32, #tpu.memory_space<vmem>> -> memref<128xi32, #tpu.memory_space<vmem>>
        %dma_start3A_172 = arith.constant 0 : i32
        %dma_start3A_173 = arith.constant 0 : i32
        %dma_start3A_174 = tpu.memref_slice %arg4[%dma_start3A_172, %dma_start3A_173] : memref<50000x32xf32, #tpu.memory_space<hbm>> -> memref<50000x32xf32, #tpu.memory_space<hbm>>
        %dma_start3A_175 = tpu.memref_slice %arg13[%rem3A_50] : memref<4x!tpu.dma_semaphore, #tpu.memory_space<semaphore_mem>> -> memref<1x!tpu.dma_semaphore, #tpu.memory_space<semaphore_mem>>
        %dma_start3A_176 = tpu.memref_squeeze %dma_start3A_175 : memref<1x!tpu.dma_semaphore, #tpu.memory_space<semaphore_mem>> -> memref<!tpu.dma_semaphore, #tpu.memory_space<semaphore_mem>>
        tpu.enqueue_indirect_dma source(%dma_start3A_174 : memref<50000x32xf32, #tpu.memory_space<hbm>>) target(%dma_start3A_169 : memref<128x32xf32, #tpu.memory_space<vmem>>) offsets(%dma_start3A_171 : memref<128xi32, #tpu.memory_space<vmem>>) semaphore(%dma_start3A_176 : memref<!tpu.dma_semaphore, #tpu.memory_space<semaphore_mem>>)
      } else {
      }
      %rem3A_61 = arith.constant 1 : i32
      %rem3A_62 = arith.constant 4 : i32
      %rem3A_63 = arith.remsi %rem3A_61, %rem3A_62 : i32
      %eq3A_64 = arith.constant 0 : i32
      %eq3A_65 = arith.cmpi eq, %arg0, %eq3A_64 : i32
      %convert_element_type3A_66 = arith.extui %eq3A_65 : i1 to i32
      %cond3A_67 = arith.constant 0 : i32
      %cond3A_68 = arith.cmpi ne, %convert_element_type3A_66, %cond3A_67 : i32
      scf.if %cond3A_68 {
        %dma_start3A = arith.constant 0 : i32
        %dma_start3A_167 = arith.constant 0 : i32
        %dma_start3A_168 = tpu.memref_slice %arg10[%rem3A_63, %dma_start3A, %dma_start3A_167] : memref<4x128x32xf32, #tpu.memory_space<vmem>> -> memref<1x128x32xf32, #tpu.memory_space<vmem>>
        %dma_start3A_169 = tpu.memref_squeeze %dma_start3A_168 : memref<1x128x32xf32, #tpu.memory_space<vmem>> -> memref<128x32xf32, #tpu.memory_space<vmem>>
        %dma_start3A_170 = arith.constant 128 : i32
        %dma_start3A_171 = tpu.memref_slice %arg7[%dma_start3A_170] : memref<1920xi32, #tpu.memory_space<vmem>> -> memref<128xi32, #tpu.memory_space<vmem>>
        %dma_start3A_172 = arith.constant 0 : i32
        %dma_start3A_173 = arith.constant 0 : i32
        %dma_start3A_174 = tpu.memref_slice %arg3[%dma_start3A_172, %dma_start3A_173] : memref<50000x32xf32, #tpu.memory_space<hbm>> -> memref<50000x32xf32, #tpu.memory_space<hbm>>
        %dma_start3A_175 = tpu.memref_slice %arg13[%rem3A_63] : memref<4x!tpu.dma_semaphore, #tpu.memory_space<semaphore_mem>> -> memref<1x!tpu.dma_semaphore, #tpu.memory_space<semaphore_mem>>
        %dma_start3A_176 = tpu.memref_squeeze %dma_start3A_175 : memref<1x!tpu.dma_semaphore, #tpu.memory_space<semaphore_mem>> -> memref<!tpu.dma_semaphore, #tpu.memory_space<semaphore_mem>>
        tpu.enqueue_indirect_dma source(%dma_start3A_174 : memref<50000x32xf32, #tpu.memory_space<hbm>>) target(%dma_start3A_169 : memref<128x32xf32, #tpu.memory_space<vmem>>) offsets(%dma_start3A_171 : memref<128xi32, #tpu.memory_space<vmem>>) semaphore(%dma_start3A_176 : memref<!tpu.dma_semaphore, #tpu.memory_space<semaphore_mem>>)
      } else {
      }
      %eq3A_69 = arith.constant 1 : i32
      %eq3A_70 = arith.cmpi eq, %arg0, %eq3A_69 : i32
      %convert_element_type3A_71 = arith.extui %eq3A_70 : i1 to i32
      %cond3A_72 = arith.constant 0 : i32
      %cond3A_73 = arith.cmpi ne, %convert_element_type3A_71, %cond3A_72 : i32
      scf.if %cond3A_73 {
        %dma_start3A = arith.constant 0 : i32
        %dma_start3A_167 = arith.constant 0 : i32
        %dma_start3A_168 = tpu.memref_slice %arg10[%rem3A_63, %dma_start3A, %dma_start3A_167] : memref<4x128x32xf32, #tpu.memory_space<vmem>> -> memref<1x128x32xf32, #tpu.memory_space<vmem>>
        %dma_start3A_169 = tpu.memref_squeeze %dma_start3A_168 : memref<1x128x32xf32, #tpu.memory_space<vmem>> -> memref<128x32xf32, #tpu.memory_space<vmem>>
        %dma_start3A_170 = arith.constant 128 : i32
        %dma_start3A_171 = tpu.memref_slice %arg7[%dma_start3A_170] : memref<1920xi32, #tpu.memory_space<vmem>> -> memref<128xi32, #tpu.memory_space<vmem>>
        %dma_start3A_172 = arith.constant 0 : i32
        %dma_start3A_173 = arith.constant 0 : i32
        %dma_start3A_174 = tpu.memref_slice %arg4[%dma_start3A_172, %dma_start3A_173] : memref<50000x32xf32, #tpu.memory_space<hbm>> -> memref<50000x32xf32, #tpu.memory_space<hbm>>
        %dma_start3A_175 = tpu.memref_slice %arg13[%rem3A_63] : memref<4x!tpu.dma_semaphore, #tpu.memory_space<semaphore_mem>> -> memref<1x!tpu.dma_semaphore, #tpu.memory_space<semaphore_mem>>
        %dma_start3A_176 = tpu.memref_squeeze %dma_start3A_175 : memref<1x!tpu.dma_semaphore, #tpu.memory_space<semaphore_mem>> -> memref<!tpu.dma_semaphore, #tpu.memory_space<semaphore_mem>>
        tpu.enqueue_indirect_dma source(%dma_start3A_174 : memref<50000x32xf32, #tpu.memory_space<hbm>>) target(%dma_start3A_169 : memref<128x32xf32, #tpu.memory_space<vmem>>) offsets(%dma_start3A_171 : memref<128xi32, #tpu.memory_space<vmem>>) semaphore(%dma_start3A_176 : memref<!tpu.dma_semaphore, #tpu.memory_space<semaphore_mem>>)
      } else {
      }
      %rem3A_74 = arith.constant 2 : i32
      %rem3A_75 = arith.constant 4 : i32
      %rem3A_76 = arith.remsi %rem3A_74, %rem3A_75 : i32
      %eq3A_77 = arith.constant 0 : i32
      %eq3A_78 = arith.cmpi eq, %arg0, %eq3A_77 : i32
      %convert_element_type3A_79 = arith.extui %eq3A_78 : i1 to i32
      %cond3A_80 = arith.constant 0 : i32
      %cond3A_81 = arith.cmpi ne, %convert_element_type3A_79, %cond3A_80 : i32
      scf.if %cond3A_81 {
        %dma_start3A = arith.constant 0 : i32
        %dma_start3A_167 = arith.constant 0 : i32
        %dma_start3A_168 = tpu.memref_slice %arg10[%rem3A_76, %dma_start3A, %dma_start3A_167] : memref<4x128x32xf32, #tpu.memory_space<vmem>> -> memref<1x128x32xf32, #tpu.memory_space<vmem>>
        %dma_start3A_169 = tpu.memref_squeeze %dma_start3A_168 : memref<1x128x32xf32, #tpu.memory_space<vmem>> -> memref<128x32xf32, #tpu.memory_space<vmem>>
        %dma_start3A_170 = arith.constant 256 : i32
        %dma_start3A_171 = tpu.memref_slice %arg7[%dma_start3A_170] : memref<1920xi32, #tpu.memory_space<vmem>> -> memref<128xi32, #tpu.memory_space<vmem>>
        %dma_start3A_172 = arith.constant 0 : i32
        %dma_start3A_173 = arith.constant 0 : i32
        %dma_start3A_174 = tpu.memref_slice %arg3[%dma_start3A_172, %dma_start3A_173] : memref<50000x32xf32, #tpu.memory_space<hbm>> -> memref<50000x32xf32, #tpu.memory_space<hbm>>
        %dma_start3A_175 = tpu.memref_slice %arg13[%rem3A_76] : memref<4x!tpu.dma_semaphore, #tpu.memory_space<semaphore_mem>> -> memref<1x!tpu.dma_semaphore, #tpu.memory_space<semaphore_mem>>
        %dma_start3A_176 = tpu.memref_squeeze %dma_start3A_175 : memref<1x!tpu.dma_semaphore, #tpu.memory_space<semaphore_mem>> -> memref<!tpu.dma_semaphore, #tpu.memory_space<semaphore_mem>>
        tpu.enqueue_indirect_dma source(%dma_start3A_174 : memref<50000x32xf32, #tpu.memory_space<hbm>>) target(%dma_start3A_169 : memref<128x32xf32, #tpu.memory_space<vmem>>) offsets(%dma_start3A_171 : memref<128xi32, #tpu.memory_space<vmem>>) semaphore(%dma_start3A_176 : memref<!tpu.dma_semaphore, #tpu.memory_space<semaphore_mem>>)
      } else {
      }
      %eq3A_82 = arith.constant 1 : i32
      %eq3A_83 = arith.cmpi eq, %arg0, %eq3A_82 : i32
      %convert_element_type3A_84 = arith.extui %eq3A_83 : i1 to i32
      %cond3A_85 = arith.constant 0 : i32
      %cond3A_86 = arith.cmpi ne, %convert_element_type3A_84, %cond3A_85 : i32
      scf.if %cond3A_86 {
        %dma_start3A = arith.constant 0 : i32
        %dma_start3A_167 = arith.constant 0 : i32
        %dma_start3A_168 = tpu.memref_slice %arg10[%rem3A_76, %dma_start3A, %dma_start3A_167] : memref<4x128x32xf32, #tpu.memory_space<vmem>> -> memref<1x128x32xf32, #tpu.memory_space<vmem>>
        %dma_start3A_169 = tpu.memref_squeeze %dma_start3A_168 : memref<1x128x32xf32, #tpu.memory_space<vmem>> -> memref<128x32xf32, #tpu.memory_space<vmem>>
        %dma_start3A_170 = arith.constant 256 : i32
        %dma_start3A_171 = tpu.memref_slice %arg7[%dma_start3A_170] : memref<1920xi32, #tpu.memory_space<vmem>> -> memref<128xi32, #tpu.memory_space<vmem>>
        %dma_start3A_172 = arith.constant 0 : i32
        %dma_start3A_173 = arith.constant 0 : i32
        %dma_start3A_174 = tpu.memref_slice %arg4[%dma_start3A_172, %dma_start3A_173] : memref<50000x32xf32, #tpu.memory_space<hbm>> -> memref<50000x32xf32, #tpu.memory_space<hbm>>
        %dma_start3A_175 = tpu.memref_slice %arg13[%rem3A_76] : memref<4x!tpu.dma_semaphore, #tpu.memory_space<semaphore_mem>> -> memref<1x!tpu.dma_semaphore, #tpu.memory_space<semaphore_mem>>
        %dma_start3A_176 = tpu.memref_squeeze %dma_start3A_175 : memref<1x!tpu.dma_semaphore, #tpu.memory_space<semaphore_mem>> -> memref<!tpu.dma_semaphore, #tpu.memory_space<semaphore_mem>>
        tpu.enqueue_indirect_dma source(%dma_start3A_174 : memref<50000x32xf32, #tpu.memory_space<hbm>>) target(%dma_start3A_169 : memref<128x32xf32, #tpu.memory_space<vmem>>) offsets(%dma_start3A_171 : memref<128xi32, #tpu.memory_space<vmem>>) semaphore(%dma_start3A_176 : memref<!tpu.dma_semaphore, #tpu.memory_space<semaphore_mem>>)
      } else {
      }
      %rem3A_87 = arith.constant 3 : i32
      %rem3A_88 = arith.constant 4 : i32
      %rem3A_89 = arith.remsi %rem3A_87, %rem3A_88 : i32
      %eq3A_90 = arith.constant 0 : i32
      %eq3A_91 = arith.cmpi eq, %arg0, %eq3A_90 : i32
      %convert_element_type3A_92 = arith.extui %eq3A_91 : i1 to i32
      %cond3A_93 = arith.constant 0 : i32
      %cond3A_94 = arith.cmpi ne, %convert_element_type3A_92, %cond3A_93 : i32
      scf.if %cond3A_94 {
        %dma_start3A = arith.constant 0 : i32
        %dma_start3A_167 = arith.constant 0 : i32
        %dma_start3A_168 = tpu.memref_slice %arg10[%rem3A_89, %dma_start3A, %dma_start3A_167] : memref<4x128x32xf32, #tpu.memory_space<vmem>> -> memref<1x128x32xf32, #tpu.memory_space<vmem>>
        %dma_start3A_169 = tpu.memref_squeeze %dma_start3A_168 : memref<1x128x32xf32, #tpu.memory_space<vmem>> -> memref<128x32xf32, #tpu.memory_space<vmem>>
        %dma_start3A_170 = arith.constant 384 : i32
        %dma_start3A_171 = tpu.memref_slice %arg7[%dma_start3A_170] : memref<1920xi32, #tpu.memory_space<vmem>> -> memref<128xi32, #tpu.memory_space<vmem>>
        %dma_start3A_172 = arith.constant 0 : i32
        %dma_start3A_173 = arith.constant 0 : i32
        %dma_start3A_174 = tpu.memref_slice %arg3[%dma_start3A_172, %dma_start3A_173] : memref<50000x32xf32, #tpu.memory_space<hbm>> -> memref<50000x32xf32, #tpu.memory_space<hbm>>
        %dma_start3A_175 = tpu.memref_slice %arg13[%rem3A_89] : memref<4x!tpu.dma_semaphore, #tpu.memory_space<semaphore_mem>> -> memref<1x!tpu.dma_semaphore, #tpu.memory_space<semaphore_mem>>
        %dma_start3A_176 = tpu.memref_squeeze %dma_start3A_175 : memref<1x!tpu.dma_semaphore, #tpu.memory_space<semaphore_mem>> -> memref<!tpu.dma_semaphore, #tpu.memory_space<semaphore_mem>>
        tpu.enqueue_indirect_dma source(%dma_start3A_174 : memref<50000x32xf32, #tpu.memory_space<hbm>>) target(%dma_start3A_169 : memref<128x32xf32, #tpu.memory_space<vmem>>) offsets(%dma_start3A_171 : memref<128xi32, #tpu.memory_space<vmem>>) semaphore(%dma_start3A_176 : memref<!tpu.dma_semaphore, #tpu.memory_space<semaphore_mem>>)
      } else {
      }
      %eq3A_95 = arith.constant 1 : i32
      %eq3A_96 = arith.cmpi eq, %arg0, %eq3A_95 : i32
      %convert_element_type3A_97 = arith.extui %eq3A_96 : i1 to i32
      %cond3A_98 = arith.constant 0 : i32
      %cond3A_99 = arith.cmpi ne, %convert_element_type3A_97, %cond3A_98 : i32
      scf.if %cond3A_99 {
        %dma_start3A = arith.constant 0 : i32
        %dma_start3A_167 = arith.constant 0 : i32
        %dma_start3A_168 = tpu.memref_slice %arg10[%rem3A_89, %dma_start3A, %dma_start3A_167] : memref<4x128x32xf32, #tpu.memory_space<vmem>> -> memref<1x128x32xf32, #tpu.memory_space<vmem>>
        %dma_start3A_169 = tpu.memref_squeeze %dma_start3A_168 : memref<1x128x32xf32, #tpu.memory_space<vmem>> -> memref<128x32xf32, #tpu.memory_space<vmem>>
        %dma_start3A_170 = arith.constant 384 : i32
        %dma_start3A_171 = tpu.memref_slice %arg7[%dma_start3A_170] : memref<1920xi32, #tpu.memory_space<vmem>> -> memref<128xi32, #tpu.memory_space<vmem>>
        %dma_start3A_172 = arith.constant 0 : i32
        %dma_start3A_173 = arith.constant 0 : i32
        %dma_start3A_174 = tpu.memref_slice %arg4[%dma_start3A_172, %dma_start3A_173] : memref<50000x32xf32, #tpu.memory_space<hbm>> -> memref<50000x32xf32, #tpu.memory_space<hbm>>
        %dma_start3A_175 = tpu.memref_slice %arg13[%rem3A_89] : memref<4x!tpu.dma_semaphore, #tpu.memory_space<semaphore_mem>> -> memref<1x!tpu.dma_semaphore, #tpu.memory_space<semaphore_mem>>
        %dma_start3A_176 = tpu.memref_squeeze %dma_start3A_175 : memref<1x!tpu.dma_semaphore, #tpu.memory_space<semaphore_mem>> -> memref<!tpu.dma_semaphore, #tpu.memory_space<semaphore_mem>>
        tpu.enqueue_indirect_dma source(%dma_start3A_174 : memref<50000x32xf32, #tpu.memory_space<hbm>>) target(%dma_start3A_169 : memref<128x32xf32, #tpu.memory_space<vmem>>) offsets(%dma_start3A_171 : memref<128xi32, #tpu.memory_space<vmem>>) semaphore(%dma_start3A_176 : memref<!tpu.dma_semaphore, #tpu.memory_space<semaphore_mem>>)
      } else {
      }
      %scan3A_100 = arith.constant 0 : i32
      %scan3A_101 = arith.constant 0 : i32
      %scan3A_102 = arith.constant 15 : i32
      %scan3A_103 = arith.addi %scan3A_101, %scan3A_102 : i32
      %scan3A_104 = arith.constant 1 : i32
      %scan3A_105 = scf.for %scan3A_167 = %scan3A_101 to %scan3A_103 step %scan3A_104 iter_args(%scan3A_168 = %scan3A_100) -> (i32)  : i32 {
        %rem3A_169 = arith.constant 4 : i32
        %rem3A_170 = arith.remsi %scan3A_167, %rem3A_169 : i32
        %mul3A_171 = arith.constant 128 : i32
        %mul3A_172 = arith.muli %scan3A_167, %mul3A_171 : i32
        %dma_wait3A_173 = arith.constant 0 : i32
        %dma_wait3A_174 = arith.constant 0 : i32
        %dma_wait3A_175 = tpu.memref_slice %arg10[%rem3A_170, %dma_wait3A_173, %dma_wait3A_174] : memref<4x128x32xf32, #tpu.memory_space<vmem>> -> memref<1x128x32xf32, #tpu.memory_space<vmem>>
        %dma_wait3A_176 = tpu.memref_squeeze %dma_wait3A_175 : memref<1x128x32xf32, #tpu.memory_space<vmem>> -> memref<128x32xf32, #tpu.memory_space<vmem>>
        %dma_wait3A_177 = tpu.memref_slice %arg7[%mul3A_172] : memref<1920xi32, #tpu.memory_space<vmem>> -> memref<128xi32, #tpu.memory_space<vmem>>
        %dma_wait3A_178 = arith.constant 0 : i32
        %dma_wait3A_179 = arith.constant 0 : i32
        %dma_wait3A_180 = tpu.memref_slice %arg3[%dma_wait3A_178, %dma_wait3A_179] : memref<50000x32xf32, #tpu.memory_space<hbm>> -> memref<50000x32xf32, #tpu.memory_space<hbm>>
        %dma_wait3A_181 = tpu.memref_slice %arg13[%rem3A_170] : memref<4x!tpu.dma_semaphore, #tpu.memory_space<semaphore_mem>> -> memref<1x!tpu.dma_semaphore, #tpu.memory_space<semaphore_mem>>
        %dma_wait3A_182 = tpu.memref_squeeze %dma_wait3A_181 : memref<1x!tpu.dma_semaphore, #tpu.memory_space<semaphore_mem>> -> memref<!tpu.dma_semaphore, #tpu.memory_space<semaphore_mem>>
        tpu.wait_indirect_dma semaphore(%dma_wait3A_182 : memref<!tpu.dma_semaphore, #tpu.memory_space<semaphore_mem>>) src(%dma_wait3A_180 : memref<50000x32xf32, #tpu.memory_space<hbm>>) dst(%dma_wait3A_176 : memref<128x32xf32, #tpu.memory_space<vmem>>)
        %rem3A_183 = arith.constant 4 : i32
        %rem3A_184 = arith.remsi %scan3A_167, %rem3A_183 : i32
        %mul3A_185 = arith.constant 128 : i32
        %mul3A_186 = arith.muli %scan3A_167, %mul3A_185 : i32
        %add3A_187 = arith.constant 0 : i32
        %add3A_188 = arith.addi %mul3A_186, %add3A_187 : i32
        %get3A = arith.index_cast %add3A_188 : i32 to index
        %get3A_189 = tpu.vector_load %arg8[%get3A] {strides = array<i32>} : memref<1920xi32, #tpu.memory_space<vmem>>, vector<16xi32>,
        %get3A_190 = vector.shape_cast %get3A_189 : vector<16xi32> to vector<16xi32>
        %swap3A = arith.index_cast %rem3A_184 : i32 to index
        %swap3A_191 = arith.constant 0 : index
        %swap3A_192 = tpu.vector_load %arg9[%swap3A, %swap3A_191] {strides = array<i32>} : memref<4x128xi32, #tpu.memory_space<vmem>>, vector<1x16xi32>,
        %swap3A_193 = vector.shape_cast %swap3A_192 : vector<1x16xi32> to vector<16xi32>
        %swap3A_194 = vector.shape_cast %get3A_190 : vector<16xi32> to vector<1x16xi32>
        tpu.vector_store %arg9[%swap3A, %swap3A_191], %swap3A_194 {strides = array<i32>} : memref<4x128xi32, #tpu.memory_space<vmem>>, vector<1x16xi32>,
        %mul3A_195 = arith.constant 128 : i32
        %mul3A_196 = arith.muli %scan3A_167, %mul3A_195 : i32
        %add3A_197 = arith.constant 16 : i32
        %add3A_198 = arith.addi %mul3A_196, %add3A_197 : i32
        %get3A_199 = arith.index_cast %add3A_198 : i32 to index
        %get3A_200 = tpu.vector_load %arg8[%get3A_199] {strides = array<i32>} : memref<1920xi32, #tpu.memory_space<vmem>>, vector<16xi32>,
        %get3A_201 = vector.shape_cast %get3A_200 : vector<16xi32> to vector<16xi32>
        %swap3A_202 = arith.index_cast %rem3A_184 : i32 to index
        %swap3A_203 = arith.constant 16 : index
        %swap3A_204 = tpu.vector_load %arg9[%swap3A_202, %swap3A_203] {strides = array<i32>} : memref<4x128xi32, #tpu.memory_space<vmem>>, vector<1x16xi32>,
        %swap3A_205 = vector.shape_cast %swap3A_204 : vector<1x16xi32> to vector<16xi32>
        %swap3A_206 = vector.shape_cast %get3A_201 : vector<16xi32> to vector<1x16xi32>
        tpu.vector_store %arg9[%swap3A_202, %swap3A_203], %swap3A_206 {strides = array<i32>} : memref<4x128xi32, #tpu.memory_space<vmem>>, vector<1x16xi32>,
        %mul3A_207 = arith.constant 128 : i32
        %mul3A_208 = arith.muli %scan3A_167, %mul3A_207 : i32
        %add3A_209 = arith.constant 32 : i32
        %add3A_210 = arith.addi %mul3A_208, %add3A_209 : i32
        %get3A_211 = arith.index_cast %add3A_210 : i32 to index
        %get3A_212 = tpu.vector_load %arg8[%get3A_211] {strides = array<i32>} : memref<1920xi32, #tpu.memory_space<vmem>>, vector<16xi32>,
        %get3A_213 = vector.shape_cast %get3A_212 : vector<16xi32> to vector<16xi32>
        %swap3A_214 = arith.index_cast %rem3A_184 : i32 to index
        %swap3A_215 = arith.constant 32 : index
        %swap3A_216 = tpu.vector_load %arg9[%swap3A_214, %swap3A_215] {strides = array<i32>} : memref<4x128xi32, #tpu.memory_space<vmem>>, vector<1x16xi32>,
        %swap3A_217 = vector.shape_cast %swap3A_216 : vector<1x16xi32> to vector<16xi32>
        %swap3A_218 = vector.shape_cast %get3A_213 : vector<16xi32> to vector<1x16xi32>
        tpu.vector_store %arg9[%swap3A_214, %swap3A_215], %swap3A_218 {strides = array<i32>} : memref<4x128xi32, #tpu.memory_space<vmem>>, vector<1x16xi32>,
        %mul3A_219 = arith.constant 128 : i32
        %mul3A_220 = arith.muli %scan3A_167, %mul3A_219 : i32
        %add3A_221 = arith.constant 48 : i32
        %add3A_222 = arith.addi %mul3A_220, %add3A_221 : i32
        %get3A_223 = arith.index_cast %add3A_222 : i32 to index
        %get3A_224 = tpu.vector_load %arg8[%get3A_223] {strides = array<i32>} : memref<1920xi32, #tpu.memory_space<vmem>>, vector<16xi32>,
        %get3A_225 = vector.shape_cast %get3A_224 : vector<16xi32> to vector<16xi32>
        %swap3A_226 = arith.index_cast %rem3A_184 : i32 to index
        %swap3A_227 = arith.constant 48 : index
        %swap3A_228 = tpu.vector_load %arg9[%swap3A_226, %swap3A_227] {strides = array<i32>} : memref<4x128xi32, #tpu.memory_space<vmem>>, vector<1x16xi32>,
        %swap3A_229 = vector.shape_cast %swap3A_228 : vector<1x16xi32> to vector<16xi32>
        %swap3A_230 = vector.shape_cast %get3A_225 : vector<16xi32> to vector<1x16xi32>
        tpu.vector_store %arg9[%swap3A_226, %swap3A_227], %swap3A_230 {strides = array<i32>} : memref<4x128xi32, #tpu.memory_space<vmem>>, vector<1x16xi32>,
        %mul3A_231 = arith.constant 128 : i32
        %mul3A_232 = arith.muli %scan3A_167, %mul3A_231 : i32
        %add3A_233 = arith.constant 64 : i32
        %add3A_234 = arith.addi %mul3A_232, %add3A_233 : i32
        %get3A_235 = arith.index_cast %add3A_234 : i32 to index
        %get3A_236 = tpu.vector_load %arg8[%get3A_235] {strides = array<i32>} : memref<1920xi32, #tpu.memory_space<vmem>>, vector<16xi32>,
        %get3A_237 = vector.shape_cast %get3A_236 : vector<16xi32> to vector<16xi32>
        %swap3A_238 = arith.index_cast %rem3A_184 : i32 to index
        %swap3A_239 = arith.constant 64 : index
        %swap3A_240 = tpu.vector_load %arg9[%swap3A_238, %swap3A_239] {strides = array<i32>} : memref<4x128xi32, #tpu.memory_space<vmem>>, vector<1x16xi32>,
        %swap3A_241 = vector.shape_cast %swap3A_240 : vector<1x16xi32> to vector<16xi32>
        %swap3A_242 = vector.shape_cast %get3A_237 : vector<16xi32> to vector<1x16xi32>
        tpu.vector_store %arg9[%swap3A_238, %swap3A_239], %swap3A_242 {strides = array<i32>} : memref<4x128xi32, #tpu.memory_space<vmem>>, vector<1x16xi32>,
        %mul3A_243 = arith.constant 128 : i32
        %mul3A_244 = arith.muli %scan3A_167, %mul3A_243 : i32
        %add3A_245 = arith.constant 80 : i32
        %add3A_246 = arith.addi %mul3A_244, %add3A_245 : i32
        %get3A_247 = arith.index_cast %add3A_246 : i32 to index
        %get3A_248 = tpu.vector_load %arg8[%get3A_247] {strides = array<i32>} : memref<1920xi32, #tpu.memory_space<vmem>>, vector<16xi32>,
        %get3A_249 = vector.shape_cast %get3A_248 : vector<16xi32> to vector<16xi32>
        %swap3A_250 = arith.index_cast %rem3A_184 : i32 to index
        %swap3A_251 = arith.constant 80 : index
        %swap3A_252 = tpu.vector_load %arg9[%swap3A_250, %swap3A_251] {strides = array<i32>} : memref<4x128xi32, #tpu.memory_space<vmem>>, vector<1x16xi32>,
        %swap3A_253 = vector.shape_cast %swap3A_252 : vector<1x16xi32> to vector<16xi32>
        %swap3A_254 = vector.shape_cast %get3A_249 : vector<16xi32> to vector<1x16xi32>
        tpu.vector_store %arg9[%swap3A_250, %swap3A_251], %swap3A_254 {strides = array<i32>} : memref<4x128xi32, #tpu.memory_space<vmem>>, vector<1x16xi32>,
        %mul3A_255 = arith.constant 128 : i32
        %mul3A_256 = arith.muli %scan3A_167, %mul3A_255 : i32
        %add3A_257 = arith.constant 96 : i32
        %add3A_258 = arith.addi %mul3A_256, %add3A_257 : i32
        %get3A_259 = arith.index_cast %add3A_258 : i32 to index
        %get3A_260 = tpu.vector_load %arg8[%get3A_259] {strides = array<i32>} : memref<1920xi32, #tpu.memory_space<vmem>>, vector<16xi32>,
        %get3A_261 = vector.shape_cast %get3A_260 : vector<16xi32> to vector<16xi32>
        %swap3A_262 = arith.index_cast %rem3A_184 : i32 to index
        %swap3A_263 = arith.constant 96 : index
        %swap3A_264 = tpu.vector_load %arg9[%swap3A_262, %swap3A_263] {strides = array<i32>} : memref<4x128xi32, #tpu.memory_space<vmem>>, vector<1x16xi32>,
        %swap3A_265 = vector.shape_cast %swap3A_264 : vector<1x16xi32> to vector<16xi32>
        %swap3A_266 = vector.shape_cast %get3A_261 : vector<16xi32> to vector<1x16xi32>
        tpu.vector_store %arg9[%swap3A_262, %swap3A_263], %swap3A_266 {strides = array<i32>} : memref<4x128xi32, #tpu.memory_space<vmem>>, vector<1x16xi32>,
        %mul3A_267 = arith.constant 128 : i32
        %mul3A_268 = arith.muli %scan3A_167, %mul3A_267 : i32
        %add3A_269 = arith.constant 112 : i32
        %add3A_270 = arith.addi %mul3A_268, %add3A_269 : i32
        %get3A_271 = arith.index_cast %add3A_270 : i32 to index
        %get3A_272 = tpu.vector_load %arg8[%get3A_271] {strides = array<i32>} : memref<1920xi32, #tpu.memory_space<vmem>>, vector<16xi32>,
        %get3A_273 = vector.shape_cast %get3A_272 : vector<16xi32> to vector<16xi32>
        %swap3A_274 = arith.index_cast %rem3A_184 : i32 to index
        %swap3A_275 = arith.constant 112 : index
        %swap3A_276 = tpu.vector_load %arg9[%swap3A_274, %swap3A_275] {strides = array<i32>} : memref<4x128xi32, #tpu.memory_space<vmem>>, vector<1x16xi32>,
        %swap3A_277 = vector.shape_cast %swap3A_276 : vector<1x16xi32> to vector<16xi32>
        %swap3A_278 = vector.shape_cast %get3A_273 : vector<16xi32> to vector<1x16xi32>
        tpu.vector_store %arg9[%swap3A_274, %swap3A_275], %swap3A_278 {strides = array<i32>} : memref<4x128xi32, #tpu.memory_space<vmem>>, vector<1x16xi32>,
        %rem3A_279 = arith.constant 4 : i32
        %rem3A_280 = arith.remsi %scan3A_167, %rem3A_279 : i32
        %dma_start3A = arith.constant 0 : i32
        %dma_start3A_281 = arith.constant 0 : i32
        %dma_start3A_282 = tpu.memref_slice %arg10[%rem3A_280, %dma_start3A, %dma_start3A_281] : memref<4x128x32xf32, #tpu.memory_space<vmem>> -> memref<1x128x32xf32, #tpu.memory_space<vmem>>
        %dma_start3A_283 = tpu.memref_squeeze %dma_start3A_282 : memref<1x128x32xf32, #tpu.memory_space<vmem>> -> memref<128x32xf32, #tpu.memory_space<vmem>>
        %dma_start3A_284 = arith.constant 0 : i32
        %dma_start3A_285 = tpu.memref_slice %arg9[%rem3A_280, %dma_start3A_284] : memref<4x128xi32, #tpu.memory_space<vmem>> -> memref<1x128xi32, #tpu.memory_space<vmem>>
        %dma_start3A_286 = tpu.memref_squeeze %dma_start3A_285 : memref<1x128xi32, #tpu.memory_space<vmem>> -> memref<128xi32, #tpu.memory_space<vmem>>
        %dma_start3A_287 = arith.constant 0 : i32
        %dma_start3A_288 = arith.constant 0 : i32
        %dma_start3A_289 = tpu.memref_slice %arg12[%dma_start3A_287, %dma_start3A_288] : memref<50000x32xf32, #tpu.memory_space<vmem_shared>> -> memref<50000x32xf32, #tpu.memory_space<vmem_shared>>
        %dma_start3A_290 = tpu.memref_slice %arg14[%rem3A_280] : memref<4x!tpu.dma_semaphore, #tpu.memory_space<semaphore_mem>> -> memref<1x!tpu.dma_semaphore, #tpu.memory_space<semaphore_mem>>
        %dma_start3A_291 = tpu.memref_squeeze %dma_start3A_290 : memref<1x!tpu.dma_semaphore, #tpu.memory_space<semaphore_mem>> -> memref<!tpu.dma_semaphore, #tpu.memory_space<semaphore_mem>>
        tpu.enqueue_indirect_dma source(%dma_start3A_283 : memref<128x32xf32, #tpu.memory_space<vmem>>) target(%dma_start3A_289 : memref<50000x32xf32, #tpu.memory_space<vmem_shared>>) offsets(%dma_start3A_286 : memref<128xi32, #tpu.memory_space<vmem>>) semaphore(%dma_start3A_291 : memref<!tpu.dma_semaphore, #tpu.memory_space<semaphore_mem>>) {add = true}
        %add3A_292 = arith.constant 4 : i32
        %add3A_293 = arith.addi %scan3A_167, %add3A_292 : i32
        %lt3A_294 = arith.constant 15 : i32
        %lt3A_295 = arith.cmpi slt, %add3A_293, %lt3A_294 : i32
        %convert_element_type3A_296 = arith.extui %lt3A_295 : i1 to i32
        %cond3A_297 = arith.constant 0 : i32
        %cond3A_298 = arith.cmpi ne, %convert_element_type3A_296, %cond3A_297 : i32
        scf.if %cond3A_298 {
          %rem3A_300 = arith.constant 4 : i32
          %rem3A_301 = arith.remsi %scan3A_167, %rem3A_300 : i32
          %dma_wait3A_302 = arith.constant 0 : i32
          %dma_wait3A_303 = arith.constant 0 : i32
          %dma_wait3A_304 = tpu.memref_slice %arg10[%rem3A_301, %dma_wait3A_302, %dma_wait3A_303] : memref<4x128x32xf32, #tpu.memory_space<vmem>> -> memref<1x128x32xf32, #tpu.memory_space<vmem>>
          %dma_wait3A_305 = tpu.memref_squeeze %dma_wait3A_304 : memref<1x128x32xf32, #tpu.memory_space<vmem>> -> memref<128x32xf32, #tpu.memory_space<vmem>>
          %dma_wait3A_306 = arith.constant 0 : i32
          %dma_wait3A_307 = tpu.memref_slice %arg9[%rem3A_301, %dma_wait3A_306] : memref<4x128xi32, #tpu.memory_space<vmem>> -> memref<1x128xi32, #tpu.memory_space<vmem>>
          %dma_wait3A_308 = tpu.memref_squeeze %dma_wait3A_307 : memref<1x128xi32, #tpu.memory_space<vmem>> -> memref<128xi32, #tpu.memory_space<vmem>>
          %dma_wait3A_309 = arith.constant 0 : i32
          %dma_wait3A_310 = arith.constant 0 : i32
          %dma_wait3A_311 = tpu.memref_slice %arg12[%dma_wait3A_309, %dma_wait3A_310] : memref<50000x32xf32, #tpu.memory_space<vmem_shared>> -> memref<50000x32xf32, #tpu.memory_space<vmem_shared>>
          %dma_wait3A_312 = tpu.memref_slice %arg14[%rem3A_301] : memref<4x!tpu.dma_semaphore, #tpu.memory_space<semaphore_mem>> -> memref<1x!tpu.dma_semaphore, #tpu.memory_space<semaphore_mem>>
          %dma_wait3A_313 = tpu.memref_squeeze %dma_wait3A_312 : memref<1x!tpu.dma_semaphore, #tpu.memory_space<semaphore_mem>> -> memref<!tpu.dma_semaphore, #tpu.memory_space<semaphore_mem>>
          tpu.wait_indirect_dma semaphore(%dma_wait3A_313 : memref<!tpu.dma_semaphore, #tpu.memory_space<semaphore_mem>>) src(%dma_wait3A_305 : memref<128x32xf32, #tpu.memory_space<vmem>>) dst(%dma_wait3A_311 : memref<50000x32xf32, #tpu.memory_space<vmem_shared>>)
          %add3A_314 = arith.constant 4 : i32
          %add3A_315 = arith.addi %scan3A_167, %add3A_314 : i32
          %rem3A_316 = arith.constant 4 : i32
          %rem3A_317 = arith.remsi %add3A_315, %rem3A_316 : i32
          %eq3A_318 = arith.constant 0 : i32
          %eq3A_319 = arith.cmpi eq, %arg0, %eq3A_318 : i32
          %convert_element_type3A_320 = arith.extui %eq3A_319 : i1 to i32
          %cond3A_321 = arith.constant 0 : i32
          %cond3A_322 = arith.cmpi ne, %convert_element_type3A_320, %cond3A_321 : i32
          scf.if %cond3A_322 {
            %mul3A_328 = arith.constant 128 : i32
            %mul3A_329 = arith.muli %add3A_315, %mul3A_328 : i32
            %dma_start3A_330 = arith.constant 0 : i32
            %dma_start3A_331 = arith.constant 0 : i32
            %dma_start3A_332 = tpu.memref_slice %arg10[%rem3A_317, %dma_start3A_330, %dma_start3A_331] : memref<4x128x32xf32, #tpu.memory_space<vmem>> -> memref<1x128x32xf32, #tpu.memory_space<vmem>>
            %dma_start3A_333 = tpu.memref_squeeze %dma_start3A_332 : memref<1x128x32xf32, #tpu.memory_space<vmem>> -> memref<128x32xf32, #tpu.memory_space<vmem>>
            %dma_start3A_334 = tpu.memref_slice %arg7[%mul3A_329] : memref<1920xi32, #tpu.memory_space<vmem>> -> memref<128xi32, #tpu.memory_space<vmem>>
            %dma_start3A_335 = arith.constant 0 : i32
            %dma_start3A_336 = arith.constant 0 : i32
            %dma_start3A_337 = tpu.memref_slice %arg3[%dma_start3A_335, %dma_start3A_336] : memref<50000x32xf32, #tpu.memory_space<hbm>> -> memref<50000x32xf32, #tpu.memory_space<hbm>>
            %dma_start3A_338 = tpu.memref_slice %arg13[%rem3A_317] : memref<4x!tpu.dma_semaphore, #tpu.memory_space<semaphore_mem>> -> memref<1x!tpu.dma_semaphore, #tpu.memory_space<semaphore_mem>>
            %dma_start3A_339 = tpu.memref_squeeze %dma_start3A_338 : memref<1x!tpu.dma_semaphore, #tpu.memory_space<semaphore_mem>> -> memref<!tpu.dma_semaphore, #tpu.memory_space<semaphore_mem>>
            tpu.enqueue_indirect_dma source(%dma_start3A_337 : memref<50000x32xf32, #tpu.memory_space<hbm>>) target(%dma_start3A_333 : memref<128x32xf32, #tpu.memory_space<vmem>>) offsets(%dma_start3A_334 : memref<128xi32, #tpu.memory_space<vmem>>) semaphore(%dma_start3A_339 : memref<!tpu.dma_semaphore, #tpu.memory_space<semaphore_mem>>)
          } else {
          }
          %eq3A_323 = arith.constant 1 : i32
          %eq3A_324 = arith.cmpi eq, %arg0, %eq3A_323 : i32
          %convert_element_type3A_325 = arith.extui %eq3A_324 : i1 to i32
          %cond3A_326 = arith.constant 0 : i32
          %cond3A_327 = arith.cmpi ne, %convert_element_type3A_325, %cond3A_326 : i32
          scf.if %cond3A_327 {
            %mul3A_328 = arith.constant 128 : i32
            %mul3A_329 = arith.muli %add3A_315, %mul3A_328 : i32
            %dma_start3A_330 = arith.constant 0 : i32
            %dma_start3A_331 = arith.constant 0 : i32
            %dma_start3A_332 = tpu.memref_slice %arg10[%rem3A_317, %dma_start3A_330, %dma_start3A_331] : memref<4x128x32xf32, #tpu.memory_space<vmem>> -> memref<1x128x32xf32, #tpu.memory_space<vmem>>
            %dma_start3A_333 = tpu.memref_squeeze %dma_start3A_332 : memref<1x128x32xf32, #tpu.memory_space<vmem>> -> memref<128x32xf32, #tpu.memory_space<vmem>>
            %dma_start3A_334 = tpu.memref_slice %arg7[%mul3A_329] : memref<1920xi32, #tpu.memory_space<vmem>> -> memref<128xi32, #tpu.memory_space<vmem>>
            %dma_start3A_335 = arith.constant 0 : i32
            %dma_start3A_336 = arith.constant 0 : i32
            %dma_start3A_337 = tpu.memref_slice %arg4[%dma_start3A_335, %dma_start3A_336] : memref<50000x32xf32, #tpu.memory_space<hbm>> -> memref<50000x32xf32, #tpu.memory_space<hbm>>
            %dma_start3A_338 = tpu.memref_slice %arg13[%rem3A_317] : memref<4x!tpu.dma_semaphore, #tpu.memory_space<semaphore_mem>> -> memref<1x!tpu.dma_semaphore, #tpu.memory_space<semaphore_mem>>
            %dma_start3A_339 = tpu.memref_squeeze %dma_start3A_338 : memref<1x!tpu.dma_semaphore, #tpu.memory_space<semaphore_mem>> -> memref<!tpu.dma_semaphore, #tpu.memory_space<semaphore_mem>>
            tpu.enqueue_indirect_dma source(%dma_start3A_337 : memref<50000x32xf32, #tpu.memory_space<hbm>>) target(%dma_start3A_333 : memref<128x32xf32, #tpu.memory_space<vmem>>) offsets(%dma_start3A_334 : memref<128xi32, #tpu.memory_space<vmem>>) semaphore(%dma_start3A_339 : memref<!tpu.dma_semaphore, #tpu.memory_space<semaphore_mem>>)
          } else {
          }
        } else {
        }
        %scan3A_299 = arith.constant 0 : i32
        scf.yield %scan3A_299 : i32
      }
      %scan3A_106 = arith.constant 15 : i32
      %rem3A_107 = arith.constant 11 : i32
      %rem3A_108 = arith.constant 4 : i32
      %rem3A_109 = arith.remsi %rem3A_107, %rem3A_108 : i32
      %dma_wait3A = arith.constant 0 : i32
      %dma_wait3A_110 = arith.constant 0 : i32
      %dma_wait3A_111 = tpu.memref_slice %arg10[%rem3A_109, %dma_wait3A, %dma_wait3A_110] : memref<4x128x32xf32, #tpu.memory_space<vmem>> -> memref<1x128x32xf32, #tpu.memory_space<vmem>>
      %dma_wait3A_112 = tpu.memref_squeeze %dma_wait3A_111 : memref<1x128x32xf32, #tpu.memory_space<vmem>> -> memref<128x32xf32, #tpu.memory_space<vmem>>
      %dma_wait3A_113 = arith.constant 0 : i32
      %dma_wait3A_114 = tpu.memref_slice %arg9[%rem3A_109, %dma_wait3A_113] : memref<4x128xi32, #tpu.memory_space<vmem>> -> memref<1x128xi32, #tpu.memory_space<vmem>>
      %dma_wait3A_115 = tpu.memref_squeeze %dma_wait3A_114 : memref<1x128xi32, #tpu.memory_space<vmem>> -> memref<128xi32, #tpu.memory_space<vmem>>
      %dma_wait3A_116 = arith.constant 0 : i32
      %dma_wait3A_117 = arith.constant 0 : i32
      %dma_wait3A_118 = tpu.memref_slice %arg12[%dma_wait3A_116, %dma_wait3A_117] : memref<50000x32xf32, #tpu.memory_space<vmem_shared>> -> memref<50000x32xf32, #tpu.memory_space<vmem_shared>>
      %dma_wait3A_119 = tpu.memref_slice %arg14[%rem3A_109] : memref<4x!tpu.dma_semaphore, #tpu.memory_space<semaphore_mem>> -> memref<1x!tpu.dma_semaphore, #tpu.memory_space<semaphore_mem>>
      %dma_wait3A_120 = tpu.memref_squeeze %dma_wait3A_119 : memref<1x!tpu.dma_semaphore, #tpu.memory_space<semaphore_mem>> -> memref<!tpu.dma_semaphore, #tpu.memory_space<semaphore_mem>>
      tpu.wait_indirect_dma semaphore(%dma_wait3A_120 : memref<!tpu.dma_semaphore, #tpu.memory_space<semaphore_mem>>) src(%dma_wait3A_112 : memref<128x32xf32, #tpu.memory_space<vmem>>) dst(%dma_wait3A_118 : memref<50000x32xf32, #tpu.memory_space<vmem_shared>>)
      %rem3A_121 = arith.constant 12 : i32
      %rem3A_122 = arith.constant 4 : i32
      %rem3A_123 = arith.remsi %rem3A_121, %rem3A_122 : i32
      %dma_wait3A_124 = arith.constant 0 : i32
      %dma_wait3A_125 = arith.constant 0 : i32
      %dma_wait3A_126 = tpu.memref_slice %arg10[%rem3A_123, %dma_wait3A_124, %dma_wait3A_125] : memref<4x128x32xf32, #tpu.memory_space<vmem>> -> memref<1x128x32xf32, #tpu.memory_space<vmem>>
      %dma_wait3A_127 = tpu.memref_squeeze %dma_wait3A_126 : memref<1x128x32xf32, #tpu.memory_space<vmem>> -> memref<128x32xf32, #tpu.memory_space<vmem>>
      %dma_wait3A_128 = arith.constant 0 : i32
      %dma_wait3A_129 = tpu.memref_slice %arg9[%rem3A_123, %dma_wait3A_128] : memref<4x128xi32, #tpu.memory_space<vmem>> -> memref<1x128xi32, #tpu.memory_space<vmem>>
      %dma_wait3A_130 = tpu.memref_squeeze %dma_wait3A_129 : memref<1x128xi32, #tpu.memory_space<vmem>> -> memref<128xi32, #tpu.memory_space<vmem>>
      %dma_wait3A_131 = arith.constant 0 : i32
      %dma_wait3A_132 = arith.constant 0 : i32
      %dma_wait3A_133 = tpu.memref_slice %arg12[%dma_wait3A_131, %dma_wait3A_132] : memref<50000x32xf32, #tpu.memory_space<vmem_shared>> -> memref<50000x32xf32, #tpu.memory_space<vmem_shared>>
      %dma_wait3A_134 = tpu.memref_slice %arg14[%rem3A_123] : memref<4x!tpu.dma_semaphore, #tpu.memory_space<semaphore_mem>> -> memref<1x!tpu.dma_semaphore, #tpu.memory_space<semaphore_mem>>
      %dma_wait3A_135 = tpu.memref_squeeze %dma_wait3A_134 : memref<1x!tpu.dma_semaphore, #tpu.memory_space<semaphore_mem>> -> memref<!tpu.dma_semaphore, #tpu.memory_space<semaphore_mem>>
      tpu.wait_indirect_dma semaphore(%dma_wait3A_135 : memref<!tpu.dma_semaphore, #tpu.memory_space<semaphore_mem>>) src(%dma_wait3A_127 : memref<128x32xf32, #tpu.memory_space<vmem>>) dst(%dma_wait3A_133 : memref<50000x32xf32, #tpu.memory_space<vmem_shared>>)
      %rem3A_136 = arith.constant 13 : i32
      %rem3A_137 = arith.constant 4 : i32
      %rem3A_138 = arith.remsi %rem3A_136, %rem3A_137 : i32
      %dma_wait3A_139 = arith.constant 0 : i32
      %dma_wait3A_140 = arith.constant 0 : i32
      %dma_wait3A_141 = tpu.memref_slice %arg10[%rem3A_138, %dma_wait3A_139, %dma_wait3A_140] : memref<4x128x32xf32, #tpu.memory_space<vmem>> -> memref<1x128x32xf32, #tpu.memory_space<vmem>>
      %dma_wait3A_142 = tpu.memref_squeeze %dma_wait3A_141 : memref<1x128x32xf32, #tpu.memory_space<vmem>> -> memref<128x32xf32, #tpu.memory_space<vmem>>
      %dma_wait3A_143 = arith.constant 0 : i32
      %dma_wait3A_144 = tpu.memref_slice %arg9[%rem3A_138, %dma_wait3A_143] : memref<4x128xi32, #tpu.memory_space<vmem>> -> memref<1x128xi32, #tpu.memory_space<vmem>>
      %dma_wait3A_145 = tpu.memref_squeeze %dma_wait3A_144 : memref<1x128xi32, #tpu.memory_space<vmem>> -> memref<128xi32, #tpu.memory_space<vmem>>
      %dma_wait3A_146 = arith.constant 0 : i32
      %dma_wait3A_147 = arith.constant 0 : i32
      %dma_wait3A_148 = tpu.memref_slice %arg12[%dma_wait3A_146, %dma_wait3A_147] : memref<50000x32xf32, #tpu.memory_space<vmem_shared>> -> memref<50000x32xf32, #tpu.memory_space<vmem_shared>>
      %dma_wait3A_149 = tpu.memref_slice %arg14[%rem3A_138] : memref<4x!tpu.dma_semaphore, #tpu.memory_space<semaphore_mem>> -> memref<1x!tpu.dma_semaphore, #tpu.memory_space<semaphore_mem>>
      %dma_wait3A_150 = tpu.memref_squeeze %dma_wait3A_149 : memref<1x!tpu.dma_semaphore, #tpu.memory_space<semaphore_mem>> -> memref<!tpu.dma_semaphore, #tpu.memory_space<semaphore_mem>>
      tpu.wait_indirect_dma semaphore(%dma_wait3A_150 : memref<!tpu.dma_semaphore, #tpu.memory_space<semaphore_mem>>) src(%dma_wait3A_142 : memref<128x32xf32, #tpu.memory_space<vmem>>) dst(%dma_wait3A_148 : memref<50000x32xf32, #tpu.memory_space<vmem_shared>>)
      %rem3A_151 = arith.constant 14 : i32
      %rem3A_152 = arith.constant 4 : i32
      %rem3A_153 = arith.remsi %rem3A_151, %rem3A_152 : i32
      %dma_wait3A_154 = arith.constant 0 : i32
      %dma_wait3A_155 = arith.constant 0 : i32
      %dma_wait3A_156 = tpu.memref_slice %arg10[%rem3A_153, %dma_wait3A_154, %dma_wait3A_155] : memref<4x128x32xf32, #tpu.memory_space<vmem>> -> memref<1x128x32xf32, #tpu.memory_space<vmem>>
      %dma_wait3A_157 = tpu.memref_squeeze %dma_wait3A_156 : memref<1x128x32xf32, #tpu.memory_space<vmem>> -> memref<128x32xf32, #tpu.memory_space<vmem>>
      %dma_wait3A_158 = arith.constant 0 : i32
      %dma_wait3A_159 = tpu.memref_slice %arg9[%rem3A_153, %dma_wait3A_158] : memref<4x128xi32, #tpu.memory_space<vmem>> -> memref<1x128xi32, #tpu.memory_space<vmem>>
      %dma_wait3A_160 = tpu.memref_squeeze %dma_wait3A_159 : memref<1x128xi32, #tpu.memory_space<vmem>> -> memref<128xi32, #tpu.memory_space<vmem>>
      %dma_wait3A_161 = arith.constant 0 : i32
      %dma_wait3A_162 = arith.constant 0 : i32
      %dma_wait3A_163 = tpu.memref_slice %arg12[%dma_wait3A_161, %dma_wait3A_162] : memref<50000x32xf32, #tpu.memory_space<vmem_shared>> -> memref<50000x32xf32, #tpu.memory_space<vmem_shared>>
      %dma_wait3A_164 = tpu.memref_slice %arg14[%rem3A_153] : memref<4x!tpu.dma_semaphore, #tpu.memory_space<semaphore_mem>> -> memref<1x!tpu.dma_semaphore, #tpu.memory_space<semaphore_mem>>
      %dma_wait3A_165 = tpu.memref_squeeze %dma_wait3A_164 : memref<1x!tpu.dma_semaphore, #tpu.memory_space<semaphore_mem>> -> memref<!tpu.dma_semaphore, #tpu.memory_space<semaphore_mem>>
      tpu.wait_indirect_dma semaphore(%dma_wait3A_165 : memref<!tpu.dma_semaphore, #tpu.memory_space<semaphore_mem>>) src(%dma_wait3A_157 : memref<128x32xf32, #tpu.memory_space<vmem>>) dst(%dma_wait3A_163 : memref<50000x32xf32, #tpu.memory_space<vmem_shared>>)
      %scan3A_166 = arith.constant 0 : i32
      scf.yield %scan3A_166 : i32
    }
    %scan3A_25 = arith.constant 26 : i32
    %lt3A = arith.constant 10 : i32
    %lt3A_26 = arith.cmpi slt, %arg1, %lt3A : i32
    %convert_element_type3A = arith.extui %lt3A_26 : i1 to i32
    %cond3A = arith.constant 0 : i32
    %cond3A_27 = arith.cmpi ne, %convert_element_type3A, %cond3A : i32
    scf.if %cond3A_27 {
      %add3A_38 = arith.constant 390 : i32
      %add3A_39 = arith.addi %add3A_18, %add3A_38 : i32
      %mul3A_40 = arith.constant 128 : i32
      %mul3A_41 = arith.muli %add3A_39, %mul3A_40 : i32
      "tpu.region"() ({
        %run_scoped3A_121 = tpu.sem_alloc : memref<!tpu.dma_semaphore, #tpu.memory_space<semaphore_mem>>
        %dma_start3A = arith.constant 0 : i32
        %dma_start3A_122 = tpu.memref_slice %arg7[%dma_start3A] : memref<1920xi32, #tpu.memory_space<vmem>> -> memref<128xi32, #tpu.memory_space<vmem>>
        %dma_start3A_123 = tpu.memref_slice %arg2[%mul3A_41] : memref<1600000xi32, #tpu.memory_space<hbm>> -> memref<128xi32, #tpu.memory_space<hbm>>
        %dma_start3A_124 = arith.constant 0 : i32
        %dma_start3A_125 = tpu.memref_slice %arg7[%dma_start3A_124] : memref<1920xi32, #tpu.memory_space<vmem>> -> memref<128xi32, #tpu.memory_space<vmem>>
        %dma_start3A_126 = tpu.memref_slice %arg2[%mul3A_41] : memref<1600000xi32, #tpu.memory_space<hbm>> -> memref<128xi32, #tpu.memory_space<hbm>>
        tpu.enqueue_dma source(%dma_start3A_126 : memref<128xi32, #tpu.memory_space<hbm>>) target(%dma_start3A_125 : memref<128xi32, #tpu.memory_space<vmem>>) target_semaphore(%run_scoped3A_121 : memref<!tpu.dma_semaphore, #tpu.memory_space<semaphore_mem>>)
        %dma_wait3A = arith.constant 0 : i32
        %dma_wait3A_127 = tpu.memref_slice %arg7[%dma_wait3A] : memref<1920xi32, #tpu.memory_space<vmem>> -> memref<128xi32, #tpu.memory_space<vmem>>
        %dma_wait3A_128 = tpu.memref_slice %arg2[%mul3A_41] : memref<1600000xi32, #tpu.memory_space<hbm>> -> memref<128xi32, #tpu.memory_space<hbm>>
        %dma_wait3A_129 = arith.constant 0 : i32
        %dma_wait3A_130 = tpu.memref_slice %arg7[%dma_wait3A_129] : memref<1920xi32, #tpu.memory_space<vmem>> -> memref<128xi32, #tpu.memory_space<vmem>>
        %dma_wait3A_131 = tpu.memref_slice %arg2[%mul3A_41] : memref<1600000xi32, #tpu.memory_space<hbm>> -> memref<128xi32, #tpu.memory_space<hbm>>
        tpu.wait_dma2 semaphore(%run_scoped3A_121 : memref<!tpu.dma_semaphore, #tpu.memory_space<semaphore_mem>>) src(%dma_wait3A_131 : memref<128xi32, #tpu.memory_space<hbm>>) dst(%dma_wait3A_130 : memref<128xi32, #tpu.memory_space<vmem>>)
        tpu.yield
      }) : () -> ()
      %mul3A_42 = arith.constant 128 : i32
      %mul3A_43 = arith.muli %add3A_39, %mul3A_42 : i32
      %add3A_44 = arith.constant 800000 : i32
      %add3A_45 = arith.addi %add3A_44, %mul3A_43 : i32
      "tpu.region"() ({
        %run_scoped3A_121 = tpu.sem_alloc : memref<!tpu.dma_semaphore, #tpu.memory_space<semaphore_mem>>
        %dma_start3A = arith.constant 0 : i32
        %dma_start3A_122 = tpu.memref_slice %arg8[%dma_start3A] : memref<1920xi32, #tpu.memory_space<vmem>> -> memref<128xi32, #tpu.memory_space<vmem>>
        %dma_start3A_123 = tpu.memref_slice %arg2[%add3A_45] : memref<1600000xi32, #tpu.memory_space<hbm>> -> memref<128xi32, #tpu.memory_space<hbm>>
        %dma_start3A_124 = arith.constant 0 : i32
        %dma_start3A_125 = tpu.memref_slice %arg8[%dma_start3A_124] : memref<1920xi32, #tpu.memory_space<vmem>> -> memref<128xi32, #tpu.memory_space<vmem>>
        %dma_start3A_126 = tpu.memref_slice %arg2[%add3A_45] : memref<1600000xi32, #tpu.memory_space<hbm>> -> memref<128xi32, #tpu.memory_space<hbm>>
        tpu.enqueue_dma source(%dma_start3A_126 : memref<128xi32, #tpu.memory_space<hbm>>) target(%dma_start3A_125 : memref<128xi32, #tpu.memory_space<vmem>>) target_semaphore(%run_scoped3A_121 : memref<!tpu.dma_semaphore, #tpu.memory_space<semaphore_mem>>)
        %dma_wait3A = arith.constant 0 : i32
        %dma_wait3A_127 = tpu.memref_slice %arg8[%dma_wait3A] : memref<1920xi32, #tpu.memory_space<vmem>> -> memref<128xi32, #tpu.memory_space<vmem>>
        %dma_wait3A_128 = tpu.memref_slice %arg2[%add3A_45] : memref<1600000xi32, #tpu.memory_space<hbm>> -> memref<128xi32, #tpu.memory_space<hbm>>
        %dma_wait3A_129 = arith.constant 0 : i32
        %dma_wait3A_130 = tpu.memref_slice %arg8[%dma_wait3A_129] : memref<1920xi32, #tpu.memory_space<vmem>> -> memref<128xi32, #tpu.memory_space<vmem>>
        %dma_wait3A_131 = tpu.memref_slice %arg2[%add3A_45] : memref<1600000xi32, #tpu.memory_space<hbm>> -> memref<128xi32, #tpu.memory_space<hbm>>
        tpu.wait_dma2 semaphore(%run_scoped3A_121 : memref<!tpu.dma_semaphore, #tpu.memory_space<semaphore_mem>>) src(%dma_wait3A_131 : memref<128xi32, #tpu.memory_space<hbm>>) dst(%dma_wait3A_130 : memref<128xi32, #tpu.memory_space<vmem>>)
        tpu.yield
      }) : () -> ()
      %eq3A_46 = arith.constant 0 : i32
      %eq3A_47 = arith.cmpi eq, %arg0, %eq3A_46 : i32
      %convert_element_type3A_48 = arith.extui %eq3A_47 : i1 to i32
      %cond3A_49 = arith.constant 0 : i32
      %cond3A_50 = arith.cmpi ne, %convert_element_type3A_48, %cond3A_49 : i32
      scf.if %cond3A_50 {
        %dma_start3A = arith.constant 0 : i32
        %dma_start3A_121 = arith.constant 0 : i32
        %dma_start3A_122 = arith.constant 0 : i32
        %dma_start3A_123 = tpu.memref_slice %arg10[%dma_start3A, %dma_start3A_121, %dma_start3A_122] : memref<4x128x32xf32, #tpu.memory_space<vmem>> -> memref<1x128x32xf32, #tpu.memory_space<vmem>>
        %dma_start3A_124 = tpu.memref_squeeze %dma_start3A_123 : memref<1x128x32xf32, #tpu.memory_space<vmem>> -> memref<128x32xf32, #tpu.memory_space<vmem>>
        %dma_start3A_125 = arith.constant 0 : i32
        %dma_start3A_126 = tpu.memref_slice %arg7[%dma_start3A_125] : memref<1920xi32, #tpu.memory_space<vmem>> -> memref<128xi32, #tpu.memory_space<vmem>>
        %dma_start3A_127 = arith.constant 0 : i32
        %dma_start3A_128 = arith.constant 0 : i32
        %dma_start3A_129 = tpu.memref_slice %arg3[%dma_start3A_127, %dma_start3A_128] : memref<50000x32xf32, #tpu.memory_space<hbm>> -> memref<50000x32xf32, #tpu.memory_space<hbm>>
        tpu.enqueue_indirect_dma source(%dma_start3A_129 : memref<50000x32xf32, #tpu.memory_space<hbm>>) target(%dma_start3A_124 : memref<128x32xf32, #tpu.memory_space<vmem>>) offsets(%dma_start3A_126 : memref<128xi32, #tpu.memory_space<vmem>>) semaphore(%arg15 : memref<!tpu.dma_semaphore, #tpu.memory_space<semaphore_mem>>)
        %dma_wait3A = arith.constant 0 : i32
        %dma_wait3A_130 = arith.constant 0 : i32
        %dma_wait3A_131 = arith.constant 0 : i32
        %dma_wait3A_132 = tpu.memref_slice %arg10[%dma_wait3A, %dma_wait3A_130, %dma_wait3A_131] : memref<4x128x32xf32, #tpu.memory_space<vmem>> -> memref<1x128x32xf32, #tpu.memory_space<vmem>>
        %dma_wait3A_133 = tpu.memref_squeeze %dma_wait3A_132 : memref<1x128x32xf32, #tpu.memory_space<vmem>> -> memref<128x32xf32, #tpu.memory_space<vmem>>
        %dma_wait3A_134 = arith.constant 0 : i32
        %dma_wait3A_135 = tpu.memref_slice %arg7[%dma_wait3A_134] : memref<1920xi32, #tpu.memory_space<vmem>> -> memref<128xi32, #tpu.memory_space<vmem>>
        %dma_wait3A_136 = arith.constant 0 : i32
        %dma_wait3A_137 = arith.constant 0 : i32
        %dma_wait3A_138 = tpu.memref_slice %arg3[%dma_wait3A_136, %dma_wait3A_137] : memref<50000x32xf32, #tpu.memory_space<hbm>> -> memref<50000x32xf32, #tpu.memory_space<hbm>>
        tpu.wait_indirect_dma semaphore(%arg15 : memref<!tpu.dma_semaphore, #tpu.memory_space<semaphore_mem>>) src(%dma_wait3A_138 : memref<50000x32xf32, #tpu.memory_space<hbm>>) dst(%dma_wait3A_133 : memref<128x32xf32, #tpu.memory_space<vmem>>)
      } else {
      }
      %eq3A_51 = arith.constant 1 : i32
      %eq3A_52 = arith.cmpi eq, %arg0, %eq3A_51 : i32
      %convert_element_type3A_53 = arith.extui %eq3A_52 : i1 to i32
      %cond3A_54 = arith.constant 0 : i32
      %cond3A_55 = arith.cmpi ne, %convert_element_type3A_53, %cond3A_54 : i32
      scf.if %cond3A_55 {
        %dma_start3A = arith.constant 0 : i32
        %dma_start3A_121 = arith.constant 0 : i32
        %dma_start3A_122 = arith.constant 0 : i32
        %dma_start3A_123 = tpu.memref_slice %arg10[%dma_start3A, %dma_start3A_121, %dma_start3A_122] : memref<4x128x32xf32, #tpu.memory_space<vmem>> -> memref<1x128x32xf32, #tpu.memory_space<vmem>>
        %dma_start3A_124 = tpu.memref_squeeze %dma_start3A_123 : memref<1x128x32xf32, #tpu.memory_space<vmem>> -> memref<128x32xf32, #tpu.memory_space<vmem>>
        %dma_start3A_125 = arith.constant 0 : i32
        %dma_start3A_126 = tpu.memref_slice %arg7[%dma_start3A_125] : memref<1920xi32, #tpu.memory_space<vmem>> -> memref<128xi32, #tpu.memory_space<vmem>>
        %dma_start3A_127 = arith.constant 0 : i32
        %dma_start3A_128 = arith.constant 0 : i32
        %dma_start3A_129 = tpu.memref_slice %arg4[%dma_start3A_127, %dma_start3A_128] : memref<50000x32xf32, #tpu.memory_space<hbm>> -> memref<50000x32xf32, #tpu.memory_space<hbm>>
        tpu.enqueue_indirect_dma source(%dma_start3A_129 : memref<50000x32xf32, #tpu.memory_space<hbm>>) target(%dma_start3A_124 : memref<128x32xf32, #tpu.memory_space<vmem>>) offsets(%dma_start3A_126 : memref<128xi32, #tpu.memory_space<vmem>>) semaphore(%arg15 : memref<!tpu.dma_semaphore, #tpu.memory_space<semaphore_mem>>)
        %dma_wait3A = arith.constant 0 : i32
        %dma_wait3A_130 = arith.constant 0 : i32
        %dma_wait3A_131 = arith.constant 0 : i32
        %dma_wait3A_132 = tpu.memref_slice %arg10[%dma_wait3A, %dma_wait3A_130, %dma_wait3A_131] : memref<4x128x32xf32, #tpu.memory_space<vmem>> -> memref<1x128x32xf32, #tpu.memory_space<vmem>>
        %dma_wait3A_133 = tpu.memref_squeeze %dma_wait3A_132 : memref<1x128x32xf32, #tpu.memory_space<vmem>> -> memref<128x32xf32, #tpu.memory_space<vmem>>
        %dma_wait3A_134 = arith.constant 0 : i32
        %dma_wait3A_135 = tpu.memref_slice %arg7[%dma_wait3A_134] : memref<1920xi32, #tpu.memory_space<vmem>> -> memref<128xi32, #tpu.memory_space<vmem>>
        %dma_wait3A_136 = arith.constant 0 : i32
        %dma_wait3A_137 = arith.constant 0 : i32
        %dma_wait3A_138 = tpu.memref_slice %arg4[%dma_wait3A_136, %dma_wait3A_137] : memref<50000x32xf32, #tpu.memory_space<hbm>> -> memref<50000x32xf32, #tpu.memory_space<hbm>>
        tpu.wait_indirect_dma semaphore(%arg15 : memref<!tpu.dma_semaphore, #tpu.memory_space<semaphore_mem>>) src(%dma_wait3A_138 : memref<50000x32xf32, #tpu.memory_space<hbm>>) dst(%dma_wait3A_133 : memref<128x32xf32, #tpu.memory_space<vmem>>)
      } else {
      }
      %rem3A = arith.constant 0 : i32
      %rem3A_56 = arith.constant 4 : i32
      %rem3A_57 = arith.remsi %rem3A, %rem3A_56 : i32
      %get3A = arith.constant 0 : index
      %get3A_58 = tpu.vector_load %arg8[%get3A] {strides = array<i32>} : memref<1920xi32, #tpu.memory_space<vmem>>, vector<16xi32>,
      %get3A_59 = vector.shape_cast %get3A_58 : vector<16xi32> to vector<16xi32>
      %swap3A = arith.index_cast %rem3A_57 : i32 to index
      %swap3A_60 = arith.constant 0 : index
      %swap3A_61 = tpu.vector_load %arg9[%swap3A, %swap3A_60] {strides = array<i32>} : memref<4x128xi32, #tpu.memory_space<vmem>>, vector<1x16xi32>,
      %swap3A_62 = vector.shape_cast %swap3A_61 : vector<1x16xi32> to vector<16xi32>
      %swap3A_63 = vector.shape_cast %get3A_59 : vector<16xi32> to vector<1x16xi32>
      tpu.vector_store %arg9[%swap3A, %swap3A_60], %swap3A_63 {strides = array<i32>} : memref<4x128xi32, #tpu.memory_space<vmem>>, vector<1x16xi32>,
      %get3A_64 = arith.constant 16 : index
      %get3A_65 = tpu.vector_load %arg8[%get3A_64] {strides = array<i32>} : memref<1920xi32, #tpu.memory_space<vmem>>, vector<16xi32>,
      %get3A_66 = vector.shape_cast %get3A_65 : vector<16xi32> to vector<16xi32>
      %swap3A_67 = arith.index_cast %rem3A_57 : i32 to index
      %swap3A_68 = arith.constant 16 : index
      %swap3A_69 = tpu.vector_load %arg9[%swap3A_67, %swap3A_68] {strides = array<i32>} : memref<4x128xi32, #tpu.memory_space<vmem>>, vector<1x16xi32>,
      %swap3A_70 = vector.shape_cast %swap3A_69 : vector<1x16xi32> to vector<16xi32>
      %swap3A_71 = vector.shape_cast %get3A_66 : vector<16xi32> to vector<1x16xi32>
      tpu.vector_store %arg9[%swap3A_67, %swap3A_68], %swap3A_71 {strides = array<i32>} : memref<4x128xi32, #tpu.memory_space<vmem>>, vector<1x16xi32>,
      %get3A_72 = arith.constant 32 : index
      %get3A_73 = tpu.vector_load %arg8[%get3A_72] {strides = array<i32>} : memref<1920xi32, #tpu.memory_space<vmem>>, vector<16xi32>,
      %get3A_74 = vector.shape_cast %get3A_73 : vector<16xi32> to vector<16xi32>
      %swap3A_75 = arith.index_cast %rem3A_57 : i32 to index
      %swap3A_76 = arith.constant 32 : index
      %swap3A_77 = tpu.vector_load %arg9[%swap3A_75, %swap3A_76] {strides = array<i32>} : memref<4x128xi32, #tpu.memory_space<vmem>>, vector<1x16xi32>,
      %swap3A_78 = vector.shape_cast %swap3A_77 : vector<1x16xi32> to vector<16xi32>
      %swap3A_79 = vector.shape_cast %get3A_74 : vector<16xi32> to vector<1x16xi32>
      tpu.vector_store %arg9[%swap3A_75, %swap3A_76], %swap3A_79 {strides = array<i32>} : memref<4x128xi32, #tpu.memory_space<vmem>>, vector<1x16xi32>,
      %get3A_80 = arith.constant 48 : index
      %get3A_81 = tpu.vector_load %arg8[%get3A_80] {strides = array<i32>} : memref<1920xi32, #tpu.memory_space<vmem>>, vector<16xi32>,
      %get3A_82 = vector.shape_cast %get3A_81 : vector<16xi32> to vector<16xi32>
      %swap3A_83 = arith.index_cast %rem3A_57 : i32 to index
      %swap3A_84 = arith.constant 48 : index
      %swap3A_85 = tpu.vector_load %arg9[%swap3A_83, %swap3A_84] {strides = array<i32>} : memref<4x128xi32, #tpu.memory_space<vmem>>, vector<1x16xi32>,
      %swap3A_86 = vector.shape_cast %swap3A_85 : vector<1x16xi32> to vector<16xi32>
      %swap3A_87 = vector.shape_cast %get3A_82 : vector<16xi32> to vector<1x16xi32>
      tpu.vector_store %arg9[%swap3A_83, %swap3A_84], %swap3A_87 {strides = array<i32>} : memref<4x128xi32, #tpu.memory_space<vmem>>, vector<1x16xi32>,
      %get3A_88 = arith.constant 64 : index
      %get3A_89 = tpu.vector_load %arg8[%get3A_88] {strides = array<i32>} : memref<1920xi32, #tpu.memory_space<vmem>>, vector<16xi32>,
      %get3A_90 = vector.shape_cast %get3A_89 : vector<16xi32> to vector<16xi32>
      %swap3A_91 = arith.index_cast %rem3A_57 : i32 to index
      %swap3A_92 = arith.constant 64 : index
      %swap3A_93 = tpu.vector_load %arg9[%swap3A_91, %swap3A_92] {strides = array<i32>} : memref<4x128xi32, #tpu.memory_space<vmem>>, vector<1x16xi32>,
      %swap3A_94 = vector.shape_cast %swap3A_93 : vector<1x16xi32> to vector<16xi32>
      %swap3A_95 = vector.shape_cast %get3A_90 : vector<16xi32> to vector<1x16xi32>
      tpu.vector_store %arg9[%swap3A_91, %swap3A_92], %swap3A_95 {strides = array<i32>} : memref<4x128xi32, #tpu.memory_space<vmem>>, vector<1x16xi32>,
      %get3A_96 = arith.constant 80 : index
      %get3A_97 = tpu.vector_load %arg8[%get3A_96] {strides = array<i32>} : memref<1920xi32, #tpu.memory_space<vmem>>, vector<16xi32>,
      %get3A_98 = vector.shape_cast %get3A_97 : vector<16xi32> to vector<16xi32>
      %swap3A_99 = arith.index_cast %rem3A_57 : i32 to index
      %swap3A_100 = arith.constant 80 : index
      %swap3A_101 = tpu.vector_load %arg9[%swap3A_99, %swap3A_100] {strides = array<i32>} : memref<4x128xi32, #tpu.memory_space<vmem>>, vector<1x16xi32>,
      %swap3A_102 = vector.shape_cast %swap3A_101 : vector<1x16xi32> to vector<16xi32>
      %swap3A_103 = vector.shape_cast %get3A_98 : vector<16xi32> to vector<1x16xi32>
      tpu.vector_store %arg9[%swap3A_99, %swap3A_100], %swap3A_103 {strides = array<i32>} : memref<4x128xi32, #tpu.memory_space<vmem>>, vector<1x16xi32>,
      %get3A_104 = arith.constant 96 : index
      %get3A_105 = tpu.vector_load %arg8[%get3A_104] {strides = array<i32>} : memref<1920xi32, #tpu.memory_space<vmem>>, vector<16xi32>,
      %get3A_106 = vector.shape_cast %get3A_105 : vector<16xi32> to vector<16xi32>
      %swap3A_107 = arith.index_cast %rem3A_57 : i32 to index
      %swap3A_108 = arith.constant 96 : index
      %swap3A_109 = tpu.vector_load %arg9[%swap3A_107, %swap3A_108] {strides = array<i32>} : memref<4x128xi32, #tpu.memory_space<vmem>>, vector<1x16xi32>,
      %swap3A_110 = vector.shape_cast %swap3A_109 : vector<1x16xi32> to vector<16xi32>
      %swap3A_111 = vector.shape_cast %get3A_106 : vector<16xi32> to vector<1x16xi32>
      tpu.vector_store %arg9[%swap3A_107, %swap3A_108], %swap3A_111 {strides = array<i32>} : memref<4x128xi32, #tpu.memory_space<vmem>>, vector<1x16xi32>,
      %get3A_112 = arith.constant 112 : index
      %get3A_113 = tpu.vector_load %arg8[%get3A_112] {strides = array<i32>} : memref<1920xi32, #tpu.memory_space<vmem>>, vector<16xi32>,
      %get3A_114 = vector.shape_cast %get3A_113 : vector<16xi32> to vector<16xi32>
      %swap3A_115 = arith.index_cast %rem3A_57 : i32 to index
      %swap3A_116 = arith.constant 112 : index
      %swap3A_117 = tpu.vector_load %arg9[%swap3A_115, %swap3A_116] {strides = array<i32>} : memref<4x128xi32, #tpu.memory_space<vmem>>, vector<1x16xi32>,
      %swap3A_118 = vector.shape_cast %swap3A_117 : vector<1x16xi32> to vector<16xi32>
      %swap3A_119 = vector.shape_cast %get3A_114 : vector<16xi32> to vector<1x16xi32>
      tpu.vector_store %arg9[%swap3A_115, %swap3A_116], %swap3A_119 {strides = array<i32>} : memref<4x128xi32, #tpu.memory_space<vmem>>, vector<1x16xi32>,
      %run_scoped3A = arith.constant 0 : i32
      %run_scoped3A_120 = arith.constant 0 : i32
      "tpu.region"() ({
        %run_scoped3A_121 = tpu.sem_alloc : memref<!tpu.dma_semaphore, #tpu.memory_space<semaphore_mem>>
        %dma_start3A = arith.constant 0 : i32
        %dma_start3A_122 = arith.constant 0 : i32
        %dma_start3A_123 = tpu.memref_slice %arg10[%run_scoped3A, %dma_start3A, %dma_start3A_122] : memref<4x128x32xf32, #tpu.memory_space<vmem>> -> memref<1x128x32xf32, #tpu.memory_space<vmem>>
        %dma_start3A_124 = tpu.memref_squeeze %dma_start3A_123 : memref<1x128x32xf32, #tpu.memory_space<vmem>> -> memref<128x32xf32, #tpu.memory_space<vmem>>
        %dma_start3A_125 = arith.constant 0 : i32
        %dma_start3A_126 = tpu.memref_slice %arg9[%run_scoped3A_120, %dma_start3A_125] : memref<4x128xi32, #tpu.memory_space<vmem>> -> memref<1x128xi32, #tpu.memory_space<vmem>>
        %dma_start3A_127 = tpu.memref_squeeze %dma_start3A_126 : memref<1x128xi32, #tpu.memory_space<vmem>> -> memref<128xi32, #tpu.memory_space<vmem>>
        %dma_start3A_128 = arith.constant 0 : i32
        %dma_start3A_129 = arith.constant 0 : i32
        %dma_start3A_130 = tpu.memref_slice %arg12[%dma_start3A_128, %dma_start3A_129] : memref<50000x32xf32, #tpu.memory_space<vmem_shared>> -> memref<50000x32xf32, #tpu.memory_space<vmem_shared>>
        tpu.enqueue_indirect_dma source(%dma_start3A_124 : memref<128x32xf32, #tpu.memory_space<vmem>>) target(%dma_start3A_130 : memref<50000x32xf32, #tpu.memory_space<vmem_shared>>) offsets(%dma_start3A_127 : memref<128xi32, #tpu.memory_space<vmem>>) semaphore(%run_scoped3A_121 : memref<!tpu.dma_semaphore, #tpu.memory_space<semaphore_mem>>) {add = true}
        %dma_wait3A = arith.constant 0 : i32
        %dma_wait3A_131 = arith.constant 0 : i32
        %dma_wait3A_132 = tpu.memref_slice %arg10[%run_scoped3A, %dma_wait3A, %dma_wait3A_131] : memref<4x128x32xf32, #tpu.memory_space<vmem>> -> memref<1x128x32xf32, #tpu.memory_space<vmem>>
        %dma_wait3A_133 = tpu.memref_squeeze %dma_wait3A_132 : memref<1x128x32xf32, #tpu.memory_space<vmem>> -> memref<128x32xf32, #tpu.memory_space<vmem>>
        %dma_wait3A_134 = arith.constant 0 : i32
        %dma_wait3A_135 = tpu.memref_slice %arg9[%run_scoped3A_120, %dma_wait3A_134] : memref<4x128xi32, #tpu.memory_space<vmem>> -> memref<1x128xi32, #tpu.memory_space<vmem>>
        %dma_wait3A_136 = tpu.memref_squeeze %dma_wait3A_135 : memref<1x128xi32, #tpu.memory_space<vmem>> -> memref<128xi32, #tpu.memory_space<vmem>>
        %dma_wait3A_137 = arith.constant 0 : i32
        %dma_wait3A_138 = arith.constant 0 : i32
        %dma_wait3A_139 = tpu.memref_slice %arg12[%dma_wait3A_137, %dma_wait3A_138] : memref<50000x32xf32, #tpu.memory_space<vmem_shared>> -> memref<50000x32xf32, #tpu.memory_space<vmem_shared>>
        tpu.wait_indirect_dma semaphore(%run_scoped3A_121 : memref<!tpu.dma_semaphore, #tpu.memory_space<semaphore_mem>>) src(%dma_wait3A_133 : memref<128x32xf32, #tpu.memory_space<vmem>>) dst(%dma_wait3A_139 : memref<50000x32xf32, #tpu.memory_space<vmem_shared>>)
        tpu.yield
      }) : () -> ()
    } else {
    }
    %barrier3A_28 = arith.constant 0 : index
    tpu.barrier barrier_id(%barrier3A_28)
    %eq3A = arith.constant 0 : i32
    %eq3A_29 = arith.cmpi eq, %arg0, %eq3A : i32
    %convert_element_type3A_30 = arith.extui %eq3A_29 : i1 to i32
    %cond3A_31 = arith.constant 0 : i32
    %cond3A_32 = arith.cmpi ne, %convert_element_type3A_30, %cond3A_31 : i32
    scf.if %cond3A_32 {
      %lt3A_38 = arith.constant 15 : i32
      %lt3A_39 = arith.cmpi slt, %arg1, %lt3A_38 : i32
      %jit3A = arith.constant 16 : i32
      %jit3A_40 = arith.constant 10 : i32
      %select_n3A = arith.select %lt3A_39, %jit3A, %jit3A_40 : i32
      %while3A = arith.constant 0 : i32
      %while3A_41 = arith.constant 0 : i32
      %while3A_42 = arith.subi %select_n3A, %while3A : i32
      %while3A_43 = arith.addi %while3A, %while3A_42 : i32
      %while3A_44 = arith.constant 1 : i32
      %while3A_45 = arith.divsi %while3A_42, %while3A_44 : i32
      %while3A_46 = arith.muli %while3A_45, %while3A_44 : i32
      %while3A_47 = arith.addi %while3A, %while3A_46 : i32
      %while3A_48 = arith.constant 1 : i32
      %while3A_49 = scf.for %while3A_52 = %while3A to %while3A_47 step %while3A_48 iter_args(%while3A_53 = %while3A_41) -> (i32)  : i32 {
        %mul3A_54 = arith.constant 3200 : i32
        %mul3A_55 = arith.muli %arg1, %mul3A_54 : i32
        %mul3A_56 = arith.constant 200 : i32
        %mul3A_57 = arith.muli %while3A_52, %mul3A_56 : i32
        %add3A_58 = arith.addi %mul3A_55, %mul3A_57 : i32
        "tpu.region"() ({
          %run_scoped3A = tpu.sem_alloc : memref<!tpu.dma_semaphore, #tpu.memory_space<semaphore_mem>>
          %dma_start3A = arith.constant 0 : i32
          %dma_start3A_60 = tpu.memref_slice %arg12[%add3A_58, %dma_start3A] : memref<50000x32xf32, #tpu.memory_space<vmem_shared>> -> memref<200x32xf32, #tpu.memory_space<vmem_shared>>
          %dma_start3A_61 = arith.constant 0 : i32
          %dma_start3A_62 = tpu.memref_slice %arg12[%add3A_58, %dma_start3A_61] : memref<50000x32xf32, #tpu.memory_space<vmem_shared>> -> memref<200x32xf32, #tpu.memory_space<vmem_shared>>
          tpu.enqueue_dma source(%dma_start3A_62 : memref<200x32xf32, #tpu.memory_space<vmem_shared>>) target(%arg11 : memref<200x32xf32, #tpu.memory_space<vmem>>) target_semaphore(%run_scoped3A : memref<!tpu.dma_semaphore, #tpu.memory_space<semaphore_mem>>)
          %dma_wait3A = arith.constant 0 : i32
          %dma_wait3A_63 = tpu.memref_slice %arg12[%add3A_58, %dma_wait3A] : memref<50000x32xf32, #tpu.memory_space<vmem_shared>> -> memref<200x32xf32, #tpu.memory_space<vmem_shared>>
          %dma_wait3A_64 = arith.constant 0 : i32
          %dma_wait3A_65 = tpu.memref_slice %arg12[%add3A_58, %dma_wait3A_64] : memref<50000x32xf32, #tpu.memory_space<vmem_shared>> -> memref<200x32xf32, #tpu.memory_space<vmem_shared>>
          tpu.wait_dma2 semaphore(%run_scoped3A : memref<!tpu.dma_semaphore, #tpu.memory_space<semaphore_mem>>) src(%dma_wait3A_65 : memref<200x32xf32, #tpu.memory_space<vmem_shared>>) dst(%arg11 : memref<200x32xf32, #tpu.memory_space<vmem>>)
          tpu.yield
        }) : () -> ()
        "tpu.region"() ({
          %run_scoped3A = tpu.sem_alloc : memref<!tpu.dma_semaphore, #tpu.memory_space<semaphore_mem>>
          %dma_start3A = arith.constant 0 : i32
          %dma_start3A_60 = tpu.memref_slice %arg5[%add3A_58, %dma_start3A] : memref<50000x32xf32, #tpu.memory_space<hbm>> -> memref<200x32xf32, #tpu.memory_space<hbm>>
          %dma_start3A_61 = arith.constant 0 : i32
          %dma_start3A_62 = tpu.memref_slice %arg5[%add3A_58, %dma_start3A_61] : memref<50000x32xf32, #tpu.memory_space<hbm>> -> memref<200x32xf32, #tpu.memory_space<hbm>>
          tpu.enqueue_dma source(%arg11 : memref<200x32xf32, #tpu.memory_space<vmem>>) target(%dma_start3A_62 : memref<200x32xf32, #tpu.memory_space<hbm>>) target_semaphore(%run_scoped3A : memref<!tpu.dma_semaphore, #tpu.memory_space<semaphore_mem>>)
          %dma_wait3A = arith.constant 0 : i32
          %dma_wait3A_63 = tpu.memref_slice %arg5[%add3A_58, %dma_wait3A] : memref<50000x32xf32, #tpu.memory_space<hbm>> -> memref<200x32xf32, #tpu.memory_space<hbm>>
          %dma_wait3A_64 = arith.constant 0 : i32
          %dma_wait3A_65 = tpu.memref_slice %arg5[%add3A_58, %dma_wait3A_64] : memref<50000x32xf32, #tpu.memory_space<hbm>> -> memref<200x32xf32, #tpu.memory_space<hbm>>
          tpu.wait_dma2 semaphore(%run_scoped3A : memref<!tpu.dma_semaphore, #tpu.memory_space<semaphore_mem>>) src(%arg11 : memref<200x32xf32, #tpu.memory_space<vmem>>) dst(%dma_wait3A_65 : memref<200x32xf32, #tpu.memory_space<hbm>>)
          tpu.yield
        }) : () -> ()
        %while3A_59 = arith.constant 0 : i32
        scf.yield %while3A_59 : i32
      }
      %while3A_50 = arith.constant 1 : i32
      %while3A_51 = scf.for %while3A_52 = %while3A_47 to %while3A_43 step %while3A_50 iter_args(%while3A_53 = %while3A_49) -> (i32)  : i32 {
        %mul3A_54 = arith.constant 3200 : i32
        %mul3A_55 = arith.muli %arg1, %mul3A_54 : i32
        %mul3A_56 = arith.constant 200 : i32
        %mul3A_57 = arith.muli %while3A_52, %mul3A_56 : i32
        %add3A_58 = arith.addi %mul3A_55, %mul3A_57 : i32
        "tpu.region"() ({
          %run_scoped3A = tpu.sem_alloc : memref<!tpu.dma_semaphore, #tpu.memory_space<semaphore_mem>>
          %dma_start3A = arith.constant 0 : i32
          %dma_start3A_60 = tpu.memref_slice %arg12[%add3A_58, %dma_start3A] : memref<50000x32xf32, #tpu.memory_space<vmem_shared>> -> memref<200x32xf32, #tpu.memory_space<vmem_shared>>
          %dma_start3A_61 = arith.constant 0 : i32
          %dma_start3A_62 = tpu.memref_slice %arg12[%add3A_58, %dma_start3A_61] : memref<50000x32xf32, #tpu.memory_space<vmem_shared>> -> memref<200x32xf32, #tpu.memory_space<vmem_shared>>
          tpu.enqueue_dma source(%dma_start3A_62 : memref<200x32xf32, #tpu.memory_space<vmem_shared>>) target(%arg11 : memref<200x32xf32, #tpu.memory_space<vmem>>) target_semaphore(%run_scoped3A : memref<!tpu.dma_semaphore, #tpu.memory_space<semaphore_mem>>)
          %dma_wait3A = arith.constant 0 : i32
          %dma_wait3A_63 = tpu.memref_slice %arg12[%add3A_58, %dma_wait3A] : memref<50000x32xf32, #tpu.memory_space<vmem_shared>> -> memref<200x32xf32, #tpu.memory_space<vmem_shared>>
          %dma_wait3A_64 = arith.constant 0 : i32
          %dma_wait3A_65 = tpu.memref_slice %arg12[%add3A_58, %dma_wait3A_64] : memref<50000x32xf32, #tpu.memory_space<vmem_shared>> -> memref<200x32xf32, #tpu.memory_space<vmem_shared>>
          tpu.wait_dma2 semaphore(%run_scoped3A : memref<!tpu.dma_semaphore, #tpu.memory_space<semaphore_mem>>) src(%dma_wait3A_65 : memref<200x32xf32, #tpu.memory_space<vmem_shared>>) dst(%arg11 : memref<200x32xf32, #tpu.memory_space<vmem>>)
          tpu.yield
        }) : () -> ()
        "tpu.region"() ({
          %run_scoped3A = tpu.sem_alloc : memref<!tpu.dma_semaphore, #tpu.memory_space<semaphore_mem>>
          %dma_start3A = arith.constant 0 : i32
          %dma_start3A_60 = tpu.memref_slice %arg5[%add3A_58, %dma_start3A] : memref<50000x32xf32, #tpu.memory_space<hbm>> -> memref<200x32xf32, #tpu.memory_space<hbm>>
          %dma_start3A_61 = arith.constant 0 : i32
          %dma_start3A_62 = tpu.memref_slice %arg5[%add3A_58, %dma_start3A_61] : memref<50000x32xf32, #tpu.memory_space<hbm>> -> memref<200x32xf32, #tpu.memory_space<hbm>>
          tpu.enqueue_dma source(%arg11 : memref<200x32xf32, #tpu.memory_space<vmem>>) target(%dma_start3A_62 : memref<200x32xf32, #tpu.memory_space<hbm>>) target_semaphore(%run_scoped3A : memref<!tpu.dma_semaphore, #tpu.memory_space<semaphore_mem>>)
          %dma_wait3A = arith.constant 0 : i32
          %dma_wait3A_63 = tpu.memref_slice %arg5[%add3A_58, %dma_wait3A] : memref<50000x32xf32, #tpu.memory_space<hbm>> -> memref<200x32xf32, #tpu.memory_space<hbm>>
          %dma_wait3A_64 = arith.constant 0 : i32
          %dma_wait3A_65 = tpu.memref_slice %arg5[%add3A_58, %dma_wait3A_64] : memref<50000x32xf32, #tpu.memory_space<hbm>> -> memref<200x32xf32, #tpu.memory_space<hbm>>
          tpu.wait_dma2 semaphore(%run_scoped3A : memref<!tpu.dma_semaphore, #tpu.memory_space<semaphore_mem>>) src(%arg11 : memref<200x32xf32, #tpu.memory_space<vmem>>) dst(%dma_wait3A_65 : memref<200x32xf32, #tpu.memory_space<hbm>>)
          tpu.yield
        }) : () -> ()
        %while3A_59 = arith.constant 0 : i32
        scf.yield %while3A_59 : i32
      }
    } else {
    }
    %eq3A_33 = arith.constant 1 : i32
    %eq3A_34 = arith.cmpi eq, %arg0, %eq3A_33 : i32
    %convert_element_type3A_35 = arith.extui %eq3A_34 : i1 to i32
    %cond3A_36 = arith.constant 0 : i32
    %cond3A_37 = arith.cmpi ne, %convert_element_type3A_35, %cond3A_36 : i32
    scf.if %cond3A_37 {
      %lt3A_38 = arith.constant 15 : i32
      %lt3A_39 = arith.cmpi slt, %arg1, %lt3A_38 : i32
      %jit3A = arith.constant 16 : i32
      %jit3A_40 = arith.constant 10 : i32
      %select_n3A = arith.select %lt3A_39, %jit3A, %jit3A_40 : i32
      %while3A = arith.constant 0 : i32
      %while3A_41 = arith.constant 0 : i32
      %while3A_42 = arith.subi %select_n3A, %while3A : i32
      %while3A_43 = arith.addi %while3A, %while3A_42 : i32
      %while3A_44 = arith.constant 1 : i32
      %while3A_45 = arith.divsi %while3A_42, %while3A_44 : i32
      %while3A_46 = arith.muli %while3A_45, %while3A_44 : i32
      %while3A_47 = arith.addi %while3A, %while3A_46 : i32
      %while3A_48 = arith.constant 1 : i32
      %while3A_49 = scf.for %while3A_52 = %while3A to %while3A_47 step %while3A_48 iter_args(%while3A_53 = %while3A_41) -> (i32)  : i32 {
        %mul3A_54 = arith.constant 3200 : i32
        %mul3A_55 = arith.muli %arg1, %mul3A_54 : i32
        %mul3A_56 = arith.constant 200 : i32
        %mul3A_57 = arith.muli %while3A_52, %mul3A_56 : i32
        %add3A_58 = arith.addi %mul3A_55, %mul3A_57 : i32
        "tpu.region"() ({
          %run_scoped3A = tpu.sem_alloc : memref<!tpu.dma_semaphore, #tpu.memory_space<semaphore_mem>>
          %dma_start3A = arith.constant 0 : i32
          %dma_start3A_60 = tpu.memref_slice %arg12[%add3A_58, %dma_start3A] : memref<50000x32xf32, #tpu.memory_space<vmem_shared>> -> memref<200x32xf32, #tpu.memory_space<vmem_shared>>
          %dma_start3A_61 = arith.constant 0 : i32
          %dma_start3A_62 = tpu.memref_slice %arg12[%add3A_58, %dma_start3A_61] : memref<50000x32xf32, #tpu.memory_space<vmem_shared>> -> memref<200x32xf32, #tpu.memory_space<vmem_shared>>
          tpu.enqueue_dma source(%dma_start3A_62 : memref<200x32xf32, #tpu.memory_space<vmem_shared>>) target(%arg11 : memref<200x32xf32, #tpu.memory_space<vmem>>) target_semaphore(%run_scoped3A : memref<!tpu.dma_semaphore, #tpu.memory_space<semaphore_mem>>)
          %dma_wait3A = arith.constant 0 : i32
          %dma_wait3A_63 = tpu.memref_slice %arg12[%add3A_58, %dma_wait3A] : memref<50000x32xf32, #tpu.memory_space<vmem_shared>> -> memref<200x32xf32, #tpu.memory_space<vmem_shared>>
          %dma_wait3A_64 = arith.constant 0 : i32
          %dma_wait3A_65 = tpu.memref_slice %arg12[%add3A_58, %dma_wait3A_64] : memref<50000x32xf32, #tpu.memory_space<vmem_shared>> -> memref<200x32xf32, #tpu.memory_space<vmem_shared>>
          tpu.wait_dma2 semaphore(%run_scoped3A : memref<!tpu.dma_semaphore, #tpu.memory_space<semaphore_mem>>) src(%dma_wait3A_65 : memref<200x32xf32, #tpu.memory_space<vmem_shared>>) dst(%arg11 : memref<200x32xf32, #tpu.memory_space<vmem>>)
          tpu.yield
        }) : () -> ()
        "tpu.region"() ({
          %run_scoped3A = tpu.sem_alloc : memref<!tpu.dma_semaphore, #tpu.memory_space<semaphore_mem>>
          %dma_start3A = arith.constant 0 : i32
          %dma_start3A_60 = tpu.memref_slice %arg6[%add3A_58, %dma_start3A] : memref<50000x32xf32, #tpu.memory_space<hbm>> -> memref<200x32xf32, #tpu.memory_space<hbm>>
          %dma_start3A_61 = arith.constant 0 : i32
          %dma_start3A_62 = tpu.memref_slice %arg6[%add3A_58, %dma_start3A_61] : memref<50000x32xf32, #tpu.memory_space<hbm>> -> memref<200x32xf32, #tpu.memory_space<hbm>>
          tpu.enqueue_dma source(%arg11 : memref<200x32xf32, #tpu.memory_space<vmem>>) target(%dma_start3A_62 : memref<200x32xf32, #tpu.memory_space<hbm>>) target_semaphore(%run_scoped3A : memref<!tpu.dma_semaphore, #tpu.memory_space<semaphore_mem>>)
          %dma_wait3A = arith.constant 0 : i32
          %dma_wait3A_63 = tpu.memref_slice %arg6[%add3A_58, %dma_wait3A] : memref<50000x32xf32, #tpu.memory_space<hbm>> -> memref<200x32xf32, #tpu.memory_space<hbm>>
          %dma_wait3A_64 = arith.constant 0 : i32
          %dma_wait3A_65 = tpu.memref_slice %arg6[%add3A_58, %dma_wait3A_64] : memref<50000x32xf32, #tpu.memory_space<hbm>> -> memref<200x32xf32, #tpu.memory_space<hbm>>
          tpu.wait_dma2 semaphore(%run_scoped3A : memref<!tpu.dma_semaphore, #tpu.memory_space<semaphore_mem>>) src(%arg11 : memref<200x32xf32, #tpu.memory_space<vmem>>) dst(%dma_wait3A_65 : memref<200x32xf32, #tpu.memory_space<hbm>>)
          tpu.yield
        }) : () -> ()
        %while3A_59 = arith.constant 0 : i32
        scf.yield %while3A_59 : i32
      }
      %while3A_50 = arith.constant 1 : i32
      %while3A_51 = scf.for %while3A_52 = %while3A_47 to %while3A_43 step %while3A_50 iter_args(%while3A_53 = %while3A_49) -> (i32)  : i32 {
        %mul3A_54 = arith.constant 3200 : i32
        %mul3A_55 = arith.muli %arg1, %mul3A_54 : i32
        %mul3A_56 = arith.constant 200 : i32
        %mul3A_57 = arith.muli %while3A_52, %mul3A_56 : i32
        %add3A_58 = arith.addi %mul3A_55, %mul3A_57 : i32
        "tpu.region"() ({
          %run_scoped3A = tpu.sem_alloc : memref<!tpu.dma_semaphore, #tpu.memory_space<semaphore_mem>>
          %dma_start3A = arith.constant 0 : i32
          %dma_start3A_60 = tpu.memref_slice %arg12[%add3A_58, %dma_start3A] : memref<50000x32xf32, #tpu.memory_space<vmem_shared>> -> memref<200x32xf32, #tpu.memory_space<vmem_shared>>
          %dma_start3A_61 = arith.constant 0 : i32
          %dma_start3A_62 = tpu.memref_slice %arg12[%add3A_58, %dma_start3A_61] : memref<50000x32xf32, #tpu.memory_space<vmem_shared>> -> memref<200x32xf32, #tpu.memory_space<vmem_shared>>
          tpu.enqueue_dma source(%dma_start3A_62 : memref<200x32xf32, #tpu.memory_space<vmem_shared>>) target(%arg11 : memref<200x32xf32, #tpu.memory_space<vmem>>) target_semaphore(%run_scoped3A : memref<!tpu.dma_semaphore, #tpu.memory_space<semaphore_mem>>)
          %dma_wait3A = arith.constant 0 : i32
          %dma_wait3A_63 = tpu.memref_slice %arg12[%add3A_58, %dma_wait3A] : memref<50000x32xf32, #tpu.memory_space<vmem_shared>> -> memref<200x32xf32, #tpu.memory_space<vmem_shared>>
          %dma_wait3A_64 = arith.constant 0 : i32
          %dma_wait3A_65 = tpu.memref_slice %arg12[%add3A_58, %dma_wait3A_64] : memref<50000x32xf32, #tpu.memory_space<vmem_shared>> -> memref<200x32xf32, #tpu.memory_space<vmem_shared>>
          tpu.wait_dma2 semaphore(%run_scoped3A : memref<!tpu.dma_semaphore, #tpu.memory_space<semaphore_mem>>) src(%dma_wait3A_65 : memref<200x32xf32, #tpu.memory_space<vmem_shared>>) dst(%arg11 : memref<200x32xf32, #tpu.memory_space<vmem>>)
          tpu.yield
        }) : () -> ()
        "tpu.region"() ({
          %run_scoped3A = tpu.sem_alloc : memref<!tpu.dma_semaphore, #tpu.memory_space<semaphore_mem>>
          %dma_start3A = arith.constant 0 : i32
          %dma_start3A_60 = tpu.memref_slice %arg6[%add3A_58, %dma_start3A] : memref<50000x32xf32, #tpu.memory_space<hbm>> -> memref<200x32xf32, #tpu.memory_space<hbm>>
          %dma_start3A_61 = arith.constant 0 : i32
          %dma_start3A_62 = tpu.memref_slice %arg6[%add3A_58, %dma_start3A_61] : memref<50000x32xf32, #tpu.memory_space<hbm>> -> memref<200x32xf32, #tpu.memory_space<hbm>>
          tpu.enqueue_dma source(%arg11 : memref<200x32xf32, #tpu.memory_space<vmem>>) target(%dma_start3A_62 : memref<200x32xf32, #tpu.memory_space<hbm>>) target_semaphore(%run_scoped3A : memref<!tpu.dma_semaphore, #tpu.memory_space<semaphore_mem>>)
          %dma_wait3A = arith.constant 0 : i32
          %dma_wait3A_63 = tpu.memref_slice %arg6[%add3A_58, %dma_wait3A] : memref<50000x32xf32, #tpu.memory_space<hbm>> -> memref<200x32xf32, #tpu.memory_space<hbm>>
          %dma_wait3A_64 = arith.constant 0 : i32
          %dma_wait3A_65 = tpu.memref_slice %arg6[%add3A_58, %dma_wait3A_64] : memref<50000x32xf32, #tpu.memory_space<hbm>> -> memref<200x32xf32, #tpu.memory_space<hbm>>
          tpu.wait_dma2 semaphore(%run_scoped3A : memref<!tpu.dma_semaphore, #tpu.memory_space<semaphore_mem>>) src(%arg11 : memref<200x32xf32, #tpu.memory_space<vmem>>) dst(%dma_wait3A_65 : memref<200x32xf32, #tpu.memory_space<hbm>>)
          tpu.yield
        }) : () -> ()
        %while3A_59 = arith.constant 0 : i32
        scf.yield %while3A_59 : i32
      }
    } else {
    }
    return
  }
}

module attributes {stable_mosaic.version = 14 : i64} {
  func.func @_stage_a_body(%arg0: i32, %arg1: memref<2000x1xf32, #tpu.memory_space<vmem>>, %arg2: memref<2000x1xf32, #tpu.memory_space<vmem>>, %arg3: memref<2000x1xf32, #tpu.memory_space<vmem>>, %arg4: memref<1x64xf32, #tpu.memory_space<vmem>>, %arg5: memref<1x64xf32, #tpu.memory_space<vmem>>, %arg6: memref<64x64xf32, #tpu.memory_space<vmem>>, %arg7: memref<2000x32xf32, #tpu.memory_space<vmem>>, %arg8: memref<2000x32xf32, #tpu.memory_space<vmem>>, %arg9: memref<2000x1xf32, #tpu.memory_space<vmem>>) attributes {dimension_semantics = [#tpu.dimension_semantics<arbitrary>], iteration_bounds = array<i64: 25>, scalar_prefetch = 0 : i64, scratch_operands = 0 : i64, tpu.core_type = #tpu.core_type<tc>, window_params = [{transform_indices = @transform_0, window_bounds = array<i64: 2000, 1>}, {transform_indices = @transform_1, window_bounds = array<i64: 2000, 1>}, {transform_indices = @transform_2, window_bounds = array<i64: 2000, 1>}, {pipeline_mode = #tpu.pipeline_mode<synchronous>, transform_indices = @transform_3, window_bounds = array<i64: 1, 64>}, {pipeline_mode = #tpu.pipeline_mode<synchronous>, transform_indices = @transform_4, window_bounds = array<i64: 1, 64>}, {pipeline_mode = #tpu.pipeline_mode<synchronous>, transform_indices = @transform_5, window_bounds = array<i64: 64, 64>}, {transform_indices = @transform_6, window_bounds = array<i64: 2000, 32>}, {transform_indices = @transform_7, window_bounds = array<i64: 2000, 32>}, {transform_indices = @transform_8, window_bounds = array<i64: 2000, 1>}]} {
    %get3A = arith.constant 0 : index
    %get3A_0 = arith.constant 0 : index
    %get3A_1 = vector.load %arg2[%get3A, %get3A_0] : memref<2000x1xf32, #tpu.memory_space<vmem>>, vector<2000x1xf32>
    %get3A_2 = arith.constant 0 : index
    %get3A_3 = arith.constant 0 : index
    %get3A_4 = vector.load %arg3[%get3A_2, %get3A_3] : memref<2000x1xf32, #tpu.memory_space<vmem>>, vector<2000x1xf32>
    %add3A = arith.addf %get3A_1, %get3A_4 : vector<2000x1xf32>
    %add3A_5 = arith.constant 1.000000e+00 : f32
    %add3A_6 = vector.broadcast %add3A_5 : f32 to vector<2000x1xf32>
    %add3A_7 = arith.addf %add3A, %add3A_6 : vector<2000x1xf32>
    %rsqrt3A = math.rsqrt %add3A_7 : vector<2000x1xf32>
    %get3A_8 = arith.constant 0 : index
    %get3A_9 = arith.constant 0 : index
    %get3A_10 = vector.load %arg1[%get3A_8, %get3A_9] : memref<2000x1xf32, #tpu.memory_space<vmem>>, vector<2000x1xf32>
    %get3A_11 = arith.constant 0 : index
    %get3A_12 = arith.constant 0 : index
    %get3A_13 = vector.load %arg4[%get3A_11, %get3A_12] : memref<1x64xf32, #tpu.memory_space<vmem>>, vector<1x64xf32>
    %mul3A = vector.broadcast %get3A_10 : vector<2000x1xf32> to vector<2000x64xf32>
    %mul3A_14 = vector.broadcast %get3A_13 : vector<1x64xf32> to vector<2000x64xf32>
    %mul3A_15 = arith.mulf %mul3A, %mul3A_14 : vector<2000x64xf32>
    %get3A_16 = arith.constant 0 : index
    %get3A_17 = arith.constant 0 : index
    %get3A_18 = vector.load %arg5[%get3A_16, %get3A_17] : memref<1x64xf32, #tpu.memory_space<vmem>>, vector<1x64xf32>
    %add3A_19 = vector.broadcast %get3A_18 : vector<1x64xf32> to vector<2000x64xf32>
    %add3A_20 = arith.addf %mul3A_15, %add3A_19 : vector<2000x64xf32>
    %get3A_21 = arith.constant 0 : index
    %get3A_22 = arith.constant 0 : index
    %get3A_23 = vector.load %arg6[%get3A_21, %get3A_22] : memref<64x64xf32, #tpu.memory_space<vmem>>, vector<64x64xf32>
    %dot_general3A = arith.constant dense<0.000000e+00> : vector<2000x64xf32>
    %dot_general3A_24 = tpu.matmul %add3A_20, %get3A_23, %dot_general3A {dimension_numbers = #tpu.dot_dimension_numbers<[1], [0], [0], [1], [0, 0, 1, 1], [], []>, transpose_lhs_hint = false} : vector<2000x64xf32>, vector<64x64xf32>, vector<2000x64xf32> -> vector<2000x64xf32>
    %mul3A_25 = vector.broadcast %rsqrt3A : vector<2000x1xf32> to vector<2000x64xf32>
    %mul3A_26 = arith.mulf %mul3A_25, %dot_general3A_24 : vector<2000x64xf32>
    %slice3A = vector.extract_strided_slice %mul3A_26 {offsets = [0, 0], sizes = [2000, 32], strides = [1, 1]} : vector<2000x64xf32> to vector<2000x32xf32>
    %swap3A = arith.constant 0 : index
    %swap3A_27 = arith.constant 0 : index
    %swap3A_28 = vector.load %arg7[%swap3A, %swap3A_27] : memref<2000x32xf32, #tpu.memory_space<vmem>>, vector<2000x32xf32>
    tpu.vector_store %arg7[%swap3A, %swap3A_27], %slice3A {strides = array<i32>} : memref<2000x32xf32, #tpu.memory_space<vmem>>, vector<2000x32xf32>,
    %slice3A_29 = vector.extract_strided_slice %mul3A_26 {offsets = [0, 32], sizes = [2000, 32], strides = [1, 1]} : vector<2000x64xf32> to vector<2000x32xf32>
    %swap3A_30 = arith.constant 0 : index
    %swap3A_31 = arith.constant 0 : index
    %swap3A_32 = vector.load %arg8[%swap3A_30, %swap3A_31] : memref<2000x32xf32, #tpu.memory_space<vmem>>, vector<2000x32xf32>
    tpu.vector_store %arg8[%swap3A_30, %swap3A_31], %slice3A_29 {strides = array<i32>} : memref<2000x32xf32, #tpu.memory_space<vmem>>, vector<2000x32xf32>,
    %swap3A_33 = arith.constant 0 : index
    %swap3A_34 = arith.constant 0 : index
    %swap3A_35 = vector.load %arg9[%swap3A_33, %swap3A_34] : memref<2000x1xf32, #tpu.memory_space<vmem>>, vector<2000x1xf32>
    tpu.vector_store %arg9[%swap3A_33, %swap3A_34], %rsqrt3A {strides = array<i32>} : memref<2000x1xf32, #tpu.memory_space<vmem>>, vector<2000x1xf32>,
    return
  }
  func.func @transform_0(%arg0: i32) -> (i32, i32) {
    %c0_i32 = arith.constant 0 : i32
    %c0_i32_0 = arith.constant 0 : i32
    return %arg0, %c0_i32 : i32, i32
  }
  func.func @transform_1(%arg0: i32) -> (i32, i32) {
    %c0_i32 = arith.constant 0 : i32
    %c0_i32_0 = arith.constant 0 : i32
    return %arg0, %c0_i32 : i32, i32
  }
  func.func @transform_2(%arg0: i32) -> (i32, i32) {
    %c0_i32 = arith.constant 0 : i32
    %c0_i32_0 = arith.constant 0 : i32
    return %arg0, %c0_i32 : i32, i32
  }
  func.func @transform_3(%arg0: i32) -> (i32, i32) {
    %c0_i32 = arith.constant 0 : i32
    %c0_i32_0 = arith.constant 0 : i32
    %c0_i32_1 = arith.constant 0 : i32
    return %c0_i32, %c0_i32_0 : i32, i32
  }
  func.func @transform_4(%arg0: i32) -> (i32, i32) {
    %c0_i32 = arith.constant 0 : i32
    %c0_i32_0 = arith.constant 0 : i32
    %c0_i32_1 = arith.constant 0 : i32
    return %c0_i32, %c0_i32_0 : i32, i32
  }
  func.func @transform_5(%arg0: i32) -> (i32, i32) {
    %c0_i32 = arith.constant 0 : i32
    %c0_i32_0 = arith.constant 0 : i32
    %c0_i32_1 = arith.constant 0 : i32
    return %c0_i32, %c0_i32_0 : i32, i32
  }
  func.func @transform_6(%arg0: i32) -> (i32, i32) {
    %c0_i32 = arith.constant 0 : i32
    %c0_i32_0 = arith.constant 0 : i32
    return %arg0, %c0_i32 : i32, i32
  }
  func.func @transform_7(%arg0: i32) -> (i32, i32) {
    %c0_i32 = arith.constant 0 : i32
    %c0_i32_0 = arith.constant 0 : i32
    return %arg0, %c0_i32 : i32, i32
  }
  func.func @transform_8(%arg0: i32) -> (i32, i32) {
    %c0_i32 = arith.constant 0 : i32
    %c0_i32_0 = arith.constant 0 : i32
    return %arg0, %c0_i32 : i32, i32
  }
}

module attributes {stable_mosaic.version = 14 : i64} {
  func.func @_stage_b_body(%arg0: i32, %arg1: memref<2000x32xf32, #tpu.memory_space<vmem>>, %arg2: memref<2000x32xf32, #tpu.memory_space<vmem>>, %arg3: memref<2000x32xf32, #tpu.memory_space<vmem>>, %arg4: memref<2000x32xf32, #tpu.memory_space<vmem>>, %arg5: memref<2000x1xf32, #tpu.memory_space<vmem>>, %arg6: memref<1x64xf32, #tpu.memory_space<vmem>>, %arg7: memref<64x64xf32, #tpu.memory_space<vmem>>, %arg8: memref<2000x32xf32, #tpu.memory_space<vmem>>, %arg9: memref<2000x32xf32, #tpu.memory_space<vmem>>) attributes {dimension_semantics = [#tpu.dimension_semantics<arbitrary>], iteration_bounds = array<i64: 25>, scalar_prefetch = 0 : i64, scratch_operands = 0 : i64, tpu.core_type = #tpu.core_type<tc>, window_params = [{transform_indices = @transform_0, window_bounds = array<i64: 2000, 32>}, {transform_indices = @transform_1, window_bounds = array<i64: 2000, 32>}, {transform_indices = @transform_2, window_bounds = array<i64: 2000, 32>}, {transform_indices = @transform_3, window_bounds = array<i64: 2000, 32>}, {transform_indices = @transform_4, window_bounds = array<i64: 2000, 1>}, {pipeline_mode = #tpu.pipeline_mode<synchronous>, transform_indices = @transform_5, window_bounds = array<i64: 1, 64>}, {pipeline_mode = #tpu.pipeline_mode<synchronous>, transform_indices = @transform_6, window_bounds = array<i64: 64, 64>}, {transform_indices = @transform_7, window_bounds = array<i64: 2000, 32>}, {transform_indices = @transform_8, window_bounds = array<i64: 2000, 32>}]} {
    %get3A = arith.constant 0 : index
    %get3A_0 = arith.constant 0 : index
    %get3A_1 = vector.load %arg1[%get3A, %get3A_0] : memref<2000x32xf32, #tpu.memory_space<vmem>>, vector<2000x32xf32>
    %get3A_2 = arith.constant 0 : index
    %get3A_3 = arith.constant 0 : index
    %get3A_4 = vector.load %arg2[%get3A_2, %get3A_3] : memref<2000x32xf32, #tpu.memory_space<vmem>>, vector<2000x32xf32>
    %concatenate3A = tpu.concatenate %get3A_1, %get3A_4 in 1 : vector<2000x32xf32>, vector<2000x32xf32> -> vector<2000x64xf32>
    %get3A_5 = arith.constant 0 : index
    %get3A_6 = arith.constant 0 : index
    %get3A_7 = vector.load %arg3[%get3A_5, %get3A_6] : memref<2000x32xf32, #tpu.memory_space<vmem>>, vector<2000x32xf32>
    %get3A_8 = arith.constant 0 : index
    %get3A_9 = arith.constant 0 : index
    %get3A_10 = vector.load %arg4[%get3A_8, %get3A_9] : memref<2000x32xf32, #tpu.memory_space<vmem>>, vector<2000x32xf32>
    %concatenate3A_11 = tpu.concatenate %get3A_7, %get3A_10 in 1 : vector<2000x32xf32>, vector<2000x32xf32> -> vector<2000x64xf32>
    %get3A_12 = arith.constant 0 : index
    %get3A_13 = arith.constant 0 : index
    %get3A_14 = vector.load %arg5[%get3A_12, %get3A_13] : memref<2000x1xf32, #tpu.memory_space<vmem>>, vector<2000x1xf32>
    %add3A = arith.addf %concatenate3A, %concatenate3A_11 : vector<2000x64xf32>
    %mul3A = vector.broadcast %get3A_14 : vector<2000x1xf32> to vector<2000x64xf32>
    %mul3A_15 = arith.mulf %mul3A, %add3A : vector<2000x64xf32>
    %get3A_16 = arith.constant 0 : index
    %get3A_17 = arith.constant 0 : index
    %get3A_18 = vector.load %arg6[%get3A_16, %get3A_17] : memref<1x64xf32, #tpu.memory_space<vmem>>, vector<1x64xf32>
    %add3A_19 = vector.broadcast %get3A_18 : vector<1x64xf32> to vector<2000x64xf32>
    %add3A_20 = arith.addf %mul3A_15, %add3A_19 : vector<2000x64xf32>
    %max3A = arith.constant 0.000000e+00 : f32
    %max3A_21 = vector.broadcast %max3A : f32 to vector<2000x64xf32>
    %max3A_22 = arith.maximumf %add3A_20, %max3A_21 : vector<2000x64xf32>
    %get3A_23 = arith.constant 0 : index
    %get3A_24 = arith.constant 0 : index
    %get3A_25 = vector.load %arg7[%get3A_23, %get3A_24] : memref<64x64xf32, #tpu.memory_space<vmem>>, vector<64x64xf32>
    %dot_general3A = arith.constant dense<0.000000e+00> : vector<2000x64xf32>
    %dot_general3A_26 = tpu.matmul %max3A_22, %get3A_25, %dot_general3A {dimension_numbers = #tpu.dot_dimension_numbers<[1], [0], [0], [1], [0, 0, 1, 1], [], []>, transpose_lhs_hint = false} : vector<2000x64xf32>, vector<64x64xf32>, vector<2000x64xf32> -> vector<2000x64xf32>
    %mul3A_27 = vector.broadcast %get3A_14 : vector<2000x1xf32> to vector<2000x64xf32>
    %mul3A_28 = arith.mulf %mul3A_27, %dot_general3A_26 : vector<2000x64xf32>
    %slice3A = vector.extract_strided_slice %mul3A_28 {offsets = [0, 0], sizes = [2000, 32], strides = [1, 1]} : vector<2000x64xf32> to vector<2000x32xf32>
    %swap3A = arith.constant 0 : index
    %swap3A_29 = arith.constant 0 : index
    %swap3A_30 = vector.load %arg8[%swap3A, %swap3A_29] : memref<2000x32xf32, #tpu.memory_space<vmem>>, vector<2000x32xf32>
    tpu.vector_store %arg8[%swap3A, %swap3A_29], %slice3A {strides = array<i32>} : memref<2000x32xf32, #tpu.memory_space<vmem>>, vector<2000x32xf32>,
    %slice3A_31 = vector.extract_strided_slice %mul3A_28 {offsets = [0, 32], sizes = [2000, 32], strides = [1, 1]} : vector<2000x64xf32> to vector<2000x32xf32>
    %swap3A_32 = arith.constant 0 : index
    %swap3A_33 = arith.constant 0 : index
    %swap3A_34 = vector.load %arg9[%swap3A_32, %swap3A_33] : memref<2000x32xf32, #tpu.memory_space<vmem>>, vector<2000x32xf32>
    tpu.vector_store %arg9[%swap3A_32, %swap3A_33], %slice3A_31 {strides = array<i32>} : memref<2000x32xf32, #tpu.memory_space<vmem>>, vector<2000x32xf32>,
    return
  }
  func.func @transform_0(%arg0: i32) -> (i32, i32) {
    %c0_i32 = arith.constant 0 : i32
    %c0_i32_0 = arith.constant 0 : i32
    return %arg0, %c0_i32 : i32, i32
  }
  func.func @transform_1(%arg0: i32) -> (i32, i32) {
    %c0_i32 = arith.constant 0 : i32
    %c0_i32_0 = arith.constant 0 : i32
    return %arg0, %c0_i32 : i32, i32
  }
  func.func @transform_2(%arg0: i32) -> (i32, i32) {
    %c0_i32 = arith.constant 0 : i32
    %c0_i32_0 = arith.constant 0 : i32
    return %arg0, %c0_i32 : i32, i32
  }
  func.func @transform_3(%arg0: i32) -> (i32, i32) {
    %c0_i32 = arith.constant 0 : i32
    %c0_i32_0 = arith.constant 0 : i32
    return %arg0, %c0_i32 : i32, i32
  }
  func.func @transform_4(%arg0: i32) -> (i32, i32) {
    %c0_i32 = arith.constant 0 : i32
    %c0_i32_0 = arith.constant 0 : i32
    return %arg0, %c0_i32 : i32, i32
  }
  func.func @transform_5(%arg0: i32) -> (i32, i32) {
    %c0_i32 = arith.constant 0 : i32
    %c0_i32_0 = arith.constant 0 : i32
    %c0_i32_1 = arith.constant 0 : i32
    return %c0_i32, %c0_i32_0 : i32, i32
  }
  func.func @transform_6(%arg0: i32) -> (i32, i32) {
    %c0_i32 = arith.constant 0 : i32
    %c0_i32_0 = arith.constant 0 : i32
    %c0_i32_1 = arith.constant 0 : i32
    return %c0_i32, %c0_i32_0 : i32, i32
  }
  func.func @transform_7(%arg0: i32) -> (i32, i32) {
    %c0_i32 = arith.constant 0 : i32
    %c0_i32_0 = arith.constant 0 : i32
    return %arg0, %c0_i32 : i32, i32
  }
  func.func @transform_8(%arg0: i32) -> (i32, i32) {
    %c0_i32 = arith.constant 0 : i32
    %c0_i32_0 = arith.constant 0 : i32
    return %arg0, %c0_i32 : i32, i32
  }
}

module attributes {stable_mosaic.version = 14 : i64} {
  func.func @_stage_c_body(%arg0: i32, %arg1: memref<2000x32xf32, #tpu.memory_space<vmem>>, %arg2: memref<2000x32xf32, #tpu.memory_space<vmem>>, %arg3: memref<2000x32xf32, #tpu.memory_space<vmem>>, %arg4: memref<2000x32xf32, #tpu.memory_space<vmem>>, %arg5: memref<2000x1xf32, #tpu.memory_space<vmem>>, %arg6: memref<1x64xf32, #tpu.memory_space<vmem>>, %arg7: memref<2000x1xi32, #tpu.memory_space<vmem>>, %arg8: memref<64x32xf32, #tpu.memory_space<vmem>>, %arg9: memref<1x32xf32, #tpu.memory_space<vmem>>, %arg10: memref<32x1xf32, #tpu.memory_space<vmem>>, %arg11: memref<1x1xf32, #tpu.memory_space<vmem>>, %arg12: memref<64x1xf32, #tpu.memory_space<vmem>>, %arg13: memref<64x64xf32, #tpu.memory_space<vmem>>, %arg14: memref<64x1xf32, #tpu.memory_space<vmem>>) attributes {dimension_semantics = [#tpu.dimension_semantics<arbitrary>], iteration_bounds = array<i64: 25>, scalar_prefetch = 0 : i64, scratch_operands = 2 : i64, tpu.core_type = #tpu.core_type<tc>, window_params = [{transform_indices = @transform_0, window_bounds = array<i64: 2000, 32>}, {transform_indices = @transform_1, window_bounds = array<i64: 2000, 32>}, {transform_indices = @transform_2, window_bounds = array<i64: 2000, 32>}, {transform_indices = @transform_3, window_bounds = array<i64: 2000, 32>}, {transform_indices = @transform_4, window_bounds = array<i64: 2000, 1>}, {pipeline_mode = #tpu.pipeline_mode<synchronous>, transform_indices = @transform_5, window_bounds = array<i64: 1, 64>}, {transform_indices = @transform_6, window_bounds = array<i64: 2000, 1>}, {pipeline_mode = #tpu.pipeline_mode<synchronous>, transform_indices = @transform_7, window_bounds = array<i64: 64, 32>}, {pipeline_mode = #tpu.pipeline_mode<synchronous>, transform_indices = @transform_8, window_bounds = array<i64: 1, 32>}, {pipeline_mode = #tpu.pipeline_mode<synchronous>, transform_indices = @transform_9, window_bounds = array<i64: 32, 1>}, {pipeline_mode = #tpu.pipeline_mode<synchronous>, transform_indices = @transform_10, window_bounds = array<i64: 1, 1>}, {pipeline_mode = #tpu.pipeline_mode<synchronous>, transform_indices = @transform_11, window_bounds = array<i64: 64, 1>}]} {
    %eq3A = arith.constant 0 : i32
    %eq3A_0 = arith.cmpi eq, %arg0, %eq3A : i32
    %convert_element_type3A = arith.extui %eq3A_0 : i1 to i32
    %cond3A = arith.constant 0 : i32
    %cond3A_1 = arith.cmpi ne, %convert_element_type3A, %cond3A : i32
    scf.if %cond3A_1 {
      %broadcast_in_dim3A_54 = arith.constant 0.000000e+00 : f32
      %broadcast_in_dim3A_55 = vector.broadcast %broadcast_in_dim3A_54 : f32 to vector<64x64xf32>
      %swap3A_56 = arith.constant 0 : index
      %swap3A_57 = arith.constant 0 : index
      %swap3A_58 = vector.load %arg13[%swap3A_56, %swap3A_57] : memref<64x64xf32, #tpu.memory_space<vmem>>, vector<64x64xf32>
      tpu.vector_store %arg13[%swap3A_56, %swap3A_57], %broadcast_in_dim3A_55 {strides = array<i32>} : memref<64x64xf32, #tpu.memory_space<vmem>>, vector<64x64xf32>,
      %broadcast_in_dim3A_59 = arith.constant 0.000000e+00 : f32
      %broadcast_in_dim3A_60 = vector.broadcast %broadcast_in_dim3A_59 : f32 to vector<64x1xf32>
      %swap3A_61 = arith.constant 0 : index
      %swap3A_62 = arith.constant 0 : index
      %swap3A_63 = vector.load %arg14[%swap3A_61, %swap3A_62] : memref<64x1xf32, #tpu.memory_space<vmem>>, vector<64x1xf32>
      tpu.vector_store %arg14[%swap3A_61, %swap3A_62], %broadcast_in_dim3A_60 {strides = array<i32>} : memref<64x1xf32, #tpu.memory_space<vmem>>, vector<64x1xf32>,
    } else {
    }
    %get3A = arith.constant 0 : index
    %get3A_2 = arith.constant 0 : index
    %get3A_3 = vector.load %arg1[%get3A, %get3A_2] : memref<2000x32xf32, #tpu.memory_space<vmem>>, vector<2000x32xf32>
    %get3A_4 = arith.constant 0 : index
    %get3A_5 = arith.constant 0 : index
    %get3A_6 = vector.load %arg2[%get3A_4, %get3A_5] : memref<2000x32xf32, #tpu.memory_space<vmem>>, vector<2000x32xf32>
    %concatenate3A = tpu.concatenate %get3A_3, %get3A_6 in 1 : vector<2000x32xf32>, vector<2000x32xf32> -> vector<2000x64xf32>
    %get3A_7 = arith.constant 0 : index
    %get3A_8 = arith.constant 0 : index
    %get3A_9 = vector.load %arg3[%get3A_7, %get3A_8] : memref<2000x32xf32, #tpu.memory_space<vmem>>, vector<2000x32xf32>
    %get3A_10 = arith.constant 0 : index
    %get3A_11 = arith.constant 0 : index
    %get3A_12 = vector.load %arg4[%get3A_10, %get3A_11] : memref<2000x32xf32, #tpu.memory_space<vmem>>, vector<2000x32xf32>
    %concatenate3A_13 = tpu.concatenate %get3A_9, %get3A_12 in 1 : vector<2000x32xf32>, vector<2000x32xf32> -> vector<2000x64xf32>
    %get3A_14 = arith.constant 0 : index
    %get3A_15 = arith.constant 0 : index
    %get3A_16 = vector.load %arg5[%get3A_14, %get3A_15] : memref<2000x1xf32, #tpu.memory_space<vmem>>, vector<2000x1xf32>
    %add3A = arith.addf %concatenate3A, %concatenate3A_13 : vector<2000x64xf32>
    %mul3A = vector.broadcast %get3A_16 : vector<2000x1xf32> to vector<2000x64xf32>
    %mul3A_17 = arith.mulf %mul3A, %add3A : vector<2000x64xf32>
    %get3A_18 = arith.constant 0 : index
    %get3A_19 = arith.constant 0 : index
    %get3A_20 = vector.load %arg6[%get3A_18, %get3A_19] : memref<1x64xf32, #tpu.memory_space<vmem>>, vector<1x64xf32>
    %add3A_21 = vector.broadcast %get3A_20 : vector<1x64xf32> to vector<2000x64xf32>
    %add3A_22 = arith.addf %mul3A_17, %add3A_21 : vector<2000x64xf32>
    %max3A = arith.constant 0.000000e+00 : f32
    %max3A_23 = vector.broadcast %max3A : f32 to vector<2000x64xf32>
    %max3A_24 = arith.maximumf %add3A_22, %max3A_23 : vector<2000x64xf32>
    %get3A_25 = arith.constant 0 : index
    %get3A_26 = arith.constant 0 : index
    %get3A_27 = vector.load %arg7[%get3A_25, %get3A_26] : memref<2000x1xi32, #tpu.memory_space<vmem>>, vector<2000x1xi32>
    %iota3A = tpu.iota {dimensions = array<i32: 1>} : vector<2000x64xi32>
    %eq3A_28 = vector.broadcast %get3A_27 : vector<2000x1xi32> to vector<2000x64xi32>
    %eq3A_29 = arith.cmpi eq, %eq3A_28, %iota3A : vector<2000x64xi32>
    %convert_element_type3A_30 = arith.extui %eq3A_29 : vector<2000x64xi1> to vector<2000x64xi32>
    %convert_element_type3A_31 = arith.sitofp %convert_element_type3A_30 : vector<2000x64xi32> to vector<2000x64xf32>
    %get3A_32 = arith.constant 0 : index
    %get3A_33 = arith.constant 0 : index
    %get3A_34 = vector.load %arg13[%get3A_32, %get3A_33] : memref<64x64xf32, #tpu.memory_space<vmem>>, vector<64x64xf32>
    %dot_general3A = arith.constant dense<0.000000e+00> : vector<64x64xf32>
    %dot_general3A_35 = tpu.matmul %convert_element_type3A_31, %max3A_24, %dot_general3A {dimension_numbers = #tpu.dot_dimension_numbers<[0], [0], [1], [1], [0, 1, 1, 1], [], []>, transpose_lhs_hint = false} : vector<2000x64xf32>, vector<2000x64xf32>, vector<64x64xf32> -> vector<64x64xf32>
    %add3A_36 = arith.addf %get3A_34, %dot_general3A_35 : vector<64x64xf32>
    %swap3A = arith.constant 0 : index
    %swap3A_37 = arith.constant 0 : index
    %swap3A_38 = vector.load %arg13[%swap3A, %swap3A_37] : memref<64x64xf32, #tpu.memory_space<vmem>>, vector<64x64xf32>
    tpu.vector_store %arg13[%swap3A, %swap3A_37], %add3A_36 {strides = array<i32>} : memref<64x64xf32, #tpu.memory_space<vmem>>, vector<64x64xf32>,
    %get3A_39 = arith.constant 0 : index
    %get3A_40 = arith.constant 0 : index
    %get3A_41 = vector.load %arg14[%get3A_39, %get3A_40] : memref<64x1xf32, #tpu.memory_space<vmem>>, vector<64x1xf32>
    %broadcast_in_dim3A = arith.constant 1.000000e+00 : f32
    %broadcast_in_dim3A_42 = vector.broadcast %broadcast_in_dim3A : f32 to vector<2000x1xf32>
    %dot_general3A_43 = arith.constant dense<0.000000e+00> : vector<64x1xf32>
    %dot_general3A_44 = tpu.matmul %convert_element_type3A_31, %broadcast_in_dim3A_42, %dot_general3A_43 {dimension_numbers = #tpu.dot_dimension_numbers<[0], [0], [1], [1], [0, 1, 1, 1], [], []>, transpose_lhs_hint = false} : vector<2000x64xf32>, vector<2000x1xf32>, vector<64x1xf32> -> vector<64x1xf32>
    %add3A_45 = arith.addf %get3A_41, %dot_general3A_44 : vector<64x1xf32>
    %swap3A_46 = arith.constant 0 : index
    %swap3A_47 = arith.constant 0 : index
    %swap3A_48 = vector.load %arg14[%swap3A_46, %swap3A_47] : memref<64x1xf32, #tpu.memory_space<vmem>>, vector<64x1xf32>
    tpu.vector_store %arg14[%swap3A_46, %swap3A_47], %add3A_45 {strides = array<i32>} : memref<64x1xf32, #tpu.memory_space<vmem>>, vector<64x1xf32>,
    %eq3A_49 = arith.constant 24 : i32
    %eq3A_50 = arith.cmpi eq, %arg0, %eq3A_49 : i32
    %convert_element_type3A_51 = arith.extui %eq3A_50 : i1 to i32
    %cond3A_52 = arith.constant 0 : i32
    %cond3A_53 = arith.cmpi ne, %convert_element_type3A_51, %cond3A_52 : i32
    scf.if %cond3A_53 {
      %get3A_54 = arith.constant 0 : index
      %get3A_55 = arith.constant 0 : index
      %get3A_56 = vector.load %arg13[%get3A_54, %get3A_55] : memref<64x64xf32, #tpu.memory_space<vmem>>, vector<64x64xf32>
      %get3A_57 = arith.constant 0 : index
      %get3A_58 = arith.constant 0 : index
      %get3A_59 = vector.load %arg14[%get3A_57, %get3A_58] : memref<64x1xf32, #tpu.memory_space<vmem>>, vector<64x1xf32>
      %max3A_60 = arith.constant 1.000000e+00 : f32
      %max3A_61 = vector.broadcast %max3A_60 : f32 to vector<64x1xf32>
      %max3A_62 = arith.maximumf %get3A_59, %max3A_61 : vector<64x1xf32>
      %div3A = vector.broadcast %max3A_62 : vector<64x1xf32> to vector<64x64xf32>
      %div3A_63 = arith.divf %get3A_56, %div3A : vector<64x64xf32>
      %get3A_64 = arith.constant 0 : index
      %get3A_65 = arith.constant 0 : index
      %get3A_66 = vector.load %arg8[%get3A_64, %get3A_65] : memref<64x32xf32, #tpu.memory_space<vmem>>, vector<64x32xf32>
      %dot_general3A_67 = arith.constant dense<0.000000e+00> : vector<64x32xf32>
      %dot_general3A_68 = tpu.matmul %div3A_63, %get3A_66, %dot_general3A_67 {dimension_numbers = #tpu.dot_dimension_numbers<[1], [0], [0], [1], [0, 0, 1, 1], [], []>, transpose_lhs_hint = false} : vector<64x64xf32>, vector<64x32xf32>, vector<64x32xf32> -> vector<64x32xf32>
      %get3A_69 = arith.constant 0 : index
      %get3A_70 = arith.constant 0 : index
      %get3A_71 = vector.load %arg9[%get3A_69, %get3A_70] : memref<1x32xf32, #tpu.memory_space<vmem>>, vector<1x32xf32>
      %add3A_72 = vector.broadcast %get3A_71 : vector<1x32xf32> to vector<64x32xf32>
      %add3A_73 = arith.addf %dot_general3A_68, %add3A_72 : vector<64x32xf32>
      %max3A_74 = arith.constant 0.000000e+00 : f32
      %max3A_75 = vector.broadcast %max3A_74 : f32 to vector<64x32xf32>
      %max3A_76 = arith.maximumf %add3A_73, %max3A_75 : vector<64x32xf32>
      %get3A_77 = arith.constant 0 : index
      %get3A_78 = arith.constant 0 : index
      %get3A_79 = vector.load %arg10[%get3A_77, %get3A_78] : memref<32x1xf32, #tpu.memory_space<vmem>>, vector<32x1xf32>
      %dot_general3A_80 = arith.constant dense<0.000000e+00> : vector<64x1xf32>
      %dot_general3A_81 = tpu.matmul %max3A_76, %get3A_79, %dot_general3A_80 {dimension_numbers = #tpu.dot_dimension_numbers<[1], [0], [0], [1], [0, 0, 1, 1], [], []>, transpose_lhs_hint = false} : vector<64x32xf32>, vector<32x1xf32>, vector<64x1xf32> -> vector<64x1xf32>
      %get3A_82 = arith.constant 0 : index
      %get3A_83 = arith.constant 0 : index
      %get3A_84 = vector.load %arg11[%get3A_82, %get3A_83] : memref<1x1xf32, #tpu.memory_space<vmem>>, vector<1x1xf32>
      %add3A_85 = vector.broadcast %get3A_84 : vector<1x1xf32> to vector<64x1xf32>
      %add3A_86 = arith.addf %dot_general3A_81, %add3A_85 : vector<64x1xf32>
      %logistic3A = arith.negf %add3A_86 : vector<64x1xf32>
      %logistic3A_87 = math.exp %logistic3A : vector<64x1xf32>
      %logistic3A_88 = arith.constant 1.000000e+00 : f32
      %logistic3A_89 = vector.broadcast %logistic3A_88 : f32 to vector<64x1xf32>
      %logistic3A_90 = arith.addf %logistic3A_89, %logistic3A_87 : vector<64x1xf32>
      %logistic3A_91 = arith.divf %logistic3A_89, %logistic3A_90 : vector<64x1xf32>
      %swap3A_92 = arith.constant 0 : index
      %swap3A_93 = arith.constant 0 : index
      %swap3A_94 = vector.load %arg12[%swap3A_92, %swap3A_93] : memref<64x1xf32, #tpu.memory_space<vmem>>, vector<64x1xf32>
      tpu.vector_store %arg12[%swap3A_92, %swap3A_93], %logistic3A_91 {strides = array<i32>} : memref<64x1xf32, #tpu.memory_space<vmem>>, vector<64x1xf32>,
    } else {
    }
    return
  }
  func.func @transform_0(%arg0: i32) -> (i32, i32) {
    %c0_i32 = arith.constant 0 : i32
    %c0_i32_0 = arith.constant 0 : i32
    return %arg0, %c0_i32 : i32, i32
  }
  func.func @transform_1(%arg0: i32) -> (i32, i32) {
    %c0_i32 = arith.constant 0 : i32
    %c0_i32_0 = arith.constant 0 : i32
    return %arg0, %c0_i32 : i32, i32
  }
  func.func @transform_2(%arg0: i32) -> (i32, i32) {
    %c0_i32 = arith.constant 0 : i32
    %c0_i32_0 = arith.constant 0 : i32
    return %arg0, %c0_i32 : i32, i32
  }
  func.func @transform_3(%arg0: i32) -> (i32, i32) {
    %c0_i32 = arith.constant 0 : i32
    %c0_i32_0 = arith.constant 0 : i32
    return %arg0, %c0_i32 : i32, i32
  }
  func.func @transform_4(%arg0: i32) -> (i32, i32) {
    %c0_i32 = arith.constant 0 : i32
    %c0_i32_0 = arith.constant 0 : i32
    return %arg0, %c0_i32 : i32, i32
  }
  func.func @transform_5(%arg0: i32) -> (i32, i32) {
    %c0_i32 = arith.constant 0 : i32
    %c0_i32_0 = arith.constant 0 : i32
    %c0_i32_1 = arith.constant 0 : i32
    return %c0_i32, %c0_i32_0 : i32, i32
  }
  func.func @transform_6(%arg0: i32) -> (i32, i32) {
    %c0_i32 = arith.constant 0 : i32
    %c0_i32_0 = arith.constant 0 : i32
    return %arg0, %c0_i32 : i32, i32
  }
  func.func @transform_7(%arg0: i32) -> (i32, i32) {
    %c0_i32 = arith.constant 0 : i32
    %c0_i32_0 = arith.constant 0 : i32
    %c0_i32_1 = arith.constant 0 : i32
    return %c0_i32, %c0_i32_0 : i32, i32
  }
  func.func @transform_8(%arg0: i32) -> (i32, i32) {
    %c0_i32 = arith.constant 0 : i32
    %c0_i32_0 = arith.constant 0 : i32
    %c0_i32_1 = arith.constant 0 : i32
    return %c0_i32, %c0_i32_0 : i32, i32
  }
  func.func @transform_9(%arg0: i32) -> (i32, i32) {
    %c0_i32 = arith.constant 0 : i32
    %c0_i32_0 = arith.constant 0 : i32
    %c0_i32_1 = arith.constant 0 : i32
    return %c0_i32, %c0_i32_0 : i32, i32
  }
  func.func @transform_10(%arg0: i32) -> (i32, i32) {
    %c0_i32 = arith.constant 0 : i32
    %c0_i32_0 = arith.constant 0 : i32
    %c0_i32_1 = arith.constant 0 : i32
    return %c0_i32, %c0_i32_0 : i32, i32
  }
  func.func @transform_11(%arg0: i32) -> (i32, i32) {
    %c0_i32 = arith.constant 0 : i32
    %c0_i32_0 = arith.constant 0 : i32
    %c0_i32_1 = arith.constant 0 : i32
    return %c0_i32, %c0_i32_0 : i32, i32
  }
}

</mosaic_0001>

<sc_bundles>
// kernel: kernel.10.cloned.1.call-start
scs
__scs_entry_jumppad:
0x0: {  	(pc) =	sbr.rel $0x88, $3  }
0x1: {  	(tag) =	ssettag $0x0;
	lr =	simm.s32 $0x1  }
0x2: {  	[smem:$0x3F96] =	sst lr;
	_ =	strace $0xD0000000  }
0x3: {  	_ = 	snop  }
0x4: {  	_ = 	snop  }
0x5: {  	_ = 	snop  }
0x6: {  	_ = 	snop  }
0x7: {  	_ = 	snop  }
__scs_overlays_trampoline_lowered:
0x8: {  	[smem:$0x3FA5] =	sst s0  }
0x9: {  	[smem:$0x3FA6] =	sst s1  }
0xa: {  	[smem:$0x3FA7] =	sst s2  }
0xb: {  	[smem:$0x3FA8] =	sst s3  }
0xc: {  	[smem:$0x3FA9] =	sst s4  }
0xd: {  	[smem:$0x3FAA] =	sst s5  }
0xe: {  	[smem:$0x3FAB] =	sst s6  }
0xf: {  	[smem:$0x3FAC] =	sst s7  }
0x10: {  	[smem:$0x3FAD] =	sst s8  }
0x11: {  	[smem:$0x3FAE] =	sst s9;
	s0 =	simm.s32 @!p0 $0x0  }
0x12: {  	s1 =	sld [smem:$0x3F94];
	s0 =	simm.s32 @p0 $0x1  }
0x13: {  	[smem:$0x3FAF] =	sst s0;
	s0 =	simm.s32 @!p1 $0x0  }
0x14: {  	s2 =	sld [smem:$0x3F93];
	s0 =	simm.s32 @p1 $0x1  }
0x15: {  	[smem:$0x3FB0] =	sst s0;
	s0 =	simm.s32 @!p2 $0x0  }
0x16: {  	s3 =	sld [smem:$0x3FDB];
	s0 =	simm.s32 @p2 $0x1  }
0x17: {  	s4 =	simm.s32 $0x1BF5;
	[smem:$0x3FB2] =	sst s0  }
0x18: {  	s0 =	sld [smem:$0x3F95];
	_ =	swait.ge [sflag:s4], $0x0  }
0x19: {  	s7 =	sld [smem:$0x3F96]  }
0x1a: {  	s8 =	sadd.s32 $0xFFFFE003, lr  }
0x1b: {  	s9 =	sadd.s32 $0xFFFFFEF7, lr;
	s5 =	simm.s32 $0xFFFFFFFF;
	p2 =	slt.u32 s8, $0xFFFFF086  }
0x1c: {  	p1 =	slt.u32 s9, $0xF7A;
	s5 =	simm.s32 @!p2 $0x0  }
0x1d: {  	s5 =	simm.s32 @p1 $0x1;
	p0 =	seq.s32 s7, s2  }
0x1e: {  	s7 =	smul.u32 @!p0 $0xF7A, s2;
	p2 =	seq.s32 @!p0 s5, $0x0  }
0x1f: {  	s9 =	smul.u32 $0xF7A, s1;
	s8 =	simm.s32 @!p0 $0x1BF5;
	p2 =	por !p2, p0  }
0x20: {  	[sflag:s8] =	ssyncset.s32 @!p0 $0xFFFFF086;
	s6 =	sadd.s32 @!p0 s3, s7;
	s7 =	simm.s32 @!p0 $0x108  }
0x21: {  	s3 =	sadd.s32 s3, s9;
	s6 =	sadd.s32 @!p0 $0x88, s6;
	s7 =	simm.s32 @p2 $0x1082  }
0x22: {  	[simem:s7], [sflag:s8] =	dma.local @!p0 [hbm:s6], $0xF7A  }
0x23: {  	s9 =	sor.u32 $0xD0000000, s2;
	s6 =	simm.s32 $0x108;
	_ =	swait.ge @!p0 [sflag:s8], $0x0  }
0x24: {  	s3 =	sadd.s32 $0x88, s3;
	s6 =	simm.s32 @!p1 $0x1082;
	[sflag:s4] =	ssyncset.s32 $0xFFFFF086  }
0x25: {  	[simem:s6], [sflag:s4] =	dma.local [hbm:s3], $0xF7A  }
0x26: {  	[smem:$0x3F96] =	sst s1;
	(tag) =	ssettag s2;
	_ =	strace s9  }
0x27: {  	s1 =	sld [smem:$0x3FA6]  }
0x28: {  	s2 =	sld [smem:$0x3FA7]  }
0x29: {  	s4 =	sld [smem:$0x3FA9]  }
0x2a: {  	p0 =	seq.s32 s5, $0x0;
	s5 =	sld [smem:$0x3FAA]  }
0x2b: {  	s6 =	sld [smem:$0x3FAB]  }
0x2c: {  	s7 =	sld [smem:$0x3FAC]  }
0x2d: {  	s3 =	simm.s32 $0x108;
	s8 =	sld [smem:$0x3FAD]  }
0x2e: {  	s3 =	simm.s32 @!p0 $0x1082;
	s9 =	sld [smem:$0x3FAE]  }
0x2f: {  	lr =	sadd.s32 s0, s3;
	s0 =	sld [smem:$0x3FA5]  }
0x30: {  	s3 =	sld [smem:$0x3FA8]  }
0x31: {  	[smem:$0x3FB1] =	sst s10  }
0x32: {  	s10 =	sld [smem:$0x3FAF];
	_ =	sdelay $0x3  }
0x33: {  	p0 =	seq.s32 s10, $0x1;
	s10 =	sld [smem:$0x3FB1];
	_ =	sdelay $0x3  }
0x34: {  	[smem:$0x3FB1] =	sst s10  }
0x35: {  	s10 =	sld [smem:$0x3FB0];
	_ =	sdelay $0x3  }
0x36: {  	p1 =	seq.s32 s10, $0x1;
	s10 =	sld [smem:$0x3FB1];
	_ =	sdelay $0x3  }
0x37: {  	[smem:$0x3FB1] =	sst s10  }
0x38: {  	s10 =	sld [smem:$0x3FB2]  }
0x39: {  	_ = 	snop;
	(pc) =	sbr.ind lr, $3  }
0x3a: {  	_ = 	snop  }
0x3b: {  	_ = 	snop  }
0x3c: {  	p2 =	seq.s32 s10, $0x1;
	s10 =	sld [smem:$0x3FB1]  }
0x3d: {  	_ =	shalt  }
0x3e: {  	_ =	shalt  }
0x3f: {  	_ =	shalt  }
0x40: {  	_ =	shalt  }
0x41: {  	_ =	shalt  }
0x42: {  	_ =	shalt  }
0x43: {  	_ =	shalt  }
0x44: {  	_ =	shalt  }
0x45: {  	_ =	shalt  }
0x46: {  	_ =	shalt  }
0x47: {  	_ =	shalt  }
0x48: {  	_ =	shalt  }
0x49: {  	_ =	shalt  }
0x4a: {  	_ =	shalt  }
0x4b: {  	_ =	shalt  }
0x4c: {  	_ =	shalt  }
0x4d: {  	_ =	shalt  }
0x4e: {  	_ =	shalt  }
0x4f: {  	_ =	shalt  }
0x50: {  	_ =	shalt  }
0x51: {  	_ =	shalt  }
0x52: {  	_ =	shalt  }
0x53: {  	_ =	shalt  }
0x54: {  	_ =	shalt  }
0x55: {  	_ =	shalt  }
0x56: {  	_ =	shalt  }
0x57: {  	_ =	shalt  }
0x58: {  	_ =	shalt  }
0x59: {  	_ =	shalt  }
0x5a: {  	_ =	shalt  }
0x5b: {  	_ =	shalt  }
0x5c: {  	_ =	shalt  }
0x5d: {  	_ =	shalt  }
0x5e: {  	_ =	shalt  }
0x5f: {  	_ =	shalt  }
0x60: {  	_ =	shalt  }
0x61: {  	_ =	shalt  }
0x62: {  	_ =	shalt  }
0x63: {  	_ =	shalt  }
0x64: {  	_ =	shalt  }
0x65: {  	_ =	shalt  }
0x66: {  	_ =	shalt  }
0x67: {  	_ =	shalt  }
0x68: {  	_ =	shalt  }
0x69: {  	_ =	shalt  }
0x6a: {  	_ =	shalt  }
0x6b: {  	_ =	shalt  }
0x6c: {  	_ =	shalt  }
0x6d: {  	_ =	shalt  }
0x6e: {  	_ =	shalt  }
0x6f: {  	_ =	shalt  }
0x70: {  	_ =	shalt  }
0x71: {  	_ =	shalt  }
0x72: {  	_ =	shalt  }
0x73: {  	_ =	shalt  }
0x74: {  	_ =	shalt  }
0x75: {  	_ =	shalt  }
0x76: {  	_ =	shalt  }
0x77: {  	_ =	shalt  }
0x78: {  	_ =	shalt  }
0x79: {  	_ =	shalt  }
0x7a: {  	_ =	shalt  }
0x7b: {  	_ =	shalt  }
0x7c: {  	_ =	shalt  }
0x7d: {  	_ =	shalt  }
0x7e: {  	_ =	shalt  }
0x7f: {  	_ =	shalt  }
0x80: {  	_ =	shalt  }
0x81: {  	_ =	shalt  }
0x82: {  	_ =	shalt  }
0x83: {  	_ =	shalt  }
0x84: {  	_ =	shalt  }
0x85: {  	_ =	shalt  }
0x86: {  	_ =	shalt  }
0x87: {  	_ =	shalt  }
.Lfunc_end0:
.L_simem_size_0:
called_computation_lowered:
.L_overlay_start_0:
0x88: {  	s2 =	sld [smem:$0x3FD9]  }
0x89: {  	s3 =	sld [smem:$0x3FFE];
	_ =	sdelay $0x1  }
0x8a: {  	s1 =	srdreg.scid  }
0x8b: {  	s0 =	sand.u32 $0x1, s1  }
0x8c: {  	s16 =	sshll.u32 s0, $0xA;
	s2 =	sadd.s32 s3, s2  }
0x8d: {  	s2 =	sadd.s32 s2, s16  }
0x8e: {  	[smem:$0x3FBD] =	sst s2  }
0x8f: {  	_ = 	snop  }
0x90: {  	(tm) =	ssettm $0x1  }
0x91: {  	s17 =	sld [smem:$0x3FFB];
	_ =	sdelay $0x3  }
0x92: {  	_ =	strace s17  }
0x93: {  	s2 =	sld [smem:$0x3FFC];
	_ =	sdelay $0x3  }
0x94: {  	_ =	strace s2  }
0x95: {  	s2 =	sld [smem:$0x3FFD];
	_ =	sdelay $0x3  }
0x96: {  	_ =	strace s2  }
0x97: {  	_ =	strace $0x8FFFFFFF  }
0x98: {  	s18 =	sld [smem:$0x3FDB];
	_ =	sdelay $0x1  }
0x99: {  	s19 =	simm.s32 $_scs_section_size  }
0x9a: {  	s4 =	simm.s32 $_size__tile_overlayer_lowered;
	s5 =	simm.s32 $_tile_overlayer_lowered  }
0x9b: {  	s22 =	simm.s32 $0x1BFF;
	s21 =	sshll.u32 s5, $0x1;
	s2 =	sadd.s32 s19, s18  }
0x9c: {  	s6 =	simm.s32 $0x0;
	s20 =	sshll.u32 s4, $0x1;
	s4 =	sadd.s32 s21, s2  }
0x9d: {  	[timem:s6], [sflag:s22] =	dma.local [hbm:s4], s20  }
0x9e: {  	_ =	swait.ge [sflag:s22], s20  }
0x9f: {  	s3 =	ssub.s32 $0x0, s20;
	[sflag:s22] =	ssyncset.done $0x0  }
0xa0: {  	[sflag:s22] =	ssyncadd.s32 s3;
	_ =	sdelay $0x1  }
0xa1: {  	s23 =	simm.s32 $0x1B8B  }
0xa2: {  	_ =	swait.ge [sflag:s23], $0x1  }
0xa3: {  	[sflag:s23] =	ssyncset.done $0x0  }
0xa4: {  	s25 =	simm.s32 $0x1B8E;
	s24 =	sld [smem:$0x3FFE];
	[sflag:s23] =	ssyncadd.s32 $0xFFFFFFFF  }
0xa5: {  	s26 =	simm.s32 $execute0_lowered;
	[smem:$0x3FD2] =	sst s25  }
0xa6: {  	s4 =	sshll.u32 s26, $0x1;
	_ =	strace $0x80000046;
	[dreg:$0x1] =	wrdreg $0xFFFFFFFF  }
0xa7: {  	s28 =	simm.s32 $_size_execute0_lowered;
	s2 =	sadd.s32 s2, s4;
	[dreg:$0x0] =	wrdreg $0x0  }
0xa8: {  	s4 =	sshll.u32 s28, $0x1;
	[dreg:$0x2] =	wrdreg s2  }
0xa9: {  	[dreg:$0x3] =	wrdreg s4  }
0xaa: {  	[dreg:$0x4] =	wrdreg $0xC0  }
0xab: {  	_ =	task [dreg:s6], $0x5FFFF  }
0xac: {  	[dreg:$0x1] =	wrdreg $0xFFFFFFFF  }
0xad: {  	[dreg:$0x0] =	wrdreg $0x60  }
0xae: {  	[dreg:$0x2] =	wrdreg s24  }
0xaf: {  	[dreg:$0x3] =	wrdreg $0x14A80  }
0xb0: {  	[dreg:$0x4] =	wrdreg $0x9  }
0xb1: {  	_ =	task.clear_ibuf [dreg:s6], $0x5FFFF;
	_ =	strace $0x90000046  }
0xb2: {  	s29 =	simm.s32 $0x9;
	_ =	strace $0x80000048  }
0xb3: {  	_ =	swait.ge [sflag:s29], $0x1  }
0xb4: {  	[sflag:s29] =	ssyncadd.s32 $0xFFFFFFFF  }
0xb5: {  	_ =	strace $0x90000048  }
0xb6: {  	_ =	sfence  }
0xb7: {  	s30 =	sld [smem:$0x0];
	_ =	sdelay $0x2  }
0xb8: {  	s31 =	sshll.u32 s1, $0xD;
	s1 =	sshrl.u32 s1, $0x2  }
0xb9: {  	s3 =	sand.u32 $0x4000, s31;
	s1 =	sadd.s32 s1, s30  }
0xba: {  	s0 =	sor.u32 s3, s0;
	s1 =	sshll.u32 s1, $0x11  }
0xbb: {  	s0 =	sor.u32 s1, s0  }
0xbc: {  	s0 =	sadd.s32 $0x8F2B, s0  }
0xbd: {  	[sflag:s0] =	ssyncadd.remote.s32 $0x1  }
0xbe: {  	_ =	sfence.sel $0xFFFF  }
0xbf: {  	[dreg:$0x0] =	wrdreg $0xFFFFFFFF;
	(pc) =	sbr.abs _section_cstart, $3  }
0xc0: {  	[dreg:$0x1] =	wrdreg $0xFFFFFFFF  }
0xc1: {  	_ =	task.clear_ibuf [dreg:s6], $0x2FFFF;
	_ =	strace $0x9FFFFFFF  }
0xc2: {  	(tm) =	ssettm $0x7FFFFFFF  }
0xc3: {  	_ =	shalt  }
tec
execute0_lowered:
.L_overlay_start_1:
0x0: {  	(tag) =	ssettag $0x1  }
0x1: {  	s0 =	rddreg [dreg:$0x0]  }
0x2: {  	s1 =	rddreg [dreg:$0x1];
	s3 =	simm.s32 $0x0  }
0x3: {  	s2 =	srdreg.scid;
	s26 =	stileid.u32;
	s14 =	simm.s32 $0x1  }
0x4: {  	s15 =	simm.s32 $0x80;
	s16 =	simm.s32 $0x7A8;
	s17 =	simm.s32 $0x100  }
0x5: {  	s18 =	simm.s32 $0x180;
	s19 =	simm.s32 $0x200;
	s20 =	simm.s32 $0x280  }
0x6: {  	s28 =	simm.s32 $0x600;
	s29 =	simm.s32 $0x680;
	s30 =	simm.s32 $0x700  }
0x7: {  	s31 =	simm.s32 $0x780;
	[smem:$0x7FF] =	sst s3;
	s4 =	smul.u32 $0xC80, s26  }
0x8: {  	s2 =	sand.u32 $0x1, s2;
	s7 =	smul.u32 $0x3200, s26;
	s13 =	sadd.s32 $0x4A00, s0  }
0x9: {  	s11 =	smul.u32 $0x61A8, s26;
	p0 =	seq.s32 s26, $0xF;
	_ =	strace $0x80000047  }
0xa: {  	s5 =	sshll.u32 s2, $0x4;
	s6 =	ssub.s32 $0x2, s2;
	s21 =	smul.u32 $0x61A80, s2  }
0xb: {  	p4 =	seq.s32 s2, $0x1;
	s5 =	sor.u32 s26, s5;
	s8 =	sshrl.u32 s4, $0x3  }
0xc: {  	s9 =	sshrl.u32 s6, $0x1;
	s7 =	sshrl.u32 s7, $0x2;
	p2 =	seq.s32 @p4 s26, $0xF  }
0xd: {  	p5 =	seq.s32 @!p4 s26, $0xF;
	s26 =	simm.s32 $0x580;
	s5 =	smul.u32 $0x61A8, s5  }
0xe: {  	s10 =	sadd.s32 s8, s0;
	s6 =	ssub.s32 s6, s9;
	s7 =	sadd.s32 s7, s1  }
0xf: {  	s24 =	sadd.s32 s11, s21;
	s9 =	sadd.s32 $0x36F70, s0;
	s11 =	sadd.s32 $0x38970, s0  }
0x10: {  	s21 =	simm.s32 $0x300;
	p1 =	por !p2, !p4;
	p2 =	por p2, !p4  }
0x11: {  	p3 =	por !p5, p4;
	p4 =	por p5, p4;
	[dreg:$0x3] =	wrdreg s7  }
0x12: {  	s23 =	sadd.s32 $0x35800, s10;
	s10 =	sadd.s32 $0x37200, s10;
	s2 =	sadd.s32 $0xC3500, s24  }
0x13: {  	s12 =	smax.u32 s6, $0x1;
	s24 =	simm.s32 $0x480;
	s5 =	sshrl.u32 s5, $0x3  }
0x14: {  	[dreg:$0x5] =	wrdreg s23;
	s25 =	sshrl.u32 s2, $0x3;
	s23 =	simm.s32 $0x400  }
0x15: {  	s2 =	simm.s32 $0x0;
	s22 =	sadd.s32 s13, s5;
	s5 =	sadd.s32 $0xBB80, s1  }
0x16: {  	s13 =	sadd.s32 s25, s13;
	s25 =	simm.s32 $0x500;
	s7 =	sadd.s32 $0x192D0, s22  }
0x17: {  	v0 =	vimm.f32 $0.0e+00;
	v1 =	vimm.f32 $1.000000000e+00;
	s22 =	simm.s32 $0x380;
	[dreg:$0x4] =	wrdreg s7;
	s7 =	sadd.s32 s4, s1  }
.LBB2_1:
0x18: {  	s0 =	simm.s32 $0x40;
	s4 =	simm.s32 $0x0  }
.LBB2_2:
0x19: {  	p5 =	sne.s32 s0, $0x31C0;
	[tilespmem:s4+$0x828] =	vst v0;
	s4 =	smov.u32 s0;
	s0 =	sadd.s32 $0x40, s0  }
.Ltmp0:
0x1a: {  	(pc) =	sbr.rel @p5 .LBB2_2-.Ltmp0, $2  }
0x1b: {  	_ =	sdelay $0x2  }
0x1c: {  	s4 =	sshra.s32 s4, $0x2  }
0x1d: {  	[tilespmem:s4+$0x828] =	vst v0  }
0x1e: {  	[tilespmem:$0x7A8] =	vst v1  }
0x1f: {  	[tilespmem:$0x7B8] =	vst v1  }
0x20: {  	[tilespmem:$0x7C8] =	vst v1  }
0x21: {  	[tilespmem:$0x7D8] =	vst v1  }
0x22: {  	[tilespmem:$0x7E8] =	vst v1  }
0x23: {  	[tilespmem:$0x7F8] =	vst v1  }
0x24: {  	[tilespmem:$0x808] =	vst v1  }
0x25: {  	s0 =	simm.s32 @p0 $0x828;
	[tilespmem:$0x818] =	vst v1  }
0x26: {  	[spmem:s5] =	stream.linear.scatter @p0 [tilespmem:s0], [sflag:$0x1], $0x7D0, $0x38;
	[tilespmem:$0x20E0] =	vst v63  }
0x27: {  	s0 =	simm.s32 @p0 $0x1  }
0x28: {  	_ =	swait.ge @p0 [sflag:s0], $0x7D0  }
0x29: {  	[sflag:s0] =	ssyncset.done @p0 $0x0  }
0x2a: {  	s4 =	rddreg [dreg:$0x3];
	[sflag:s0] =	ssyncadd.s32 @p0 $0xFFFFF830;
	s0 =	simm.s32 @!p0 $0x828  }
0x2b: {  	[spmem:s4] =	stream.linear.scatter @!p0 [tilespmem:s0], [sflag:$0x1], $0xC80, $0x38;
	[tilespmem:$0x20E0] =	vst v63  }
0x2c: {  	s0 =	simm.s32 @!p0 $0x1  }
0x2d: {  	_ =	swait.ge @!p0 [sflag:s0], $0xC80  }
0x2e: {  	[sflag:s0] =	ssyncset.done @!p0 $0x0  }
0x2f: {  	[sflag:s0] =	ssyncadd.s32 @!p0 $0xFFFFF380  }
0x30: {  	s8 =	sadd.s32 $0x0, s13;
	[bflag:$0x0] =	sbarrier.arrive $0xFFFF  }
0x31: {  	[tilespmem:s3], [sflag:$0x1] =	stream.linear.gather [hbm4b:s8+s3], $0x780, $0x38;
	[tilespmem:$0x20E0] =	vst v63  }
0x32: {  	_ =	swait.ge [sflag:s14], $0x780  }
0x33: {  	[sflag:s14] =	ssyncset.done $0x0  }
0x34: {  	[sflag:s14] =	ssyncadd.s32 $0xFFFFF880  }
0x35: {  	[spmem:s1] =	stream.indirect.scatter.add.f32 [tilespmem:s16], [sflag:$0x1], $0x1, s3, s15, $0xb8;
	[tilespmem:$0x20E0] =	vst v63  }
0x36: {  	_ =	swait.ge [sflag:s14], $0x80  }
0x37: {  	[sflag:s14] =	ssyncset.done $0x0  }
0x38: {  	[sflag:s14] =	ssyncadd.s32 $0xFFFFFF80  }
0x39: {  	[spmem:s1] =	stream.indirect.scatter.add.f32 [tilespmem:s16], [sflag:$0x1], $0x1, s15, s15, $0xb8;
	[tilespmem:$0x20E0] =	vst v63  }
0x3a: {  	_ =	swait.ge [sflag:s14], $0x80  }
0x3b: {  	[sflag:s14] =	ssyncset.done $0x0  }
0x3c: {  	[sflag:s14] =	ssyncadd.s32 $0xFFFFFF80  }
0x3d: {  	[spmem:s1] =	stream.indirect.scatter.add.f32 [tilespmem:s16], [sflag:$0x1], $0x1, s17, s15, $0xb8;
	[tilespmem:$0x20E0] =	vst v63  }
0x3e: {  	_ =	swait.ge [sflag:s14], $0x80  }
0x3f: {  	[sflag:s14] =	ssyncset.done $0x0  }
0x40: {  	[sflag:s14] =	ssyncadd.s32 $0xFFFFFF80  }
0x41: {  	[spmem:s1] =	stream.indirect.scatter.add.f32 [tilespmem:s16], [sflag:$0x1], $0x1, s18, s15, $0xb8;
	[tilespmem:$0x20E0] =	vst v63  }
0x42: {  	_ =	swait.ge [sflag:s14], $0x80  }
0x43: {  	[sflag:s14] =	ssyncset.done $0x0  }
0x44: {  	[sflag:s14] =	ssyncadd.s32 $0xFFFFFF80  }
0x45: {  	[spmem:s1] =	stream.indirect.scatter.add.f32 [tilespmem:s16], [sflag:$0x1], $0x1, s19, s15, $0xb8;
	[tilespmem:$0x20E0] =	vst v63  }
0x46: {  	_ =	swait.ge [sflag:s14], $0x80  }
0x47: {  	[sflag:s14] =	ssyncset.done $0x0  }
0x48: {  	[sflag:s14] =	ssyncadd.s32 $0xFFFFFF80  }
0x49: {  	[spmem:s1] =	stream.indirect.scatter.add.f32 [tilespmem:s16], [sflag:$0x1], $0x1, s20, s15, $0xb8;
	[tilespmem:$0x20E0] =	vst v63  }
0x4a: {  	_ =	swait.ge [sflag:s14], $0x80  }
0x4b: {  	[sflag:s14] =	ssyncset.done $0x0  }
0x4c: {  	[sflag:s14] =	ssyncadd.s32 $0xFFFFFF80  }
0x4d: {  	[spmem:s1] =	stream.indirect.scatter.add.f32 [tilespmem:s16], [sflag:$0x1], $0x1, s21, s15, $0xb8;
	[tilespmem:$0x20E0] =	vst v63  }
0x4e: {  	_ =	swait.ge [sflag:s14], $0x80  }
0x4f: {  	[sflag:s14] =	ssyncset.done $0x0  }
0x50: {  	[sflag:s14] =	ssyncadd.s32 $0xFFFFFF80  }
0x51: {  	[spmem:s1] =	stream.indirect.scatter.add.f32 [tilespmem:s16], [sflag:$0x1], $0x1, s22, s15, $0xb8;
	[tilespmem:$0x20E0] =	vst v63  }
0x52: {  	_ =	swait.ge [sflag:s14], $0x80  }
0x53: {  	[sflag:s14] =	ssyncset.done $0x0  }
0x54: {  	[sflag:s14] =	ssyncadd.s32 $0xFFFFFF80  }
0x55: {  	[spmem:s1] =	stream.indirect.scatter.add.f32 [tilespmem:s16], [sflag:$0x1], $0x1, s23, s15, $0xb8;
	[tilespmem:$0x20E0] =	vst v63  }
0x56: {  	_ =	swait.ge [sflag:s14], $0x80  }
0x57: {  	[sflag:s14] =	ssyncset.done $0x0  }
0x58: {  	[sflag:s14] =	ssyncadd.s32 $0xFFFFFF80  }
0x59: {  	[spmem:s1] =	stream.indirect.scatter.add.f32 [tilespmem:s16], [sflag:$0x1], $0x1, s24, s15, $0xb8;
	[tilespmem:$0x20E0] =	vst v63  }
0x5a: {  	_ =	swait.ge [sflag:s14], $0x80  }
0x5b: {  	[sflag:s14] =	ssyncset.done $0x0  }
0x5c: {  	[sflag:s14] =	ssyncadd.s32 $0xFFFFFF80  }
0x5d: {  	[spmem:s1] =	stream.indirect.scatter.add.f32 [tilespmem:s16], [sflag:$0x1], $0x1, s25, s15, $0xb8;
	[tilespmem:$0x20E0] =	vst v63  }
0x5e: {  	_ =	swait.ge [sflag:s14], $0x80  }
0x5f: {  	[sflag:s14] =	ssyncset.done $0x0  }
0x60: {  	[sflag:s14] =	ssyncadd.s32 $0xFFFFFF80  }
0x61: {  	[spmem:s1] =	stream.indirect.scatter.add.f32 [tilespmem:s16], [sflag:$0x1], $0x1, s26, s15, $0xb8;
	[tilespmem:$0x20E0] =	vst v63  }
0x62: {  	_ =	swait.ge [sflag:s14], $0x80  }
0x63: {  	[sflag:s14] =	ssyncset.done $0x0  }
0x64: {  	[sflag:s14] =	ssyncadd.s32 $0xFFFFFF80  }
0x65: {  	[spmem:s1] =	stream.indirect.scatter.add.f32 [tilespmem:s16], [sflag:$0x1], $0x1, s28, s15, $0xb8;
	[tilespmem:$0x20E0] =	vst v63  }
0x66: {  	_ =	swait.ge [sflag:s14], $0x80  }
0x67: {  	[sflag:s14] =	ssyncset.done $0x0  }
0x68: {  	[sflag:s14] =	ssyncadd.s32 $0xFFFFFF80  }
0x69: {  	[spmem:s1] =	stream.indirect.scatter.add.f32 [tilespmem:s16], [sflag:$0x1], $0x1, s29, s15, $0xb8;
	[tilespmem:$0x20E0] =	vst v63  }
0x6a: {  	_ =	swait.ge [sflag:s14], $0x80  }
0x6b: {  	[sflag:s14] =	ssyncset.done $0x0  }
0x6c: {  	[sflag:s14] =	ssyncadd.s32 $0xFFFFFF80  }
0x6d: {  	[spmem:s1] =	stream.indirect.scatter.add.f32 [tilespmem:s16], [sflag:$0x1], $0x1, s30, s15, $0xb8;
	[tilespmem:$0x20E0] =	vst v63  }
0x6e: {  	_ =	swait.ge [sflag:s14], $0x80  }
0x6f: {  	s4 =	simm.s32 $0x1E0;
	s0 =	simm.s32 $0xF0;
	[sflag:s14] =	ssyncset.done $0x0  }
.LBB2_4:
0x70: {  	s8 =	sadd.s32 s0, s13  }
0x71: {  	[sflag:s14] =	ssyncadd.s32 $0xFFFFFF80;
	s0 =	smov.u32 s4;
	s6 =	sadd.s32 $0xF0, s4  }
0x72: {  	[tilespmem:s3], [sflag:$0x1] =	stream.linear.gather [hbm4b:s8+s3], $0x780, $0x38;
	[tilespmem:$0x20E0] =	vst v63  }
0x73: {  	p5 =	sne.s32 s4, $0xB40;
	_ =	swait.ge [sflag:s14], $0x780  }
0x74: {  	[sflag:s14] =	ssyncset.done $0x0  }
0x75: {  	[sflag:s14] =	ssyncadd.s32 $0xFFFFF880  }
0x76: {  	[spmem:s1] =	stream.indirect.scatter.add.f32 [tilespmem:s16], [sflag:$0x1], $0x1, s3, s15, $0xb8;
	[tilespmem:$0x20E0] =	vst v63  }
0x77: {  	_ =	swait.ge [sflag:s14], $0x80  }
0x78: {  	[sflag:s14] =	ssyncset.done $0x0  }
0x79: {  	[sflag:s14] =	ssyncadd.s32 $0xFFFFFF80  }
0x7a: {  	[spmem:s1] =	stream.indirect.scatter.add.f32 [tilespmem:s16], [sflag:$0x1], $0x1, s15, s15, $0xb8;
	[tilespmem:$0x20E0] =	vst v63  }
0x7b: {  	_ =	swait.ge [sflag:s14], $0x80  }
0x7c: {  	[sflag:s14] =	ssyncset.done $0x0  }
0x7d: {  	[sflag:s14] =	ssyncadd.s32 $0xFFFFFF80  }
0x7e: {  	[spmem:s1] =	stream.indirect.scatter.add.f32 [tilespmem:s16], [sflag:$0x1], $0x1, s17, s15, $0xb8;
	[tilespmem:$0x20E0] =	vst v63  }
0x7f: {  	_ =	swait.ge [sflag:s14], $0x80  }
0x80: {  	[sflag:s14] =	ssyncset.done $0x0  }
0x81: {  	[sflag:s14] =	ssyncadd.s32 $0xFFFFFF80  }
0x82: {  	[spmem:s1] =	stream.indirect.scatter.add.f32 [tilespmem:s16], [sflag:$0x1], $0x1, s18, s15, $0xb8;
	[tilespmem:$0x20E0] =	vst v63  }
0x83: {  	_ =	swait.ge [sflag:s14], $0x80  }
0x84: {  	[sflag:s14] =	ssyncset.done $0x0  }
0x85: {  	[sflag:s14] =	ssyncadd.s32 $0xFFFFFF80  }
0x86: {  	[spmem:s1] =	stream.indirect.scatter.add.f32 [tilespmem:s16], [sflag:$0x1], $0x1, s19, s15, $0xb8;
	[tilespmem:$0x20E0] =	vst v63  }
0x87: {  	_ =	swait.ge [sflag:s14], $0x80  }
0x88: {  	[sflag:s14] =	ssyncset.done $0x0  }
0x89: {  	[sflag:s14] =	ssyncadd.s32 $0xFFFFFF80  }
0x8a: {  	[spmem:s1] =	stream.indirect.scatter.add.f32 [tilespmem:s16], [sflag:$0x1], $0x1, s20, s15, $0xb8;
	[tilespmem:$0x20E0] =	vst v63  }
0x8b: {  	_ =	swait.ge [sflag:s14], $0x80  }
0x8c: {  	[sflag:s14] =	ssyncset.done $0x0  }
0x8d: {  	[sflag:s14] =	ssyncadd.s32 $0xFFFFFF80  }
0x8e: {  	[spmem:s1] =	stream.indirect.scatter.add.f32 [tilespmem:s16], [sflag:$0x1], $0x1, s21, s15, $0xb8;
	[tilespmem:$0x20E0] =	vst v63  }
0x8f: {  	_ =	swait.ge [sflag:s14], $0x80  }
0x90: {  	[sflag:s14] =	ssyncset.done $0x0  }
0x91: {  	[sflag:s14] =	ssyncadd.s32 $0xFFFFFF80  }
0x92: {  	[spmem:s1] =	stream.indirect.scatter.add.f32 [tilespmem:s16], [sflag:$0x1], $0x1, s22, s15, $0xb8;
	[tilespmem:$0x20E0] =	vst v63  }
0x93: {  	_ =	swait.ge [sflag:s14], $0x80  }
0x94: {  	[sflag:s14] =	ssyncset.done $0x0  }
0x95: {  	[sflag:s14] =	ssyncadd.s32 $0xFFFFFF80  }
0x96: {  	[spmem:s1] =	stream.indirect.scatter.add.f32 [tilespmem:s16], [sflag:$0x1], $0x1, s23, s15, $0xb8;
	[tilespmem:$0x20E0] =	vst v63  }
0x97: {  	_ =	swait.ge [sflag:s14], $0x80  }
0x98: {  	[sflag:s14] =	ssyncset.done $0x0  }
0x99: {  	[sflag:s14] =	ssyncadd.s32 $0xFFFFFF80  }
0x9a: {  	[spmem:s1] =	stream.indirect.scatter.add.f32 [tilespmem:s16], [sflag:$0x1], $0x1, s24, s15, $0xb8;
	[tilespmem:$0x20E0] =	vst v63  }
0x9b: {  	_ =	swait.ge [sflag:s14], $0x80  }
0x9c: {  	[sflag:s14] =	ssyncset.done $0x0  }
0x9d: {  	[sflag:s14] =	ssyncadd.s32 $0xFFFFFF80  }
0x9e: {  	[spmem:s1] =	stream.indirect.scatter.add.f32 [tilespmem:s16], [sflag:$0x1], $0x1, s25, s15, $0xb8;
	[tilespmem:$0x20E0] =	vst v63  }
0x9f: {  	_ =	swait.ge [sflag:s14], $0x80  }
0xa0: {  	[sflag:s14] =	ssyncset.done $0x0  }
0xa1: {  	[sflag:s14] =	ssyncadd.s32 $0xFFFFFF80  }
0xa2: {  	[spmem:s1] =	stream.indirect.scatter.add.f32 [tilespmem:s16], [sflag:$0x1], $0x1, s26, s15, $0xb8;
	[tilespmem:$0x20E0] =	vst v63  }
0xa3: {  	_ =	swait.ge [sflag:s14], $0x80  }
0xa4: {  	[sflag:s14] =	ssyncset.done $0x0  }
0xa5: {  	[sflag:s14] =	ssyncadd.s32 $0xFFFFFF80  }
0xa6: {  	[spmem:s1] =	stream.indirect.scatter.add.f32 [tilespmem:s16], [sflag:$0x1], $0x1, s28, s15, $0xb8;
	[tilespmem:$0x20E0] =	vst v63  }
0xa7: {  	_ =	swait.ge [sflag:s14], $0x80  }
0xa8: {  	[sflag:s14] =	ssyncset.done $0x0  }
0xa9: {  	[sflag:s14] =	ssyncadd.s32 $0xFFFFFF80  }
0xaa: {  	[spmem:s1] =	stream.indirect.scatter.add.f32 [tilespmem:s16], [sflag:$0x1], $0x1, s29, s15, $0xb8;
	[tilespmem:$0x20E0] =	vst v63  }
0xab: {  	_ =	swait.ge [sflag:s14], $0x80  }
.Ltmp1:
0xac: {  	[sflag:s14] =	ssyncset.done $0x0;
	(pc) =	sbr.rel @p5 .LBB2_4-.Ltmp1, $4  }
0xad: {  	[sflag:s14] =	ssyncadd.s32 $0xFFFFFF80  }
0xae: {  	[spmem:s1] =	stream.indirect.scatter.add.f32 [tilespmem:s16], [sflag:$0x1], $0x1, s30, s15, $0xb8;
	[tilespmem:$0x20E0] =	vst v63  }
0xaf: {  	_ =	swait.ge [sflag:s14], $0x80  }
0xb0: {  	s4 =	smov.u32 s6;
	[sflag:s14] =	ssyncset.done $0x0  }
0xb1: {  	s0 =	sadd.s32 s0, s13;
	[sflag:s14] =	ssyncadd.s32 $0xFFFFFF80  }
0xb2: {  	[tilespmem:s3], [sflag:$0x1] =	stream.linear.gather [hbm4b:s0+s3], $0x780, $0x38;
	[tilespmem:$0x20E0] =	vst v63  }
0xb3: {  	_ =	swait.ge [sflag:s14], $0x780  }
0xb4: {  	[sflag:s14] =	ssyncset.done $0x0  }
0xb5: {  	[sflag:s14] =	ssyncadd.s32 $0xFFFFF880  }
0xb6: {  	[spmem:s1] =	stream.indirect.scatter.add.f32 [tilespmem:s16], [sflag:$0x1], $0x1, s3, s15, $0xb8;
	[tilespmem:$0x20E0] =	vst v63  }
0xb7: {  	_ =	swait.ge [sflag:s14], $0x80  }
0xb8: {  	[sflag:s14] =	ssyncset.done $0x0  }
0xb9: {  	[sflag:s14] =	ssyncadd.s32 $0xFFFFFF80  }
0xba: {  	[spmem:s1] =	stream.indirect.scatter.add.f32 [tilespmem:s16], [sflag:$0x1], $0x1, s15, s15, $0xb8;
	[tilespmem:$0x20E0] =	vst v63  }
0xbb: {  	_ =	swait.ge [sflag:s14], $0x80  }
0xbc: {  	[sflag:s14] =	ssyncset.done $0x0  }
0xbd: {  	[sflag:s14] =	ssyncadd.s32 $0xFFFFFF80  }
0xbe: {  	[spmem:s1] =	stream.indirect.scatter.add.f32 [tilespmem:s16], [sflag:$0x1], $0x1, s17, s15, $0xb8;
	[tilespmem:$0x20E0] =	vst v63  }
0xbf: {  	_ =	swait.ge [sflag:s14], $0x80  }
0xc0: {  	[sflag:s14] =	ssyncset.done $0x0  }
0xc1: {  	[sflag:s14] =	ssyncadd.s32 $0xFFFFFF80  }
0xc2: {  	[spmem:s1] =	stream.indirect.scatter.add.f32 [tilespmem:s16], [sflag:$0x1], $0x1, s18, s15, $0xb8;
	[tilespmem:$0x20E0] =	vst v63  }
0xc3: {  	_ =	swait.ge [sflag:s14], $0x80  }
0xc4: {  	[sflag:s14] =	ssyncset.done $0x0  }
0xc5: {  	[sflag:s14] =	ssyncadd.s32 $0xFFFFFF80  }
0xc6: {  	[spmem:s1] =	stream.indirect.scatter.add.f32 [tilespmem:s16], [sflag:$0x1], $0x1, s19, s15, $0xb8;
	[tilespmem:$0x20E0] =	vst v63  }
0xc7: {  	_ =	swait.ge [sflag:s14], $0x80  }
0xc8: {  	[sflag:s14] =	ssyncset.done $0x0  }
0xc9: {  	[sflag:s14] =	ssyncadd.s32 $0xFFFFFF80  }
0xca: {  	[spmem:s1] =	stream.indirect.scatter.add.f32 [tilespmem:s16], [sflag:$0x1], $0x1, s20, s15, $0xb8;
	[tilespmem:$0x20E0] =	vst v63  }
0xcb: {  	_ =	swait.ge [sflag:s14], $0x80  }
0xcc: {  	[sflag:s14] =	ssyncset.done $0x0  }
0xcd: {  	[sflag:s14] =	ssyncadd.s32 $0xFFFFFF80  }
0xce: {  	[spmem:s1] =	stream.indirect.scatter.add.f32 [tilespmem:s16], [sflag:$0x1], $0x1, s21, s15, $0xb8;
	[tilespmem:$0x20E0] =	vst v63  }
0xcf: {  	_ =	swait.ge [sflag:s14], $0x80  }
0xd0: {  	[sflag:s14] =	ssyncset.done $0x0  }
0xd1: {  	[sflag:s14] =	ssyncadd.s32 $0xFFFFFF80  }
0xd2: {  	[spmem:s1] =	stream.indirect.scatter.add.f32 [tilespmem:s16], [sflag:$0x1], $0x1, s22, s15, $0xb8;
	[tilespmem:$0x20E0] =	vst v63  }
0xd3: {  	_ =	swait.ge [sflag:s14], $0x80  }
0xd4: {  	[sflag:s14] =	ssyncset.done $0x0  }
0xd5: {  	[sflag:s14] =	ssyncadd.s32 $0xFFFFFF80  }
0xd6: {  	[spmem:s1] =	stream.indirect.scatter.add.f32 [tilespmem:s16], [sflag:$0x1], $0x1, s23, s15, $0xb8;
	[tilespmem:$0x20E0] =	vst v63  }
0xd7: {  	_ =	swait.ge [sflag:s14], $0x80  }
0xd8: {  	[sflag:s14] =	ssyncset.done $0x0  }
0xd9: {  	[sflag:s14] =	ssyncadd.s32 $0xFFFFFF80  }
0xda: {  	[spmem:s1] =	stream.indirect.scatter.add.f32 [tilespmem:s16], [sflag:$0x1], $0x1, s24, s15, $0xb8;
	[tilespmem:$0x20E0] =	vst v63  }
0xdb: {  	_ =	swait.ge [sflag:s14], $0x80  }
0xdc: {  	[sflag:s14] =	ssyncset.done $0x0  }
0xdd: {  	[sflag:s14] =	ssyncadd.s32 $0xFFFFFF80  }
0xde: {  	[spmem:s1] =	stream.indirect.scatter.add.f32 [tilespmem:s16], [sflag:$0x1], $0x1, s25, s15, $0xb8;
	[tilespmem:$0x20E0] =	vst v63  }
0xdf: {  	_ =	swait.ge [sflag:s14], $0x80  }
0xe0: {  	[sflag:s14] =	ssyncset.done $0x0  }
0xe1: {  	[sflag:s14] =	ssyncadd.s32 $0xFFFFFF80  }
0xe2: {  	[spmem:s1] =	stream.indirect.scatter.add.f32 [tilespmem:s16], [sflag:$0x1], $0x1, s26, s15, $0xb8;
	[tilespmem:$0x20E0] =	vst v63  }
0xe3: {  	_ =	swait.ge [sflag:s14], $0x80  }
0xe4: {  	[sflag:s14] =	ssyncset.done $0x0  }
0xe5: {  	[sflag:s14] =	ssyncadd.s32 $0xFFFFFF80  }
0xe6: {  	[spmem:s1] =	stream.indirect.scatter.add.f32 [tilespmem:s16], [sflag:$0x1], $0x1, s28, s15, $0xb8;
	[tilespmem:$0x20E0] =	vst v63  }
0xe7: {  	_ =	swait.ge [sflag:s14], $0x80  }
0xe8: {  	[sflag:s14] =	ssyncset.done $0x0  }
0xe9: {  	[sflag:s14] =	ssyncadd.s32 $0xFFFFFF80  }
0xea: {  	[spmem:s1] =	stream.indirect.scatter.add.f32 [tilespmem:s16], [sflag:$0x1], $0x1, s29, s15, $0xb8;
	[tilespmem:$0x20E0] =	vst v63  }
0xeb: {  	_ =	swait.ge [sflag:s14], $0x80  }
0xec: {  	[sflag:s14] =	ssyncset.done $0x0  }
0xed: {  	[sflag:s14] =	ssyncadd.s32 $0xFFFFFF80  }
0xee: {  	[spmem:s1] =	stream.indirect.scatter.add.f32 [tilespmem:s16], [sflag:$0x1], $0x1, s30, s15, $0xb8;
	[tilespmem:$0x20E0] =	vst v63  }
0xef: {  	_ =	swait.ge [sflag:s14], $0x80  }
0xf0: {  	[sflag:s14] =	ssyncset.done $0x0  }
0xf1: {  	s6 =	rddreg [dreg:$0x4];
	[sflag:s14] =	ssyncadd.s32 $0xFFFFFF80  }
0xf2: {  	[tilespmem:s31], [sflag:$0x1] =	stream.linear.gather [hbm4b:s6+s3], $0x28, $0x38;
	[tilespmem:$0x20E0] =	vst v63  }
0xf3: {  	_ =	swait.ge [sflag:s14], $0x28  }
0xf4: {  	[sflag:s14] =	ssyncset.done $0x0  }
0xf5: {  	s8 =	simm.s32 $0x28;
	[sflag:s14] =	ssyncadd.s32 $0xFFFFFFD8  }
0xf6: {  	[spmem:s1] =	stream.indirect.scatter.add.f32 [tilespmem:s16], [sflag:$0x1], $0x1, s31, s8, $0xb8;
	[tilespmem:$0x20E0] =	vst v63  }
0xf7: {  	_ =	swait.ge [sflag:s14], $0x28  }
0xf8: {  	[sflag:s14] =	ssyncset.done $0x0  }
0xf9: {  	[sflag:s14] =	ssyncadd.s32 $0xFFFFFFD8  }
0xfa: {  	s4 =	simm.s32 @!p1 $0x1;
	s0 =	simm.s32 @!p1 $0x828;
	[bflag:$0x0] =	sbarrier.arrive $0xFFFF  }
0xfb: {  	[tilespmem:s0], [sflag:$0x1] =	stream.linear.gather @!p1 [spmem:s5], $0x7D0, $0x38;
	[tilespmem:$0x20E0] =	vst v63  }
0xfc: {  	_ =	swait.ge @!p1 [sflag:s4], $0x7D0  }
0xfd: {  	[sflag:s4] =	ssyncset.done @!p1 $0x0  }
0xfe: {  	s6 =	simm.s32 @!p1 $0x0;
	[sflag:s4] =	ssyncadd.s32 @!p1 $0xFFFFF830  }
0xff: {  	[hbm4b:s11+s6] =	stream.linear.scatter @!p1 [tilespmem:s0], [sflag:$0x1], $0x7D0, $0x38;
	[tilespmem:$0x20E0] =	vst v63  }
0x100: {  	_ =	swait.ge @!p1 [sflag:s4], $0x7D0  }
0x101: {  	[sflag:s4] =	ssyncset.done @!p1 $0x0  }
0x102: {  	s0 =	simm.s32 @!p2 $0x828;
	[sflag:s4] =	ssyncadd.s32 @!p1 $0xFFFFF830;
	s4 =	simm.s32 @!p2 $0x1  }
0x103: {  	[tilespmem:s0], [sflag:$0x1] =	stream.linear.gather @!p2 [spmem:s7], $0xC80, $0x38;
	[tilespmem:$0x20E0] =	vst v63  }
0x104: {  	_ =	swait.ge @!p2 [sflag:s4], $0xC80  }
0x105: {  	[sflag:s4] =	ssyncset.done @!p2 $0x0  }
0x106: {  	s6 =	simm.s32 @!p2 $0x0;
	[sflag:s4] =	ssyncadd.s32 @!p2 $0xFFFFF380  }
0x107: {  	[hbm4b:s10+s6] =	stream.linear.scatter @!p2 [tilespmem:s0], [sflag:$0x1], $0xC80, $0x38;
	[tilespmem:$0x20E0] =	vst v63  }
0x108: {  	_ =	swait.ge @!p2 [sflag:s4], $0xC80  }
0x109: {  	[sflag:s4] =	ssyncset.done @!p2 $0x0  }
0x10a: {  	s0 =	simm.s32 @!p3 $0x828;
	[sflag:s4] =	ssyncadd.s32 @!p2 $0xFFFFF380;
	s4 =	simm.s32 @!p3 $0x1  }
0x10b: {  	[tilespmem:s0], [sflag:$0x1] =	stream.linear.gather @!p3 [spmem:s5], $0x7D0, $0x38;
	[tilespmem:$0x20E0] =	vst v63  }
0x10c: {  	_ =	swait.ge @!p3 [sflag:s4], $0x7D0  }
0x10d: {  	[sflag:s4] =	ssyncset.done @!p3 $0x0  }
0x10e: {  	s6 =	simm.s32 @!p3 $0x0;
	[sflag:s4] =	ssyncadd.s32 @!p3 $0xFFFFF830  }
0x10f: {  	[hbm4b:s9+s6] =	stream.linear.scatter @!p3 [tilespmem:s0], [sflag:$0x1], $0x7D0, $0x38;
	[tilespmem:$0x20E0] =	vst v63  }
0x110: {  	_ =	swait.ge @!p3 [sflag:s4], $0x7D0  }
0x111: {  	[sflag:s4] =	ssyncset.done @!p3 $0x0  }
0x112: {  	s0 =	simm.s32 @!p4 $0x828;
	[sflag:s4] =	ssyncadd.s32 @!p3 $0xFFFFF830;
	s4 =	simm.s32 @!p4 $0x1  }
0x113: {  	[tilespmem:s0], [sflag:$0x1] =	stream.linear.gather @!p4 [spmem:s7], $0xC80, $0x38;
	[tilespmem:$0x20E0] =	vst v63  }
0x114: {  	s2 =	sadd.s32 $0x1, s2;
	_ =	swait.ge @!p4 [sflag:s4], $0xC80  }
0x115: {  	p5 =	sne.s32 s2, s12;
	s6 =	simm.s32 @!p4 $0x0;
	[sflag:s4] =	ssyncset.done @!p4 $0x0  }
.Ltmp2:
0x116: {  	s8 =	rddreg [dreg:$0x5];
	[sflag:s4] =	ssyncadd.s32 @!p4 $0xFFFFF380;
	(pc) =	sbr.rel @p5 .LBB2_1-.Ltmp2, $4  }
0x117: {  	[hbm4b:s8+s6] =	stream.linear.scatter @!p4 [tilespmem:s0], [sflag:$0x1], $0xC80, $0x38;
	[tilespmem:$0x20E0] =	vst v63  }
0x118: {  	_ =	swait.ge @!p4 [sflag:s4], $0xC80  }
0x119: {  	[sflag:s4] =	ssyncset.done @!p4 $0x0  }
0x11a: {  	[sflag:s4] =	ssyncadd.s32 @!p4 $0xFFFFF380  }
0x11b: {  	_ =	sfence.sel $0x180000  }
0x11c: {  	[bflag:$0x0] =	sbarrier.arrive $0xFFFF  }
0x11d: {  	_ =	strace $0x90000047  }
0x11e: {  	s0 =	stileid.u32;
	[bflag:$0x2] =	sbarrier.arrive $0xFFFF  }
0x11f: {  	p0 =	sne.s32 s0, $0x0;
	s0 =	rddreg [dreg:$0x2]  }
0x120: {  	s0 =	sadd.s32 @!p0 $0x100000, s0  }
0x121: {  	[sflag:s0] =	ssyncadd.tile.s32 @!p0 $0x1;
	_ =	shalt  }
.Lfunc_end2:
_tile_overlayer_lowered:
.L_overlay_start_2:
0x122: {  	(tag) =	ssettag $0x2  }
0x123: {  	s0 =	rddreg [dreg:$0x0];
	s2 =	stileid.u32  }
0x124: {  	s1 =	rddreg [dreg:$0x1];
	p0 =	sne.s32 s2, $0x0  }
0x125: {  	s3 =	rddreg [dreg:$0x2];
	[bflag:$0x3] =	sbarrier.arrive $0xFFFF;
	s2 =	simm.s32 @!p0 $0x1C01  }
0x126: {  	[timem:s3], [sflag:s2] =	dma.local @!p0 [hbm:s0], s1  }
0x127: {  	s0 =	simm.s32 @!p0 $0x1  }
0x128: {  	_ =	swait.ge @!p0 [sflag:s0], s1  }
0x129: {  	s1 =	ssub.s32 @!p0 $0x0, s1;
	[sflag:s0] =	ssyncset.done @!p0 $0x0  }
0x12a: {  	[sflag:s0] =	ssyncadd.s32 @!p0 s1  }
0x12b: {  	[bflag:$0x3] =	sbarrier.arrive $0xFFFF  }
0x12c: {  	_ =	shalt  }

// kernel: kernel.13.cloned.1.call-start
scs
__scs_entry_jumppad:
0x0: {  	(pc) =	sbr.rel $0x88, $3  }
0x1: {  	(tag) =	ssettag $0x0;
	lr =	simm.s32 $0x1  }
0x2: {  	[smem:$0x3F96] =	sst lr;
	_ =	strace $0xD0000000  }
0x3: {  	_ = 	snop  }
0x4: {  	_ = 	snop  }
0x5: {  	_ = 	snop  }
0x6: {  	_ = 	snop  }
0x7: {  	_ = 	snop  }
__scs_overlays_trampoline_lowered:
0x8: {  	[smem:$0x3FA5] =	sst s0  }
0x9: {  	[smem:$0x3FA6] =	sst s1  }
0xa: {  	[smem:$0x3FA7] =	sst s2  }
0xb: {  	[smem:$0x3FA8] =	sst s3  }
0xc: {  	[smem:$0x3FA9] =	sst s4  }
0xd: {  	[smem:$0x3FAA] =	sst s5  }
0xe: {  	[smem:$0x3FAB] =	sst s6  }
0xf: {  	[smem:$0x3FAC] =	sst s7  }
0x10: {  	[smem:$0x3FAD] =	sst s8  }
0x11: {  	[smem:$0x3FAE] =	sst s9;
	s0 =	simm.s32 @!p0 $0x0  }
0x12: {  	s1 =	sld [smem:$0x3F94];
	s0 =	simm.s32 @p0 $0x1  }
0x13: {  	[smem:$0x3FAF] =	sst s0;
	s0 =	simm.s32 @!p1 $0x0  }
0x14: {  	s2 =	sld [smem:$0x3F93];
	s0 =	simm.s32 @p1 $0x1  }
0x15: {  	[smem:$0x3FB0] =	sst s0;
	s0 =	simm.s32 @!p2 $0x0  }
0x16: {  	s3 =	sld [smem:$0x3FDB];
	s0 =	simm.s32 @p2 $0x1  }
0x17: {  	s4 =	simm.s32 $0x1BF5;
	[smem:$0x3FB2] =	sst s0  }
0x18: {  	s0 =	sld [smem:$0x3F95];
	_ =	swait.ge [sflag:s4], $0x0  }
0x19: {  	s7 =	sld [smem:$0x3F96]  }
0x1a: {  	s8 =	sadd.s32 $0xFFFFE003, lr  }
0x1b: {  	s9 =	sadd.s32 $0xFFFFFEF7, lr;
	s5 =	simm.s32 $0xFFFFFFFF;
	p2 =	slt.u32 s8, $0xFFFFF086  }
0x1c: {  	p1 =	slt.u32 s9, $0xF7A;
	s5 =	simm.s32 @!p2 $0x0  }
0x1d: {  	s5 =	simm.s32 @p1 $0x1;
	p0 =	seq.s32 s7, s2  }
0x1e: {  	s7 =	smul.u32 @!p0 $0xF7A, s2;
	p2 =	seq.s32 @!p0 s5, $0x0  }
0x1f: {  	s9 =	smul.u32 $0xF7A, s1;
	s8 =	simm.s32 @!p0 $0x1BF5;
	p2 =	por !p2, p0  }
0x20: {  	[sflag:s8] =	ssyncset.s32 @!p0 $0xFFFFF086;
	s6 =	sadd.s32 @!p0 s3, s7;
	s7 =	simm.s32 @!p0 $0x108  }
0x21: {  	s3 =	sadd.s32 s3, s9;
	s6 =	sadd.s32 @!p0 $0x88, s6;
	s7 =	simm.s32 @p2 $0x1082  }
0x22: {  	[simem:s7], [sflag:s8] =	dma.local @!p0 [hbm:s6], $0xF7A  }
0x23: {  	s9 =	sor.u32 $0xD0000000, s2;
	s6 =	simm.s32 $0x108;
	_ =	swait.ge @!p0 [sflag:s8], $0x0  }
0x24: {  	s3 =	sadd.s32 $0x88, s3;
	s6 =	simm.s32 @!p1 $0x1082;
	[sflag:s4] =	ssyncset.s32 $0xFFFFF086  }
0x25: {  	[simem:s6], [sflag:s4] =	dma.local [hbm:s3], $0xF7A  }
0x26: {  	[smem:$0x3F96] =	sst s1;
	(tag) =	ssettag s2;
	_ =	strace s9  }
0x27: {  	s1 =	sld [smem:$0x3FA6]  }
0x28: {  	s2 =	sld [smem:$0x3FA7]  }
0x29: {  	s4 =	sld [smem:$0x3FA9]  }
0x2a: {  	p0 =	seq.s32 s5, $0x0;
	s5 =	sld [smem:$0x3FAA]  }
0x2b: {  	s6 =	sld [smem:$0x3FAB]  }
0x2c: {  	s7 =	sld [smem:$0x3FAC]  }
0x2d: {  	s3 =	simm.s32 $0x108;
	s8 =	sld [smem:$0x3FAD]  }
0x2e: {  	s3 =	simm.s32 @!p0 $0x1082;
	s9 =	sld [smem:$0x3FAE]  }
0x2f: {  	lr =	sadd.s32 s0, s3;
	s0 =	sld [smem:$0x3FA5]  }
0x30: {  	s3 =	sld [smem:$0x3FA8]  }
0x31: {  	[smem:$0x3FB1] =	sst s10  }
0x32: {  	s10 =	sld [smem:$0x3FAF];
	_ =	sdelay $0x3  }
0x33: {  	p0 =	seq.s32 s10, $0x1;
	s10 =	sld [smem:$0x3FB1];
	_ =	sdelay $0x3  }
0x34: {  	[smem:$0x3FB1] =	sst s10  }
0x35: {  	s10 =	sld [smem:$0x3FB0];
	_ =	sdelay $0x3  }
0x36: {  	p1 =	seq.s32 s10, $0x1;
	s10 =	sld [smem:$0x3FB1];
	_ =	sdelay $0x3  }
0x37: {  	[smem:$0x3FB1] =	sst s10  }
0x38: {  	s10 =	sld [smem:$0x3FB2]  }
0x39: {  	_ = 	snop;
	(pc) =	sbr.ind lr, $3  }
0x3a: {  	_ = 	snop  }
0x3b: {  	_ = 	snop  }
0x3c: {  	p2 =	seq.s32 s10, $0x1;
	s10 =	sld [smem:$0x3FB1]  }
0x3d: {  	_ =	shalt  }
0x3e: {  	_ =	shalt  }
0x3f: {  	_ =	shalt  }
0x40: {  	_ =	shalt  }
0x41: {  	_ =	shalt  }
0x42: {  	_ =	shalt  }
0x43: {  	_ =	shalt  }
0x44: {  	_ =	shalt  }
0x45: {  	_ =	shalt  }
0x46: {  	_ =	shalt  }
0x47: {  	_ =	shalt  }
0x48: {  	_ =	shalt  }
0x49: {  	_ =	shalt  }
0x4a: {  	_ =	shalt  }
0x4b: {  	_ =	shalt  }
0x4c: {  	_ =	shalt  }
0x4d: {  	_ =	shalt  }
0x4e: {  	_ =	shalt  }
0x4f: {  	_ =	shalt  }
0x50: {  	_ =	shalt  }
0x51: {  	_ =	shalt  }
0x52: {  	_ =	shalt  }
0x53: {  	_ =	shalt  }
0x54: {  	_ =	shalt  }
0x55: {  	_ =	shalt  }
0x56: {  	_ =	shalt  }
0x57: {  	_ =	shalt  }
0x58: {  	_ =	shalt  }
0x59: {  	_ =	shalt  }
0x5a: {  	_ =	shalt  }
0x5b: {  	_ =	shalt  }
0x5c: {  	_ =	shalt  }
0x5d: {  	_ =	shalt  }
0x5e: {  	_ =	shalt  }
0x5f: {  	_ =	shalt  }
0x60: {  	_ =	shalt  }
0x61: {  	_ =	shalt  }
0x62: {  	_ =	shalt  }
0x63: {  	_ =	shalt  }
0x64: {  	_ =	shalt  }
0x65: {  	_ =	shalt  }
0x66: {  	_ =	shalt  }
0x67: {  	_ =	shalt  }
0x68: {  	_ =	shalt  }
0x69: {  	_ =	shalt  }
0x6a: {  	_ =	shalt  }
0x6b: {  	_ =	shalt  }
0x6c: {  	_ =	shalt  }
0x6d: {  	_ =	shalt  }
0x6e: {  	_ =	shalt  }
0x6f: {  	_ =	shalt  }
0x70: {  	_ =	shalt  }
0x71: {  	_ =	shalt  }
0x72: {  	_ =	shalt  }
0x73: {  	_ =	shalt  }
0x74: {  	_ =	shalt  }
0x75: {  	_ =	shalt  }
0x76: {  	_ =	shalt  }
0x77: {  	_ =	shalt  }
0x78: {  	_ =	shalt  }
0x79: {  	_ =	shalt  }
0x7a: {  	_ =	shalt  }
0x7b: {  	_ =	shalt  }
0x7c: {  	_ =	shalt  }
0x7d: {  	_ =	shalt  }
0x7e: {  	_ =	shalt  }
0x7f: {  	_ =	shalt  }
0x80: {  	_ =	shalt  }
0x81: {  	_ =	shalt  }
0x82: {  	_ =	shalt  }
0x83: {  	_ =	shalt  }
0x84: {  	_ =	shalt  }
0x85: {  	_ =	shalt  }
0x86: {  	_ =	shalt  }
0x87: {  	_ =	shalt  }
.Lfunc_end0:
.L_simem_size_0:
called_computation.1_lowered:
.L_overlay_start_0:
0x88: {  	s2 =	sld [smem:$0x3FD9]  }
0x89: {  	s3 =	sld [smem:$0x3FFE];
	_ =	sdelay $0x1  }
0x8a: {  	s1 =	srdreg.scid  }
0x8b: {  	s0 =	sand.u32 $0x1, s1  }
0x8c: {  	s16 =	sshll.u32 s0, $0xA;
	s2 =	sadd.s32 s3, s2  }
0x8d: {  	s2 =	sadd.s32 s2, s16  }
0x8e: {  	[smem:$0x3FBD] =	sst s2  }
0x8f: {  	_ = 	snop  }
0x90: {  	(tm) =	ssettm $0x1  }
0x91: {  	s17 =	sld [smem:$0x3FFB];
	_ =	sdelay $0x3  }
0x92: {  	_ =	strace s17  }
0x93: {  	s2 =	sld [smem:$0x3FFC];
	_ =	sdelay $0x3  }
0x94: {  	_ =	strace s2  }
0x95: {  	s2 =	sld [smem:$0x3FFD];
	_ =	sdelay $0x3  }
0x96: {  	_ =	strace s2  }
0x97: {  	_ =	strace $0x8FFFFFFF  }
0x98: {  	s18 =	sld [smem:$0x3FDB];
	_ =	sdelay $0x1  }
0x99: {  	s19 =	simm.s32 $_scs_section_size  }
0x9a: {  	s4 =	simm.s32 $_size__tile_overlayer_lowered;
	s5 =	simm.s32 $_tile_overlayer_lowered  }
0x9b: {  	s22 =	simm.s32 $0x1BFF;
	s21 =	sshll.u32 s5, $0x1;
	s2 =	sadd.s32 s19, s18  }
0x9c: {  	s6 =	simm.s32 $0x0;
	s20 =	sshll.u32 s4, $0x1;
	s4 =	sadd.s32 s21, s2  }
0x9d: {  	[timem:s6], [sflag:s22] =	dma.local [hbm:s4], s20  }
0x9e: {  	_ =	swait.ge [sflag:s22], s20  }
0x9f: {  	s3 =	ssub.s32 $0x0, s20;
	[sflag:s22] =	ssyncset.done $0x0  }
0xa0: {  	[sflag:s22] =	ssyncadd.s32 s3;
	_ =	sdelay $0x1  }
0xa1: {  	s23 =	simm.s32 $0x1B8B  }
0xa2: {  	_ =	swait.ge [sflag:s23], $0x1  }
0xa3: {  	[sflag:s23] =	ssyncset.done $0x0  }
0xa4: {  	s25 =	simm.s32 $0x1B8E;
	s24 =	sld [smem:$0x3FFE];
	[sflag:s23] =	ssyncadd.s32 $0xFFFFFFFF  }
0xa5: {  	s26 =	simm.s32 $execute0_lowered;
	[smem:$0x3FD2] =	sst s25  }
0xa6: {  	s4 =	sshll.u32 s26, $0x1;
	_ =	strace $0x80000049;
	[dreg:$0x1] =	wrdreg $0xFFFFFFFF  }
0xa7: {  	s28 =	simm.s32 $_size_execute0_lowered;
	s2 =	sadd.s32 s2, s4;
	[dreg:$0x0] =	wrdreg $0x0  }
0xa8: {  	s4 =	sshll.u32 s28, $0x1;
	[dreg:$0x2] =	wrdreg s2  }
0xa9: {  	[dreg:$0x3] =	wrdreg s4  }
0xaa: {  	[dreg:$0x4] =	wrdreg $0xC0  }
0xab: {  	_ =	task [dreg:s6], $0x5FFFF  }
0xac: {  	[dreg:$0x1] =	wrdreg $0xFFFFFFFF  }
0xad: {  	[dreg:$0x0] =	wrdreg $0x60  }
0xae: {  	[dreg:$0x2] =	wrdreg s24  }
0xaf: {  	[dreg:$0x3] =	wrdreg $0x6A000  }
0xb0: {  	[dreg:$0x4] =	wrdreg $0x9  }
0xb1: {  	_ =	task.clear_ibuf [dreg:s6], $0x5FFFF;
	_ =	strace $0x90000049  }
0xb2: {  	s29 =	simm.s32 $0x9;
	_ =	strace $0x8000004B  }
0xb3: {  	_ =	swait.ge [sflag:s29], $0x1  }
0xb4: {  	[sflag:s29] =	ssyncadd.s32 $0xFFFFFFFF  }
0xb5: {  	_ =	strace $0x9000004B  }
0xb6: {  	_ =	sfence  }
0xb7: {  	s30 =	sld [smem:$0x0];
	_ =	sdelay $0x2  }
0xb8: {  	s31 =	sshll.u32 s1, $0xD;
	s1 =	sshrl.u32 s1, $0x2  }
0xb9: {  	s3 =	sand.u32 $0x4000, s31;
	s1 =	sadd.s32 s1, s30  }
0xba: {  	s0 =	sor.u32 s3, s0;
	s1 =	sshll.u32 s1, $0x11  }
0xbb: {  	s0 =	sor.u32 s1, s0  }
0xbc: {  	s0 =	sadd.s32 $0x8F2B, s0  }
0xbd: {  	[sflag:s0] =	ssyncadd.remote.s32 $0x1  }
0xbe: {  	_ =	sfence.sel $0xFFFF  }
0xbf: {  	[dreg:$0x0] =	wrdreg $0xFFFFFFFF;
	(pc) =	sbr.abs _section_cstart, $3  }
0xc0: {  	[dreg:$0x1] =	wrdreg $0xFFFFFFFF  }
0xc1: {  	_ =	task.clear_ibuf [dreg:s6], $0x2FFFF;
	_ =	strace $0x9FFFFFFF  }
0xc2: {  	(tm) =	ssettm $0x7FFFFFFF  }
0xc3: {  	_ =	shalt  }
tec
execute0_lowered:
.L_overlay_start_1:
0x0: {  	(tag) =	ssettag $0x1  }
0x1: {  	s0 =	rddreg [dreg:$0x0]  }
0x2: {  	s1 =	rddreg [dreg:$0x1];
	s3 =	simm.s32 $0x0;
	s12 =	stileid.u32  }
0x3: {  	s8 =	srdreg.scid;
	[smem:$0x7FF] =	sst s3  }
0x4: {  	s4 =	sadd.s32 $0x4A00, s0;
	s13 =	sadd.s32 $0x66600, s0;
	s5 =	smul.u32 $0x61A80, s12  }
0x5: {  	s2 =	sadd.s32 $0x35800, s0;
	s6 =	sadd.s32 $0xC8200, s0;
	s9 =	smul.u32 $0x186, s12  }
0x6: {  	s7 =	sadd.s32 $0x97400, s0;
	s10 =	sand.u32 $0x1, s8;
	s21 =	smin.u32 s12, $0xA  }
0x7: {  	p2 =	seq.s32 s12, $0xF;
	_ =	strace $0x8000004A;
	s11 =	ssub.s32 $0x2, s10  }
0x8: {  	p1 =	seq.s32 s10, $0x0;
	p0 =	seq.s32 s10, $0x1;
	s5 =	sshrl.u32 s5, $0x2  }
0x9: {  	s8 =	sadd.s32 s21, s9;
	s22 =	sshrl.u32 s11, $0x1;
	s21 =	smov.u32 s2  }
0xa: {  	s14 =	sadd.s32 s5, s1;
	s21 =	smov.u32 @p1 s13;
	s13 =	smov.u32 @p0 s2  }
0xb: {  	s9 =	ssub.s32 s11, s22;
	s11 =	sadd.s32 $0x1D0A0, s0;
	[dreg:$0x3] =	wrdreg s13  }
0xc: {  	s0 =	simm.s32 $0xA;
	s24 =	sadd.s32 $0x17700, s14;
	[dreg:$0x4] =	wrdreg s14  }
0xd: {  	s0 =	simm.s32 @!p2 $0x10;
	[dreg:$0x5] =	wrdreg s24  }
0xe: {  	s29 =	smax.u32 s9, $0x1;
	[dreg:$0x8] =	wrdreg s0  }
0xf: {  	s31 =	sadd.s32 $0x1900, s14;
	[dreg:$0x9] =	wrdreg s29  }
0x10: {  	s9 =	sadd.s32 $0x4B00, s14;
	[dreg:$0xa] =	wrdreg s31  }
0x11: {  	s15 =	simm.s32 $0xA;
	s10 =	sadd.s32 $0x6400, s14;
	[dreg:$0xc] =	wrdreg s9  }
0x12: {  	s28 =	simm.s32 $0x6;
	s17 =	sadd.s32 $0x7D00, s14;
	[dreg:$0xd] =	wrdreg s10  }
0x13: {  	s30 =	simm.s32 $0x0;
	s18 =	sadd.s32 $0x9600, s14;
	[dreg:$0xe] =	wrdreg s17  }
0x14: {  	s16 =	smul.u32 $0x64000, s12;
	s19 =	sadd.s32 $0xAF00, s14;
	[dreg:$0xf] =	wrdreg s18  }
0x15: {  	s23 =	sshll.u32 s8, $0x4;
	s20 =	sadd.s32 $0xC800, s14;
	[dreg:$0x10] =	wrdreg s19  }
0x16: {  	p1 =	sgt.u32 s12, $0x9;
	s22 =	sadd.s32 $0xE100, s14;
	[dreg:$0x12] =	wrdreg s20  }
0x17: {  	s5 =	sadd.s32 s4, s23;
	s23 =	sadd.s32 $0xFA00, s14;
	[dreg:$0x13] =	wrdreg s22  }
0x18: {  	s2 =	simm.s32 $0x0;
	s25 =	sadd.s32 $0x1860, s5;
	[dreg:$0x14] =	wrdreg s23  }
0x19: {  	s26 =	sadd.s32 $0x19F00, s5;
	s5 =	sadd.s32 $0x3200, s14;
	[dreg:$0x6] =	wrdreg s25  }
0x1a: {  	s0 =	sshrl.u32 s16, $0x2;
	s24 =	sadd.s32 $0x11300, s14;
	[dreg:$0x7] =	wrdreg s26  }
0x1b: {  	s29 =	sadd.s32 $0x15E00, s14;
	s31 =	smul.u32 $0x19000, s12;
	[dreg:$0xb] =	wrdreg s5  }
0x1c: {  	s12 =	simm.s32 $0x5100;
	s16 =	simm.s32 $0x80;
	[dreg:$0x15] =	wrdreg s24  }
.Ltmp0:
0x1d: {  	s0 =	sadd.s32 s0, s1;
	[dreg:$0x18] =	wrdreg s29;
	(pc) =	sbr.rel .LBB2_1-.Ltmp0, $4  }
0x1e: {  	s20 =	simm.s32 $0x3100;
	s25 =	sadd.s32 $0x12C00, s14;
	[dreg:$0x11] =	wrdreg s0  }
0x1f: {  	s22 =	simm.s32 $0x180;
	s26 =	sadd.s32 $0x14500, s14;
	[dreg:$0x16] =	wrdreg s25  }
0x20: {  	s23 =	simm.s32 $0x4100;
	s24 =	simm.s32 $0x8;
	[dreg:$0x17] =	wrdreg s26  }
0x21: {  	v0 =	vimm.f32 $0.0e+00;
	s5 =	simm.s32 $0x7;
	[dreg:$0x19] =	wrdreg s31;
	s26 =	simm.s32 $0x5  }
.LBB2_13:
0x22: {  	[sflag:s15] =	ssyncadd.s32 $0xFFFFE700;
	s2 =	rddreg [dreg:$0x1a]  }
.LBB2_14:
0x23: {  	s2 =	sadd.s32 $0x1, s2;
	s0 =	rddreg [dreg:$0x9]  }
0x24: {  	p2 =	sne.s32 s2, s0  }
.Ltmp1:
0x25: {  	_ = 	snop;
	(pc) =	sbr.rel @!p2 .LBB2_15-.Ltmp1, $1  }
0x26: {  	_ =	sdelay $0x3  }
.LBB2_1:
0x27: {  	[dreg:$0x1a] =	wrdreg s2;
	s0 =	simm.s32 $0x80;
	s2 =	simm.s32 $0x0  }
.LBB2_2:
0x28: {  	p2 =	sne.s32 s0, $0x6380;
	[tilespmem:s2+$0x5100] =	vst v0;
	s9 =	smov.u32 s0;
	s0 =	sadd.s32 $0x80, s0  }
.Ltmp2:
0x29: {  	[tilespmem:s2+$0x5110] =	vst v0;
	(pc) =	sbr.rel @p2 .LBB2_2-.Ltmp2, $2  }
0x2a: {  	_ =	sdelay $0x2  }
0x2b: {  	s2 =	sshra.s32 s9, $0x2  }
0x2c: {  	[tilespmem:s2+$0x5100] =	vst v0  }
0x2d: {  	[tilespmem:s2+$0x5110] =	vst v0;
	s0 =	rddreg [dreg:$0x4]  }
0x2e: {  	[spmem:s0] =	stream.linear.scatter [tilespmem:s12], [sflag:$0xA], $0x1900, $0x38;
	[tilespmem:$0x1F0A0] =	vst v63  }
0x2f: {  	_ =	swait.ge [sflag:s15], $0x1900  }
0x30: {  	[sflag:s15] =	ssyncset.done $0x0  }
0x31: {  	s17 =	rddreg [dreg:$0xa];
	[sflag:s15] =	ssyncadd.s32 $0xFFFFE700  }
0x32: {  	[spmem:s17] =	stream.linear.scatter [tilespmem:s12], [sflag:$0xA], $0x1900, $0x38;
	[tilespmem:$0x1F0A0] =	vst v63  }
0x33: {  	_ =	swait.ge [sflag:s15], $0x1900  }
0x34: {  	[sflag:s15] =	ssyncset.done $0x0  }
0x35: {  	s18 =	rddreg [dreg:$0xb];
	[sflag:s15] =	ssyncadd.s32 $0xFFFFE700  }
0x36: {  	[spmem:s18] =	stream.linear.scatter [tilespmem:s12], [sflag:$0xA], $0x1900, $0x38;
	[tilespmem:$0x1F0A0] =	vst v63  }
0x37: {  	_ =	swait.ge [sflag:s15], $0x1900  }
0x38: {  	[sflag:s15] =	ssyncset.done $0x0  }
0x39: {  	s19 =	rddreg [dreg:$0xc];
	[sflag:s15] =	ssyncadd.s32 $0xFFFFE700  }
0x3a: {  	[spmem:s19] =	stream.linear.scatter [tilespmem:s12], [sflag:$0xA], $0x1900, $0x38;
	[tilespmem:$0x1F0A0] =	vst v63  }
0x3b: {  	_ =	swait.ge [sflag:s15], $0x1900  }
0x3c: {  	[sflag:s15] =	ssyncset.done $0x0  }
0x3d: {  	s25 =	rddreg [dreg:$0xd];
	[sflag:s15] =	ssyncadd.s32 $0xFFFFE700  }
0x3e: {  	[spmem:s25] =	stream.linear.scatter [tilespmem:s12], [sflag:$0xA], $0x1900, $0x38;
	[tilespmem:$0x1F0A0] =	vst v63  }
0x3f: {  	_ =	swait.ge [sflag:s15], $0x1900  }
0x40: {  	[sflag:s15] =	ssyncset.done $0x0  }
0x41: {  	s29 =	rddreg [dreg:$0xe];
	[sflag:s15] =	ssyncadd.s32 $0xFFFFE700  }
0x42: {  	[spmem:s29] =	stream.linear.scatter [tilespmem:s12], [sflag:$0xA], $0x1900, $0x38;
	[tilespmem:$0x1F0A0] =	vst v63  }
0x43: {  	_ =	swait.ge [sflag:s15], $0x1900  }
0x44: {  	[sflag:s15] =	ssyncset.done $0x0  }
0x45: {  	s2 =	rddreg [dreg:$0xf];
	[sflag:s15] =	ssyncadd.s32 $0xFFFFE700  }
0x46: {  	[spmem:s2] =	stream.linear.scatter [tilespmem:s12], [sflag:$0xA], $0x1900, $0x38;
	[tilespmem:$0x1F0A0] =	vst v63  }
0x47: {  	_ =	swait.ge [sflag:s15], $0x1900  }
0x48: {  	[sflag:s15] =	ssyncset.done $0x0  }
0x49: {  	s9 =	rddreg [dreg:$0x10];
	[sflag:s15] =	ssyncadd.s32 $0xFFFFE700  }
0x4a: {  	[spmem:s9] =	stream.linear.scatter [tilespmem:s12], [sflag:$0xA], $0x1900, $0x38;
	[tilespmem:$0x1F0A0] =	vst v63  }
0x4b: {  	_ =	swait.ge [sflag:s15], $0x1900  }
0x4c: {  	[sflag:s15] =	ssyncset.done $0x0  }
0x4d: {  	s10 =	rddreg [dreg:$0x12];
	[sflag:s15] =	ssyncadd.s32 $0xFFFFE700  }
0x4e: {  	[spmem:s10] =	stream.linear.scatter [tilespmem:s12], [sflag:$0xA], $0x1900, $0x38;
	[tilespmem:$0x1F0A0] =	vst v63  }
0x4f: {  	_ =	swait.ge [sflag:s15], $0x1900  }
0x50: {  	[sflag:s15] =	ssyncset.done $0x0  }
0x51: {  	s13 =	rddreg [dreg:$0x13];
	[sflag:s15] =	ssyncadd.s32 $0xFFFFE700  }
0x52: {  	[spmem:s13] =	stream.linear.scatter [tilespmem:s12], [sflag:$0xA], $0x1900, $0x38;
	[tilespmem:$0x1F0A0] =	vst v63  }
0x53: {  	_ =	swait.ge [sflag:s15], $0x1900  }
0x54: {  	[sflag:s15] =	ssyncset.done $0x0  }
0x55: {  	s14 =	rddreg [dreg:$0x14];
	[sflag:s15] =	ssyncadd.s32 $0xFFFFE700  }
0x56: {  	[spmem:s14] =	stream.linear.scatter [tilespmem:s12], [sflag:$0xA], $0x1900, $0x38;
	[tilespmem:$0x1F0A0] =	vst v63  }
0x57: {  	_ =	swait.ge [sflag:s15], $0x1900  }
0x58: {  	[sflag:s15] =	ssyncset.done $0x0  }
0x59: {  	s17 =	rddreg [dreg:$0x15];
	[sflag:s15] =	ssyncadd.s32 $0xFFFFE700  }
0x5a: {  	[spmem:s17] =	stream.linear.scatter [tilespmem:s12], [sflag:$0xA], $0x1900, $0x38;
	[tilespmem:$0x1F0A0] =	vst v63  }
0x5b: {  	_ =	swait.ge [sflag:s15], $0x1900  }
0x5c: {  	[sflag:s15] =	ssyncset.done $0x0  }
0x5d: {  	s18 =	rddreg [dreg:$0x16];
	[sflag:s15] =	ssyncadd.s32 $0xFFFFE700  }
0x5e: {  	[spmem:s18] =	stream.linear.scatter [tilespmem:s12], [sflag:$0xA], $0x1900, $0x38;
	[tilespmem:$0x1F0A0] =	vst v63  }
0x5f: {  	_ =	swait.ge [sflag:s15], $0x1900  }
0x60: {  	[sflag:s15] =	ssyncset.done $0x0  }
0x61: {  	s19 =	rddreg [dreg:$0x17];
	[sflag:s15] =	ssyncadd.s32 $0xFFFFE700  }
0x62: {  	[spmem:s19] =	stream.linear.scatter [tilespmem:s12], [sflag:$0xA], $0x1900, $0x38;
	[tilespmem:$0x1F0A0] =	vst v63  }
0x63: {  	_ =	swait.ge [sflag:s15], $0x1900  }
0x64: {  	[sflag:s15] =	ssyncset.done $0x0  }
0x65: {  	s25 =	rddreg [dreg:$0x18];
	[sflag:s15] =	ssyncadd.s32 $0xFFFFE700  }
0x66: {  	[spmem:s25] =	stream.linear.scatter [tilespmem:s12], [sflag:$0xA], $0x1900, $0x38;
	[tilespmem:$0x1F0A0] =	vst v63  }
0x67: {  	_ =	swait.ge [sflag:s15], $0x1900  }
0x68: {  	[sflag:s15] =	ssyncset.done $0x0  }
0x69: {  	s29 =	rddreg [dreg:$0x5];
	[sflag:s15] =	ssyncadd.s32 $0xFFFFE700  }
0x6a: {  	[spmem:s29] =	stream.linear.scatter [tilespmem:s12], [sflag:$0xA], $0xFA0, $0x38;
	[tilespmem:$0x1F0A0] =	vst v63  }
0x6b: {  	_ =	swait.ge [sflag:s15], $0xFA0  }
0x6c: {  	[sflag:s15] =	ssyncset.done $0x0  }
0x6d: {  	[sflag:s15] =	ssyncadd.s32 $0xFFFFF060  }
0x6e: {  	s31 =	simm.s32 $0x0;
	[bflag:$0x0] =	sbarrier.arrive $0xFFFF  }
.LBB2_4:
0x6f: {  	s0 =	smul.u32 $0xF, s31;
	_ =	sdelay $0x1  }
0x70: {  	s0 =	sadd.s32 s8, s0  }
0x71: {  	s0 =	sshll.u32 s0, $0x4  }
0x72: {  	s2 =	sadd.s32 s4, s0  }
0x73: {  	[tilespmem:s30], [sflag:$0xA] =	stream.linear.gather [hbm4b:s2+s30], $0x780, $0x38;
	[tilespmem:$0x1F0A0] =	vst v63  }
0x74: {  	_ =	swait.ge [sflag:s15], $0x780  }
0x75: {  	[sflag:s15] =	ssyncset.done $0x0  }
0x76: {  	s10 =	simm.s32 $0x780;
	s0 =	sadd.s32 s0, s11;
	[sflag:s15] =	ssyncadd.s32 $0xFFFFF880  }
0x77: {  	[tilespmem:s10], [sflag:$0xA] =	stream.linear.gather [hbm4b:s0+s30], $0x780, $0x38;
	[tilespmem:$0x1F0A0] =	vst v63  }
0x78: {  	_ =	swait.ge [sflag:s15], $0x780  }
0x79: {  	[sflag:s15] =	ssyncset.done $0x0  }
0x7a: {  	s13 =	simm.s32 $0x1100;
	[sflag:s15] =	ssyncadd.s32 $0xFFFFF880  }
0x7b: {  	[tilespmem:s13], [sflag:$0x1] =	stream.indirect.gather [hbm4b:s21+s16], $0x20, s30, s16, $0xb8;
	[tilespmem:$0x1F0A0] =	vst v63  }
0x7c: {  	s14 =	simm.s32 $0x2100  }
0x7d: {  	[tilespmem:s14], [sflag:$0x2] =	stream.indirect.gather [hbm4b:s21+s16], $0x20, s16, s16, $0xb8;
	[tilespmem:$0x1F0A0] =	vst v63  }
0x7e: {  	s17 =	simm.s32 $0x100;
	s18 =	sand.u32 $0x3, s30  }
0x7f: {  	[tilespmem:s20], [sflag:$0x3] =	stream.indirect.gather [hbm4b:s21+s16], $0x20, s17, s16, $0xb8;
	[tilespmem:$0x1F0A0] =	vst v63  }
0x80: {  	s9 =	sadd.s32 $0x1, s18  }
0x81: {  	[tilespmem:s23], [sflag:$0x4] =	stream.indirect.gather [hbm4b:s21+s16], $0x20, s22, s16, $0xb8;
	[tilespmem:$0x1F0A0] =	vst v63  }
0x82: {  	_ =	swait.ge [sflag:s9], $0x1000  }
0x83: {  	[sflag:s9] =	ssyncset.done $0x0  }
0x84: {  	s19 =	simm.s32 $0x7C0;
	[sflag:s9] =	ssyncadd.s32 $0xFFFFF000  }
0x85: {  	v1 =	vld [tilespmem:s19+$0xFFFFFFC0];
	_ =	sdelay $0x3  }
0x86: {  	s13 =	sshll.u32 s18, $0x7  }
0x87: {  	[tilespmem:s13+$0xF00] =	vst v1  }
0x88: {  	v1 =	vld [tilespmem:s19+$0xFFFFFFD0];
	_ =	sdelay $0x4  }
0x89: {  	[tilespmem:s13+$0xF10] =	vst v1  }
0x8a: {  	v1 =	vld [tilespmem:s19+$0xFFFFFFE0];
	_ =	sdelay $0x4  }
0x8b: {  	[tilespmem:s13+$0xF20] =	vst v1  }
0x8c: {  	v1 =	vld [tilespmem:s19+$0xFFFFFFF0];
	_ =	sdelay $0x4  }
0x8d: {  	[tilespmem:s13+$0xF30] =	vst v1  }
0x8e: {  	v1 =	vld [tilespmem:s19+$0x0];
	_ =	sdelay $0x4  }
0x8f: {  	[tilespmem:s13+$0xF40] =	vst v1  }
0x90: {  	v1 =	vld [tilespmem:s19+$0x10];
	_ =	sdelay $0x4  }
0x91: {  	[tilespmem:s13+$0xF50] =	vst v1  }
0x92: {  	v1 =	vld [tilespmem:s19+$0x20];
	_ =	sdelay $0x4  }
0x93: {  	[tilespmem:s13+$0xF60] =	vst v1  }
0x94: {  	v1 =	vld [tilespmem:s19+$0x30];
	_ =	sdelay $0x2  }
0x95: {  	s29 =	simm.s32 $0x200;
	p3 =	por $0x0, $0x0  }
0x96: {  	s2 =	simm.s32 $0x1;
	s10 =	simm.s32 $0x2;
	s14 =	sshll.u32 s18, $0xC  }
0x97: {  	s25 =	sadd.s32 $0xF00, s13;
	s17 =	sadd.s32 $0x1100, s14;
	[tilespmem:s13+$0xF70] =	vst v1;
	s13 =	sadd.s32 $0x5, s18  }
0x98: {  	[spmem:s1] =	stream.indirect.scatter.add.f32 [tilespmem:s17], [sflag:s13], $0x20, s25, s16, $0xb8;
	[tilespmem:$0x1F0A0] =	vst v63  }
0x99: {  	s0 =	simm.s32 $0x280;
	s14 =	simm.s32 $0x840;
	_ =	swait.ge @!p3 [sflag:s13], $0x1000  }
0x9a: {  	s18 =	simm.s32 @!p3 $0x80;
	s25 =	sand.u32 $0x3, s2;
	[sflag:s13] =	ssyncset.done @!p3 $0x0  }
.LBB2_5:
0x9b: {  	s19 =	sadd.s32 $0x1, s25;
	[sflag:s13] =	ssyncadd.s32 @!p3 $0xFFFFF000  }
0x9c: {  	s13 =	smov.u32 s2;
	s2 =	smov.u32 s10;
	s10 =	sadd.s32 $0x1, s10  }
0x9d: {  	[tilespmem:s17], [sflag:s9] =	stream.indirect.gather @!p3 [hbm4b:s21+s18], $0x20, s29, s18, $0xb8;
	[tilespmem:$0x1F0A0] =	vst v63  }
0x9e: {  	p2 =	sne.s32 s10, $0xF;
	s9 =	smov.u32 s19;
	_ =	swait.ge [sflag:s19], $0x1000  }
0x9f: {  	s29 =	smov.u32 s0;
	[sflag:s9] =	ssyncset.done $0x0  }
0xa0: {  	[sflag:s9] =	ssyncadd.s32 $0xFFFFF000  }
0xa1: {  	v1 =	vld [tilespmem:s14+$0xFFFFFFC0];
	_ =	sdelay $0x3  }
0xa2: {  	s18 =	sshll.u32 s25, $0x7  }
0xa3: {  	[tilespmem:s18+$0xF00] =	vst v1  }
0xa4: {  	v1 =	vld [tilespmem:s14+$0xFFFFFFD0];
	_ =	sdelay $0x4  }
0xa5: {  	[tilespmem:s18+$0xF10] =	vst v1  }
0xa6: {  	v1 =	vld [tilespmem:s14+$0xFFFFFFE0];
	_ =	sdelay $0x4  }
0xa7: {  	[tilespmem:s18+$0xF20] =	vst v1  }
0xa8: {  	v1 =	vld [tilespmem:s14+$0xFFFFFFF0];
	_ =	sdelay $0x4  }
0xa9: {  	[tilespmem:s18+$0xF30] =	vst v1  }
0xaa: {  	v1 =	vld [tilespmem:s14+$0x0];
	_ =	sdelay $0x4  }
0xab: {  	[tilespmem:s18+$0xF40] =	vst v1  }
0xac: {  	v1 =	vld [tilespmem:s14+$0x10];
	_ =	sdelay $0x4  }
0xad: {  	[tilespmem:s18+$0xF50] =	vst v1  }
0xae: {  	v1 =	vld [tilespmem:s14+$0x20];
	_ =	sdelay $0x4  }
0xaf: {  	[tilespmem:s18+$0xF60] =	vst v1  }
0xb0: {  	v1 =	vld [tilespmem:s14+$0x30];
	_ =	sdelay $0x3  }
.Ltmp3:
0xb1: {  	s17 =	sshll.u32 s25, $0xC;
	p3 =	sgt.u32 s13, $0xA;
	(pc) =	sbr.rel @p2 .LBB2_5-.Ltmp3, $4  }
0xb2: {  	s13 =	sadd.s32 $0x5, s25;
	s17 =	sadd.s32 $0x1100, s17;
	s19 =	sadd.s32 $0xF00, s18;
	[tilespmem:s18+$0xF70] =	vst v1  }
0xb3: {  	[spmem:s1] =	stream.indirect.scatter.add.f32 [tilespmem:s17], [sflag:s13], $0x20, s19, s16, $0xb8;
	[tilespmem:$0x1F0A0] =	vst v63  }
0xb4: {  	s0 =	sadd.s32 $0x80, s0;
	s14 =	sadd.s32 $0x80, s14;
	_ =	swait.ge @!p3 [sflag:s13], $0x1000  }
0xb5: {  	s25 =	sand.u32 $0x3, s2;
	s18 =	simm.s32 @!p3 $0x80;
	[sflag:s13] =	ssyncset.done @!p3 $0x0  }
0xb6: {  	s10 =	sadd.s32 $0x1, s25;
	[sflag:s13] =	ssyncadd.s32 @!p3 $0xFFFFF000  }
0xb7: {  	[tilespmem:s17], [sflag:s9] =	stream.indirect.gather @!p3 [hbm4b:s21+s18], $0x20, s29, s18, $0xb8;
	[tilespmem:$0x1F0A0] =	vst v63  }
0xb8: {  	_ =	swait.ge [sflag:s10], $0x1000  }
0xb9: {  	[sflag:s10] =	ssyncset.done $0x0  }
0xba: {  	[sflag:s10] =	ssyncadd.s32 $0xFFFFF000  }
0xbb: {  	v1 =	vld [tilespmem:s14+$0xFFFFFFC0];
	_ =	sdelay $0x3  }
0xbc: {  	s18 =	sshll.u32 s25, $0x7  }
0xbd: {  	[tilespmem:s18+$0xF00] =	vst v1  }
0xbe: {  	v1 =	vld [tilespmem:s14+$0xFFFFFFD0];
	_ =	sdelay $0x4  }
0xbf: {  	[tilespmem:s18+$0xF10] =	vst v1  }
0xc0: {  	v1 =	vld [tilespmem:s14+$0xFFFFFFE0];
	_ =	sdelay $0x4  }
0xc1: {  	[tilespmem:s18+$0xF20] =	vst v1  }
0xc2: {  	v1 =	vld [tilespmem:s14+$0xFFFFFFF0];
	_ =	sdelay $0x4  }
0xc3: {  	[tilespmem:s18+$0xF30] =	vst v1  }
0xc4: {  	v1 =	vld [tilespmem:s14+$0x0];
	_ =	sdelay $0x4  }
0xc5: {  	[tilespmem:s18+$0xF40] =	vst v1  }
0xc6: {  	v1 =	vld [tilespmem:s14+$0x10];
	_ =	sdelay $0x4  }
0xc7: {  	[tilespmem:s18+$0xF50] =	vst v1  }
0xc8: {  	v1 =	vld [tilespmem:s14+$0x20];
	_ =	sdelay $0x4  }
0xc9: {  	[tilespmem:s18+$0xF60] =	vst v1  }
0xca: {  	v1 =	vld [tilespmem:s14+$0x30];
	_ =	sdelay $0x3  }
0xcb: {  	s19 =	sshll.u32 s25, $0xC;
	p2 =	sgt.u32 s2, $0xA  }
0xcc: {  	s2 =	sadd.s32 $0x1100, s19;
	s9 =	sadd.s32 $0x5, s25;
	s29 =	sadd.s32 $0xF00, s18;
	[tilespmem:s18+$0xF70] =	vst v1  }
0xcd: {  	[spmem:s1] =	stream.indirect.scatter.add.f32 [tilespmem:s2], [sflag:s9], $0x20, s29, s16, $0xb8;
	[tilespmem:$0x1F0A0] =	vst v63  }
0xce: {  	_ =	swait.ge @!p2 [sflag:s9], $0x1000  }
0xcf: {  	[sflag:s9] =	ssyncset.done @!p2 $0x0  }
0xd0: {  	s13 =	simm.s32 @!p2 $0x80;
	[sflag:s9] =	ssyncadd.s32 @!p2 $0xFFFFF000  }
0xd1: {  	[tilespmem:s2], [sflag:s10] =	stream.indirect.gather @!p2 [hbm4b:s21+s13], $0x20, s0, s13, $0xb8;
	[tilespmem:$0x1F0A0] =	vst v63  }
0xd2: {  	_ =	swait.ge [sflag:s24], $0x1000  }
0xd3: {  	[sflag:s24] =	ssyncset.done $0x0  }
0xd4: {  	[sflag:s24] =	ssyncadd.s32 $0xFFFFF000  }
0xd5: {  	_ =	swait.ge [sflag:s26], $0x1000  }
0xd6: {  	[sflag:s26] =	ssyncset.done $0x0  }
0xd7: {  	s31 =	sadd.s32 $0x1, s31;
	[sflag:s26] =	ssyncadd.s32 $0xFFFFF000  }
0xd8: {  	p2 =	sne.s32 s31, $0x1A;
	_ =	swait.ge [sflag:s28], $0x1000  }
.Ltmp4:
0xd9: {  	[sflag:s28] =	ssyncset.done $0x0;
	(pc) =	sbr.rel @p2 .LBB2_4-.Ltmp4, $4  }
0xda: {  	[sflag:s28] =	ssyncadd.s32 $0xFFFFF000  }
0xdb: {  	_ =	swait.ge [sflag:s5], $0x1000  }
0xdc: {  	[sflag:s5] =	ssyncset.done $0x0  }
0xdd: {  	[sflag:s5] =	ssyncadd.s32 $0xFFFFF000  }
0xde: {  	s0 =	simm.s32 @!p1 $0x0;
	s2 =	rddreg [dreg:$0x6]  }
0xdf: {  	[tilespmem:s0], [sflag:$0xA] =	stream.linear.gather @!p1 [hbm4b:s2+s0], $0x80, $0x38;
	[tilespmem:$0x1F0A0] =	vst v63  }
0xe0: {  	s2 =	simm.s32 @!p1 $0xA  }
0xe1: {  	_ =	swait.ge @!p1 [sflag:s2], $0x80  }
0xe2: {  	[sflag:s2] =	ssyncset.done @!p1 $0x0  }
0xe3: {  	s9 =	simm.s32 @!p1 $0x780;
	s10 =	rddreg [dreg:$0x7];
	[sflag:s2] =	ssyncadd.s32 @!p1 $0xFFFFFF80  }
0xe4: {  	[tilespmem:s9], [sflag:$0xA] =	stream.linear.gather @!p1 [hbm4b:s10+s0], $0x80, $0x38;
	[tilespmem:$0x1F0A0] =	vst v63  }
0xe5: {  	_ =	swait.ge @!p1 [sflag:s2], $0x80  }
0xe6: {  	s9 =	simm.s32 @!p1 $0x80;
	[sflag:s2] =	ssyncset.done @!p1 $0x0  }
0xe7: {  	s10 =	simm.s32 @!p1 $0x1100;
	s13 =	rddreg [dreg:$0x3];
	[sflag:s2] =	ssyncadd.s32 @!p1 $0xFFFFFF80  }
0xe8: {  	[tilespmem:s10], [sflag:$0x9] =	stream.indirect.gather @!p1 [hbm4b:s13+s9], $0x20, s0, s9, $0xb8;
	[tilespmem:$0x1F0A0] =	vst v63  }
0xe9: {  	s0 =	simm.s32 @!p1 $0x9  }
0xea: {  	_ =	swait.ge @!p1 [sflag:s0], $0x1000  }
0xeb: {  	[sflag:s0] =	ssyncset.done @!p1 $0x0  }
0xec: {  	[sflag:s0] =	ssyncadd.s32 @!p1 $0xFFFFF000  }
0xed: {  	v1 =	vld @!p1 [tilespmem:$0x780]  }
0xee: {  	v2 =	vld @!p1 [tilespmem:$0x790]  }
0xef: {  	v3 =	vld @!p1 [tilespmem:$0x7A0]  }
0xf0: {  	v4 =	vld @!p1 [tilespmem:$0x7B0]  }
0xf1: {  	v5 =	vld @!p1 [tilespmem:$0x7C0]  }
0xf2: {  	[tilespmem:$0xF00] =	vst @!p1 v1;
	v1 =	vld @!p1 [tilespmem:$0x7D0]  }
0xf3: {  	[tilespmem:$0xF10] =	vst @!p1 v2;
	v2 =	vld @!p1 [tilespmem:$0x7E0]  }
0xf4: {  	[tilespmem:$0xF20] =	vst @!p1 v3;
	v3 =	vld @!p1 [tilespmem:$0x7F0]  }
0xf5: {  	[tilespmem:$0xF30] =	vst @!p1 v4  }
0xf6: {  	[tilespmem:$0xF40] =	vst @!p1 v5  }
0xf7: {  	[tilespmem:$0xF50] =	vst @!p1 v1  }
0xf8: {  	[tilespmem:$0xF60] =	vst @!p1 v2  }
0xf9: {  	s0 =	simm.s32 @!p1 $0xF00;
	[tilespmem:$0xF70] =	vst @!p1 v3  }
0xfa: {  	[spmem:s1] =	stream.indirect.scatter.add.f32 @!p1 [tilespmem:s10], [sflag:$0xA], $0x20, s0, s9, $0xb8;
	[tilespmem:$0x1F0A0] =	vst v63  }
.Ltmp5:
0xfb: {  	_ =	swait.ge @!p1 [sflag:s2], $0x1000;
	(pc) =	sbr.rel @!p0 .LBB2_8-.Ltmp5, $3  }
0xfc: {  	[sflag:s2] =	ssyncset.done @!p1 $0x0  }
0xfd: {  	[sflag:s2] =	ssyncadd.s32 @!p1 $0xFFFFF000  }
0xfe: {  	[bflag:$0x0] =	sbarrier.arrive $0xFFFF;
	_ =	sdelay $0x1  }
0xff: {  	s2 =	rddreg [dreg:$0x11]  }
0x100: {  	[tilespmem:s12], [sflag:$0xA] =	stream.linear.gather [spmem:s2], $0x1900, $0x38;
	[tilespmem:$0x1F0A0] =	vst v63  }
0x101: {  	_ =	swait.ge [sflag:s15], $0x1900  }
0x102: {  	s31 =	rddreg [dreg:$0x8]  }
0x103: {  	s9 =	rddreg [dreg:$0x19];
	p2 =	sne.s32 s31, $0x1  }
.Ltmp6:
0x104: {  	[sflag:s15] =	ssyncset.done $0x0;
	s0 =	sshrl.u32 s9, $0x3;
	(pc) =	sbr.rel @!p2 .LBB2_13-.Ltmp6, $4  }
0x105: {  	[sflag:s15] =	ssyncadd.s32 $0xFFFFE700;
	s0 =	sadd.s32 s7, s0  }
0x106: {  	[hbm4b:s0+s3] =	stream.linear.scatter [tilespmem:s12], [sflag:$0xA], $0x1900, $0x38;
	[tilespmem:$0x1F0A0] =	vst v63  }
0x107: {  	_ =	swait.ge [sflag:s15], $0x1900  }
0x108: {  	s0 =	sadd.s32 $0xFFFFFFFF, s31;
	[sflag:s15] =	ssyncset.done $0x0  }
.LBB2_12:
0x109: {  	[sflag:s15] =	ssyncadd.s32 $0xFFFFE700;
	s2 =	sadd.s32 $0x1900, s2;
	s9 =	sadd.s32 $0x1900, s9  }
0x10a: {  	[tilespmem:s12], [sflag:$0xA] =	stream.linear.gather [spmem:s2], $0x1900, $0x38;
	[tilespmem:$0x1F0A0] =	vst v63  }
0x10b: {  	p2 =	sne.s32 s0, $0x1;
	s0 =	sadd.s32 $0xFFFFFFFF, s0;
	_ =	swait.ge [sflag:s15], $0x1900  }
.Ltmp7:
0x10c: {  	s10 =	sshrl.u32 s9, $0x3;
	[sflag:s15] =	ssyncset.done $0x0;
	(pc) =	sbr.rel @p2 .LBB2_12-.Ltmp7, $4  }
0x10d: {  	s10 =	sadd.s32 s7, s10;
	[sflag:s15] =	ssyncadd.s32 $0xFFFFE700  }
0x10e: {  	[hbm4b:s10+s3] =	stream.linear.scatter [tilespmem:s12], [sflag:$0xA], $0x1900, $0x38;
	[tilespmem:$0x1F0A0] =	vst v63  }
0x10f: {  	_ =	swait.ge [sflag:s15], $0x1900  }
0x110: {  	[sflag:s15] =	ssyncset.done $0x0  }
.Ltmp8:
0x111: {  	_ = 	snop;
	(pc) =	sbr.rel .LBB2_13-.Ltmp8, $1  }
0x112: {  	_ =	sdelay $0x3  }
.LBB2_8:
0x113: {  	s2 =	rddreg [dreg:$0x11]  }
0x114: {  	[tilespmem:s12], [sflag:$0xA] =	stream.linear.gather [spmem:s2], $0x1900, $0x38;
	[tilespmem:$0x1F0A0] =	vst v63  }
0x115: {  	_ =	swait.ge [sflag:s15], $0x1900  }
0x116: {  	s31 =	rddreg [dreg:$0x8]  }
0x117: {  	s9 =	rddreg [dreg:$0x19];
	p2 =	seq.s32 s31, $0x1  }
.Ltmp9:
0x118: {  	[sflag:s15] =	ssyncset.done $0x0;
	s0 =	sshrl.u32 s9, $0x3;
	(pc) =	sbr.rel @p2 .LBB2_10-.Ltmp9, $4  }
0x119: {  	[sflag:s15] =	ssyncadd.s32 $0xFFFFE700;
	s0 =	sadd.s32 s6, s0  }
0x11a: {  	[hbm4b:s0+s3] =	stream.linear.scatter [tilespmem:s12], [sflag:$0xA], $0x1900, $0x38;
	[tilespmem:$0x1F0A0] =	vst v63  }
0x11b: {  	_ =	swait.ge [sflag:s15], $0x1900  }
0x11c: {  	s0 =	sadd.s32 $0xFFFFFFFF, s31;
	[sflag:s15] =	ssyncset.done $0x0  }
.LBB2_9:
0x11d: {  	[sflag:s15] =	ssyncadd.s32 $0xFFFFE700;
	s2 =	sadd.s32 $0x1900, s2;
	s9 =	sadd.s32 $0x1900, s9  }
0x11e: {  	[tilespmem:s12], [sflag:$0xA] =	stream.linear.gather [spmem:s2], $0x1900, $0x38;
	[tilespmem:$0x1F0A0] =	vst v63  }
0x11f: {  	p2 =	seq.s32 s0, $0x1;
	s0 =	sadd.s32 $0xFFFFFFFF, s0;
	_ =	swait.ge [sflag:s15], $0x1900  }
.Ltmp10:
0x120: {  	s10 =	sshrl.u32 s9, $0x3;
	[sflag:s15] =	ssyncset.done $0x0;
	(pc) =	sbr.rel @!p2 .LBB2_9-.Ltmp10, $4  }
0x121: {  	s10 =	sadd.s32 s6, s10;
	[sflag:s15] =	ssyncadd.s32 $0xFFFFE700  }
0x122: {  	[hbm4b:s10+s3] =	stream.linear.scatter [tilespmem:s12], [sflag:$0xA], $0x1900, $0x38;
	[tilespmem:$0x1F0A0] =	vst v63  }
0x123: {  	_ =	swait.ge [sflag:s15], $0x1900  }
0x124: {  	[sflag:s15] =	ssyncset.done $0x0  }
.LBB2_10:
.Ltmp11:
0x125: {  	(pc) =	sbr.rel .LBB2_14-.Ltmp11, $2  }
0x126: {  	_ =	sdelay $0x2  }
0x127: {  	[sflag:s15] =	ssyncadd.s32 $0xFFFFE700;
	s2 =	rddreg [dreg:$0x1a]  }
.LBB2_15:
0x128: {  	_ =	sfence.sel $0x180000  }
0x129: {  	[bflag:$0x0] =	sbarrier.arrive $0xFFFF  }
0x12a: {  	_ =	strace $0x9000004A  }
0x12b: {  	s0 =	stileid.u32;
	[bflag:$0x2] =	sbarrier.arrive $0xFFFF  }
0x12c: {  	p0 =	sne.s32 s0, $0x0;
	s0 =	rddreg [dreg:$0x2]  }
0x12d: {  	s0 =	sadd.s32 @!p0 $0x100000, s0  }
0x12e: {  	[sflag:s0] =	ssyncadd.tile.s32 @!p0 $0x1;
	_ =	shalt  }
.Lfunc_end2:
_tile_overlayer_lowered:
.L_overlay_start_2:
0x12f: {  	(tag) =	ssettag $0x2  }
0x130: {  	s0 =	rddreg [dreg:$0x0];
	s2 =	stileid.u32  }
0x131: {  	s1 =	rddreg [dreg:$0x1];
	p0 =	sne.s32 s2, $0x0  }
0x132: {  	s3 =	rddreg [dreg:$0x2];
	[bflag:$0x3] =	sbarrier.arrive $0xFFFF;
	s2 =	simm.s32 @!p0 $0x1C0A  }
0x133: {  	[timem:s3], [sflag:s2] =	dma.local @!p0 [hbm:s0], s1  }
0x134: {  	s0 =	simm.s32 @!p0 $0xA  }
0x135: {  	_ =	swait.ge @!p0 [sflag:s0], s1  }
0x136: {  	s1 =	ssub.s32 @!p0 $0x0, s1;
	[sflag:s0] =	ssyncset.done @!p0 $0x0  }
0x137: {  	[sflag:s0] =	ssyncadd.s32 @!p0 s1  }
0x138: {  	[bflag:$0x3] =	sbarrier.arrive $0xFFFF  }
0x139: {  	_ =	shalt  }

// kernel: kernel.16.cloned.1.call-start
scs
__scs_entry_jumppad:
0x0: {  	(pc) =	sbr.rel $0x88, $3  }
0x1: {  	(tag) =	ssettag $0x0;
	lr =	simm.s32 $0x1  }
0x2: {  	[smem:$0x3F96] =	sst lr;
	_ =	strace $0xD0000000  }
0x3: {  	_ = 	snop  }
0x4: {  	_ = 	snop  }
0x5: {  	_ = 	snop  }
0x6: {  	_ = 	snop  }
0x7: {  	_ = 	snop  }
__scs_overlays_trampoline_lowered:
0x8: {  	[smem:$0x3FA5] =	sst s0  }
0x9: {  	[smem:$0x3FA6] =	sst s1  }
0xa: {  	[smem:$0x3FA7] =	sst s2  }
0xb: {  	[smem:$0x3FA8] =	sst s3  }
0xc: {  	[smem:$0x3FA9] =	sst s4  }
0xd: {  	[smem:$0x3FAA] =	sst s5  }
0xe: {  	[smem:$0x3FAB] =	sst s6  }
0xf: {  	[smem:$0x3FAC] =	sst s7  }
0x10: {  	[smem:$0x3FAD] =	sst s8  }
0x11: {  	[smem:$0x3FAE] =	sst s9;
	s0 =	simm.s32 @!p0 $0x0  }
0x12: {  	s1 =	sld [smem:$0x3F94];
	s0 =	simm.s32 @p0 $0x1  }
0x13: {  	[smem:$0x3FAF] =	sst s0;
	s0 =	simm.s32 @!p1 $0x0  }
0x14: {  	s2 =	sld [smem:$0x3F93];
	s0 =	simm.s32 @p1 $0x1  }
0x15: {  	[smem:$0x3FB0] =	sst s0;
	s0 =	simm.s32 @!p2 $0x0  }
0x16: {  	s3 =	sld [smem:$0x3FDB];
	s0 =	simm.s32 @p2 $0x1  }
0x17: {  	s4 =	simm.s32 $0x1BF5;
	[smem:$0x3FB2] =	sst s0  }
0x18: {  	s0 =	sld [smem:$0x3F95];
	_ =	swait.ge [sflag:s4], $0x0  }
0x19: {  	s7 =	sld [smem:$0x3F96]  }
0x1a: {  	s8 =	sadd.s32 $0xFFFFE003, lr  }
0x1b: {  	s9 =	sadd.s32 $0xFFFFFEF7, lr;
	s5 =	simm.s32 $0xFFFFFFFF;
	p2 =	slt.u32 s8, $0xFFFFF086  }
0x1c: {  	p1 =	slt.u32 s9, $0xF7A;
	s5 =	simm.s32 @!p2 $0x0  }
0x1d: {  	s5 =	simm.s32 @p1 $0x1;
	p0 =	seq.s32 s7, s2  }
0x1e: {  	s7 =	smul.u32 @!p0 $0xF7A, s2;
	p2 =	seq.s32 @!p0 s5, $0x0  }
0x1f: {  	s9 =	smul.u32 $0xF7A, s1;
	s8 =	simm.s32 @!p0 $0x1BF5;
	p2 =	por !p2, p0  }
0x20: {  	[sflag:s8] =	ssyncset.s32 @!p0 $0xFFFFF086;
	s6 =	sadd.s32 @!p0 s3, s7;
	s7 =	simm.s32 @!p0 $0x108  }
0x21: {  	s3 =	sadd.s32 s3, s9;
	s6 =	sadd.s32 @!p0 $0x88, s6;
	s7 =	simm.s32 @p2 $0x1082  }
0x22: {  	[simem:s7], [sflag:s8] =	dma.local @!p0 [hbm:s6], $0xF7A  }
0x23: {  	s9 =	sor.u32 $0xD0000000, s2;
	s6 =	simm.s32 $0x108;
	_ =	swait.ge @!p0 [sflag:s8], $0x0  }
0x24: {  	s3 =	sadd.s32 $0x88, s3;
	s6 =	simm.s32 @!p1 $0x1082;
	[sflag:s4] =	ssyncset.s32 $0xFFFFF086  }
0x25: {  	[simem:s6], [sflag:s4] =	dma.local [hbm:s3], $0xF7A  }
0x26: {  	[smem:$0x3F96] =	sst s1;
	(tag) =	ssettag s2;
	_ =	strace s9  }
0x27: {  	s1 =	sld [smem:$0x3FA6]  }
0x28: {  	s2 =	sld [smem:$0x3FA7]  }
0x29: {  	s4 =	sld [smem:$0x3FA9]  }
0x2a: {  	p0 =	seq.s32 s5, $0x0;
	s5 =	sld [smem:$0x3FAA]  }
0x2b: {  	s6 =	sld [smem:$0x3FAB]  }
0x2c: {  	s7 =	sld [smem:$0x3FAC]  }
0x2d: {  	s3 =	simm.s32 $0x108;
	s8 =	sld [smem:$0x3FAD]  }
0x2e: {  	s3 =	simm.s32 @!p0 $0x1082;
	s9 =	sld [smem:$0x3FAE]  }
0x2f: {  	lr =	sadd.s32 s0, s3;
	s0 =	sld [smem:$0x3FA5]  }
0x30: {  	s3 =	sld [smem:$0x3FA8]  }
0x31: {  	[smem:$0x3FB1] =	sst s10  }
0x32: {  	s10 =	sld [smem:$0x3FAF];
	_ =	sdelay $0x3  }
0x33: {  	p0 =	seq.s32 s10, $0x1;
	s10 =	sld [smem:$0x3FB1];
	_ =	sdelay $0x3  }
0x34: {  	[smem:$0x3FB1] =	sst s10  }
0x35: {  	s10 =	sld [smem:$0x3FB0];
	_ =	sdelay $0x3  }
0x36: {  	p1 =	seq.s32 s10, $0x1;
	s10 =	sld [smem:$0x3FB1];
	_ =	sdelay $0x3  }
0x37: {  	[smem:$0x3FB1] =	sst s10  }
0x38: {  	s10 =	sld [smem:$0x3FB2]  }
0x39: {  	_ = 	snop;
	(pc) =	sbr.ind lr, $3  }
0x3a: {  	_ = 	snop  }
0x3b: {  	_ = 	snop  }
0x3c: {  	p2 =	seq.s32 s10, $0x1;
	s10 =	sld [smem:$0x3FB1]  }
0x3d: {  	_ =	shalt  }
0x3e: {  	_ =	shalt  }
0x3f: {  	_ =	shalt  }
0x40: {  	_ =	shalt  }
0x41: {  	_ =	shalt  }
0x42: {  	_ =	shalt  }
0x43: {  	_ =	shalt  }
0x44: {  	_ =	shalt  }
0x45: {  	_ =	shalt  }
0x46: {  	_ =	shalt  }
0x47: {  	_ =	shalt  }
0x48: {  	_ =	shalt  }
0x49: {  	_ =	shalt  }
0x4a: {  	_ =	shalt  }
0x4b: {  	_ =	shalt  }
0x4c: {  	_ =	shalt  }
0x4d: {  	_ =	shalt  }
0x4e: {  	_ =	shalt  }
0x4f: {  	_ =	shalt  }
0x50: {  	_ =	shalt  }
0x51: {  	_ =	shalt  }
0x52: {  	_ =	shalt  }
0x53: {  	_ =	shalt  }
0x54: {  	_ =	shalt  }
0x55: {  	_ =	shalt  }
0x56: {  	_ =	shalt  }
0x57: {  	_ =	shalt  }
0x58: {  	_ =	shalt  }
0x59: {  	_ =	shalt  }
0x5a: {  	_ =	shalt  }
0x5b: {  	_ =	shalt  }
0x5c: {  	_ =	shalt  }
0x5d: {  	_ =	shalt  }
0x5e: {  	_ =	shalt  }
0x5f: {  	_ =	shalt  }
0x60: {  	_ =	shalt  }
0x61: {  	_ =	shalt  }
0x62: {  	_ =	shalt  }
0x63: {  	_ =	shalt  }
0x64: {  	_ =	shalt  }
0x65: {  	_ =	shalt  }
0x66: {  	_ =	shalt  }
0x67: {  	_ =	shalt  }
0x68: {  	_ =	shalt  }
0x69: {  	_ =	shalt  }
0x6a: {  	_ =	shalt  }
0x6b: {  	_ =	shalt  }
0x6c: {  	_ =	shalt  }
0x6d: {  	_ =	shalt  }
0x6e: {  	_ =	shalt  }
0x6f: {  	_ =	shalt  }
0x70: {  	_ =	shalt  }
0x71: {  	_ =	shalt  }
0x72: {  	_ =	shalt  }
0x73: {  	_ =	shalt  }
0x74: {  	_ =	shalt  }
0x75: {  	_ =	shalt  }
0x76: {  	_ =	shalt  }
0x77: {  	_ =	shalt  }
0x78: {  	_ =	shalt  }
0x79: {  	_ =	shalt  }
0x7a: {  	_ =	shalt  }
0x7b: {  	_ =	shalt  }
0x7c: {  	_ =	shalt  }
0x7d: {  	_ =	shalt  }
0x7e: {  	_ =	shalt  }
0x7f: {  	_ =	shalt  }
0x80: {  	_ =	shalt  }
0x81: {  	_ =	shalt  }
0x82: {  	_ =	shalt  }
0x83: {  	_ =	shalt  }
0x84: {  	_ =	shalt  }
0x85: {  	_ =	shalt  }
0x86: {  	_ =	shalt  }
0x87: {  	_ =	shalt  }
.Lfunc_end0:
.L_simem_size_0:
called_computation.2_lowered:
.L_overlay_start_0:
0x88: {  	s2 =	sld [smem:$0x3FD9]  }
0x89: {  	s3 =	sld [smem:$0x3FFE];
	_ =	sdelay $0x1  }
0x8a: {  	s1 =	srdreg.scid  }
0x8b: {  	s0 =	sand.u32 $0x1, s1  }
0x8c: {  	s16 =	sshll.u32 s0, $0xA;
	s2 =	sadd.s32 s3, s2  }
0x8d: {  	s2 =	sadd.s32 s2, s16  }
0x8e: {  	[smem:$0x3FBD] =	sst s2  }
0x8f: {  	_ = 	snop  }
0x90: {  	(tm) =	ssettm $0x1  }
0x91: {  	s17 =	sld [smem:$0x3FFB];
	_ =	sdelay $0x3  }
0x92: {  	_ =	strace s17  }
0x93: {  	s2 =	sld [smem:$0x3FFC];
	_ =	sdelay $0x3  }
0x94: {  	_ =	strace s2  }
0x95: {  	s2 =	sld [smem:$0x3FFD];
	_ =	sdelay $0x3  }
0x96: {  	_ =	strace s2  }
0x97: {  	_ =	strace $0x8FFFFFFF  }
0x98: {  	s18 =	sld [smem:$0x3FDB];
	_ =	sdelay $0x1  }
0x99: {  	s19 =	simm.s32 $_scs_section_size  }
0x9a: {  	s4 =	simm.s32 $_size__tile_overlayer_lowered;
	s5 =	simm.s32 $_tile_overlayer_lowered  }
0x9b: {  	s22 =	simm.s32 $0x1BFF;
	s21 =	sshll.u32 s5, $0x1;
	s2 =	sadd.s32 s19, s18  }
0x9c: {  	s6 =	simm.s32 $0x0;
	s20 =	sshll.u32 s4, $0x1;
	s4 =	sadd.s32 s21, s2  }
0x9d: {  	[timem:s6], [sflag:s22] =	dma.local [hbm:s4], s20  }
0x9e: {  	_ =	swait.ge [sflag:s22], s20  }
0x9f: {  	s3 =	ssub.s32 $0x0, s20;
	[sflag:s22] =	ssyncset.done $0x0  }
0xa0: {  	[sflag:s22] =	ssyncadd.s32 s3;
	_ =	sdelay $0x1  }
0xa1: {  	s23 =	simm.s32 $0x1B8B  }
0xa2: {  	_ =	swait.ge [sflag:s23], $0x1  }
0xa3: {  	[sflag:s23] =	ssyncset.done $0x0  }
0xa4: {  	s25 =	simm.s32 $0x1B8E;
	s24 =	sld [smem:$0x3FFE];
	[sflag:s23] =	ssyncadd.s32 $0xFFFFFFFF  }
0xa5: {  	s26 =	simm.s32 $execute0_lowered;
	[smem:$0x3FD2] =	sst s25  }
0xa6: {  	s4 =	sshll.u32 s26, $0x1;
	_ =	strace $0x8000004C;
	[dreg:$0x1] =	wrdreg $0xFFFFFFFF  }
0xa7: {  	s28 =	simm.s32 $_size_execute0_lowered;
	s2 =	sadd.s32 s2, s4;
	[dreg:$0x0] =	wrdreg $0x0  }
0xa8: {  	s4 =	sshll.u32 s28, $0x1;
	[dreg:$0x2] =	wrdreg s2  }
0xa9: {  	[dreg:$0x3] =	wrdreg s4  }
0xaa: {  	[dreg:$0x4] =	wrdreg $0xC0  }
0xab: {  	_ =	task [dreg:s6], $0x5FFFF  }
0xac: {  	[dreg:$0x1] =	wrdreg $0xFFFFFFFF  }
0xad: {  	[dreg:$0x0] =	wrdreg $0x60  }
0xae: {  	[dreg:$0x2] =	wrdreg s24  }
0xaf: {  	[dreg:$0x3] =	wrdreg $0x6A000  }
0xb0: {  	[dreg:$0x4] =	wrdreg $0x9  }
0xb1: {  	_ =	task.clear_ibuf [dreg:s6], $0x5FFFF;
	_ =	strace $0x9000004C  }
0xb2: {  	s29 =	simm.s32 $0x9;
	_ =	strace $0x8000004E  }
0xb3: {  	_ =	swait.ge [sflag:s29], $0x1  }
0xb4: {  	[sflag:s29] =	ssyncadd.s32 $0xFFFFFFFF  }
0xb5: {  	_ =	strace $0x9000004E  }
0xb6: {  	_ =	sfence  }
0xb7: {  	s30 =	sld [smem:$0x0];
	_ =	sdelay $0x2  }
0xb8: {  	s31 =	sshll.u32 s1, $0xD;
	s1 =	sshrl.u32 s1, $0x2  }
0xb9: {  	s3 =	sand.u32 $0x4000, s31;
	s1 =	sadd.s32 s1, s30  }
0xba: {  	s0 =	sor.u32 s3, s0;
	s1 =	sshll.u32 s1, $0x11  }
0xbb: {  	s0 =	sor.u32 s1, s0  }
0xbc: {  	s0 =	sadd.s32 $0x8F2B, s0  }
0xbd: {  	[sflag:s0] =	ssyncadd.remote.s32 $0x1  }
0xbe: {  	_ =	sfence.sel $0xFFFF  }
0xbf: {  	[dreg:$0x0] =	wrdreg $0xFFFFFFFF;
	(pc) =	sbr.abs _section_cstart, $3  }
0xc0: {  	[dreg:$0x1] =	wrdreg $0xFFFFFFFF  }
0xc1: {  	_ =	task.clear_ibuf [dreg:s6], $0x2FFFF;
	_ =	strace $0x9FFFFFFF  }
0xc2: {  	(tm) =	ssettm $0x7FFFFFFF  }
0xc3: {  	_ =	shalt  }
tec
execute0_lowered:
.L_overlay_start_1:
0x0: {  	(tag) =	ssettag $0x1  }
0x1: {  	s0 =	rddreg [dreg:$0x0]  }
0x2: {  	s1 =	rddreg [dreg:$0x1];
	s3 =	simm.s32 $0x0;
	s12 =	stileid.u32  }
0x3: {  	s8 =	srdreg.scid;
	[smem:$0x7FF] =	sst s3  }
0x4: {  	s4 =	sadd.s32 $0x4A00, s0;
	s13 =	sadd.s32 $0x12D400, s0;
	s5 =	smul.u32 $0x61A80, s12  }
0x5: {  	s2 =	sadd.s32 $0xFC600, s0;
	s6 =	sadd.s32 $0x18F000, s0;
	s9 =	smul.u32 $0x186, s12  }
0x6: {  	s7 =	sadd.s32 $0x15E200, s0;
	s10 =	sand.u32 $0x1, s8;
	s21 =	smin.u32 s12, $0xA  }
0x7: {  	p2 =	seq.s32 s12, $0xF;
	_ =	strace $0x8000004D;
	s11 =	ssub.s32 $0x2, s10  }
0x8: {  	p1 =	seq.s32 s10, $0x0;
	p0 =	seq.s32 s10, $0x1;
	s5 =	sshrl.u32 s5, $0x2  }
0x9: {  	s8 =	sadd.s32 s21, s9;
	s22 =	sshrl.u32 s11, $0x1;
	s21 =	smov.u32 s2  }
0xa: {  	s14 =	sadd.s32 s5, s1;
	s21 =	smov.u32 @p1 s13;
	s13 =	smov.u32 @p0 s2  }
0xb: {  	s9 =	ssub.s32 s11, s22;
	s11 =	sadd.s32 $0x1D0A0, s0;
	[dreg:$0x3] =	wrdreg s13  }
0xc: {  	s0 =	simm.s32 $0xA;
	s24 =	sadd.s32 $0x17700, s14;
	[dreg:$0x4] =	wrdreg s14  }
0xd: {  	s0 =	simm.s32 @!p2 $0x10;
	[dreg:$0x5] =	wrdreg s24  }
0xe: {  	s29 =	smax.u32 s9, $0x1;
	[dreg:$0x8] =	wrdreg s0  }
0xf: {  	s31 =	sadd.s32 $0x1900, s14;
	[dreg:$0x9] =	wrdreg s29  }
0x10: {  	s9 =	sadd.s32 $0x4B00, s14;
	[dreg:$0xa] =	wrdreg s31  }
0x11: {  	s15 =	simm.s32 $0xA;
	s10 =	sadd.s32 $0x6400, s14;
	[dreg:$0xc] =	wrdreg s9  }
0x12: {  	s28 =	simm.s32 $0x6;
	s17 =	sadd.s32 $0x7D00, s14;
	[dreg:$0xd] =	wrdreg s10  }
0x13: {  	s30 =	simm.s32 $0x0;
	s18 =	sadd.s32 $0x9600, s14;
	[dreg:$0xe] =	wrdreg s17  }
0x14: {  	s16 =	smul.u32 $0x64000, s12;
	s19 =	sadd.s32 $0xAF00, s14;
	[dreg:$0xf] =	wrdreg s18  }
0x15: {  	s23 =	sshll.u32 s8, $0x4;
	s20 =	sadd.s32 $0xC800, s14;
	[dreg:$0x10] =	wrdreg s19  }
0x16: {  	p1 =	sgt.u32 s12, $0x9;
	s22 =	sadd.s32 $0xE100, s14;
	[dreg:$0x12] =	wrdreg s20  }
0x17: {  	s5 =	sadd.s32 s4, s23;
	s23 =	sadd.s32 $0xFA00, s14;
	[dreg:$0x13] =	wrdreg s22  }
0x18: {  	s2 =	simm.s32 $0x0;
	s25 =	sadd.s32 $0x1860, s5;
	[dreg:$0x14] =	wrdreg s23  }
0x19: {  	s26 =	sadd.s32 $0x19F00, s5;
	s5 =	sadd.s32 $0x3200, s14;
	[dreg:$0x6] =	wrdreg s25  }
0x1a: {  	s0 =	sshrl.u32 s16, $0x2;
	s24 =	sadd.s32 $0x11300, s14;
	[dreg:$0x7] =	wrdreg s26  }
0x1b: {  	s29 =	sadd.s32 $0x15E00, s14;
	s31 =	smul.u32 $0x19000, s12;
	[dreg:$0xb] =	wrdreg s5  }
0x1c: {  	s12 =	simm.s32 $0x5100;
	s16 =	simm.s32 $0x80;
	[dreg:$0x15] =	wrdreg s24  }
.Ltmp0:
0x1d: {  	s0 =	sadd.s32 s0, s1;
	[dreg:$0x18] =	wrdreg s29;
	(pc) =	sbr.rel .LBB2_1-.Ltmp0, $4  }
0x1e: {  	s20 =	simm.s32 $0x3100;
	s25 =	sadd.s32 $0x12C00, s14;
	[dreg:$0x11] =	wrdreg s0  }
0x1f: {  	s22 =	simm.s32 $0x180;
	s26 =	sadd.s32 $0x14500, s14;
	[dreg:$0x16] =	wrdreg s25  }
0x20: {  	s23 =	simm.s32 $0x4100;
	s24 =	simm.s32 $0x8;
	[dreg:$0x17] =	wrdreg s26  }
0x21: {  	v0 =	vimm.f32 $0.0e+00;
	s5 =	simm.s32 $0x7;
	[dreg:$0x19] =	wrdreg s31;
	s26 =	simm.s32 $0x5  }
.LBB2_13:
0x22: {  	[sflag:s15] =	ssyncadd.s32 $0xFFFFE700;
	s2 =	rddreg [dreg:$0x1a]  }
.LBB2_14:
0x23: {  	s2 =	sadd.s32 $0x1, s2;
	s0 =	rddreg [dreg:$0x9]  }
0x24: {  	p2 =	sne.s32 s2, s0  }
.Ltmp1:
0x25: {  	_ = 	snop;
	(pc) =	sbr.rel @!p2 .LBB2_15-.Ltmp1, $1  }
0x26: {  	_ =	sdelay $0x3  }
.LBB2_1:
0x27: {  	[dreg:$0x1a] =	wrdreg s2;
	s0 =	simm.s32 $0x80;
	s2 =	simm.s32 $0x0  }
.LBB2_2:
0x28: {  	p2 =	sne.s32 s0, $0x6380;
	[tilespmem:s2+$0x5100] =	vst v0;
	s9 =	smov.u32 s0;
	s0 =	sadd.s32 $0x80, s0  }
.Ltmp2:
0x29: {  	[tilespmem:s2+$0x5110] =	vst v0;
	(pc) =	sbr.rel @p2 .LBB2_2-.Ltmp2, $2  }
0x2a: {  	_ =	sdelay $0x2  }
0x2b: {  	s2 =	sshra.s32 s9, $0x2  }
0x2c: {  	[tilespmem:s2+$0x5100] =	vst v0  }
0x2d: {  	[tilespmem:s2+$0x5110] =	vst v0;
	s0 =	rddreg [dreg:$0x4]  }
0x2e: {  	[spmem:s0] =	stream.linear.scatter [tilespmem:s12], [sflag:$0xA], $0x1900, $0x38;
	[tilespmem:$0x1F0A0] =	vst v63  }
0x2f: {  	_ =	swait.ge [sflag:s15], $0x1900  }
0x30: {  	[sflag:s15] =	ssyncset.done $0x0  }
0x31: {  	s17 =	rddreg [dreg:$0xa];
	[sflag:s15] =	ssyncadd.s32 $0xFFFFE700  }
0x32: {  	[spmem:s17] =	stream.linear.scatter [tilespmem:s12], [sflag:$0xA], $0x1900, $0x38;
	[tilespmem:$0x1F0A0] =	vst v63  }
0x33: {  	_ =	swait.ge [sflag:s15], $0x1900  }
0x34: {  	[sflag:s15] =	ssyncset.done $0x0  }
0x35: {  	s18 =	rddreg [dreg:$0xb];
	[sflag:s15] =	ssyncadd.s32 $0xFFFFE700  }
0x36: {  	[spmem:s18] =	stream.linear.scatter [tilespmem:s12], [sflag:$0xA], $0x1900, $0x38;
	[tilespmem:$0x1F0A0] =	vst v63  }
0x37: {  	_ =	swait.ge [sflag:s15], $0x1900  }
0x38: {  	[sflag:s15] =	ssyncset.done $0x0  }
0x39: {  	s19 =	rddreg [dreg:$0xc];
	[sflag:s15] =	ssyncadd.s32 $0xFFFFE700  }
0x3a: {  	[spmem:s19] =	stream.linear.scatter [tilespmem:s12], [sflag:$0xA], $0x1900, $0x38;
	[tilespmem:$0x1F0A0] =	vst v63  }
0x3b: {  	_ =	swait.ge [sflag:s15], $0x1900  }
0x3c: {  	[sflag:s15] =	ssyncset.done $0x0  }
0x3d: {  	s25 =	rddreg [dreg:$0xd];
	[sflag:s15] =	ssyncadd.s32 $0xFFFFE700  }
0x3e: {  	[spmem:s25] =	stream.linear.scatter [tilespmem:s12], [sflag:$0xA], $0x1900, $0x38;
	[tilespmem:$0x1F0A0] =	vst v63  }
0x3f: {  	_ =	swait.ge [sflag:s15], $0x1900  }
0x40: {  	[sflag:s15] =	ssyncset.done $0x0  }
0x41: {  	s29 =	rddreg [dreg:$0xe];
	[sflag:s15] =	ssyncadd.s32 $0xFFFFE700  }
0x42: {  	[spmem:s29] =	stream.linear.scatter [tilespmem:s12], [sflag:$0xA], $0x1900, $0x38;
	[tilespmem:$0x1F0A0] =	vst v63  }
0x43: {  	_ =	swait.ge [sflag:s15], $0x1900  }
0x44: {  	[sflag:s15] =	ssyncset.done $0x0  }
0x45: {  	s2 =	rddreg [dreg:$0xf];
	[sflag:s15] =	ssyncadd.s32 $0xFFFFE700  }
0x46: {  	[spmem:s2] =	stream.linear.scatter [tilespmem:s12], [sflag:$0xA], $0x1900, $0x38;
	[tilespmem:$0x1F0A0] =	vst v63  }
0x47: {  	_ =	swait.ge [sflag:s15], $0x1900  }
0x48: {  	[sflag:s15] =	ssyncset.done $0x0  }
0x49: {  	s9 =	rddreg [dreg:$0x10];
	[sflag:s15] =	ssyncadd.s32 $0xFFFFE700  }
0x4a: {  	[spmem:s9] =	stream.linear.scatter [tilespmem:s12], [sflag:$0xA], $0x1900, $0x38;
	[tilespmem:$0x1F0A0] =	vst v63  }
0x4b: {  	_ =	swait.ge [sflag:s15], $0x1900  }
0x4c: {  	[sflag:s15] =	ssyncset.done $0x0  }
0x4d: {  	s10 =	rddreg [dreg:$0x12];
	[sflag:s15] =	ssyncadd.s32 $0xFFFFE700  }
0x4e: {  	[spmem:s10] =	stream.linear.scatter [tilespmem:s12], [sflag:$0xA], $0x1900, $0x38;
	[tilespmem:$0x1F0A0] =	vst v63  }
0x4f: {  	_ =	swait.ge [sflag:s15], $0x1900  }
0x50: {  	[sflag:s15] =	ssyncset.done $0x0  }
0x51: {  	s13 =	rddreg [dreg:$0x13];
	[sflag:s15] =	ssyncadd.s32 $0xFFFFE700  }
0x52: {  	[spmem:s13] =	stream.linear.scatter [tilespmem:s12], [sflag:$0xA], $0x1900, $0x38;
	[tilespmem:$0x1F0A0] =	vst v63  }
0x53: {  	_ =	swait.ge [sflag:s15], $0x1900  }
0x54: {  	[sflag:s15] =	ssyncset.done $0x0  }
0x55: {  	s14 =	rddreg [dreg:$0x14];
	[sflag:s15] =	ssyncadd.s32 $0xFFFFE700  }
0x56: {  	[spmem:s14] =	stream.linear.scatter [tilespmem:s12], [sflag:$0xA], $0x1900, $0x38;
	[tilespmem:$0x1F0A0] =	vst v63  }
0x57: {  	_ =	swait.ge [sflag:s15], $0x1900  }
0x58: {  	[sflag:s15] =	ssyncset.done $0x0  }
0x59: {  	s17 =	rddreg [dreg:$0x15];
	[sflag:s15] =	ssyncadd.s32 $0xFFFFE700  }
0x5a: {  	[spmem:s17] =	stream.linear.scatter [tilespmem:s12], [sflag:$0xA], $0x1900, $0x38;
	[tilespmem:$0x1F0A0] =	vst v63  }
0x5b: {  	_ =	swait.ge [sflag:s15], $0x1900  }
0x5c: {  	[sflag:s15] =	ssyncset.done $0x0  }
0x5d: {  	s18 =	rddreg [dreg:$0x16];
	[sflag:s15] =	ssyncadd.s32 $0xFFFFE700  }
0x5e: {  	[spmem:s18] =	stream.linear.scatter [tilespmem:s12], [sflag:$0xA], $0x1900, $0x38;
	[tilespmem:$0x1F0A0] =	vst v63  }
0x5f: {  	_ =	swait.ge [sflag:s15], $0x1900  }
0x60: {  	[sflag:s15] =	ssyncset.done $0x0  }
0x61: {  	s19 =	rddreg [dreg:$0x17];
	[sflag:s15] =	ssyncadd.s32 $0xFFFFE700  }
0x62: {  	[spmem:s19] =	stream.linear.scatter [tilespmem:s12], [sflag:$0xA], $0x1900, $0x38;
	[tilespmem:$0x1F0A0] =	vst v63  }
0x63: {  	_ =	swait.ge [sflag:s15], $0x1900  }
0x64: {  	[sflag:s15] =	ssyncset.done $0x0  }
0x65: {  	s25 =	rddreg [dreg:$0x18];
	[sflag:s15] =	ssyncadd.s32 $0xFFFFE700  }
0x66: {  	[spmem:s25] =	stream.linear.scatter [tilespmem:s12], [sflag:$0xA], $0x1900, $0x38;
	[tilespmem:$0x1F0A0] =	vst v63  }
0x67: {  	_ =	swait.ge [sflag:s15], $0x1900  }
0x68: {  	[sflag:s15] =	ssyncset.done $0x0  }
0x69: {  	s29 =	rddreg [dreg:$0x5];
	[sflag:s15] =	ssyncadd.s32 $0xFFFFE700  }
0x6a: {  	[spmem:s29] =	stream.linear.scatter [tilespmem:s12], [sflag:$0xA], $0xFA0, $0x38;
	[tilespmem:$0x1F0A0] =	vst v63  }
0x6b: {  	_ =	swait.ge [sflag:s15], $0xFA0  }
0x6c: {  	[sflag:s15] =	ssyncset.done $0x0  }
0x6d: {  	[sflag:s15] =	ssyncadd.s32 $0xFFFFF060  }
0x6e: {  	s31 =	simm.s32 $0x0;
	[bflag:$0x0] =	sbarrier.arrive $0xFFFF  }
.LBB2_4:
0x6f: {  	s0 =	smul.u32 $0xF, s31;
	_ =	sdelay $0x1  }
0x70: {  	s0 =	sadd.s32 s8, s0  }
0x71: {  	s0 =	sshll.u32 s0, $0x4  }
0x72: {  	s2 =	sadd.s32 s4, s0  }
0x73: {  	[tilespmem:s30], [sflag:$0xA] =	stream.linear.gather [hbm4b:s2+s30], $0x780, $0x38;
	[tilespmem:$0x1F0A0] =	vst v63  }
0x74: {  	_ =	swait.ge [sflag:s15], $0x780  }
0x75: {  	[sflag:s15] =	ssyncset.done $0x0  }
0x76: {  	s10 =	simm.s32 $0x780;
	s0 =	sadd.s32 s0, s11;
	[sflag:s15] =	ssyncadd.s32 $0xFFFFF880  }
0x77: {  	[tilespmem:s10], [sflag:$0xA] =	stream.linear.gather [hbm4b:s0+s30], $0x780, $0x38;
	[tilespmem:$0x1F0A0] =	vst v63  }
0x78: {  	_ =	swait.ge [sflag:s15], $0x780  }
0x79: {  	[sflag:s15] =	ssyncset.done $0x0  }
0x7a: {  	s13 =	simm.s32 $0x1100;
	[sflag:s15] =	ssyncadd.s32 $0xFFFFF880  }
0x7b: {  	[tilespmem:s13], [sflag:$0x1] =	stream.indirect.gather [hbm4b:s21+s16], $0x20, s30, s16, $0xb8;
	[tilespmem:$0x1F0A0] =	vst v63  }
0x7c: {  	s14 =	simm.s32 $0x2100  }
0x7d: {  	[tilespmem:s14], [sflag:$0x2] =	stream.indirect.gather [hbm4b:s21+s16], $0x20, s16, s16, $0xb8;
	[tilespmem:$0x1F0A0] =	vst v63  }
0x7e: {  	s17 =	simm.s32 $0x100;
	s18 =	sand.u32 $0x3, s30  }
0x7f: {  	[tilespmem:s20], [sflag:$0x3] =	stream.indirect.gather [hbm4b:s21+s16], $0x20, s17, s16, $0xb8;
	[tilespmem:$0x1F0A0] =	vst v63  }
0x80: {  	s9 =	sadd.s32 $0x1, s18  }
0x81: {  	[tilespmem:s23], [sflag:$0x4] =	stream.indirect.gather [hbm4b:s21+s16], $0x20, s22, s16, $0xb8;
	[tilespmem:$0x1F0A0] =	vst v63  }
0x82: {  	_ =	swait.ge [sflag:s9], $0x1000  }
0x83: {  	[sflag:s9] =	ssyncset.done $0x0  }
0x84: {  	s19 =	simm.s32 $0x7C0;
	[sflag:s9] =	ssyncadd.s32 $0xFFFFF000  }
0x85: {  	v1 =	vld [tilespmem:s19+$0xFFFFFFC0];
	_ =	sdelay $0x3  }
0x86: {  	s13 =	sshll.u32 s18, $0x7  }
0x87: {  	[tilespmem:s13+$0xF00] =	vst v1  }
0x88: {  	v1 =	vld [tilespmem:s19+$0xFFFFFFD0];
	_ =	sdelay $0x4  }
0x89: {  	[tilespmem:s13+$0xF10] =	vst v1  }
0x8a: {  	v1 =	vld [tilespmem:s19+$0xFFFFFFE0];
	_ =	sdelay $0x4  }
0x8b: {  	[tilespmem:s13+$0xF20] =	vst v1  }
0x8c: {  	v1 =	vld [tilespmem:s19+$0xFFFFFFF0];
	_ =	sdelay $0x4  }
0x8d: {  	[tilespmem:s13+$0xF30] =	vst v1  }
0x8e: {  	v1 =	vld [tilespmem:s19+$0x0];
	_ =	sdelay $0x4  }
0x8f: {  	[tilespmem:s13+$0xF40] =	vst v1  }
0x90: {  	v1 =	vld [tilespmem:s19+$0x10];
	_ =	sdelay $0x4  }
0x91: {  	[tilespmem:s13+$0xF50] =	vst v1  }
0x92: {  	v1 =	vld [tilespmem:s19+$0x20];
	_ =	sdelay $0x4  }
0x93: {  	[tilespmem:s13+$0xF60] =	vst v1  }
0x94: {  	v1 =	vld [tilespmem:s19+$0x30];
	_ =	sdelay $0x2  }
0x95: {  	s29 =	simm.s32 $0x200;
	p3 =	por $0x0, $0x0  }
0x96: {  	s2 =	simm.s32 $0x1;
	s10 =	simm.s32 $0x2;
	s14 =	sshll.u32 s18, $0xC  }
0x97: {  	s25 =	sadd.s32 $0xF00, s13;
	s17 =	sadd.s32 $0x1100, s14;
	[tilespmem:s13+$0xF70] =	vst v1;
	s13 =	sadd.s32 $0x5, s18  }
0x98: {  	[spmem:s1] =	stream.indirect.scatter.add.f32 [tilespmem:s17], [sflag:s13], $0x20, s25, s16, $0xb8;
	[tilespmem:$0x1F0A0] =	vst v63  }
0x99: {  	s0 =	simm.s32 $0x280;
	s14 =	simm.s32 $0x840;
	_ =	swait.ge @!p3 [sflag:s13], $0x1000  }
0x9a: {  	s18 =	simm.s32 @!p3 $0x80;
	s25 =	sand.u32 $0x3, s2;
	[sflag:s13] =	ssyncset.done @!p3 $0x0  }
.LBB2_5:
0x9b: {  	s19 =	sadd.s32 $0x1, s25;
	[sflag:s13] =	ssyncadd.s32 @!p3 $0xFFFFF000  }
0x9c: {  	s13 =	smov.u32 s2;
	s2 =	smov.u32 s10;
	s10 =	sadd.s32 $0x1, s10  }
0x9d: {  	[tilespmem:s17], [sflag:s9] =	stream.indirect.gather @!p3 [hbm4b:s21+s18], $0x20, s29, s18, $0xb8;
	[tilespmem:$0x1F0A0] =	vst v63  }
0x9e: {  	p2 =	sne.s32 s10, $0xF;
	s9 =	smov.u32 s19;
	_ =	swait.ge [sflag:s19], $0x1000  }
0x9f: {  	s29 =	smov.u32 s0;
	[sflag:s9] =	ssyncset.done $0x0  }
0xa0: {  	[sflag:s9] =	ssyncadd.s32 $0xFFFFF000  }
0xa1: {  	v1 =	vld [tilespmem:s14+$0xFFFFFFC0];
	_ =	sdelay $0x3  }
0xa2: {  	s18 =	sshll.u32 s25, $0x7  }
0xa3: {  	[tilespmem:s18+$0xF00] =	vst v1  }
0xa4: {  	v1 =	vld [tilespmem:s14+$0xFFFFFFD0];
	_ =	sdelay $0x4  }
0xa5: {  	[tilespmem:s18+$0xF10] =	vst v1  }
0xa6: {  	v1 =	vld [tilespmem:s14+$0xFFFFFFE0];
	_ =	sdelay $0x4  }
0xa7: {  	[tilespmem:s18+$0xF20] =	vst v1  }
0xa8: {  	v1 =	vld [tilespmem:s14+$0xFFFFFFF0];
	_ =	sdelay $0x4  }
0xa9: {  	[tilespmem:s18+$0xF30] =	vst v1  }
0xaa: {  	v1 =	vld [tilespmem:s14+$0x0];
	_ =	sdelay $0x4  }
0xab: {  	[tilespmem:s18+$0xF40] =	vst v1  }
0xac: {  	v1 =	vld [tilespmem:s14+$0x10];
	_ =	sdelay $0x4  }
0xad: {  	[tilespmem:s18+$0xF50] =	vst v1  }
0xae: {  	v1 =	vld [tilespmem:s14+$0x20];
	_ =	sdelay $0x4  }
0xaf: {  	[tilespmem:s18+$0xF60] =	vst v1  }
0xb0: {  	v1 =	vld [tilespmem:s14+$0x30];
	_ =	sdelay $0x3  }
.Ltmp3:
0xb1: {  	s17 =	sshll.u32 s25, $0xC;
	p3 =	sgt.u32 s13, $0xA;
	(pc) =	sbr.rel @p2 .LBB2_5-.Ltmp3, $4  }
0xb2: {  	s13 =	sadd.s32 $0x5, s25;
	s17 =	sadd.s32 $0x1100, s17;
	s19 =	sadd.s32 $0xF00, s18;
	[tilespmem:s18+$0xF70] =	vst v1  }
0xb3: {  	[spmem:s1] =	stream.indirect.scatter.add.f32 [tilespmem:s17], [sflag:s13], $0x20, s19, s16, $0xb8;
	[tilespmem:$0x1F0A0] =	vst v63  }
0xb4: {  	s0 =	sadd.s32 $0x80, s0;
	s14 =	sadd.s32 $0x80, s14;
	_ =	swait.ge @!p3 [sflag:s13], $0x1000  }
0xb5: {  	s25 =	sand.u32 $0x3, s2;
	s18 =	simm.s32 @!p3 $0x80;
	[sflag:s13] =	ssyncset.done @!p3 $0x0  }
0xb6: {  	s10 =	sadd.s32 $0x1, s25;
	[sflag:s13] =	ssyncadd.s32 @!p3 $0xFFFFF000  }
0xb7: {  	[tilespmem:s17], [sflag:s9] =	stream.indirect.gather @!p3 [hbm4b:s21+s18], $0x20, s29, s18, $0xb8;
	[tilespmem:$0x1F0A0] =	vst v63  }
0xb8: {  	_ =	swait.ge [sflag:s10], $0x1000  }
0xb9: {  	[sflag:s10] =	ssyncset.done $0x0  }
0xba: {  	[sflag:s10] =	ssyncadd.s32 $0xFFFFF000  }
0xbb: {  	v1 =	vld [tilespmem:s14+$0xFFFFFFC0];
	_ =	sdelay $0x3  }
0xbc: {  	s18 =	sshll.u32 s25, $0x7  }
0xbd: {  	[tilespmem:s18+$0xF00] =	vst v1  }
0xbe: {  	v1 =	vld [tilespmem:s14+$0xFFFFFFD0];
	_ =	sdelay $0x4  }
0xbf: {  	[tilespmem:s18+$0xF10] =	vst v1  }
0xc0: {  	v1 =	vld [tilespmem:s14+$0xFFFFFFE0];
	_ =	sdelay $0x4  }
0xc1: {  	[tilespmem:s18+$0xF20] =	vst v1  }
0xc2: {  	v1 =	vld [tilespmem:s14+$0xFFFFFFF0];
	_ =	sdelay $0x4  }
0xc3: {  	[tilespmem:s18+$0xF30] =	vst v1  }
0xc4: {  	v1 =	vld [tilespmem:s14+$0x0];
	_ =	sdelay $0x4  }
0xc5: {  	[tilespmem:s18+$0xF40] =	vst v1  }
0xc6: {  	v1 =	vld [tilespmem:s14+$0x10];
	_ =	sdelay $0x4  }
0xc7: {  	[tilespmem:s18+$0xF50] =	vst v1  }
0xc8: {  	v1 =	vld [tilespmem:s14+$0x20];
	_ =	sdelay $0x4  }
0xc9: {  	[tilespmem:s18+$0xF60] =	vst v1  }
0xca: {  	v1 =	vld [tilespmem:s14+$0x30];
	_ =	sdelay $0x3  }
0xcb: {  	s19 =	sshll.u32 s25, $0xC;
	p2 =	sgt.u32 s2, $0xA  }
0xcc: {  	s2 =	sadd.s32 $0x1100, s19;
	s9 =	sadd.s32 $0x5, s25;
	s29 =	sadd.s32 $0xF00, s18;
	[tilespmem:s18+$0xF70] =	vst v1  }
0xcd: {  	[spmem:s1] =	stream.indirect.scatter.add.f32 [tilespmem:s2], [sflag:s9], $0x20, s29, s16, $0xb8;
	[tilespmem:$0x1F0A0] =	vst v63  }
0xce: {  	_ =	swait.ge @!p2 [sflag:s9], $0x1000  }
0xcf: {  	[sflag:s9] =	ssyncset.done @!p2 $0x0  }
0xd0: {  	s13 =	simm.s32 @!p2 $0x80;
	[sflag:s9] =	ssyncadd.s32 @!p2 $0xFFFFF000  }
0xd1: {  	[tilespmem:s2], [sflag:s10] =	stream.indirect.gather @!p2 [hbm4b:s21+s13], $0x20, s0, s13, $0xb8;
	[tilespmem:$0x1F0A0] =	vst v63  }
0xd2: {  	_ =	swait.ge [sflag:s24], $0x1000  }
0xd3: {  	[sflag:s24] =	ssyncset.done $0x0  }
0xd4: {  	[sflag:s24] =	ssyncadd.s32 $0xFFFFF000  }
0xd5: {  	_ =	swait.ge [sflag:s26], $0x1000  }
0xd6: {  	[sflag:s26] =	ssyncset.done $0x0  }
0xd7: {  	s31 =	sadd.s32 $0x1, s31;
	[sflag:s26] =	ssyncadd.s32 $0xFFFFF000  }
0xd8: {  	p2 =	sne.s32 s31, $0x1A;
	_ =	swait.ge [sflag:s28], $0x1000  }
.Ltmp4:
0xd9: {  	[sflag:s28] =	ssyncset.done $0x0;
	(pc) =	sbr.rel @p2 .LBB2_4-.Ltmp4, $4  }
0xda: {  	[sflag:s28] =	ssyncadd.s32 $0xFFFFF000  }
0xdb: {  	_ =	swait.ge [sflag:s5], $0x1000  }
0xdc: {  	[sflag:s5] =	ssyncset.done $0x0  }
0xdd: {  	[sflag:s5] =	ssyncadd.s32 $0xFFFFF000  }
0xde: {  	s0 =	simm.s32 @!p1 $0x0;
	s2 =	rddreg [dreg:$0x6]  }
0xdf: {  	[tilespmem:s0], [sflag:$0xA] =	stream.linear.gather @!p1 [hbm4b:s2+s0], $0x80, $0x38;
	[tilespmem:$0x1F0A0] =	vst v63  }
0xe0: {  	s2 =	simm.s32 @!p1 $0xA  }
0xe1: {  	_ =	swait.ge @!p1 [sflag:s2], $0x80  }
0xe2: {  	[sflag:s2] =	ssyncset.done @!p1 $0x0  }
0xe3: {  	s9 =	simm.s32 @!p1 $0x780;
	s10 =	rddreg [dreg:$0x7];
	[sflag:s2] =	ssyncadd.s32 @!p1 $0xFFFFFF80  }
0xe4: {  	[tilespmem:s9], [sflag:$0xA] =	stream.linear.gather @!p1 [hbm4b:s10+s0], $0x80, $0x38;
	[tilespmem:$0x1F0A0] =	vst v63  }
0xe5: {  	_ =	swait.ge @!p1 [sflag:s2], $0x80  }
0xe6: {  	s9 =	simm.s32 @!p1 $0x80;
	[sflag:s2] =	ssyncset.done @!p1 $0x0  }
0xe7: {  	s10 =	simm.s32 @!p1 $0x1100;
	s13 =	rddreg [dreg:$0x3];
	[sflag:s2] =	ssyncadd.s32 @!p1 $0xFFFFFF80  }
0xe8: {  	[tilespmem:s10], [sflag:$0x9] =	stream.indirect.gather @!p1 [hbm4b:s13+s9], $0x20, s0, s9, $0xb8;
	[tilespmem:$0x1F0A0] =	vst v63  }
0xe9: {  	s0 =	simm.s32 @!p1 $0x9  }
0xea: {  	_ =	swait.ge @!p1 [sflag:s0], $0x1000  }
0xeb: {  	[sflag:s0] =	ssyncset.done @!p1 $0x0  }
0xec: {  	[sflag:s0] =	ssyncadd.s32 @!p1 $0xFFFFF000  }
0xed: {  	v1 =	vld @!p1 [tilespmem:$0x780]  }
0xee: {  	v2 =	vld @!p1 [tilespmem:$0x790]  }
0xef: {  	v3 =	vld @!p1 [tilespmem:$0x7A0]  }
0xf0: {  	v4 =	vld @!p1 [tilespmem:$0x7B0]  }
0xf1: {  	v5 =	vld @!p1 [tilespmem:$0x7C0]  }
0xf2: {  	[tilespmem:$0xF00] =	vst @!p1 v1;
	v1 =	vld @!p1 [tilespmem:$0x7D0]  }
0xf3: {  	[tilespmem:$0xF10] =	vst @!p1 v2;
	v2 =	vld @!p1 [tilespmem:$0x7E0]  }
0xf4: {  	[tilespmem:$0xF20] =	vst @!p1 v3;
	v3 =	vld @!p1 [tilespmem:$0x7F0]  }
0xf5: {  	[tilespmem:$0xF30] =	vst @!p1 v4  }
0xf6: {  	[tilespmem:$0xF40] =	vst @!p1 v5  }
0xf7: {  	[tilespmem:$0xF50] =	vst @!p1 v1  }
0xf8: {  	[tilespmem:$0xF60] =	vst @!p1 v2  }
0xf9: {  	s0 =	simm.s32 @!p1 $0xF00;
	[tilespmem:$0xF70] =	vst @!p1 v3  }
0xfa: {  	[spmem:s1] =	stream.indirect.scatter.add.f32 @!p1 [tilespmem:s10], [sflag:$0xA], $0x20, s0, s9, $0xb8;
	[tilespmem:$0x1F0A0] =	vst v63  }
.Ltmp5:
0xfb: {  	_ =	swait.ge @!p1 [sflag:s2], $0x1000;
	(pc) =	sbr.rel @!p0 .LBB2_8-.Ltmp5, $3  }
0xfc: {  	[sflag:s2] =	ssyncset.done @!p1 $0x0  }
0xfd: {  	[sflag:s2] =	ssyncadd.s32 @!p1 $0xFFFFF000  }
0xfe: {  	[bflag:$0x0] =	sbarrier.arrive $0xFFFF;
	_ =	sdelay $0x1  }
0xff: {  	s2 =	rddreg [dreg:$0x11]  }
0x100: {  	[tilespmem:s12], [sflag:$0xA] =	stream.linear.gather [spmem:s2], $0x1900, $0x38;
	[tilespmem:$0x1F0A0] =	vst v63  }
0x101: {  	_ =	swait.ge [sflag:s15], $0x1900  }
0x102: {  	s31 =	rddreg [dreg:$0x8]  }
0x103: {  	s9 =	rddreg [dreg:$0x19];
	p2 =	sne.s32 s31, $0x1  }
.Ltmp6:
0x104: {  	[sflag:s15] =	ssyncset.done $0x0;
	s0 =	sshrl.u32 s9, $0x3;
	(pc) =	sbr.rel @!p2 .LBB2_13-.Ltmp6, $4  }
0x105: {  	[sflag:s15] =	ssyncadd.s32 $0xFFFFE700;
	s0 =	sadd.s32 s7, s0  }
0x106: {  	[hbm4b:s0+s3] =	stream.linear.scatter [tilespmem:s12], [sflag:$0xA], $0x1900, $0x38;
	[tilespmem:$0x1F0A0] =	vst v63  }
0x107: {  	_ =	swait.ge [sflag:s15], $0x1900  }
0x108: {  	s0 =	sadd.s32 $0xFFFFFFFF, s31;
	[sflag:s15] =	ssyncset.done $0x0  }
.LBB2_12:
0x109: {  	[sflag:s15] =	ssyncadd.s32 $0xFFFFE700;
	s2 =	sadd.s32 $0x1900, s2;
	s9 =	sadd.s32 $0x1900, s9  }
0x10a: {  	[tilespmem:s12], [sflag:$0xA] =	stream.linear.gather [spmem:s2], $0x1900, $0x38;
	[tilespmem:$0x1F0A0] =	vst v63  }
0x10b: {  	p2 =	sne.s32 s0, $0x1;
	s0 =	sadd.s32 $0xFFFFFFFF, s0;
	_ =	swait.ge [sflag:s15], $0x1900  }
.Ltmp7:
0x10c: {  	s10 =	sshrl.u32 s9, $0x3;
	[sflag:s15] =	ssyncset.done $0x0;
	(pc) =	sbr.rel @p2 .LBB2_12-.Ltmp7, $4  }
0x10d: {  	s10 =	sadd.s32 s7, s10;
	[sflag:s15] =	ssyncadd.s32 $0xFFFFE700  }
0x10e: {  	[hbm4b:s10+s3] =	stream.linear.scatter [tilespmem:s12], [sflag:$0xA], $0x1900, $0x38;
	[tilespmem:$0x1F0A0] =	vst v63  }
0x10f: {  	_ =	swait.ge [sflag:s15], $0x1900  }
0x110: {  	[sflag:s15] =	ssyncset.done $0x0  }
.Ltmp8:
0x111: {  	_ = 	snop;
	(pc) =	sbr.rel .LBB2_13-.Ltmp8, $1  }
0x112: {  	_ =	sdelay $0x3  }
.LBB2_8:
0x113: {  	s2 =	rddreg [dreg:$0x11]  }
0x114: {  	[tilespmem:s12], [sflag:$0xA] =	stream.linear.gather [spmem:s2], $0x1900, $0x38;
	[tilespmem:$0x1F0A0] =	vst v63  }
0x115: {  	_ =	swait.ge [sflag:s15], $0x1900  }
0x116: {  	s31 =	rddreg [dreg:$0x8]  }
0x117: {  	s9 =	rddreg [dreg:$0x19];
	p2 =	seq.s32 s31, $0x1  }
.Ltmp9:
0x118: {  	[sflag:s15] =	ssyncset.done $0x0;
	s0 =	sshrl.u32 s9, $0x3;
	(pc) =	sbr.rel @p2 .LBB2_10-.Ltmp9, $4  }
0x119: {  	[sflag:s15] =	ssyncadd.s32 $0xFFFFE700;
	s0 =	sadd.s32 s6, s0  }
0x11a: {  	[hbm4b:s0+s3] =	stream.linear.scatter [tilespmem:s12], [sflag:$0xA], $0x1900, $0x38;
	[tilespmem:$0x1F0A0] =	vst v63  }
0x11b: {  	_ =	swait.ge [sflag:s15], $0x1900  }
0x11c: {  	s0 =	sadd.s32 $0xFFFFFFFF, s31;
	[sflag:s15] =	ssyncset.done $0x0  }
.LBB2_9:
0x11d: {  	[sflag:s15] =	ssyncadd.s32 $0xFFFFE700;
	s2 =	sadd.s32 $0x1900, s2;
	s9 =	sadd.s32 $0x1900, s9  }
0x11e: {  	[tilespmem:s12], [sflag:$0xA] =	stream.linear.gather [spmem:s2], $0x1900, $0x38;
	[tilespmem:$0x1F0A0] =	vst v63  }
0x11f: {  	p2 =	seq.s32 s0, $0x1;
	s0 =	sadd.s32 $0xFFFFFFFF, s0;
	_ =	swait.ge [sflag:s15], $0x1900  }
.Ltmp10:
0x120: {  	s10 =	sshrl.u32 s9, $0x3;
	[sflag:s15] =	ssyncset.done $0x0;
	(pc) =	sbr.rel @!p2 .LBB2_9-.Ltmp10, $4  }
0x121: {  	s10 =	sadd.s32 s6, s10;
	[sflag:s15] =	ssyncadd.s32 $0xFFFFE700  }
0x122: {  	[hbm4b:s10+s3] =	stream.linear.scatter [tilespmem:s12], [sflag:$0xA], $0x1900, $0x38;
	[tilespmem:$0x1F0A0] =	vst v63  }
0x123: {  	_ =	swait.ge [sflag:s15], $0x1900  }
0x124: {  	[sflag:s15] =	ssyncset.done $0x0  }
.LBB2_10:
.Ltmp11:
0x125: {  	(pc) =	sbr.rel .LBB2_14-.Ltmp11, $2  }
0x126: {  	_ =	sdelay $0x2  }
0x127: {  	[sflag:s15] =	ssyncadd.s32 $0xFFFFE700;
	s2 =	rddreg [dreg:$0x1a]  }
.LBB2_15:
0x128: {  	_ =	sfence.sel $0x180000  }
0x129: {  	[bflag:$0x0] =	sbarrier.arrive $0xFFFF  }
0x12a: {  	_ =	strace $0x9000004D  }
0x12b: {  	s0 =	stileid.u32;
	[bflag:$0x2] =	sbarrier.arrive $0xFFFF  }
0x12c: {  	p0 =	sne.s32 s0, $0x0;
	s0 =	rddreg [dreg:$0x2]  }
0x12d: {  	s0 =	sadd.s32 @!p0 $0x100000, s0  }
0x12e: {  	[sflag:s0] =	ssyncadd.tile.s32 @!p0 $0x1;
	_ =	shalt  }
.Lfunc_end2:
_tile_overlayer_lowered:
.L_overlay_start_2:
0x12f: {  	(tag) =	ssettag $0x2  }
0x130: {  	s0 =	rddreg [dreg:$0x0];
	s2 =	stileid.u32  }
0x131: {  	s1 =	rddreg [dreg:$0x1];
	p0 =	sne.s32 s2, $0x0  }
0x132: {  	s3 =	rddreg [dreg:$0x2];
	[bflag:$0x3] =	sbarrier.arrive $0xFFFF;
	s2 =	simm.s32 @!p0 $0x1C0A  }
0x133: {  	[timem:s3], [sflag:s2] =	dma.local @!p0 [hbm:s0], s1  }
0x134: {  	s0 =	simm.s32 @!p0 $0xA  }
0x135: {  	_ =	swait.ge @!p0 [sflag:s0], s1  }
0x136: {  	s1 =	ssub.s32 @!p0 $0x0, s1;
	[sflag:s0] =	ssyncset.done @!p0 $0x0  }
0x137: {  	[sflag:s0] =	ssyncadd.s32 @!p0 s1  }
0x138: {  	[bflag:$0x3] =	sbarrier.arrive $0xFFFF  }
0x139: {  	_ =	shalt  }

// kernel: kernel.19.cloned.1.call-start
scs
__scs_entry_jumppad:
0x0: {  	(pc) =	sbr.rel $0x88, $3  }
0x1: {  	(tag) =	ssettag $0x0;
	lr =	simm.s32 $0x1  }
0x2: {  	[smem:$0x3F96] =	sst lr;
	_ =	strace $0xD0000000  }
0x3: {  	_ = 	snop  }
0x4: {  	_ = 	snop  }
0x5: {  	_ = 	snop  }
0x6: {  	_ = 	snop  }
0x7: {  	_ = 	snop  }
__scs_overlays_trampoline_lowered:
0x8: {  	[smem:$0x3FA5] =	sst s0  }
0x9: {  	[smem:$0x3FA6] =	sst s1  }
0xa: {  	[smem:$0x3FA7] =	sst s2  }
0xb: {  	[smem:$0x3FA8] =	sst s3  }
0xc: {  	[smem:$0x3FA9] =	sst s4  }
0xd: {  	[smem:$0x3FAA] =	sst s5  }
0xe: {  	[smem:$0x3FAB] =	sst s6  }
0xf: {  	[smem:$0x3FAC] =	sst s7  }
0x10: {  	[smem:$0x3FAD] =	sst s8  }
0x11: {  	[smem:$0x3FAE] =	sst s9;
	s0 =	simm.s32 @!p0 $0x0  }
0x12: {  	s1 =	sld [smem:$0x3F94];
	s0 =	simm.s32 @p0 $0x1  }
0x13: {  	[smem:$0x3FAF] =	sst s0;
	s0 =	simm.s32 @!p1 $0x0  }
0x14: {  	s2 =	sld [smem:$0x3F93];
	s0 =	simm.s32 @p1 $0x1  }
0x15: {  	[smem:$0x3FB0] =	sst s0;
	s0 =	simm.s32 @!p2 $0x0  }
0x16: {  	s3 =	sld [smem:$0x3FDB];
	s0 =	simm.s32 @p2 $0x1  }
0x17: {  	s4 =	simm.s32 $0x1BF5;
	[smem:$0x3FB2] =	sst s0  }
0x18: {  	s0 =	sld [smem:$0x3F95];
	_ =	swait.ge [sflag:s4], $0x0  }
0x19: {  	s7 =	sld [smem:$0x3F96]  }
0x1a: {  	s8 =	sadd.s32 $0xFFFFE003, lr  }
0x1b: {  	s9 =	sadd.s32 $0xFFFFFEF7, lr;
	s5 =	simm.s32 $0xFFFFFFFF;
	p2 =	slt.u32 s8, $0xFFFFF086  }
0x1c: {  	p1 =	slt.u32 s9, $0xF7A;
	s5 =	simm.s32 @!p2 $0x0  }
0x1d: {  	s5 =	simm.s32 @p1 $0x1;
	p0 =	seq.s32 s7, s2  }
0x1e: {  	s7 =	smul.u32 @!p0 $0xF7A, s2;
	p2 =	seq.s32 @!p0 s5, $0x0  }
0x1f: {  	s9 =	smul.u32 $0xF7A, s1;
	s8 =	simm.s32 @!p0 $0x1BF5;
	p2 =	por !p2, p0  }
0x20: {  	[sflag:s8] =	ssyncset.s32 @!p0 $0xFFFFF086;
	s6 =	sadd.s32 @!p0 s3, s7;
	s7 =	simm.s32 @!p0 $0x108  }
0x21: {  	s3 =	sadd.s32 s3, s9;
	s6 =	sadd.s32 @!p0 $0x88, s6;
	s7 =	simm.s32 @p2 $0x1082  }
0x22: {  	[simem:s7], [sflag:s8] =	dma.local @!p0 [hbm:s6], $0xF7A  }
0x23: {  	s9 =	sor.u32 $0xD0000000, s2;
	s6 =	simm.s32 $0x108;
	_ =	swait.ge @!p0 [sflag:s8], $0x0  }
0x24: {  	s3 =	sadd.s32 $0x88, s3;
	s6 =	simm.s32 @!p1 $0x1082;
	[sflag:s4] =	ssyncset.s32 $0xFFFFF086  }
0x25: {  	[simem:s6], [sflag:s4] =	dma.local [hbm:s3], $0xF7A  }
0x26: {  	[smem:$0x3F96] =	sst s1;
	(tag) =	ssettag s2;
	_ =	strace s9  }
0x27: {  	s1 =	sld [smem:$0x3FA6]  }
0x28: {  	s2 =	sld [smem:$0x3FA7]  }
0x29: {  	s4 =	sld [smem:$0x3FA9]  }
0x2a: {  	p0 =	seq.s32 s5, $0x0;
	s5 =	sld [smem:$0x3FAA]  }
0x2b: {  	s6 =	sld [smem:$0x3FAB]  }
0x2c: {  	s7 =	sld [smem:$0x3FAC]  }
0x2d: {  	s3 =	simm.s32 $0x108;
	s8 =	sld [smem:$0x3FAD]  }
0x2e: {  	s3 =	simm.s32 @!p0 $0x1082;
	s9 =	sld [smem:$0x3FAE]  }
0x2f: {  	lr =	sadd.s32 s0, s3;
	s0 =	sld [smem:$0x3FA5]  }
0x30: {  	s3 =	sld [smem:$0x3FA8]  }
0x31: {  	[smem:$0x3FB1] =	sst s10  }
0x32: {  	s10 =	sld [smem:$0x3FAF];
	_ =	sdelay $0x3  }
0x33: {  	p0 =	seq.s32 s10, $0x1;
	s10 =	sld [smem:$0x3FB1];
	_ =	sdelay $0x3  }
0x34: {  	[smem:$0x3FB1] =	sst s10  }
0x35: {  	s10 =	sld [smem:$0x3FB0];
	_ =	sdelay $0x3  }
0x36: {  	p1 =	seq.s32 s10, $0x1;
	s10 =	sld [smem:$0x3FB1];
	_ =	sdelay $0x3  }
0x37: {  	[smem:$0x3FB1] =	sst s10  }
0x38: {  	s10 =	sld [smem:$0x3FB2]  }
0x39: {  	_ = 	snop;
	(pc) =	sbr.ind lr, $3  }
0x3a: {  	_ = 	snop  }
0x3b: {  	_ = 	snop  }
0x3c: {  	p2 =	seq.s32 s10, $0x1;
	s10 =	sld [smem:$0x3FB1]  }
0x3d: {  	_ =	shalt  }
0x3e: {  	_ =	shalt  }
0x3f: {  	_ =	shalt  }
0x40: {  	_ =	shalt  }
0x41: {  	_ =	shalt  }
0x42: {  	_ =	shalt  }
0x43: {  	_ =	shalt  }
0x44: {  	_ =	shalt  }
0x45: {  	_ =	shalt  }
0x46: {  	_ =	shalt  }
0x47: {  	_ =	shalt  }
0x48: {  	_ =	shalt  }
0x49: {  	_ =	shalt  }
0x4a: {  	_ =	shalt  }
0x4b: {  	_ =	shalt  }
0x4c: {  	_ =	shalt  }
0x4d: {  	_ =	shalt  }
0x4e: {  	_ =	shalt  }
0x4f: {  	_ =	shalt  }
0x50: {  	_ =	shalt  }
0x51: {  	_ =	shalt  }
0x52: {  	_ =	shalt  }
0x53: {  	_ =	shalt  }
0x54: {  	_ =	shalt  }
0x55: {  	_ =	shalt  }
0x56: {  	_ =	shalt  }
0x57: {  	_ =	shalt  }
0x58: {  	_ =	shalt  }
0x59: {  	_ =	shalt  }
0x5a: {  	_ =	shalt  }
0x5b: {  	_ =	shalt  }
0x5c: {  	_ =	shalt  }
0x5d: {  	_ =	shalt  }
0x5e: {  	_ =	shalt  }
0x5f: {  	_ =	shalt  }
0x60: {  	_ =	shalt  }
0x61: {  	_ =	shalt  }
0x62: {  	_ =	shalt  }
0x63: {  	_ =	shalt  }
0x64: {  	_ =	shalt  }
0x65: {  	_ =	shalt  }
0x66: {  	_ =	shalt  }
0x67: {  	_ =	shalt  }
0x68: {  	_ =	shalt  }
0x69: {  	_ =	shalt  }
0x6a: {  	_ =	shalt  }
0x6b: {  	_ =	shalt  }
0x6c: {  	_ =	shalt  }
0x6d: {  	_ =	shalt  }
0x6e: {  	_ =	shalt  }
0x6f: {  	_ =	shalt  }
0x70: {  	_ =	shalt  }
0x71: {  	_ =	shalt  }
0x72: {  	_ =	shalt  }
0x73: {  	_ =	shalt  }
0x74: {  	_ =	shalt  }
0x75: {  	_ =	shalt  }
0x76: {  	_ =	shalt  }
0x77: {  	_ =	shalt  }
0x78: {  	_ =	shalt  }
0x79: {  	_ =	shalt  }
0x7a: {  	_ =	shalt  }
0x7b: {  	_ =	shalt  }
0x7c: {  	_ =	shalt  }
0x7d: {  	_ =	shalt  }
0x7e: {  	_ =	shalt  }
0x7f: {  	_ =	shalt  }
0x80: {  	_ =	shalt  }
0x81: {  	_ =	shalt  }
0x82: {  	_ =	shalt  }
0x83: {  	_ =	shalt  }
0x84: {  	_ =	shalt  }
0x85: {  	_ =	shalt  }
0x86: {  	_ =	shalt  }
0x87: {  	_ =	shalt  }
.Lfunc_end0:
.L_simem_size_0:
called_computation.3_lowered:
.L_overlay_start_0:
0x88: {  	s2 =	sld [smem:$0x3FD9]  }
0x89: {  	s3 =	sld [smem:$0x3FFE];
	_ =	sdelay $0x1  }
0x8a: {  	s1 =	srdreg.scid  }
0x8b: {  	s0 =	sand.u32 $0x1, s1  }
0x8c: {  	s16 =	sshll.u32 s0, $0xA;
	s2 =	sadd.s32 s3, s2  }
0x8d: {  	s2 =	sadd.s32 s2, s16  }
0x8e: {  	[smem:$0x3FBD] =	sst s2  }
0x8f: {  	_ = 	snop  }
0x90: {  	(tm) =	ssettm $0x1  }
0x91: {  	s17 =	sld [smem:$0x3FFB];
	_ =	sdelay $0x3  }
0x92: {  	_ =	strace s17  }
0x93: {  	s2 =	sld [smem:$0x3FFC];
	_ =	sdelay $0x3  }
0x94: {  	_ =	strace s2  }
0x95: {  	s2 =	sld [smem:$0x3FFD];
	_ =	sdelay $0x3  }
0x96: {  	_ =	strace s2  }
0x97: {  	_ =	strace $0x8FFFFFFF  }
0x98: {  	s18 =	sld [smem:$0x3FDB];
	_ =	sdelay $0x1  }
0x99: {  	s19 =	simm.s32 $_scs_section_size  }
0x9a: {  	s4 =	simm.s32 $_size__tile_overlayer_lowered;
	s5 =	simm.s32 $_tile_overlayer_lowered  }
0x9b: {  	s22 =	simm.s32 $0x1BFF;
	s21 =	sshll.u32 s5, $0x1;
	s2 =	sadd.s32 s19, s18  }
0x9c: {  	s6 =	simm.s32 $0x0;
	s20 =	sshll.u32 s4, $0x1;
	s4 =	sadd.s32 s21, s2  }
0x9d: {  	[timem:s6], [sflag:s22] =	dma.local [hbm:s4], s20  }
0x9e: {  	_ =	swait.ge [sflag:s22], s20  }
0x9f: {  	s3 =	ssub.s32 $0x0, s20;
	[sflag:s22] =	ssyncset.done $0x0  }
0xa0: {  	[sflag:s22] =	ssyncadd.s32 s3;
	_ =	sdelay $0x1  }
0xa1: {  	s23 =	simm.s32 $0x1B8B  }
0xa2: {  	_ =	swait.ge [sflag:s23], $0x1  }
0xa3: {  	[sflag:s23] =	ssyncset.done $0x0  }
0xa4: {  	s25 =	simm.s32 $0x1B8E;
	s24 =	sld [smem:$0x3FFE];
	[sflag:s23] =	ssyncadd.s32 $0xFFFFFFFF  }
0xa5: {  	s26 =	simm.s32 $execute0_lowered;
	[smem:$0x3FD2] =	sst s25  }
0xa6: {  	s4 =	sshll.u32 s26, $0x1;
	_ =	strace $0x8000004F;
	[dreg:$0x1] =	wrdreg $0xFFFFFFFF  }
0xa7: {  	s28 =	simm.s32 $_size_execute0_lowered;
	s2 =	sadd.s32 s2, s4;
	[dreg:$0x0] =	wrdreg $0x0  }
0xa8: {  	s4 =	sshll.u32 s28, $0x1;
	[dreg:$0x2] =	wrdreg s2  }
0xa9: {  	[dreg:$0x3] =	wrdreg s4  }
0xaa: {  	[dreg:$0x4] =	wrdreg $0xC0  }
0xab: {  	_ =	task [dreg:s6], $0x5FFFF  }
0xac: {  	[dreg:$0x1] =	wrdreg $0xFFFFFFFF  }
0xad: {  	[dreg:$0x0] =	wrdreg $0x60  }
0xae: {  	[dreg:$0x2] =	wrdreg s24  }
0xaf: {  	[dreg:$0x3] =	wrdreg $0x6A000  }
0xb0: {  	[dreg:$0x4] =	wrdreg $0x9  }
0xb1: {  	_ =	task.clear_ibuf [dreg:s6], $0x5FFFF;
	_ =	strace $0x9000004F  }
0xb2: {  	s29 =	simm.s32 $0x9;
	_ =	strace $0x80000051  }
0xb3: {  	_ =	swait.ge [sflag:s29], $0x1  }
0xb4: {  	[sflag:s29] =	ssyncadd.s32 $0xFFFFFFFF  }
0xb5: {  	_ =	strace $0x90000051  }
0xb6: {  	_ =	sfence  }
0xb7: {  	s30 =	sld [smem:$0x0];
	_ =	sdelay $0x2  }
0xb8: {  	s31 =	sshll.u32 s1, $0xD;
	s1 =	sshrl.u32 s1, $0x2  }
0xb9: {  	s3 =	sand.u32 $0x4000, s31;
	s1 =	sadd.s32 s1, s30  }
0xba: {  	s0 =	sor.u32 s3, s0;
	s1 =	sshll.u32 s1, $0x11  }
0xbb: {  	s0 =	sor.u32 s1, s0  }
0xbc: {  	s0 =	sadd.s32 $0x8F2B, s0  }
0xbd: {  	[sflag:s0] =	ssyncadd.remote.s32 $0x1  }
0xbe: {  	_ =	sfence.sel $0xFFFF  }
0xbf: {  	[dreg:$0x0] =	wrdreg $0xFFFFFFFF;
	(pc) =	sbr.abs _section_cstart, $3  }
0xc0: {  	[dreg:$0x1] =	wrdreg $0xFFFFFFFF  }
0xc1: {  	_ =	task.clear_ibuf [dreg:s6], $0x2FFFF;
	_ =	strace $0x9FFFFFFF  }
0xc2: {  	(tm) =	ssettm $0x7FFFFFFF  }
0xc3: {  	_ =	shalt  }
tec
execute0_lowered:
.L_overlay_start_1:
0x0: {  	(tag) =	ssettag $0x1  }
0x1: {  	s0 =	rddreg [dreg:$0x0]  }
0x2: {  	s1 =	rddreg [dreg:$0x1];
	s3 =	simm.s32 $0x0  }
0x3: {  	s12 =	stileid.u32;
	s8 =	srdreg.scid;
	s13 =	sadd.s32 $0x377800, s0  }
0x4: {  	[smem:$0x7FF] =	sst s3;
	s2 =	sadd.s32 $0x346A00, s0;
	s4 =	smul.u32 $0x61A80, s12  }
0x5: {  	s5 =	sadd.s32 $0x4A00, s0;
	s6 =	sadd.s32 $0x4CD400, s0;
	s9 =	smul.u32 $0x186, s12  }
0x6: {  	s7 =	sadd.s32 $0x3A8600, s0;
	s10 =	sand.u32 $0x1, s8;
	s21 =	smin.u32 s12, $0xA  }
0x7: {  	p2 =	seq.s32 s12, $0xF;
	_ =	strace $0x80000050;
	s11 =	ssub.s32 $0x2, s10  }
0x8: {  	p1 =	seq.s32 s10, $0x0;
	p0 =	seq.s32 s10, $0x1;
	s4 =	sshrl.u32 s4, $0x2  }
0x9: {  	s8 =	sadd.s32 s21, s9;
	s22 =	sshrl.u32 s11, $0x1;
	s21 =	smov.u32 s2  }
0xa: {  	s14 =	sadd.s32 s4, s1;
	s21 =	smov.u32 @p1 s13;
	s13 =	smov.u32 @p0 s2  }
0xb: {  	s9 =	ssub.s32 s11, s22;
	s11 =	sadd.s32 $0x1D0A0, s0;
	[dreg:$0x3] =	wrdreg s13  }
0xc: {  	s0 =	simm.s32 $0xA;
	s24 =	sadd.s32 $0x17700, s14;
	[dreg:$0x4] =	wrdreg s14  }
0xd: {  	s0 =	simm.s32 @!p2 $0x10;
	[dreg:$0x5] =	wrdreg s24  }
0xe: {  	s29 =	smax.u32 s9, $0x1;
	[dreg:$0x8] =	wrdreg s0  }
0xf: {  	s31 =	sadd.s32 $0x1900, s14;
	[dreg:$0x9] =	wrdreg s29  }
0x10: {  	s9 =	sadd.s32 $0x4B00, s14;
	[dreg:$0xa] =	wrdreg s31  }
0x11: {  	s15 =	simm.s32 $0xA;
	s10 =	sadd.s32 $0x6400, s14;
	[dreg:$0xc] =	wrdreg s9  }
0x12: {  	s28 =	simm.s32 $0x7;
	s17 =	sadd.s32 $0x7D00, s14;
	[dreg:$0xd] =	wrdreg s10  }
0x13: {  	s30 =	simm.s32 $0x0;
	s18 =	sadd.s32 $0x9600, s14;
	[dreg:$0xe] =	wrdreg s17  }
0x14: {  	s16 =	smul.u32 $0x64000, s12;
	s19 =	sadd.s32 $0xAF00, s14;
	[dreg:$0xf] =	wrdreg s18  }
0x15: {  	s23 =	sshll.u32 s8, $0x4;
	s20 =	sadd.s32 $0xC800, s14;
	[dreg:$0x10] =	wrdreg s19  }
0x16: {  	p1 =	sgt.u32 s12, $0x9;
	s22 =	sadd.s32 $0xE100, s14;
	[dreg:$0x12] =	wrdreg s20  }
0x17: {  	s4 =	sadd.s32 s5, s23;
	s23 =	sadd.s32 $0xFA00, s14;
	[dreg:$0x13] =	wrdreg s22  }
0x18: {  	s2 =	simm.s32 $0x0;
	s25 =	sadd.s32 $0x1860, s4;
	[dreg:$0x14] =	wrdreg s23  }
0x19: {  	s26 =	sadd.s32 $0x19F00, s4;
	s4 =	sadd.s32 $0x3200, s14;
	[dreg:$0x6] =	wrdreg s25  }
0x1a: {  	s0 =	sshrl.u32 s16, $0x2;
	s24 =	sadd.s32 $0x11300, s14;
	[dreg:$0x7] =	wrdreg s26  }
0x1b: {  	s29 =	sadd.s32 $0x15E00, s14;
	s31 =	smul.u32 $0x19000, s12;
	[dreg:$0xb] =	wrdreg s4  }
0x1c: {  	s12 =	simm.s32 $0x5100;
	s16 =	simm.s32 $0x80;
	[dreg:$0x15] =	wrdreg s24  }
.Ltmp0:
0x1d: {  	s0 =	sadd.s32 s0, s1;
	[dreg:$0x18] =	wrdreg s29;
	(pc) =	sbr.rel .LBB2_1-.Ltmp0, $4  }
0x1e: {  	s20 =	simm.s32 $0x3100;
	s25 =	sadd.s32 $0x12C00, s14;
	[dreg:$0x11] =	wrdreg s0  }
0x1f: {  	s22 =	simm.s32 $0x180;
	s26 =	sadd.s32 $0x14500, s14;
	[dreg:$0x16] =	wrdreg s25  }
0x20: {  	s23 =	simm.s32 $0x4100;
	s24 =	simm.s32 $0x8;
	[dreg:$0x17] =	wrdreg s26  }
0x21: {  	v0 =	vimm.f32 $0.0e+00;
	s4 =	simm.s32 $0x5;
	[dreg:$0x19] =	wrdreg s31;
	s26 =	simm.s32 $0x6  }
.LBB2_13:
0x22: {  	[sflag:s15] =	ssyncadd.s32 $0xFFFFE700;
	s2 =	rddreg [dreg:$0x1a]  }
.LBB2_14:
0x23: {  	s2 =	sadd.s32 $0x1, s2;
	s0 =	rddreg [dreg:$0x9]  }
0x24: {  	p2 =	sne.s32 s2, s0  }
.Ltmp1:
0x25: {  	_ = 	snop;
	(pc) =	sbr.rel @!p2 .LBB2_15-.Ltmp1, $1  }
0x26: {  	_ =	sdelay $0x3  }
.LBB2_1:
0x27: {  	[dreg:$0x1a] =	wrdreg s2;
	s0 =	simm.s32 $0x80;
	s2 =	simm.s32 $0x0  }
.LBB2_2:
0x28: {  	p2 =	sne.s32 s0, $0x6380;
	[tilespmem:s2+$0x5100] =	vst v0;
	s9 =	smov.u32 s0;
	s0 =	sadd.s32 $0x80, s0  }
.Ltmp2:
0x29: {  	[tilespmem:s2+$0x5110] =	vst v0;
	(pc) =	sbr.rel @p2 .LBB2_2-.Ltmp2, $2  }
0x2a: {  	_ =	sdelay $0x2  }
0x2b: {  	s2 =	sshra.s32 s9, $0x2  }
0x2c: {  	[tilespmem:s2+$0x5100] =	vst v0  }
0x2d: {  	[tilespmem:s2+$0x5110] =	vst v0;
	s0 =	rddreg [dreg:$0x4]  }
0x2e: {  	[spmem:s0] =	stream.linear.scatter [tilespmem:s12], [sflag:$0xA], $0x1900, $0x38;
	[tilespmem:$0x1F0A0] =	vst v63  }
0x2f: {  	_ =	swait.ge [sflag:s15], $0x1900  }
0x30: {  	[sflag:s15] =	ssyncset.done $0x0  }
0x31: {  	s17 =	rddreg [dreg:$0xa];
	[sflag:s15] =	ssyncadd.s32 $0xFFFFE700  }
0x32: {  	[spmem:s17] =	stream.linear.scatter [tilespmem:s12], [sflag:$0xA], $0x1900, $0x38;
	[tilespmem:$0x1F0A0] =	vst v63  }
0x33: {  	_ =	swait.ge [sflag:s15], $0x1900  }
0x34: {  	[sflag:s15] =	ssyncset.done $0x0  }
0x35: {  	s18 =	rddreg [dreg:$0xb];
	[sflag:s15] =	ssyncadd.s32 $0xFFFFE700  }
0x36: {  	[spmem:s18] =	stream.linear.scatter [tilespmem:s12], [sflag:$0xA], $0x1900, $0x38;
	[tilespmem:$0x1F0A0] =	vst v63  }
0x37: {  	_ =	swait.ge [sflag:s15], $0x1900  }
0x38: {  	[sflag:s15] =	ssyncset.done $0x0  }
0x39: {  	s19 =	rddreg [dreg:$0xc];
	[sflag:s15] =	ssyncadd.s32 $0xFFFFE700  }
0x3a: {  	[spmem:s19] =	stream.linear.scatter [tilespmem:s12], [sflag:$0xA], $0x1900, $0x38;
	[tilespmem:$0x1F0A0] =	vst v63  }
0x3b: {  	_ =	swait.ge [sflag:s15], $0x1900  }
0x3c: {  	[sflag:s15] =	ssyncset.done $0x0  }
0x3d: {  	s25 =	rddreg [dreg:$0xd];
	[sflag:s15] =	ssyncadd.s32 $0xFFFFE700  }
0x3e: {  	[spmem:s25] =	stream.linear.scatter [tilespmem:s12], [sflag:$0xA], $0x1900, $0x38;
	[tilespmem:$0x1F0A0] =	vst v63  }
0x3f: {  	_ =	swait.ge [sflag:s15], $0x1900  }
0x40: {  	[sflag:s15] =	ssyncset.done $0x0  }
0x41: {  	s29 =	rddreg [dreg:$0xe];
	[sflag:s15] =	ssyncadd.s32 $0xFFFFE700  }
0x42: {  	[spmem:s29] =	stream.linear.scatter [tilespmem:s12], [sflag:$0xA], $0x1900, $0x38;
	[tilespmem:$0x1F0A0] =	vst v63  }
0x43: {  	_ =	swait.ge [sflag:s15], $0x1900  }
0x44: {  	[sflag:s15] =	ssyncset.done $0x0  }
0x45: {  	s2 =	rddreg [dreg:$0xf];
	[sflag:s15] =	ssyncadd.s32 $0xFFFFE700  }
0x46: {  	[spmem:s2] =	stream.linear.scatter [tilespmem:s12], [sflag:$0xA], $0x1900, $0x38;
	[tilespmem:$0x1F0A0] =	vst v63  }
0x47: {  	_ =	swait.ge [sflag:s15], $0x1900  }
0x48: {  	[sflag:s15] =	ssyncset.done $0x0  }
0x49: {  	s9 =	rddreg [dreg:$0x10];
	[sflag:s15] =	ssyncadd.s32 $0xFFFFE700  }
0x4a: {  	[spmem:s9] =	stream.linear.scatter [tilespmem:s12], [sflag:$0xA], $0x1900, $0x38;
	[tilespmem:$0x1F0A0] =	vst v63  }
0x4b: {  	_ =	swait.ge [sflag:s15], $0x1900  }
0x4c: {  	[sflag:s15] =	ssyncset.done $0x0  }
0x4d: {  	s10 =	rddreg [dreg:$0x12];
	[sflag:s15] =	ssyncadd.s32 $0xFFFFE700  }
0x4e: {  	[spmem:s10] =	stream.linear.scatter [tilespmem:s12], [sflag:$0xA], $0x1900, $0x38;
	[tilespmem:$0x1F0A0] =	vst v63  }
0x4f: {  	_ =	swait.ge [sflag:s15], $0x1900  }
0x50: {  	[sflag:s15] =	ssyncset.done $0x0  }
0x51: {  	s13 =	rddreg [dreg:$0x13];
	[sflag:s15] =	ssyncadd.s32 $0xFFFFE700  }
0x52: {  	[spmem:s13] =	stream.linear.scatter [tilespmem:s12], [sflag:$0xA], $0x1900, $0x38;
	[tilespmem:$0x1F0A0] =	vst v63  }
0x53: {  	_ =	swait.ge [sflag:s15], $0x1900  }
0x54: {  	[sflag:s15] =	ssyncset.done $0x0  }
0x55: {  	s14 =	rddreg [dreg:$0x14];
	[sflag:s15] =	ssyncadd.s32 $0xFFFFE700  }
0x56: {  	[spmem:s14] =	stream.linear.scatter [tilespmem:s12], [sflag:$0xA], $0x1900, $0x38;
	[tilespmem:$0x1F0A0] =	vst v63  }
0x57: {  	_ =	swait.ge [sflag:s15], $0x1900  }
0x58: {  	[sflag:s15] =	ssyncset.done $0x0  }
0x59: {  	s17 =	rddreg [dreg:$0x15];
	[sflag:s15] =	ssyncadd.s32 $0xFFFFE700  }
0x5a: {  	[spmem:s17] =	stream.linear.scatter [tilespmem:s12], [sflag:$0xA], $0x1900, $0x38;
	[tilespmem:$0x1F0A0] =	vst v63  }
0x5b: {  	_ =	swait.ge [sflag:s15], $0x1900  }
0x5c: {  	[sflag:s15] =	ssyncset.done $0x0  }
0x5d: {  	s18 =	rddreg [dreg:$0x16];
	[sflag:s15] =	ssyncadd.s32 $0xFFFFE700  }
0x5e: {  	[spmem:s18] =	stream.linear.scatter [tilespmem:s12], [sflag:$0xA], $0x1900, $0x38;
	[tilespmem:$0x1F0A0] =	vst v63  }
0x5f: {  	_ =	swait.ge [sflag:s15], $0x1900  }
0x60: {  	[sflag:s15] =	ssyncset.done $0x0  }
0x61: {  	s19 =	rddreg [dreg:$0x17];
	[sflag:s15] =	ssyncadd.s32 $0xFFFFE700  }
0x62: {  	[spmem:s19] =	stream.linear.scatter [tilespmem:s12], [sflag:$0xA], $0x1900, $0x38;
	[tilespmem:$0x1F0A0] =	vst v63  }
0x63: {  	_ =	swait.ge [sflag:s15], $0x1900  }
0x64: {  	[sflag:s15] =	ssyncset.done $0x0  }
0x65: {  	s25 =	rddreg [dreg:$0x18];
	[sflag:s15] =	ssyncadd.s32 $0xFFFFE700  }
0x66: {  	[spmem:s25] =	stream.linear.scatter [tilespmem:s12], [sflag:$0xA], $0x1900, $0x38;
	[tilespmem:$0x1F0A0] =	vst v63  }
0x67: {  	_ =	swait.ge [sflag:s15], $0x1900  }
0x68: {  	[sflag:s15] =	ssyncset.done $0x0  }
0x69: {  	s29 =	rddreg [dreg:$0x5];
	[sflag:s15] =	ssyncadd.s32 $0xFFFFE700  }
0x6a: {  	[spmem:s29] =	stream.linear.scatter [tilespmem:s12], [sflag:$0xA], $0xFA0, $0x38;
	[tilespmem:$0x1F0A0] =	vst v63  }
0x6b: {  	_ =	swait.ge [sflag:s15], $0xFA0  }
0x6c: {  	[sflag:s15] =	ssyncset.done $0x0  }
0x6d: {  	[sflag:s15] =	ssyncadd.s32 $0xFFFFF060  }
0x6e: {  	s31 =	simm.s32 $0x0;
	[bflag:$0x0] =	sbarrier.arrive $0xFFFF  }
.LBB2_4:
0x6f: {  	s0 =	smul.u32 $0xF, s31;
	_ =	sdelay $0x1  }
0x70: {  	s0 =	sadd.s32 s8, s0  }
0x71: {  	s0 =	sshll.u32 s0, $0x4  }
0x72: {  	s2 =	sadd.s32 s5, s0  }
0x73: {  	[tilespmem:s30], [sflag:$0xA] =	stream.linear.gather [hbm4b:s2+s30], $0x780, $0x38;
	[tilespmem:$0x1F0A0] =	vst v63  }
0x74: {  	_ =	swait.ge [sflag:s15], $0x780  }
0x75: {  	[sflag:s15] =	ssyncset.done $0x0  }
0x76: {  	s10 =	simm.s32 $0x780;
	s0 =	sadd.s32 s0, s11;
	[sflag:s15] =	ssyncadd.s32 $0xFFFFF880  }
0x77: {  	[tilespmem:s10], [sflag:$0xA] =	stream.linear.gather [hbm4b:s0+s30], $0x780, $0x38;
	[tilespmem:$0x1F0A0] =	vst v63  }
0x78: {  	_ =	swait.ge [sflag:s15], $0x780  }
0x79: {  	[sflag:s15] =	ssyncset.done $0x0  }
0x7a: {  	s13 =	simm.s32 $0x1100;
	[sflag:s15] =	ssyncadd.s32 $0xFFFFF880  }
0x7b: {  	[tilespmem:s13], [sflag:$0x1] =	stream.indirect.gather [hbm4b:s21+s16], $0x20, s30, s16, $0xb8;
	[tilespmem:$0x1F0A0] =	vst v63  }
0x7c: {  	s14 =	simm.s32 $0x2100  }
0x7d: {  	[tilespmem:s14], [sflag:$0x2] =	stream.indirect.gather [hbm4b:s21+s16], $0x20, s16, s16, $0xb8;
	[tilespmem:$0x1F0A0] =	vst v63  }
0x7e: {  	s17 =	simm.s32 $0x100;
	s18 =	sand.u32 $0x3, s30  }
0x7f: {  	[tilespmem:s20], [sflag:$0x3] =	stream.indirect.gather [hbm4b:s21+s16], $0x20, s17, s16, $0xb8;
	[tilespmem:$0x1F0A0] =	vst v63  }
0x80: {  	s9 =	sadd.s32 $0x1, s18  }
0x81: {  	[tilespmem:s23], [sflag:$0x4] =	stream.indirect.gather [hbm4b:s21+s16], $0x20, s22, s16, $0xb8;
	[tilespmem:$0x1F0A0] =	vst v63  }
0x82: {  	_ =	swait.ge [sflag:s9], $0x1000  }
0x83: {  	[sflag:s9] =	ssyncset.done $0x0  }
0x84: {  	s19 =	simm.s32 $0x7C0;
	[sflag:s9] =	ssyncadd.s32 $0xFFFFF000  }
0x85: {  	v1 =	vld [tilespmem:s19+$0xFFFFFFC0];
	_ =	sdelay $0x3  }
0x86: {  	s13 =	sshll.u32 s18, $0x7  }
0x87: {  	[tilespmem:s13+$0xF00] =	vst v1  }
0x88: {  	v1 =	vld [tilespmem:s19+$0xFFFFFFD0];
	_ =	sdelay $0x4  }
0x89: {  	[tilespmem:s13+$0xF10] =	vst v1  }
0x8a: {  	v1 =	vld [tilespmem:s19+$0xFFFFFFE0];
	_ =	sdelay $0x4  }
0x8b: {  	[tilespmem:s13+$0xF20] =	vst v1  }
0x8c: {  	v1 =	vld [tilespmem:s19+$0xFFFFFFF0];
	_ =	sdelay $0x4  }
0x8d: {  	[tilespmem:s13+$0xF30] =	vst v1  }
0x8e: {  	v1 =	vld [tilespmem:s19+$0x0];
	_ =	sdelay $0x4  }
0x8f: {  	[tilespmem:s13+$0xF40] =	vst v1  }
0x90: {  	v1 =	vld [tilespmem:s19+$0x10];
	_ =	sdelay $0x4  }
0x91: {  	[tilespmem:s13+$0xF50] =	vst v1  }
0x92: {  	v1 =	vld [tilespmem:s19+$0x20];
	_ =	sdelay $0x4  }
0x93: {  	[tilespmem:s13+$0xF60] =	vst v1  }
0x94: {  	v1 =	vld [tilespmem:s19+$0x30];
	_ =	sdelay $0x2  }
0x95: {  	s29 =	simm.s32 $0x200;
	p3 =	por $0x0, $0x0  }
0x96: {  	s2 =	simm.s32 $0x1;
	s10 =	simm.s32 $0x2;
	s14 =	sshll.u32 s18, $0xC  }
0x97: {  	s25 =	sadd.s32 $0xF00, s13;
	s17 =	sadd.s32 $0x1100, s14;
	[tilespmem:s13+$0xF70] =	vst v1;
	s13 =	sadd.s32 $0x5, s18  }
0x98: {  	[spmem:s1] =	stream.indirect.scatter.add.f32 [tilespmem:s17], [sflag:s13], $0x20, s25, s16, $0xb8;
	[tilespmem:$0x1F0A0] =	vst v63  }
0x99: {  	s0 =	simm.s32 $0x280;
	s14 =	simm.s32 $0x840;
	_ =	swait.ge @!p3 [sflag:s13], $0x1000  }
0x9a: {  	s18 =	simm.s32 @!p3 $0x80;
	s25 =	sand.u32 $0x3, s2;
	[sflag:s13] =	ssyncset.done @!p3 $0x0  }
.LBB2_5:
0x9b: {  	s19 =	sadd.s32 $0x1, s25;
	[sflag:s13] =	ssyncadd.s32 @!p3 $0xFFFFF000  }
0x9c: {  	s13 =	smov.u32 s2;
	s2 =	smov.u32 s10;
	s10 =	sadd.s32 $0x1, s10  }
0x9d: {  	[tilespmem:s17], [sflag:s9] =	stream.indirect.gather @!p3 [hbm4b:s21+s18], $0x20, s29, s18, $0xb8;
	[tilespmem:$0x1F0A0] =	vst v63  }
0x9e: {  	p2 =	sne.s32 s10, $0xF;
	s9 =	smov.u32 s19;
	_ =	swait.ge [sflag:s19], $0x1000  }
0x9f: {  	s29 =	smov.u32 s0;
	[sflag:s9] =	ssyncset.done $0x0  }
0xa0: {  	[sflag:s9] =	ssyncadd.s32 $0xFFFFF000  }
0xa1: {  	v1 =	vld [tilespmem:s14+$0xFFFFFFC0];
	_ =	sdelay $0x3  }
0xa2: {  	s18 =	sshll.u32 s25, $0x7  }
0xa3: {  	[tilespmem:s18+$0xF00] =	vst v1  }
0xa4: {  	v1 =	vld [tilespmem:s14+$0xFFFFFFD0];
	_ =	sdelay $0x4  }
0xa5: {  	[tilespmem:s18+$0xF10] =	vst v1  }
0xa6: {  	v1 =	vld [tilespmem:s14+$0xFFFFFFE0];
	_ =	sdelay $0x4  }
0xa7: {  	[tilespmem:s18+$0xF20] =	vst v1  }
0xa8: {  	v1 =	vld [tilespmem:s14+$0xFFFFFFF0];
	_ =	sdelay $0x4  }
0xa9: {  	[tilespmem:s18+$0xF30] =	vst v1  }
0xaa: {  	v1 =	vld [tilespmem:s14+$0x0];
	_ =	sdelay $0x4  }
0xab: {  	[tilespmem:s18+$0xF40] =	vst v1  }
0xac: {  	v1 =	vld [tilespmem:s14+$0x10];
	_ =	sdelay $0x4  }
0xad: {  	[tilespmem:s18+$0xF50] =	vst v1  }
0xae: {  	v1 =	vld [tilespmem:s14+$0x20];
	_ =	sdelay $0x4  }
0xaf: {  	[tilespmem:s18+$0xF60] =	vst v1  }
0xb0: {  	v1 =	vld [tilespmem:s14+$0x30];
	_ =	sdelay $0x3  }
.Ltmp3:
0xb1: {  	s17 =	sshll.u32 s25, $0xC;
	p3 =	sgt.u32 s13, $0xA;
	(pc) =	sbr.rel @p2 .LBB2_5-.Ltmp3, $4  }
0xb2: {  	s13 =	sadd.s32 $0x5, s25;
	s17 =	sadd.s32 $0x1100, s17;
	s19 =	sadd.s32 $0xF00, s18;
	[tilespmem:s18+$0xF70] =	vst v1  }
0xb3: {  	[spmem:s1] =	stream.indirect.scatter.add.f32 [tilespmem:s17], [sflag:s13], $0x20, s19, s16, $0xb8;
	[tilespmem:$0x1F0A0] =	vst v63  }
0xb4: {  	s0 =	sadd.s32 $0x80, s0;
	s14 =	sadd.s32 $0x80, s14;
	_ =	swait.ge @!p3 [sflag:s13], $0x1000  }
0xb5: {  	s25 =	sand.u32 $0x3, s2;
	s18 =	simm.s32 @!p3 $0x80;
	[sflag:s13] =	ssyncset.done @!p3 $0x0  }
0xb6: {  	s10 =	sadd.s32 $0x1, s25;
	[sflag:s13] =	ssyncadd.s32 @!p3 $0xFFFFF000  }
0xb7: {  	[tilespmem:s17], [sflag:s9] =	stream.indirect.gather @!p3 [hbm4b:s21+s18], $0x20, s29, s18, $0xb8;
	[tilespmem:$0x1F0A0] =	vst v63  }
0xb8: {  	_ =	swait.ge [sflag:s10], $0x1000  }
0xb9: {  	[sflag:s10] =	ssyncset.done $0x0  }
0xba: {  	[sflag:s10] =	ssyncadd.s32 $0xFFFFF000  }
0xbb: {  	v1 =	vld [tilespmem:s14+$0xFFFFFFC0];
	_ =	sdelay $0x3  }
0xbc: {  	s18 =	sshll.u32 s25, $0x7  }
0xbd: {  	[tilespmem:s18+$0xF00] =	vst v1  }
0xbe: {  	v1 =	vld [tilespmem:s14+$0xFFFFFFD0];
	_ =	sdelay $0x4  }
0xbf: {  	[tilespmem:s18+$0xF10] =	vst v1  }
0xc0: {  	v1 =	vld [tilespmem:s14+$0xFFFFFFE0];
	_ =	sdelay $0x4  }
0xc1: {  	[tilespmem:s18+$0xF20] =	vst v1  }
0xc2: {  	v1 =	vld [tilespmem:s14+$0xFFFFFFF0];
	_ =	sdelay $0x4  }
0xc3: {  	[tilespmem:s18+$0xF30] =	vst v1  }
0xc4: {  	v1 =	vld [tilespmem:s14+$0x0];
	_ =	sdelay $0x4  }
0xc5: {  	[tilespmem:s18+$0xF40] =	vst v1  }
0xc6: {  	v1 =	vld [tilespmem:s14+$0x10];
	_ =	sdelay $0x4  }
0xc7: {  	[tilespmem:s18+$0xF50] =	vst v1  }
0xc8: {  	v1 =	vld [tilespmem:s14+$0x20];
	_ =	sdelay $0x4  }
0xc9: {  	[tilespmem:s18+$0xF60] =	vst v1  }
0xca: {  	v1 =	vld [tilespmem:s14+$0x30];
	_ =	sdelay $0x3  }
0xcb: {  	s19 =	sshll.u32 s25, $0xC;
	p2 =	sgt.u32 s2, $0xA  }
0xcc: {  	s2 =	sadd.s32 $0x1100, s19;
	s9 =	sadd.s32 $0x5, s25;
	s29 =	sadd.s32 $0xF00, s18;
	[tilespmem:s18+$0xF70] =	vst v1  }
0xcd: {  	[spmem:s1] =	stream.indirect.scatter.add.f32 [tilespmem:s2], [sflag:s9], $0x20, s29, s16, $0xb8;
	[tilespmem:$0x1F0A0] =	vst v63  }
0xce: {  	_ =	swait.ge @!p2 [sflag:s9], $0x1000  }
0xcf: {  	[sflag:s9] =	ssyncset.done @!p2 $0x0  }
0xd0: {  	s13 =	simm.s32 @!p2 $0x80;
	[sflag:s9] =	ssyncadd.s32 @!p2 $0xFFFFF000  }
0xd1: {  	[tilespmem:s2], [sflag:s10] =	stream.indirect.gather @!p2 [hbm4b:s21+s13], $0x20, s0, s13, $0xb8;
	[tilespmem:$0x1F0A0] =	vst v63  }
0xd2: {  	_ =	swait.ge [sflag:s24], $0x1000  }
0xd3: {  	[sflag:s24] =	ssyncset.done $0x0  }
0xd4: {  	[sflag:s24] =	ssyncadd.s32 $0xFFFFF000  }
0xd5: {  	_ =	swait.ge [sflag:s4], $0x1000  }
0xd6: {  	[sflag:s4] =	ssyncset.done $0x0  }
0xd7: {  	s31 =	sadd.s32 $0x1, s31;
	[sflag:s4] =	ssyncadd.s32 $0xFFFFF000  }
0xd8: {  	p2 =	sne.s32 s31, $0x1A;
	_ =	swait.ge [sflag:s26], $0x1000  }
.Ltmp4:
0xd9: {  	[sflag:s26] =	ssyncset.done $0x0;
	(pc) =	sbr.rel @p2 .LBB2_4-.Ltmp4, $4  }
0xda: {  	[sflag:s26] =	ssyncadd.s32 $0xFFFFF000  }
0xdb: {  	_ =	swait.ge [sflag:s28], $0x1000  }
0xdc: {  	[sflag:s28] =	ssyncset.done $0x0  }
0xdd: {  	[sflag:s28] =	ssyncadd.s32 $0xFFFFF000  }
0xde: {  	s0 =	simm.s32 @!p1 $0x0;
	s2 =	rddreg [dreg:$0x6]  }
0xdf: {  	[tilespmem:s0], [sflag:$0xA] =	stream.linear.gather @!p1 [hbm4b:s2+s0], $0x80, $0x38;
	[tilespmem:$0x1F0A0] =	vst v63  }
0xe0: {  	s2 =	simm.s32 @!p1 $0xA  }
0xe1: {  	_ =	swait.ge @!p1 [sflag:s2], $0x80  }
0xe2: {  	[sflag:s2] =	ssyncset.done @!p1 $0x0  }
0xe3: {  	s9 =	simm.s32 @!p1 $0x780;
	s10 =	rddreg [dreg:$0x7];
	[sflag:s2] =	ssyncadd.s32 @!p1 $0xFFFFFF80  }
0xe4: {  	[tilespmem:s9], [sflag:$0xA] =	stream.linear.gather @!p1 [hbm4b:s10+s0], $0x80, $0x38;
	[tilespmem:$0x1F0A0] =	vst v63  }
0xe5: {  	_ =	swait.ge @!p1 [sflag:s2], $0x80  }
0xe6: {  	s9 =	simm.s32 @!p1 $0x80;
	[sflag:s2] =	ssyncset.done @!p1 $0x0  }
0xe7: {  	s10 =	simm.s32 @!p1 $0x1100;
	s13 =	rddreg [dreg:$0x3];
	[sflag:s2] =	ssyncadd.s32 @!p1 $0xFFFFFF80  }
0xe8: {  	[tilespmem:s10], [sflag:$0x9] =	stream.indirect.gather @!p1 [hbm4b:s13+s9], $0x20, s0, s9, $0xb8;
	[tilespmem:$0x1F0A0] =	vst v63  }
0xe9: {  	s0 =	simm.s32 @!p1 $0x9  }
0xea: {  	_ =	swait.ge @!p1 [sflag:s0], $0x1000  }
0xeb: {  	[sflag:s0] =	ssyncset.done @!p1 $0x0  }
0xec: {  	[sflag:s0] =	ssyncadd.s32 @!p1 $0xFFFFF000  }
0xed: {  	v1 =	vld @!p1 [tilespmem:$0x780]  }
0xee: {  	v2 =	vld @!p1 [tilespmem:$0x790]  }
0xef: {  	v3 =	vld @!p1 [tilespmem:$0x7A0]  }
0xf0: {  	v4 =	vld @!p1 [tilespmem:$0x7B0]  }
0xf1: {  	v5 =	vld @!p1 [tilespmem:$0x7C0]  }
0xf2: {  	[tilespmem:$0xF00] =	vst @!p1 v1;
	v1 =	vld @!p1 [tilespmem:$0x7D0]  }
0xf3: {  	[tilespmem:$0xF10] =	vst @!p1 v2;
	v2 =	vld @!p1 [tilespmem:$0x7E0]  }
0xf4: {  	[tilespmem:$0xF20] =	vst @!p1 v3;
	v3 =	vld @!p1 [tilespmem:$0x7F0]  }
0xf5: {  	[tilespmem:$0xF30] =	vst @!p1 v4  }
0xf6: {  	[tilespmem:$0xF40] =	vst @!p1 v5  }
0xf7: {  	[tilespmem:$0xF50] =	vst @!p1 v1  }
0xf8: {  	[tilespmem:$0xF60] =	vst @!p1 v2  }
0xf9: {  	s0 =	simm.s32 @!p1 $0xF00;
	[tilespmem:$0xF70] =	vst @!p1 v3  }
0xfa: {  	[spmem:s1] =	stream.indirect.scatter.add.f32 @!p1 [tilespmem:s10], [sflag:$0xA], $0x20, s0, s9, $0xb8;
	[tilespmem:$0x1F0A0] =	vst v63  }
.Ltmp5:
0xfb: {  	_ =	swait.ge @!p1 [sflag:s2], $0x1000;
	(pc) =	sbr.rel @!p0 .LBB2_8-.Ltmp5, $3  }
0xfc: {  	[sflag:s2] =	ssyncset.done @!p1 $0x0  }
0xfd: {  	[sflag:s2] =	ssyncadd.s32 @!p1 $0xFFFFF000  }
0xfe: {  	[bflag:$0x0] =	sbarrier.arrive $0xFFFF;
	_ =	sdelay $0x1  }
0xff: {  	s2 =	rddreg [dreg:$0x11]  }
0x100: {  	[tilespmem:s12], [sflag:$0xA] =	stream.linear.gather [spmem:s2], $0x1900, $0x38;
	[tilespmem:$0x1F0A0] =	vst v63  }
0x101: {  	_ =	swait.ge [sflag:s15], $0x1900  }
0x102: {  	s31 =	rddreg [dreg:$0x8]  }
0x103: {  	s9 =	rddreg [dreg:$0x19];
	p2 =	sne.s32 s31, $0x1  }
.Ltmp6:
0x104: {  	[sflag:s15] =	ssyncset.done $0x0;
	s0 =	sshrl.u32 s9, $0x3;
	(pc) =	sbr.rel @!p2 .LBB2_13-.Ltmp6, $4  }
0x105: {  	[sflag:s15] =	ssyncadd.s32 $0xFFFFE700;
	s0 =	sadd.s32 s7, s0  }
0x106: {  	[hbm4b:s0+s3] =	stream.linear.scatter [tilespmem:s12], [sflag:$0xA], $0x1900, $0x38;
	[tilespmem:$0x1F0A0] =	vst v63  }
0x107: {  	_ =	swait.ge [sflag:s15], $0x1900  }
0x108: {  	s0 =	sadd.s32 $0xFFFFFFFF, s31;
	[sflag:s15] =	ssyncset.done $0x0  }
.LBB2_12:
0x109: {  	[sflag:s15] =	ssyncadd.s32 $0xFFFFE700;
	s2 =	sadd.s32 $0x1900, s2;
	s9 =	sadd.s32 $0x1900, s9  }
0x10a: {  	[tilespmem:s12], [sflag:$0xA] =	stream.linear.gather [spmem:s2], $0x1900, $0x38;
	[tilespmem:$0x1F0A0] =	vst v63  }
0x10b: {  	p2 =	sne.s32 s0, $0x1;
	s0 =	sadd.s32 $0xFFFFFFFF, s0;
	_ =	swait.ge [sflag:s15], $0x1900  }
.Ltmp7:
0x10c: {  	s10 =	sshrl.u32 s9, $0x3;
	[sflag:s15] =	ssyncset.done $0x0;
	(pc) =	sbr.rel @p2 .LBB2_12-.Ltmp7, $4  }
0x10d: {  	s10 =	sadd.s32 s7, s10;
	[sflag:s15] =	ssyncadd.s32 $0xFFFFE700  }
0x10e: {  	[hbm4b:s10+s3] =	stream.linear.scatter [tilespmem:s12], [sflag:$0xA], $0x1900, $0x38;
	[tilespmem:$0x1F0A0] =	vst v63  }
0x10f: {  	_ =	swait.ge [sflag:s15], $0x1900  }
0x110: {  	[sflag:s15] =	ssyncset.done $0x0  }
.Ltmp8:
0x111: {  	_ = 	snop;
	(pc) =	sbr.rel .LBB2_13-.Ltmp8, $1  }
0x112: {  	_ =	sdelay $0x3  }
.LBB2_8:
0x113: {  	s2 =	rddreg [dreg:$0x11]  }
0x114: {  	[tilespmem:s12], [sflag:$0xA] =	stream.linear.gather [spmem:s2], $0x1900, $0x38;
	[tilespmem:$0x1F0A0] =	vst v63  }
0x115: {  	_ =	swait.ge [sflag:s15], $0x1900  }
0x116: {  	s31 =	rddreg [dreg:$0x8]  }
0x117: {  	s9 =	rddreg [dreg:$0x19];
	p2 =	seq.s32 s31, $0x1  }
.Ltmp9:
0x118: {  	[sflag:s15] =	ssyncset.done $0x0;
	s0 =	sshrl.u32 s9, $0x3;
	(pc) =	sbr.rel @p2 .LBB2_10-.Ltmp9, $4  }
0x119: {  	[sflag:s15] =	ssyncadd.s32 $0xFFFFE700;
	s0 =	sadd.s32 s6, s0  }
0x11a: {  	[hbm4b:s0+s3] =	stream.linear.scatter [tilespmem:s12], [sflag:$0xA], $0x1900, $0x38;
	[tilespmem:$0x1F0A0] =	vst v63  }
0x11b: {  	_ =	swait.ge [sflag:s15], $0x1900  }
0x11c: {  	s0 =	sadd.s32 $0xFFFFFFFF, s31;
	[sflag:s15] =	ssyncset.done $0x0  }
.LBB2_9:
0x11d: {  	[sflag:s15] =	ssyncadd.s32 $0xFFFFE700;
	s2 =	sadd.s32 $0x1900, s2;
	s9 =	sadd.s32 $0x1900, s9  }
0x11e: {  	[tilespmem:s12], [sflag:$0xA] =	stream.linear.gather [spmem:s2], $0x1900, $0x38;
	[tilespmem:$0x1F0A0] =	vst v63  }
0x11f: {  	p2 =	seq.s32 s0, $0x1;
	s0 =	sadd.s32 $0xFFFFFFFF, s0;
	_ =	swait.ge [sflag:s15], $0x1900  }
.Ltmp10:
0x120: {  	s10 =	sshrl.u32 s9, $0x3;
	[sflag:s15] =	ssyncset.done $0x0;
	(pc) =	sbr.rel @!p2 .LBB2_9-.Ltmp10, $4  }
0x121: {  	s10 =	sadd.s32 s6, s10;
	[sflag:s15] =	ssyncadd.s32 $0xFFFFE700  }
0x122: {  	[hbm4b:s10+s3] =	stream.linear.scatter [tilespmem:s12], [sflag:$0xA], $0x1900, $0x38;
	[tilespmem:$0x1F0A0] =	vst v63  }
0x123: {  	_ =	swait.ge [sflag:s15], $0x1900  }
0x124: {  	[sflag:s15] =	ssyncset.done $0x0  }
.LBB2_10:
.Ltmp11:
0x125: {  	(pc) =	sbr.rel .LBB2_14-.Ltmp11, $2  }
0x126: {  	_ =	sdelay $0x2  }
0x127: {  	[sflag:s15] =	ssyncadd.s32 $0xFFFFE700;
	s2 =	rddreg [dreg:$0x1a]  }
.LBB2_15:
0x128: {  	_ =	sfence.sel $0x180000  }
0x129: {  	[bflag:$0x0] =	sbarrier.arrive $0xFFFF  }
0x12a: {  	_ =	strace $0x90000050  }
0x12b: {  	s0 =	stileid.u32;
	[bflag:$0x2] =	sbarrier.arrive $0xFFFF  }
0x12c: {  	p0 =	sne.s32 s0, $0x0;
	s0 =	rddreg [dreg:$0x2]  }
0x12d: {  	s0 =	sadd.s32 @!p0 $0x100000, s0  }
0x12e: {  	[sflag:s0] =	ssyncadd.tile.s32 @!p0 $0x1;
	_ =	shalt  }
.Lfunc_end2:
_tile_overlayer_lowered:
.L_overlay_start_2:
0x12f: {  	(tag) =	ssettag $0x2  }
0x130: {  	s0 =	rddreg [dreg:$0x0];
	s2 =	stileid.u32  }
0x131: {  	s1 =	rddreg [dreg:$0x1];
	p0 =	sne.s32 s2, $0x0  }
0x132: {  	s3 =	rddreg [dreg:$0x2];
	[bflag:$0x3] =	sbarrier.arrive $0xFFFF;
	s2 =	simm.s32 @!p0 $0x1C0A  }
0x133: {  	[timem:s3], [sflag:s2] =	dma.local @!p0 [hbm:s0], s1  }
0x134: {  	s0 =	simm.s32 @!p0 $0xA  }
0x135: {  	_ =	swait.ge @!p0 [sflag:s0], s1  }
0x136: {  	s1 =	ssub.s32 @!p0 $0x0, s1;
	[sflag:s0] =	ssyncset.done @!p0 $0x0  }
0x137: {  	[sflag:s0] =	ssyncadd.s32 @!p0 s1  }
0x138: {  	[bflag:$0x3] =	sbarrier.arrive $0xFFFF  }
0x139: {  	_ =	shalt  }

</sc_bundles>
